<compile_context>
chip_gen: v7x
topology: tpu7x:2x2x1
jax: 0.10.2.dev20260603
libtpu: 0.0.44.dev20260713+nightly
codegen_flags: <defaults>
</compile_context>

<pallas_src>
import jax
import jax.numpy as jnp
from jax import lax
from jax.experimental import pallas as pl
from jax.experimental.pallas import tpu as pltpu
from jax.experimental.pallas import tpu_sc as plsc

N_NODES = 10000
N_EDGES = 320000
D_IN = 128
G_DIM = 128
N_HEADS = 4
HD = N_HEADS * G_DIM
N_ACT = 16

NC, NS = 2, 16
NW = NC * NS
EPW = N_EDGES // NW
CH = 40
NCHUNK = EPW // CH
NPC = N_NODES // NS

_MESH = plsc.VectorSubcoreMesh(core_axis_name="c", subcore_axis_name="s")
_CPARAMS = pltpu.CompilerParams(use_tc_tiling_on_sc=False)

f32 = jnp.float32
i32 = jnp.int32

_DNUMS = jax.lax.GatherDimensionNumbers(
    offset_dims=(), collapsed_slice_dims=(0,), start_index_map=(0,))


def _shuffle(v, idx):
    return jax.lax.gather(v, idx[:, None], _DNUMS, (1,),
                          mode=jax.lax.GatherScatterMode.PROMISE_IN_BOUNDS)


def _lanesum(v, iota):
    for sh in (1, 2, 4, 8):
        v = v + _shuffle(v, iota ^ sh)
    return v



_ROWS = 1000


def _ln(h, g, b):
    mu = jnp.mean(h, axis=-1, keepdims=True)
    var = jnp.mean((h - mu) * (h - mu), axis=-1, keepdims=True)
    return (h - mu) * lax.rsqrt(var + 1e-5) * g + b


def _pre_body(x, w0, b0, g0, e0, w1, b1, g1, e1, wl, bl, wr, br, wres,
              xl_o, xr_o, res_o):
    h = x[...]
    h = jnp.maximum(jnp.dot(h, w0[...], preferred_element_type=f32) + b0[...], 0.0)
    h = _ln(h, g0[...], e0[...])
    h = jnp.maximum(jnp.dot(h, w1[...], preferred_element_type=f32) + b1[...], 0.0)
    h = _ln(h, g1[...], e1[...])
    xl_o[...] = jnp.dot(h, wl[...], preferred_element_type=f32) + bl[...]
    xr_o[...] = jnp.dot(h, wr[...], preferred_element_type=f32) + br[...]
    res_o[...] = jnp.dot(h, wres[...], preferred_element_type=f32)


def _mid_body(o0, o1, res, bias, g, e, wl, bl, wr, br, wres,
              xl_o, xr_o, res_o):
    h = o0[...] + o1[...] + res[...] + bias[...]
    h = jnp.maximum(h, 0.0)
    h = _ln(h, g[...], e[...])
    xl_o[...] = jnp.dot(h, wl[...], preferred_element_type=f32) + bl[...]
    xr_o[...] = jnp.dot(h, wr[...], preferred_element_type=f32) + br[...]
    res_o[...] = jnp.dot(h, wres[...], preferred_element_type=f32)


def _fin_body(o0, o1, res, bias, g, e, aw, ab, y_o):
    h = o0[...] + o1[...] + res[...] + bias[...]
    h = jnp.maximum(h, 0.0)
    h = _ln(h, g[...], e[...])
    y_o[...] = jnp.dot(h, aw[...], preferred_element_type=f32) + ab[...]


def _den_body(d0, d1, dinv_o):
    dinv_o[...] = 0.25 / (d0[...] + d1[...] + 1e-16)


def _row_spec(cols):
    return pl.BlockSpec((_ROWS, cols), lambda i: (i, 0))


def _full_spec(shape):
    return pl.BlockSpec(shape, lambda i: tuple(0 for _ in shape))


def _tc_pre(x, w0, b0, g0, e0, w1, b1, g1, e1, wl, bl, wr, br, wres):
    grid = (N_NODES // _ROWS,)
    in_specs = [_row_spec(D_IN)] + [
        _full_spec(a.shape) for a in (w0, b0, g0, e0, w1, b1, g1, e1, wl, bl, wr, br, wres)]
    return pl.pallas_call(
        _pre_body,
        grid=grid,
        in_specs=in_specs,
        out_specs=[_row_spec(HD), _row_spec(HD), _row_spec(G_DIM)],
        out_shape=[
            jax.ShapeDtypeStruct((N_NODES, HD), f32),
            jax.ShapeDtypeStruct((N_NODES, HD), f32),
            jax.ShapeDtypeStruct((N_NODES, G_DIM), f32),
        ],
    )(x, w0, b0, g0, e0, w1, b1, g1, e1, wl, bl, wr, br, wres)


def _tc_mid(o0, o1, res, bias, g, e, wl, bl, wr, br, wres):
    grid = (N_NODES // _ROWS,)
    in_specs = [_row_spec(G_DIM)] * 3 + [
        _full_spec(a.shape) for a in (bias, g, e, wl, bl, wr, br, wres)]
    return pl.pallas_call(
        _mid_body,
        grid=grid,
        in_specs=in_specs,
        out_specs=[_row_spec(HD), _row_spec(HD), _row_spec(G_DIM)],
        out_shape=[
            jax.ShapeDtypeStruct((N_NODES, HD), f32),
            jax.ShapeDtypeStruct((N_NODES, HD), f32),
            jax.ShapeDtypeStruct((N_NODES, G_DIM), f32),
        ],
    )(o0, o1, res, bias, g, e, wl, bl, wr, br, wres)


def _tc_fin(o0, o1, res, bias, g, e, aw, ab):
    grid = (N_NODES // _ROWS,)
    in_specs = [_row_spec(G_DIM)] * 3 + [
        _full_spec(a.shape) for a in (bias, g, e, aw, ab)]
    return pl.pallas_call(
        _fin_body,
        grid=grid,
        in_specs=in_specs,
        out_specs=[_row_spec(N_ACT)],
        out_shape=[jax.ShapeDtypeStruct((N_NODES, N_ACT), f32)],
    )(o0, o1, res, bias, g, e, aw, ab)[0]


def _tc_den(d0, d1):
    grid = (N_NODES // _ROWS,)
    return pl.pallas_call(
        _den_body,
        grid=grid,
        in_specs=[_row_spec(16), _row_spec(16)],
        out_specs=[_row_spec(16)],
        out_shape=[jax.ShapeDtypeStruct((N_NODES, 16), f32)],
    )(d0, d1)[0]



def _sc1_body(xl_hbm, xr_hbm, src_hbm, dst_hbm, att_hbm,
              ee_hbm, denp_hbm,
              src0, src1, dst0, dst1, att_v, xl0, xl1, xr0, xr1, ee0, ee1, den_sp,
              sx0, sx1, sr0, sr1, sw0, sw1, sd0, sd1):
    c = lax.axis_index("c")
    s = lax.axis_index("s")
    w = s * NC + c
    base_e = w * EPW

    pltpu.sync_copy(att_hbm, att_v)

    def _zee(t, carry):
        ee0[t] = jnp.zeros((16,), f32)
        return carry
    lax.fori_loop(0, CH, _zee, 0)
    row0 = s * NPC
    for t in range(NPC // CH):
        pltpu.sync_copy(ee0, den_sp.at[pl.ds(row0 + t * CH, CH)])
    rem = NPC - (NPC // CH) * CH
    pltpu.sync_copy(ee0.at[pl.ds(0, rem)],
                    den_sp.at[pl.ds(row0 + (NPC // CH) * CH, rem)])
    plsc.subcore_barrier()

    iota = lax.iota(i32, 16)
    bufs = ((src0, dst0, xl0, xr0, ee0, sx0, sr0, sw0, sd0),
            (src1, dst1, xl1, xr1, ee1, sx1, sr1, sw1, sd1))

    def _issue(i, bb):
        srcv, dstv, xlb, xrb, eeb, sx, sr, sw, sd = bb
        pltpu.sync_copy(src_hbm.at[w].at[i], srcv)
        pltpu.sync_copy(dst_hbm.at[w].at[i], dstv)
        pltpu.async_copy(xl_hbm.at[srcv], xlb, sx)
        pltpu.async_copy(xr_hbm.at[dstv], xrb, sr)

    _issue(0, bufs[0])

    def _outer(t, carry):
        for b in range(2):
            i = t * 2 + b
            srcv, dstv, xlb, xrb, eeb, sx, sr, sw, sd = bufs[b]

            @pl.when(i + 1 < NCHUNK)
            def _():
                _issue(i + 1, bufs[1 - b])

            pltpu.make_async_copy(xl_hbm.at[pl.ds(0, CH)], xlb, sx).wait()
            pltpu.make_async_copy(xr_hbm.at[pl.ds(0, CH)], xrb, sr).wait()

            @pl.when(i >= 2)
            def _():
                pltpu.make_async_copy(ee_hbm.at[pl.ds(0, CH)], eeb, sw).wait()
                pltpu.make_async_copy(eeb, den_sp.at[pl.ds(0, CH)], sd).wait()

            @plsc.parallel_loop(0, CH, 1, unroll=4)
            def _edge(j):
                ev = jnp.zeros((16,), f32)
                for h in range(N_HEADS):
                    acc = jnp.zeros((16,), f32)
                    for k in range(8):
                        o = h * G_DIM + k * 16
                        a = xlb[j, pl.ds(o, 16)]
                        bb2 = xrb[j, pl.ds(o, 16)]
                        m = a + bb2
                        m = jnp.maximum(m, 0.2 * m)
                        acc = acc + m * att_v[pl.ds(o, 16)]
                    ev = jnp.where(iota == h, _lanesum(acc, iota), ev)
                eeb[j] = jnp.where(iota < N_HEADS, jnp.exp(ev), 0.0)

            pltpu.async_copy(eeb, ee_hbm.at[pl.ds(base_e + i * CH, CH)], sw)
            pltpu.async_copy(eeb, den_sp.at[dstv], sd, add=True)
        return carry

    lax.fori_loop(0, NCHUNK // 2, _outer, 0)
    for b in range(2):
        srcv, dstv, xlb, xrb, eeb, sx, sr, sw, sd = bufs[b]
        pltpu.make_async_copy(ee_hbm.at[pl.ds(0, CH)], eeb, sw).wait()
        pltpu.make_async_copy(eeb, den_sp.at[pl.ds(0, CH)], sd).wait()
    plsc.subcore_barrier()

    @pl.when(s == 0)
    def _():
        pltpu.sync_copy(den_sp, denp_hbm.at[c])


def _sc2_body(xl_hbm, src_hbm, dsth_hbm, ee_hbm, dinv_hbm,
              outp_hbm,
              src0, src1, dsta0, dsta1, dstb0, dstb1, xl0, xl1,
              ee0, ee1, dia0, dia1, dib0, dib1, vala, valb, out_sp,
              sx0, sx1, se0, se1, sda0, sda1, sdb0, sdb1, sva, svb):
    c = lax.axis_index("c")
    s = lax.axis_index("s")
    w = s * NC + c
    base_e = w * EPW
    H = CH // 2

    def _zval(t, carry):
        for k in range(G_DIM // 16):
            vala[t, pl.ds(k * 16, 16)] = jnp.zeros((16,), f32)
        return carry
    lax.fori_loop(0, H, _zval, 0)
    row0 = s * NPC
    for t in range(NPC // H):
        pltpu.sync_copy(vala, out_sp.at[pl.ds(row0 + t * H, H)])
    remv = NPC - (NPC // H) * H
    pltpu.sync_copy(vala.at[pl.ds(0, remv)],
                    out_sp.at[pl.ds(row0 + (NPC // H) * H, remv)])
    plsc.subcore_barrier()

    hvecs = [jnp.broadcast_to(jnp.int32(h), (16,)) for h in range(N_HEADS)]
    bufs = ((src0, dsta0, dstb0, xl0, ee0, dia0, dib0, sx0, se0, sda0, sdb0),
            (src1, dsta1, dstb1, xl1, ee1, dia1, dib1, sx1, se1, sda1, sdb1))

    def _issue(i, bb):
        srcv, dsta, dstb, xlb, eeb, dia, dib, sx, se, sda, sdb = bb
        pltpu.sync_copy(src_hbm.at[w].at[i], srcv)
        pltpu.sync_copy(dsth_hbm.at[w].at[i].at[0], dsta)
        pltpu.sync_copy(dsth_hbm.at[w].at[i].at[1], dstb)
        pltpu.async_copy(xl_hbm.at[srcv], xlb, sx)
        pltpu.async_copy(ee_hbm.at[pl.ds(base_e + i * CH, CH)], eeb, se)
        pltpu.async_copy(dinv_hbm.at[dsta], dia, sda)
        pltpu.async_copy(dinv_hbm.at[dstb], dib, sdb)

    _issue(0, bufs[0])

    def _outer(t, carry):
        for b in range(2):
            i = t * 2 + b
            srcv, dsta, dstb, xlb, eeb, dia, dib, sx, se, sda, sdb = bufs[b]

            @pl.when(i + 1 < NCHUNK)
            def _():
                _issue(i + 1, bufs[1 - b])

            pltpu.make_async_copy(xl_hbm.at[pl.ds(0, CH)], xlb, sx).wait()
            pltpu.make_async_copy(ee_hbm.at[pl.ds(0, CH)], eeb, se).wait()
            pltpu.make_async_copy(dinv_hbm.at[pl.ds(0, H)], dia, sda).wait()
            pltpu.make_async_copy(dinv_hbm.at[pl.ds(0, H)], dib, sdb).wait()

            for half in range(2):
                di_b = dia if half == 0 else dib
                dst_h = dsta if half == 0 else dstb
                val_h = vala if half == 0 else valb
                sv = sva if half == 0 else svb
                _off = half * H

                @pl.when(i >= 1)
                def _(_val=val_h, _sv=sv):
                    pltpu.make_async_copy(_val, out_sp.at[pl.ds(0, H)], _sv).wait()

                @plsc.parallel_loop(0, H, 1, unroll=4)
                def _edge(jh, _off=_off, _di=di_b, _xlb=xlb, _eeb=eeb, _val=val_h):
                    j = jh + _off
                    wv = _eeb[j] * _di[jh]
                    wb = [_shuffle(wv, hv) for hv in hvecs]
                    for k in range(G_DIM // 16):
                        v = wb[0] * _xlb[j, pl.ds(k * 16, 16)]
                        for h in range(1, N_HEADS):
                            v = v + wb[h] * _xlb[j, pl.ds(h * G_DIM + k * 16, 16)]
                        _val[jh, pl.ds(k * 16, 16)] = v

                pltpu.async_copy(val_h, out_sp.at[dst_h], sv, add=True)
        return carry

    lax.fori_loop(0, NCHUNK // 2, _outer, 0)
    pltpu.make_async_copy(vala, out_sp.at[pl.ds(0, H)], sva).wait()
    pltpu.make_async_copy(valb, out_sp.at[pl.ds(0, H)], svb).wait()
    plsc.subcore_barrier()

    @pl.when(s == 0)
    def _():
        pltpu.sync_copy(out_sp, outp_hbm.at[c])


@jax.jit
def _sc_pass1(xl, xr, src_r, dst_r, att):
    fn = pl.kernel(
        _sc1_body,
        out_type=(
            jax.ShapeDtypeStruct((N_EDGES, 16), f32),
            jax.ShapeDtypeStruct((NC, N_NODES, 16), f32),
        ),
        mesh=_MESH,
        compiler_params=_CPARAMS,
        scratch_types=[
            pltpu.VMEM((CH,), i32),
            pltpu.VMEM((CH,), i32),
            pltpu.VMEM((CH,), i32),
            pltpu.VMEM((CH,), i32),
            pltpu.VMEM((HD,), f32),
            pltpu.VMEM((CH, HD), f32),
            pltpu.VMEM((CH, HD), f32),
            pltpu.VMEM((CH, HD), f32),
            pltpu.VMEM((CH, HD), f32),
            pltpu.VMEM((CH, 16), f32),
            pltpu.VMEM((CH, 16), f32),
            pltpu.VMEM_SHARED((N_NODES, 16), f32),
            pltpu.SemaphoreType.DMA,
            pltpu.SemaphoreType.DMA,
            pltpu.SemaphoreType.DMA,
            pltpu.SemaphoreType.DMA,
            pltpu.SemaphoreType.DMA,
            pltpu.SemaphoreType.DMA,
            pltpu.SemaphoreType.DMA,
            pltpu.SemaphoreType.DMA,
        ],
    )
    return fn(xl, xr, src_r, dst_r, att)


@jax.jit
def _sc_pass2(xl, src_r, dst_h, ee, dinv):
    fn = pl.kernel(
        _sc2_body,
        out_type=(
            jax.ShapeDtypeStruct((NC, N_NODES, G_DIM), f32),
        ),
        mesh=_MESH,
        compiler_params=_CPARAMS,
        scratch_types=[
            pltpu.VMEM((CH,), i32),
            pltpu.VMEM((CH,), i32),
            pltpu.VMEM((CH // 2,), i32),
            pltpu.VMEM((CH // 2,), i32),
            pltpu.VMEM((CH // 2,), i32),
            pltpu.VMEM((CH // 2,), i32),
            pltpu.VMEM((CH, HD), f32),
            pltpu.VMEM((CH, HD), f32),
            pltpu.VMEM((CH, 16), f32),
            pltpu.VMEM((CH, 16), f32),
            pltpu.VMEM((CH // 2, 16), f32),
            pltpu.VMEM((CH // 2, 16), f32),
            pltpu.VMEM((CH // 2, 16), f32),
            pltpu.VMEM((CH // 2, 16), f32),
            pltpu.VMEM((CH // 2, G_DIM), f32),
            pltpu.VMEM((CH // 2, G_DIM), f32),
            pltpu.VMEM_SHARED((N_NODES, G_DIM), f32),
            pltpu.SemaphoreType.DMA,
            pltpu.SemaphoreType.DMA,
            pltpu.SemaphoreType.DMA,
            pltpu.SemaphoreType.DMA,
            pltpu.SemaphoreType.DMA,
            pltpu.SemaphoreType.DMA,
            pltpu.SemaphoreType.DMA,
            pltpu.SemaphoreType.DMA,
            pltpu.SemaphoreType.DMA,
            pltpu.SemaphoreType.DMA,
        ],
    )
    return fn(xl, src_r, dst_h, ee, dinv)[0]



def kernel(x, edge_index, params):
    p = params
    src_r = edge_index[0].reshape(NW, NCHUNK, CH)
    dst_r = edge_index[1].reshape(NW, NCHUNK, CH)
    dst_h = edge_index[1].reshape(NW, NCHUNK, 2, CH // 2)

    def row(v):
        return v.reshape(1, -1)

    xl, xr, res = _tc_pre(
        x,
        p['base_W0'], row(p['base_b0']), row(p['base_g0']), row(p['base_be0']),
        p['base_W1'], row(p['base_b1']), row(p['base_g1']), row(p['base_be1']),
        p['gat1_Wl'], row(p['gat1_bl']), p['gat1_Wr'], row(p['gat1_br']),
        p['gat1_Wres'])

    ee1, denp1 = _sc_pass1(xl, xr, src_r, dst_r, p['gat1_att'].reshape(HD))
    dinv1 = _tc_den(denp1[0], denp1[1])
    outp1 = _sc_pass2(xl, src_r, dst_h, ee1, dinv1)

    xl2, xr2, res2 = _tc_mid(
        outp1[0], outp1[1], res, row(p['gat1_bias']),
        row(p['gat1_g']), row(p['gat1_be']),
        p['gat2_Wl'], row(p['gat2_bl']), p['gat2_Wr'], row(p['gat2_br']),
        p['gat2_Wres'])

    ee2, denp2 = _sc_pass1(xl2, xr2, src_r, dst_r, p['gat2_att'].reshape(HD))
    dinv2 = _tc_den(denp2[0], denp2[1])
    outp2 = _sc_pass2(xl2, src_r, dst_h, ee2, dinv2)

    return _tc_fin(
        outp2[0], outp2[1], res2, row(p['gat2_bias']),
        row(p['gat2_g']), row(p['gat2_be']),
        p['act_W'], row(p['act_b']))

# --- scband reference (transcript-rebuilt; emitter-appended) ---
"""Pipeline reference for scband-gnnagent-v2-84834194031328 (READ-ONLY COPY).

The authoritative reference and input builder live on the scoring server;
editing this copy changes nothing except your own understanding.
"""

import jax, jax.numpy as jnp
import numpy as np

N = 10000
E = 320000
D_IN = 128
H_DIM = 128
G_DIM = 128
HEADS = 4
N_ACT = 16

def layer_norm(x, g, b):
    mu = jnp.mean(x, axis=-1, keepdims=True)
    var = jnp.var(x, axis=-1, keepdims=True)
    return (x - mu) / jnp.sqrt(var + 1e-5) * g + b

def gatv2(x, src, dst, p, pre):
    n = x.shape[0]
    xl = (x @ p[pre + 'Wl'] + p[pre + 'bl']).reshape(n, HEADS, G_DIM)
    xr = (x @ p[pre + 'Wr'] + p[pre + 'br']).reshape(n, HEADS, G_DIM)
    m = xl[src] + xr[dst]
    e = jnp.sum(jax.nn.leaky_relu(m, 0.2) * p[pre + 'att'][None], axis=-1)
    emax = jax.ops.segment_max(e, dst, num_segments=n)
    emax = jnp.where(jnp.isfinite(emax), emax, 0.0)
    ee = jnp.exp(e - emax[dst])
    den = jax.ops.segment_sum(ee, dst, num_segments=n)
    alpha = ee / (den[dst] + 1e-16)
    out = jax.ops.segment_sum(xl[src] * alpha[..., None], dst, num_segments=n)
    out = out.mean(axis=1)
    out = out + x @ p[pre + 'Wres']
    return out + p[pre + 'bias']

def setup_inputs(seed: int = 0):
    key = jax.random.key(seed)
    ks = [jax.random.fold_in(key, i) for i in range(64)]
    x = jax.random.normal(ks[0], (N, D_IN), dtype=jnp.float32)
    edge_index = jax.random.randint(ks[1], (2, E), 0, N, dtype=jnp.int32)

    def gl(k, shape):
        return jax.random.normal(k, shape, dtype=jnp.float32) * (1.0 / np.sqrt(shape[0]))

    params = {}
    ki = 2
    d = D_IN
    for i in range(2):
        params['base_W%d' % i] = gl(ks[ki], (d, H_DIM)); ki += 1
        params['base_b%d' % i] = jnp.zeros((H_DIM,), jnp.float32)
        params['base_g%d' % i] = jnp.ones((H_DIM,), jnp.float32)
        params['base_be%d' % i] = jnp.zeros((H_DIM,), jnp.float32)
        d = H_DIM
    for i in (1, 2):
        din = H_DIM if i == 1 else G_DIM
        pre = 'gat%d_' % i
        params[pre + 'Wl'] = gl(ks[ki], (din, HEADS * G_DIM)); ki += 1
        params[pre + 'bl'] = jnp.zeros((HEADS * G_DIM,), jnp.float32)
        params[pre + 'Wr'] = gl(ks[ki], (din, HEADS * G_DIM)); ki += 1
        params[pre + 'br'] = jnp.zeros((HEADS * G_DIM,), jnp.float32)
        params[pre + 'att'] = gl(ks[ki], (HEADS, G_DIM)); ki += 1
        params[pre + 'Wres'] = gl(ks[ki], (din, G_DIM)); ki += 1
        params[pre + 'bias'] = jnp.zeros((G_DIM,), jnp.float32)
        params[pre + 'g'] = jnp.ones((G_DIM,), jnp.float32)
        params[pre + 'be'] = jnp.zeros((G_DIM,), jnp.float32)
    params['act_W'] = gl(ks[ki], (G_DIM, N_ACT)); ki += 1
    params['act_b'] = jnp.zeros((N_ACT,), jnp.float32)
    return {'x': x, 'edge_index': edge_index, 'params': params}

def reference(x, edge_index, params):
    h = x
    for i in range(2):
        h = jax.nn.relu(h @ params['base_W%d' % i] + params['base_b%d' % i])
        h = layer_norm(h, params['base_g%d' % i], params['base_be%d' % i])
    src, dst = edge_index[0], edge_index[1]
    for i in (1, 2):
        pre = 'gat%d_' % i
        h = gatv2(h, src, dst, params, pre)
        h = jax.nn.relu(h)
        h = layer_norm(h, params[pre + 'g'], params[pre + 'be'])
    return h @ params['act_W'] + params['act_b']

if __name__ == "__main__":
    import jax
    _d = setup_inputs()
    print(jax.jit(kernel)(*tuple(_d.values())))

</pallas_src>

<mosaic_0001>
#map = affine_map<(d0, d1) -> (0, 0)>
#map1 = affine_map<(d0, d1) -> (0, 0, 0)>
#map2 = affine_map<(d0, d1) -> (0)>
module attributes {stable_mosaic.version = 14 : i64} {
  func.func @_sc1_body(%arg0: i32, %arg1: i32, %arg2: memref<10000x512xf32, #tpu.memory_space<hbm>>, %arg3: memref<10000x512xf32, #tpu.memory_space<hbm>>, %arg4: memref<32x250x40xi32, #tpu.memory_space<hbm>>, %arg5: memref<32x250x40xi32, #tpu.memory_space<hbm>>, %arg6: memref<512xf32, #tpu.memory_space<hbm>>, %arg7: memref<320000x16xf32, #tpu.memory_space<hbm>>, %arg8: memref<2x10000x16xf32, #tpu.memory_space<hbm>>, %arg9: memref<40xi32, #tpu.memory_space<vmem>>, %arg10: memref<40xi32, #tpu.memory_space<vmem>>, %arg11: memref<40xi32, #tpu.memory_space<vmem>>, %arg12: memref<40xi32, #tpu.memory_space<vmem>>, %arg13: memref<512xf32, #tpu.memory_space<vmem>>, %arg14: memref<40x512xf32, #tpu.memory_space<vmem>>, %arg15: memref<40x512xf32, #tpu.memory_space<vmem>>, %arg16: memref<40x512xf32, #tpu.memory_space<vmem>>, %arg17: memref<40x512xf32, #tpu.memory_space<vmem>>, %arg18: memref<40x16xf32, #tpu.memory_space<vmem>>, %arg19: memref<40x16xf32, #tpu.memory_space<vmem>>, %arg20: memref<10000x16xf32, #tpu.memory_space<vmem_shared>>, %arg21: memref<!tpu.dma_semaphore, #tpu.memory_space<semaphore_mem>>, %arg22: memref<!tpu.dma_semaphore, #tpu.memory_space<semaphore_mem>>, %arg23: memref<!tpu.dma_semaphore, #tpu.memory_space<semaphore_mem>>, %arg24: memref<!tpu.dma_semaphore, #tpu.memory_space<semaphore_mem>>, %arg25: memref<!tpu.dma_semaphore, #tpu.memory_space<semaphore_mem>>, %arg26: memref<!tpu.dma_semaphore, #tpu.memory_space<semaphore_mem>>, %arg27: memref<!tpu.dma_semaphore, #tpu.memory_space<semaphore_mem>>, %arg28: memref<!tpu.dma_semaphore, #tpu.memory_space<semaphore_mem>>) attributes {dimension_semantics = [#tpu.dimension_semantics<core_parallel>, #tpu.dimension_semantics<subcore_parallel>], iteration_bounds = array<i64: 2, 16>, scalar_prefetch = 0 : i64, scratch_operands = 20 : i64, tpu.core_type = #tpu.core_type<sc_vector_subcore>, window_params = [{transform_indices = #map}, {transform_indices = #map}, {transform_indices = #map1}, {transform_indices = #map1}, {transform_indices = #map2}, {transform_indices = #map}, {transform_indices = #map1}]} {
    %mul3A = arith.constant 2 : i32
    %mul3A_0 = arith.muli %arg1, %mul3A : i32
    %add3A = arith.addi %mul3A_0, %arg0 : i32
    %mul3A_1 = arith.constant 10000 : i32
    %mul3A_2 = arith.muli %add3A, %mul3A_1 : i32
    "tpu.region"() ({
      %run_scoped3A_80 = tpu.sem_alloc : memref<!tpu.dma_semaphore, #tpu.memory_space<semaphore_mem>>
      tpu.enqueue_dma source(%arg6 : memref<512xf32, #tpu.memory_space<hbm>>) target(%arg13 : memref<512xf32, #tpu.memory_space<vmem>>) target_semaphore(%run_scoped3A_80 : memref<!tpu.dma_semaphore, #tpu.memory_space<semaphore_mem>>)
      tpu.wait_dma2 semaphore(%run_scoped3A_80 : memref<!tpu.dma_semaphore, #tpu.memory_space<semaphore_mem>>) src(%arg6 : memref<512xf32, #tpu.memory_space<hbm>>) dst(%arg13 : memref<512xf32, #tpu.memory_space<vmem>>)
      tpu.yield
    }) : () -> ()
    %scan3A = arith.constant 0 : i32
    %scan3A_3 = arith.constant 0 : i32
    %scan3A_4 = arith.constant 40 : i32
    %scan3A_5 = arith.addi %scan3A_3, %scan3A_4 : i32
    %scan3A_6 = arith.constant 1 : i32
    scf.for %scan3A_80 = %scan3A_3 to %scan3A_5 step %scan3A_6  : i32 {
      %broadcast_in_dim3A = arith.constant 0.000000e+00 : f32
      %broadcast_in_dim3A_81 = vector.broadcast %broadcast_in_dim3A : f32 to vector<16xf32>
      %swap3A = arith.index_cast %scan3A_80 : i32 to index
      %swap3A_82 = arith.constant 0 : index
      %swap3A_83 = tpu.vector_load %arg18[%swap3A, %swap3A_82] {strides = array<i32>} : memref<40x16xf32, #tpu.memory_space<vmem>>, vector<1x16xf32>,
      %swap3A_84 = vector.shape_cast %swap3A_83 : vector<1x16xf32> to vector<16xf32>
      %swap3A_85 = vector.shape_cast %broadcast_in_dim3A_81 : vector<16xf32> to vector<1x16xf32>
      tpu.vector_store %arg18[%swap3A, %swap3A_82], %swap3A_85 {strides = array<i32>} : memref<40x16xf32, #tpu.memory_space<vmem>>, vector<1x16xf32>,
    }
    %scan3A_7 = arith.constant 40 : i32
    %mul3A_8 = arith.constant 625 : i32
    %mul3A_9 = arith.muli %arg1, %mul3A_8 : i32
    %add3A_10 = arith.constant 0 : i32
    %add3A_11 = arith.addi %mul3A_9, %add3A_10 : i32
    "tpu.region"() ({
      %run_scoped3A_80 = tpu.sem_alloc : memref<!tpu.dma_semaphore, #tpu.memory_space<semaphore_mem>>
      %dma_start3A_81 = arith.constant 0 : i32
      %dma_start3A_82 = tpu.memref_slice %arg20[%add3A_11, %dma_start3A_81] : memref<10000x16xf32, #tpu.memory_space<vmem_shared>> -> memref<40x16xf32, #tpu.memory_space<vmem_shared>>
      %dma_start3A_83 = arith.constant 0 : i32
      %dma_start3A_84 = tpu.memref_slice %arg20[%add3A_11, %dma_start3A_83] : memref<10000x16xf32, #tpu.memory_space<vmem_shared>> -> memref<40x16xf32, #tpu.memory_space<vmem_shared>>
      tpu.enqueue_dma source(%arg18 : memref<40x16xf32, #tpu.memory_space<vmem>>) target(%dma_start3A_84 : memref<40x16xf32, #tpu.memory_space<vmem_shared>>) target_semaphore(%run_scoped3A_80 : memref<!tpu.dma_semaphore, #tpu.memory_space<semaphore_mem>>)
      %dma_wait3A_85 = arith.constant 0 : i32
      %dma_wait3A_86 = tpu.memref_slice %arg20[%add3A_11, %dma_wait3A_85] : memref<10000x16xf32, #tpu.memory_space<vmem_shared>> -> memref<40x16xf32, #tpu.memory_space<vmem_shared>>
      %dma_wait3A_87 = arith.constant 0 : i32
      %dma_wait3A_88 = tpu.memref_slice %arg20[%add3A_11, %dma_wait3A_87] : memref<10000x16xf32, #tpu.memory_space<vmem_shared>> -> memref<40x16xf32, #tpu.memory_space<vmem_shared>>
      tpu.wait_dma2 semaphore(%run_scoped3A_80 : memref<!tpu.dma_semaphore, #tpu.memory_space<semaphore_mem>>) src(%arg18 : memref<40x16xf32, #tpu.memory_space<vmem>>) dst(%dma_wait3A_88 : memref<40x16xf32, #tpu.memory_space<vmem_shared>>)
      tpu.yield
    }) : () -> ()
    %add3A_12 = arith.constant 40 : i32
    %add3A_13 = arith.addi %mul3A_9, %add3A_12 : i32
    "tpu.region"() ({
      %run_scoped3A_80 = tpu.sem_alloc : memref<!tpu.dma_semaphore, #tpu.memory_space<semaphore_mem>>
      %dma_start3A_81 = arith.constant 0 : i32
      %dma_start3A_82 = tpu.memref_slice %arg20[%add3A_13, %dma_start3A_81] : memref<10000x16xf32, #tpu.memory_space<vmem_shared>> -> memref<40x16xf32, #tpu.memory_space<vmem_shared>>
      %dma_start3A_83 = arith.constant 0 : i32
      %dma_start3A_84 = tpu.memref_slice %arg20[%add3A_13, %dma_start3A_83] : memref<10000x16xf32, #tpu.memory_space<vmem_shared>> -> memref<40x16xf32, #tpu.memory_space<vmem_shared>>
      tpu.enqueue_dma source(%arg18 : memref<40x16xf32, #tpu.memory_space<vmem>>) target(%dma_start3A_84 : memref<40x16xf32, #tpu.memory_space<vmem_shared>>) target_semaphore(%run_scoped3A_80 : memref<!tpu.dma_semaphore, #tpu.memory_space<semaphore_mem>>)
      %dma_wait3A_85 = arith.constant 0 : i32
      %dma_wait3A_86 = tpu.memref_slice %arg20[%add3A_13, %dma_wait3A_85] : memref<10000x16xf32, #tpu.memory_space<vmem_shared>> -> memref<40x16xf32, #tpu.memory_space<vmem_shared>>
      %dma_wait3A_87 = arith.constant 0 : i32
      %dma_wait3A_88 = tpu.memref_slice %arg20[%add3A_13, %dma_wait3A_87] : memref<10000x16xf32, #tpu.memory_space<vmem_shared>> -> memref<40x16xf32, #tpu.memory_space<vmem_shared>>
      tpu.wait_dma2 semaphore(%run_scoped3A_80 : memref<!tpu.dma_semaphore, #tpu.memory_space<semaphore_mem>>) src(%arg18 : memref<40x16xf32, #tpu.memory_space<vmem>>) dst(%dma_wait3A_88 : memref<40x16xf32, #tpu.memory_space<vmem_shared>>)
      tpu.yield
    }) : () -> ()
    %add3A_14 = arith.constant 80 : i32
    %add3A_15 = arith.addi %mul3A_9, %add3A_14 : i32
    "tpu.region"() ({
      %run_scoped3A_80 = tpu.sem_alloc : memref<!tpu.dma_semaphore, #tpu.memory_space<semaphore_mem>>
      %dma_start3A_81 = arith.constant 0 : i32
      %dma_start3A_82 = tpu.memref_slice %arg20[%add3A_15, %dma_start3A_81] : memref<10000x16xf32, #tpu.memory_space<vmem_shared>> -> memref<40x16xf32, #tpu.memory_space<vmem_shared>>
      %dma_start3A_83 = arith.constant 0 : i32
      %dma_start3A_84 = tpu.memref_slice %arg20[%add3A_15, %dma_start3A_83] : memref<10000x16xf32, #tpu.memory_space<vmem_shared>> -> memref<40x16xf32, #tpu.memory_space<vmem_shared>>
      tpu.enqueue_dma source(%arg18 : memref<40x16xf32, #tpu.memory_space<vmem>>) target(%dma_start3A_84 : memref<40x16xf32, #tpu.memory_space<vmem_shared>>) target_semaphore(%run_scoped3A_80 : memref<!tpu.dma_semaphore, #tpu.memory_space<semaphore_mem>>)
      %dma_wait3A_85 = arith.constant 0 : i32
      %dma_wait3A_86 = tpu.memref_slice %arg20[%add3A_15, %dma_wait3A_85] : memref<10000x16xf32, #tpu.memory_space<vmem_shared>> -> memref<40x16xf32, #tpu.memory_space<vmem_shared>>
      %dma_wait3A_87 = arith.constant 0 : i32
      %dma_wait3A_88 = tpu.memref_slice %arg20[%add3A_15, %dma_wait3A_87] : memref<10000x16xf32, #tpu.memory_space<vmem_shared>> -> memref<40x16xf32, #tpu.memory_space<vmem_shared>>
      tpu.wait_dma2 semaphore(%run_scoped3A_80 : memref<!tpu.dma_semaphore, #tpu.memory_space<semaphore_mem>>) src(%arg18 : memref<40x16xf32, #tpu.memory_space<vmem>>) dst(%dma_wait3A_88 : memref<40x16xf32, #tpu.memory_space<vmem_shared>>)
      tpu.yield
    }) : () -> ()
    %add3A_16 = arith.constant 120 : i32
    %add3A_17 = arith.addi %mul3A_9, %add3A_16 : i32
    "tpu.region"() ({
      %run_scoped3A_80 = tpu.sem_alloc : memref<!tpu.dma_semaphore, #tpu.memory_space<semaphore_mem>>
      %dma_start3A_81 = arith.constant 0 : i32
      %dma_start3A_82 = tpu.memref_slice %arg20[%add3A_17, %dma_start3A_81] : memref<10000x16xf32, #tpu.memory_space<vmem_shared>> -> memref<40x16xf32, #tpu.memory_space<vmem_shared>>
      %dma_start3A_83 = arith.constant 0 : i32
      %dma_start3A_84 = tpu.memref_slice %arg20[%add3A_17, %dma_start3A_83] : memref<10000x16xf32, #tpu.memory_space<vmem_shared>> -> memref<40x16xf32, #tpu.memory_space<vmem_shared>>
      tpu.enqueue_dma source(%arg18 : memref<40x16xf32, #tpu.memory_space<vmem>>) target(%dma_start3A_84 : memref<40x16xf32, #tpu.memory_space<vmem_shared>>) target_semaphore(%run_scoped3A_80 : memref<!tpu.dma_semaphore, #tpu.memory_space<semaphore_mem>>)
      %dma_wait3A_85 = arith.constant 0 : i32
      %dma_wait3A_86 = tpu.memref_slice %arg20[%add3A_17, %dma_wait3A_85] : memref<10000x16xf32, #tpu.memory_space<vmem_shared>> -> memref<40x16xf32, #tpu.memory_space<vmem_shared>>
      %dma_wait3A_87 = arith.constant 0 : i32
      %dma_wait3A_88 = tpu.memref_slice %arg20[%add3A_17, %dma_wait3A_87] : memref<10000x16xf32, #tpu.memory_space<vmem_shared>> -> memref<40x16xf32, #tpu.memory_space<vmem_shared>>
      tpu.wait_dma2 semaphore(%run_scoped3A_80 : memref<!tpu.dma_semaphore, #tpu.memory_space<semaphore_mem>>) src(%arg18 : memref<40x16xf32, #tpu.memory_space<vmem>>) dst(%dma_wait3A_88 : memref<40x16xf32, #tpu.memory_space<vmem_shared>>)
      tpu.yield
    }) : () -> ()
    %add3A_18 = arith.constant 160 : i32
    %add3A_19 = arith.addi %mul3A_9, %add3A_18 : i32
    "tpu.region"() ({
      %run_scoped3A_80 = tpu.sem_alloc : memref<!tpu.dma_semaphore, #tpu.memory_space<semaphore_mem>>
      %dma_start3A_81 = arith.constant 0 : i32
      %dma_start3A_82 = tpu.memref_slice %arg20[%add3A_19, %dma_start3A_81] : memref<10000x16xf32, #tpu.memory_space<vmem_shared>> -> memref<40x16xf32, #tpu.memory_space<vmem_shared>>
      %dma_start3A_83 = arith.constant 0 : i32
      %dma_start3A_84 = tpu.memref_slice %arg20[%add3A_19, %dma_start3A_83] : memref<10000x16xf32, #tpu.memory_space<vmem_shared>> -> memref<40x16xf32, #tpu.memory_space<vmem_shared>>
      tpu.enqueue_dma source(%arg18 : memref<40x16xf32, #tpu.memory_space<vmem>>) target(%dma_start3A_84 : memref<40x16xf32, #tpu.memory_space<vmem_shared>>) target_semaphore(%run_scoped3A_80 : memref<!tpu.dma_semaphore, #tpu.memory_space<semaphore_mem>>)
      %dma_wait3A_85 = arith.constant 0 : i32
      %dma_wait3A_86 = tpu.memref_slice %arg20[%add3A_19, %dma_wait3A_85] : memref<10000x16xf32, #tpu.memory_space<vmem_shared>> -> memref<40x16xf32, #tpu.memory_space<vmem_shared>>
      %dma_wait3A_87 = arith.constant 0 : i32
      %dma_wait3A_88 = tpu.memref_slice %arg20[%add3A_19, %dma_wait3A_87] : memref<10000x16xf32, #tpu.memory_space<vmem_shared>> -> memref<40x16xf32, #tpu.memory_space<vmem_shared>>
      tpu.wait_dma2 semaphore(%run_scoped3A_80 : memref<!tpu.dma_semaphore, #tpu.memory_space<semaphore_mem>>) src(%arg18 : memref<40x16xf32, #tpu.memory_space<vmem>>) dst(%dma_wait3A_88 : memref<40x16xf32, #tpu.memory_space<vmem_shared>>)
      tpu.yield
    }) : () -> ()
    %add3A_20 = arith.constant 200 : i32
    %add3A_21 = arith.addi %mul3A_9, %add3A_20 : i32
    "tpu.region"() ({
      %run_scoped3A_80 = tpu.sem_alloc : memref<!tpu.dma_semaphore, #tpu.memory_space<semaphore_mem>>
      %dma_start3A_81 = arith.constant 0 : i32
      %dma_start3A_82 = tpu.memref_slice %arg20[%add3A_21, %dma_start3A_81] : memref<10000x16xf32, #tpu.memory_space<vmem_shared>> -> memref<40x16xf32, #tpu.memory_space<vmem_shared>>
      %dma_start3A_83 = arith.constant 0 : i32
      %dma_start3A_84 = tpu.memref_slice %arg20[%add3A_21, %dma_start3A_83] : memref<10000x16xf32, #tpu.memory_space<vmem_shared>> -> memref<40x16xf32, #tpu.memory_space<vmem_shared>>
      tpu.enqueue_dma source(%arg18 : memref<40x16xf32, #tpu.memory_space<vmem>>) target(%dma_start3A_84 : memref<40x16xf32, #tpu.memory_space<vmem_shared>>) target_semaphore(%run_scoped3A_80 : memref<!tpu.dma_semaphore, #tpu.memory_space<semaphore_mem>>)
      %dma_wait3A_85 = arith.constant 0 : i32
      %dma_wait3A_86 = tpu.memref_slice %arg20[%add3A_21, %dma_wait3A_85] : memref<10000x16xf32, #tpu.memory_space<vmem_shared>> -> memref<40x16xf32, #tpu.memory_space<vmem_shared>>
      %dma_wait3A_87 = arith.constant 0 : i32
      %dma_wait3A_88 = tpu.memref_slice %arg20[%add3A_21, %dma_wait3A_87] : memref<10000x16xf32, #tpu.memory_space<vmem_shared>> -> memref<40x16xf32, #tpu.memory_space<vmem_shared>>
      tpu.wait_dma2 semaphore(%run_scoped3A_80 : memref<!tpu.dma_semaphore, #tpu.memory_space<semaphore_mem>>) src(%arg18 : memref<40x16xf32, #tpu.memory_space<vmem>>) dst(%dma_wait3A_88 : memref<40x16xf32, #tpu.memory_space<vmem_shared>>)
      tpu.yield
    }) : () -> ()
    %add3A_22 = arith.constant 240 : i32
    %add3A_23 = arith.addi %mul3A_9, %add3A_22 : i32
    "tpu.region"() ({
      %run_scoped3A_80 = tpu.sem_alloc : memref<!tpu.dma_semaphore, #tpu.memory_space<semaphore_mem>>
      %dma_start3A_81 = arith.constant 0 : i32
      %dma_start3A_82 = tpu.memref_slice %arg20[%add3A_23, %dma_start3A_81] : memref<10000x16xf32, #tpu.memory_space<vmem_shared>> -> memref<40x16xf32, #tpu.memory_space<vmem_shared>>
      %dma_start3A_83 = arith.constant 0 : i32
      %dma_start3A_84 = tpu.memref_slice %arg20[%add3A_23, %dma_start3A_83] : memref<10000x16xf32, #tpu.memory_space<vmem_shared>> -> memref<40x16xf32, #tpu.memory_space<vmem_shared>>
      tpu.enqueue_dma source(%arg18 : memref<40x16xf32, #tpu.memory_space<vmem>>) target(%dma_start3A_84 : memref<40x16xf32, #tpu.memory_space<vmem_shared>>) target_semaphore(%run_scoped3A_80 : memref<!tpu.dma_semaphore, #tpu.memory_space<semaphore_mem>>)
      %dma_wait3A_85 = arith.constant 0 : i32
      %dma_wait3A_86 = tpu.memref_slice %arg20[%add3A_23, %dma_wait3A_85] : memref<10000x16xf32, #tpu.memory_space<vmem_shared>> -> memref<40x16xf32, #tpu.memory_space<vmem_shared>>
      %dma_wait3A_87 = arith.constant 0 : i32
      %dma_wait3A_88 = tpu.memref_slice %arg20[%add3A_23, %dma_wait3A_87] : memref<10000x16xf32, #tpu.memory_space<vmem_shared>> -> memref<40x16xf32, #tpu.memory_space<vmem_shared>>
      tpu.wait_dma2 semaphore(%run_scoped3A_80 : memref<!tpu.dma_semaphore, #tpu.memory_space<semaphore_mem>>) src(%arg18 : memref<40x16xf32, #tpu.memory_space<vmem>>) dst(%dma_wait3A_88 : memref<40x16xf32, #tpu.memory_space<vmem_shared>>)
      tpu.yield
    }) : () -> ()
    %add3A_24 = arith.constant 280 : i32
    %add3A_25 = arith.addi %mul3A_9, %add3A_24 : i32
    "tpu.region"() ({
      %run_scoped3A_80 = tpu.sem_alloc : memref<!tpu.dma_semaphore, #tpu.memory_space<semaphore_mem>>
      %dma_start3A_81 = arith.constant 0 : i32
      %dma_start3A_82 = tpu.memref_slice %arg20[%add3A_25, %dma_start3A_81] : memref<10000x16xf32, #tpu.memory_space<vmem_shared>> -> memref<40x16xf32, #tpu.memory_space<vmem_shared>>
      %dma_start3A_83 = arith.constant 0 : i32
      %dma_start3A_84 = tpu.memref_slice %arg20[%add3A_25, %dma_start3A_83] : memref<10000x16xf32, #tpu.memory_space<vmem_shared>> -> memref<40x16xf32, #tpu.memory_space<vmem_shared>>
      tpu.enqueue_dma source(%arg18 : memref<40x16xf32, #tpu.memory_space<vmem>>) target(%dma_start3A_84 : memref<40x16xf32, #tpu.memory_space<vmem_shared>>) target_semaphore(%run_scoped3A_80 : memref<!tpu.dma_semaphore, #tpu.memory_space<semaphore_mem>>)
      %dma_wait3A_85 = arith.constant 0 : i32
      %dma_wait3A_86 = tpu.memref_slice %arg20[%add3A_25, %dma_wait3A_85] : memref<10000x16xf32, #tpu.memory_space<vmem_shared>> -> memref<40x16xf32, #tpu.memory_space<vmem_shared>>
      %dma_wait3A_87 = arith.constant 0 : i32
      %dma_wait3A_88 = tpu.memref_slice %arg20[%add3A_25, %dma_wait3A_87] : memref<10000x16xf32, #tpu.memory_space<vmem_shared>> -> memref<40x16xf32, #tpu.memory_space<vmem_shared>>
      tpu.wait_dma2 semaphore(%run_scoped3A_80 : memref<!tpu.dma_semaphore, #tpu.memory_space<semaphore_mem>>) src(%arg18 : memref<40x16xf32, #tpu.memory_space<vmem>>) dst(%dma_wait3A_88 : memref<40x16xf32, #tpu.memory_space<vmem_shared>>)
      tpu.yield
    }) : () -> ()
    %add3A_26 = arith.constant 320 : i32
    %add3A_27 = arith.addi %mul3A_9, %add3A_26 : i32
    "tpu.region"() ({
      %run_scoped3A_80 = tpu.sem_alloc : memref<!tpu.dma_semaphore, #tpu.memory_space<semaphore_mem>>
      %dma_start3A_81 = arith.constant 0 : i32
      %dma_start3A_82 = tpu.memref_slice %arg20[%add3A_27, %dma_start3A_81] : memref<10000x16xf32, #tpu.memory_space<vmem_shared>> -> memref<40x16xf32, #tpu.memory_space<vmem_shared>>
      %dma_start3A_83 = arith.constant 0 : i32
      %dma_start3A_84 = tpu.memref_slice %arg20[%add3A_27, %dma_start3A_83] : memref<10000x16xf32, #tpu.memory_space<vmem_shared>> -> memref<40x16xf32, #tpu.memory_space<vmem_shared>>
      tpu.enqueue_dma source(%arg18 : memref<40x16xf32, #tpu.memory_space<vmem>>) target(%dma_start3A_84 : memref<40x16xf32, #tpu.memory_space<vmem_shared>>) target_semaphore(%run_scoped3A_80 : memref<!tpu.dma_semaphore, #tpu.memory_space<semaphore_mem>>)
      %dma_wait3A_85 = arith.constant 0 : i32
      %dma_wait3A_86 = tpu.memref_slice %arg20[%add3A_27, %dma_wait3A_85] : memref<10000x16xf32, #tpu.memory_space<vmem_shared>> -> memref<40x16xf32, #tpu.memory_space<vmem_shared>>
      %dma_wait3A_87 = arith.constant 0 : i32
      %dma_wait3A_88 = tpu.memref_slice %arg20[%add3A_27, %dma_wait3A_87] : memref<10000x16xf32, #tpu.memory_space<vmem_shared>> -> memref<40x16xf32, #tpu.memory_space<vmem_shared>>
      tpu.wait_dma2 semaphore(%run_scoped3A_80 : memref<!tpu.dma_semaphore, #tpu.memory_space<semaphore_mem>>) src(%arg18 : memref<40x16xf32, #tpu.memory_space<vmem>>) dst(%dma_wait3A_88 : memref<40x16xf32, #tpu.memory_space<vmem_shared>>)
      tpu.yield
    }) : () -> ()
    %add3A_28 = arith.constant 360 : i32
    %add3A_29 = arith.addi %mul3A_9, %add3A_28 : i32
    "tpu.region"() ({
      %run_scoped3A_80 = tpu.sem_alloc : memref<!tpu.dma_semaphore, #tpu.memory_space<semaphore_mem>>
      %dma_start3A_81 = arith.constant 0 : i32
      %dma_start3A_82 = tpu.memref_slice %arg20[%add3A_29, %dma_start3A_81] : memref<10000x16xf32, #tpu.memory_space<vmem_shared>> -> memref<40x16xf32, #tpu.memory_space<vmem_shared>>
      %dma_start3A_83 = arith.constant 0 : i32
      %dma_start3A_84 = tpu.memref_slice %arg20[%add3A_29, %dma_start3A_83] : memref<10000x16xf32, #tpu.memory_space<vmem_shared>> -> memref<40x16xf32, #tpu.memory_space<vmem_shared>>
      tpu.enqueue_dma source(%arg18 : memref<40x16xf32, #tpu.memory_space<vmem>>) target(%dma_start3A_84 : memref<40x16xf32, #tpu.memory_space<vmem_shared>>) target_semaphore(%run_scoped3A_80 : memref<!tpu.dma_semaphore, #tpu.memory_space<semaphore_mem>>)
      %dma_wait3A_85 = arith.constant 0 : i32
      %dma_wait3A_86 = tpu.memref_slice %arg20[%add3A_29, %dma_wait3A_85] : memref<10000x16xf32, #tpu.memory_space<vmem_shared>> -> memref<40x16xf32, #tpu.memory_space<vmem_shared>>
      %dma_wait3A_87 = arith.constant 0 : i32
      %dma_wait3A_88 = tpu.memref_slice %arg20[%add3A_29, %dma_wait3A_87] : memref<10000x16xf32, #tpu.memory_space<vmem_shared>> -> memref<40x16xf32, #tpu.memory_space<vmem_shared>>
      tpu.wait_dma2 semaphore(%run_scoped3A_80 : memref<!tpu.dma_semaphore, #tpu.memory_space<semaphore_mem>>) src(%arg18 : memref<40x16xf32, #tpu.memory_space<vmem>>) dst(%dma_wait3A_88 : memref<40x16xf32, #tpu.memory_space<vmem_shared>>)
      tpu.yield
    }) : () -> ()
    %add3A_30 = arith.constant 400 : i32
    %add3A_31 = arith.addi %mul3A_9, %add3A_30 : i32
    "tpu.region"() ({
      %run_scoped3A_80 = tpu.sem_alloc : memref<!tpu.dma_semaphore, #tpu.memory_space<semaphore_mem>>
      %dma_start3A_81 = arith.constant 0 : i32
      %dma_start3A_82 = tpu.memref_slice %arg20[%add3A_31, %dma_start3A_81] : memref<10000x16xf32, #tpu.memory_space<vmem_shared>> -> memref<40x16xf32, #tpu.memory_space<vmem_shared>>
      %dma_start3A_83 = arith.constant 0 : i32
      %dma_start3A_84 = tpu.memref_slice %arg20[%add3A_31, %dma_start3A_83] : memref<10000x16xf32, #tpu.memory_space<vmem_shared>> -> memref<40x16xf32, #tpu.memory_space<vmem_shared>>
      tpu.enqueue_dma source(%arg18 : memref<40x16xf32, #tpu.memory_space<vmem>>) target(%dma_start3A_84 : memref<40x16xf32, #tpu.memory_space<vmem_shared>>) target_semaphore(%run_scoped3A_80 : memref<!tpu.dma_semaphore, #tpu.memory_space<semaphore_mem>>)
      %dma_wait3A_85 = arith.constant 0 : i32
      %dma_wait3A_86 = tpu.memref_slice %arg20[%add3A_31, %dma_wait3A_85] : memref<10000x16xf32, #tpu.memory_space<vmem_shared>> -> memref<40x16xf32, #tpu.memory_space<vmem_shared>>
      %dma_wait3A_87 = arith.constant 0 : i32
      %dma_wait3A_88 = tpu.memref_slice %arg20[%add3A_31, %dma_wait3A_87] : memref<10000x16xf32, #tpu.memory_space<vmem_shared>> -> memref<40x16xf32, #tpu.memory_space<vmem_shared>>
      tpu.wait_dma2 semaphore(%run_scoped3A_80 : memref<!tpu.dma_semaphore, #tpu.memory_space<semaphore_mem>>) src(%arg18 : memref<40x16xf32, #tpu.memory_space<vmem>>) dst(%dma_wait3A_88 : memref<40x16xf32, #tpu.memory_space<vmem_shared>>)
      tpu.yield
    }) : () -> ()
    %add3A_32 = arith.constant 440 : i32
    %add3A_33 = arith.addi %mul3A_9, %add3A_32 : i32
    "tpu.region"() ({
      %run_scoped3A_80 = tpu.sem_alloc : memref<!tpu.dma_semaphore, #tpu.memory_space<semaphore_mem>>
      %dma_start3A_81 = arith.constant 0 : i32
      %dma_start3A_82 = tpu.memref_slice %arg20[%add3A_33, %dma_start3A_81] : memref<10000x16xf32, #tpu.memory_space<vmem_shared>> -> memref<40x16xf32, #tpu.memory_space<vmem_shared>>
      %dma_start3A_83 = arith.constant 0 : i32
      %dma_start3A_84 = tpu.memref_slice %arg20[%add3A_33, %dma_start3A_83] : memref<10000x16xf32, #tpu.memory_space<vmem_shared>> -> memref<40x16xf32, #tpu.memory_space<vmem_shared>>
      tpu.enqueue_dma source(%arg18 : memref<40x16xf32, #tpu.memory_space<vmem>>) target(%dma_start3A_84 : memref<40x16xf32, #tpu.memory_space<vmem_shared>>) target_semaphore(%run_scoped3A_80 : memref<!tpu.dma_semaphore, #tpu.memory_space<semaphore_mem>>)
      %dma_wait3A_85 = arith.constant 0 : i32
      %dma_wait3A_86 = tpu.memref_slice %arg20[%add3A_33, %dma_wait3A_85] : memref<10000x16xf32, #tpu.memory_space<vmem_shared>> -> memref<40x16xf32, #tpu.memory_space<vmem_shared>>
      %dma_wait3A_87 = arith.constant 0 : i32
      %dma_wait3A_88 = tpu.memref_slice %arg20[%add3A_33, %dma_wait3A_87] : memref<10000x16xf32, #tpu.memory_space<vmem_shared>> -> memref<40x16xf32, #tpu.memory_space<vmem_shared>>
      tpu.wait_dma2 semaphore(%run_scoped3A_80 : memref<!tpu.dma_semaphore, #tpu.memory_space<semaphore_mem>>) src(%arg18 : memref<40x16xf32, #tpu.memory_space<vmem>>) dst(%dma_wait3A_88 : memref<40x16xf32, #tpu.memory_space<vmem_shared>>)
      tpu.yield
    }) : () -> ()
    %add3A_34 = arith.constant 480 : i32
    %add3A_35 = arith.addi %mul3A_9, %add3A_34 : i32
    "tpu.region"() ({
      %run_scoped3A_80 = tpu.sem_alloc : memref<!tpu.dma_semaphore, #tpu.memory_space<semaphore_mem>>
      %dma_start3A_81 = arith.constant 0 : i32
      %dma_start3A_82 = tpu.memref_slice %arg20[%add3A_35, %dma_start3A_81] : memref<10000x16xf32, #tpu.memory_space<vmem_shared>> -> memref<40x16xf32, #tpu.memory_space<vmem_shared>>
      %dma_start3A_83 = arith.constant 0 : i32
      %dma_start3A_84 = tpu.memref_slice %arg20[%add3A_35, %dma_start3A_83] : memref<10000x16xf32, #tpu.memory_space<vmem_shared>> -> memref<40x16xf32, #tpu.memory_space<vmem_shared>>
      tpu.enqueue_dma source(%arg18 : memref<40x16xf32, #tpu.memory_space<vmem>>) target(%dma_start3A_84 : memref<40x16xf32, #tpu.memory_space<vmem_shared>>) target_semaphore(%run_scoped3A_80 : memref<!tpu.dma_semaphore, #tpu.memory_space<semaphore_mem>>)
      %dma_wait3A_85 = arith.constant 0 : i32
      %dma_wait3A_86 = tpu.memref_slice %arg20[%add3A_35, %dma_wait3A_85] : memref<10000x16xf32, #tpu.memory_space<vmem_shared>> -> memref<40x16xf32, #tpu.memory_space<vmem_shared>>
      %dma_wait3A_87 = arith.constant 0 : i32
      %dma_wait3A_88 = tpu.memref_slice %arg20[%add3A_35, %dma_wait3A_87] : memref<10000x16xf32, #tpu.memory_space<vmem_shared>> -> memref<40x16xf32, #tpu.memory_space<vmem_shared>>
      tpu.wait_dma2 semaphore(%run_scoped3A_80 : memref<!tpu.dma_semaphore, #tpu.memory_space<semaphore_mem>>) src(%arg18 : memref<40x16xf32, #tpu.memory_space<vmem>>) dst(%dma_wait3A_88 : memref<40x16xf32, #tpu.memory_space<vmem_shared>>)
      tpu.yield
    }) : () -> ()
    %add3A_36 = arith.constant 520 : i32
    %add3A_37 = arith.addi %mul3A_9, %add3A_36 : i32
    "tpu.region"() ({
      %run_scoped3A_80 = tpu.sem_alloc : memref<!tpu.dma_semaphore, #tpu.memory_space<semaphore_mem>>
      %dma_start3A_81 = arith.constant 0 : i32
      %dma_start3A_82 = tpu.memref_slice %arg20[%add3A_37, %dma_start3A_81] : memref<10000x16xf32, #tpu.memory_space<vmem_shared>> -> memref<40x16xf32, #tpu.memory_space<vmem_shared>>
      %dma_start3A_83 = arith.constant 0 : i32
      %dma_start3A_84 = tpu.memref_slice %arg20[%add3A_37, %dma_start3A_83] : memref<10000x16xf32, #tpu.memory_space<vmem_shared>> -> memref<40x16xf32, #tpu.memory_space<vmem_shared>>
      tpu.enqueue_dma source(%arg18 : memref<40x16xf32, #tpu.memory_space<vmem>>) target(%dma_start3A_84 : memref<40x16xf32, #tpu.memory_space<vmem_shared>>) target_semaphore(%run_scoped3A_80 : memref<!tpu.dma_semaphore, #tpu.memory_space<semaphore_mem>>)
      %dma_wait3A_85 = arith.constant 0 : i32
      %dma_wait3A_86 = tpu.memref_slice %arg20[%add3A_37, %dma_wait3A_85] : memref<10000x16xf32, #tpu.memory_space<vmem_shared>> -> memref<40x16xf32, #tpu.memory_space<vmem_shared>>
      %dma_wait3A_87 = arith.constant 0 : i32
      %dma_wait3A_88 = tpu.memref_slice %arg20[%add3A_37, %dma_wait3A_87] : memref<10000x16xf32, #tpu.memory_space<vmem_shared>> -> memref<40x16xf32, #tpu.memory_space<vmem_shared>>
      tpu.wait_dma2 semaphore(%run_scoped3A_80 : memref<!tpu.dma_semaphore, #tpu.memory_space<semaphore_mem>>) src(%arg18 : memref<40x16xf32, #tpu.memory_space<vmem>>) dst(%dma_wait3A_88 : memref<40x16xf32, #tpu.memory_space<vmem_shared>>)
      tpu.yield
    }) : () -> ()
    %add3A_38 = arith.constant 560 : i32
    %add3A_39 = arith.addi %mul3A_9, %add3A_38 : i32
    "tpu.region"() ({
      %run_scoped3A_80 = tpu.sem_alloc : memref<!tpu.dma_semaphore, #tpu.memory_space<semaphore_mem>>
      %dma_start3A_81 = arith.constant 0 : i32
      %dma_start3A_82 = tpu.memref_slice %arg20[%add3A_39, %dma_start3A_81] : memref<10000x16xf32, #tpu.memory_space<vmem_shared>> -> memref<40x16xf32, #tpu.memory_space<vmem_shared>>
      %dma_start3A_83 = arith.constant 0 : i32
      %dma_start3A_84 = tpu.memref_slice %arg20[%add3A_39, %dma_start3A_83] : memref<10000x16xf32, #tpu.memory_space<vmem_shared>> -> memref<40x16xf32, #tpu.memory_space<vmem_shared>>
      tpu.enqueue_dma source(%arg18 : memref<40x16xf32, #tpu.memory_space<vmem>>) target(%dma_start3A_84 : memref<40x16xf32, #tpu.memory_space<vmem_shared>>) target_semaphore(%run_scoped3A_80 : memref<!tpu.dma_semaphore, #tpu.memory_space<semaphore_mem>>)
      %dma_wait3A_85 = arith.constant 0 : i32
      %dma_wait3A_86 = tpu.memref_slice %arg20[%add3A_39, %dma_wait3A_85] : memref<10000x16xf32, #tpu.memory_space<vmem_shared>> -> memref<40x16xf32, #tpu.memory_space<vmem_shared>>
      %dma_wait3A_87 = arith.constant 0 : i32
      %dma_wait3A_88 = tpu.memref_slice %arg20[%add3A_39, %dma_wait3A_87] : memref<10000x16xf32, #tpu.memory_space<vmem_shared>> -> memref<40x16xf32, #tpu.memory_space<vmem_shared>>
      tpu.wait_dma2 semaphore(%run_scoped3A_80 : memref<!tpu.dma_semaphore, #tpu.memory_space<semaphore_mem>>) src(%arg18 : memref<40x16xf32, #tpu.memory_space<vmem>>) dst(%dma_wait3A_88 : memref<40x16xf32, #tpu.memory_space<vmem_shared>>)
      tpu.yield
    }) : () -> ()
    %add3A_40 = arith.constant 600 : i32
    %add3A_41 = arith.addi %mul3A_9, %add3A_40 : i32
    "tpu.region"() ({
      %run_scoped3A_80 = tpu.sem_alloc : memref<!tpu.dma_semaphore, #tpu.memory_space<semaphore_mem>>
      %dma_start3A_81 = arith.constant 0 : i32
      %dma_start3A_82 = arith.constant 0 : i32
      %dma_start3A_83 = tpu.memref_slice %arg18[%dma_start3A_81, %dma_start3A_82] : memref<40x16xf32, #tpu.memory_space<vmem>> -> memref<25x16xf32, #tpu.memory_space<vmem>>
      %dma_start3A_84 = arith.constant 0 : i32
      %dma_start3A_85 = tpu.memref_slice %arg20[%add3A_41, %dma_start3A_84] : memref<10000x16xf32, #tpu.memory_space<vmem_shared>> -> memref<25x16xf32, #tpu.memory_space<vmem_shared>>
      %dma_start3A_86 = arith.constant 0 : i32
      %dma_start3A_87 = tpu.memref_slice %arg20[%add3A_41, %dma_start3A_86] : memref<10000x16xf32, #tpu.memory_space<vmem_shared>> -> memref<25x16xf32, #tpu.memory_space<vmem_shared>>
      %dma_start3A_88 = arith.constant 0 : i32
      %dma_start3A_89 = arith.constant 0 : i32
      %dma_start3A_90 = tpu.memref_slice %arg18[%dma_start3A_88, %dma_start3A_89] : memref<40x16xf32, #tpu.memory_space<vmem>> -> memref<25x16xf32, #tpu.memory_space<vmem>>
      tpu.enqueue_dma source(%dma_start3A_90 : memref<25x16xf32, #tpu.memory_space<vmem>>) target(%dma_start3A_87 : memref<25x16xf32, #tpu.memory_space<vmem_shared>>) target_semaphore(%run_scoped3A_80 : memref<!tpu.dma_semaphore, #tpu.memory_space<semaphore_mem>>)
      %dma_wait3A_91 = arith.constant 0 : i32
      %dma_wait3A_92 = arith.constant 0 : i32
      %dma_wait3A_93 = tpu.memref_slice %arg18[%dma_wait3A_91, %dma_wait3A_92] : memref<40x16xf32, #tpu.memory_space<vmem>> -> memref<25x16xf32, #tpu.memory_space<vmem>>
      %dma_wait3A_94 = arith.constant 0 : i32
      %dma_wait3A_95 = tpu.memref_slice %arg20[%add3A_41, %dma_wait3A_94] : memref<10000x16xf32, #tpu.memory_space<vmem_shared>> -> memref<25x16xf32, #tpu.memory_space<vmem_shared>>
      %dma_wait3A_96 = arith.constant 0 : i32
      %dma_wait3A_97 = tpu.memref_slice %arg20[%add3A_41, %dma_wait3A_96] : memref<10000x16xf32, #tpu.memory_space<vmem_shared>> -> memref<25x16xf32, #tpu.memory_space<vmem_shared>>
      %dma_wait3A_98 = arith.constant 0 : i32
      %dma_wait3A_99 = arith.constant 0 : i32
      %dma_wait3A_100 = tpu.memref_slice %arg18[%dma_wait3A_98, %dma_wait3A_99] : memref<40x16xf32, #tpu.memory_space<vmem>> -> memref<25x16xf32, #tpu.memory_space<vmem>>
      tpu.wait_dma2 semaphore(%run_scoped3A_80 : memref<!tpu.dma_semaphore, #tpu.memory_space<semaphore_mem>>) src(%dma_wait3A_100 : memref<25x16xf32, #tpu.memory_space<vmem>>) dst(%dma_wait3A_97 : memref<25x16xf32, #tpu.memory_space<vmem_shared>>)
      tpu.yield
    }) : () -> ()
    %barrier3A = arith.constant 0 : index
    tpu.barrier barrier_id(%barrier3A)
    %iota3A = tpu.iota {dimensions = array<i32: 0>} : vector<16xi32>
    %run_scoped3A = arith.constant 0 : i32
    "tpu.region"() ({
      %run_scoped3A_80 = tpu.sem_alloc : memref<!tpu.dma_semaphore, #tpu.memory_space<semaphore_mem>>
      %dma_start3A_81 = arith.constant 0 : i32
      %dma_start3A_82 = arith.constant 0 : i32
      %dma_start3A_83 = tpu.memref_slice %arg4[%add3A, %dma_start3A_81, %dma_start3A_82] : memref<32x250x40xi32, #tpu.memory_space<hbm>> -> memref<1x250x40xi32, #tpu.memory_space<hbm>>
      %dma_start3A_84 = tpu.memref_squeeze %dma_start3A_83 : memref<1x250x40xi32, #tpu.memory_space<hbm>> -> memref<250x40xi32, #tpu.memory_space<hbm>>
      %dma_start3A_85 = arith.constant 0 : i32
      %dma_start3A_86 = tpu.memref_slice %dma_start3A_84[%run_scoped3A, %dma_start3A_85] : memref<250x40xi32, #tpu.memory_space<hbm>> -> memref<1x40xi32, #tpu.memory_space<hbm>>
      %dma_start3A_87 = tpu.memref_squeeze %dma_start3A_86 : memref<1x40xi32, #tpu.memory_space<hbm>> -> memref<40xi32, #tpu.memory_space<hbm>>
      %dma_start3A_88 = arith.constant 0 : i32
      %dma_start3A_89 = arith.constant 0 : i32
      %dma_start3A_90 = tpu.memref_slice %arg4[%add3A, %dma_start3A_88, %dma_start3A_89] : memref<32x250x40xi32, #tpu.memory_space<hbm>> -> memref<1x250x40xi32, #tpu.memory_space<hbm>>
      %dma_start3A_91 = tpu.memref_squeeze %dma_start3A_90 : memref<1x250x40xi32, #tpu.memory_space<hbm>> -> memref<250x40xi32, #tpu.memory_space<hbm>>
      %dma_start3A_92 = arith.constant 0 : i32
      %dma_start3A_93 = tpu.memref_slice %dma_start3A_91[%run_scoped3A, %dma_start3A_92] : memref<250x40xi32, #tpu.memory_space<hbm>> -> memref<1x40xi32, #tpu.memory_space<hbm>>
      %dma_start3A_94 = tpu.memref_squeeze %dma_start3A_93 : memref<1x40xi32, #tpu.memory_space<hbm>> -> memref<40xi32, #tpu.memory_space<hbm>>
      tpu.enqueue_dma source(%dma_start3A_94 : memref<40xi32, #tpu.memory_space<hbm>>) target(%arg9 : memref<40xi32, #tpu.memory_space<vmem>>) target_semaphore(%run_scoped3A_80 : memref<!tpu.dma_semaphore, #tpu.memory_space<semaphore_mem>>)
      %dma_wait3A_95 = arith.constant 0 : i32
      %dma_wait3A_96 = arith.constant 0 : i32
      %dma_wait3A_97 = tpu.memref_slice %arg4[%add3A, %dma_wait3A_95, %dma_wait3A_96] : memref<32x250x40xi32, #tpu.memory_space<hbm>> -> memref<1x250x40xi32, #tpu.memory_space<hbm>>
      %dma_wait3A_98 = tpu.memref_squeeze %dma_wait3A_97 : memref<1x250x40xi32, #tpu.memory_space<hbm>> -> memref<250x40xi32, #tpu.memory_space<hbm>>
      %dma_wait3A_99 = arith.constant 0 : i32
      %dma_wait3A_100 = tpu.memref_slice %dma_wait3A_98[%run_scoped3A, %dma_wait3A_99] : memref<250x40xi32, #tpu.memory_space<hbm>> -> memref<1x40xi32, #tpu.memory_space<hbm>>
      %dma_wait3A_101 = tpu.memref_squeeze %dma_wait3A_100 : memref<1x40xi32, #tpu.memory_space<hbm>> -> memref<40xi32, #tpu.memory_space<hbm>>
      %dma_wait3A_102 = arith.constant 0 : i32
      %dma_wait3A_103 = arith.constant 0 : i32
      %dma_wait3A_104 = tpu.memref_slice %arg4[%add3A, %dma_wait3A_102, %dma_wait3A_103] : memref<32x250x40xi32, #tpu.memory_space<hbm>> -> memref<1x250x40xi32, #tpu.memory_space<hbm>>
      %dma_wait3A_105 = tpu.memref_squeeze %dma_wait3A_104 : memref<1x250x40xi32, #tpu.memory_space<hbm>> -> memref<250x40xi32, #tpu.memory_space<hbm>>
      %dma_wait3A_106 = arith.constant 0 : i32
      %dma_wait3A_107 = tpu.memref_slice %dma_wait3A_105[%run_scoped3A, %dma_wait3A_106] : memref<250x40xi32, #tpu.memory_space<hbm>> -> memref<1x40xi32, #tpu.memory_space<hbm>>
      %dma_wait3A_108 = tpu.memref_squeeze %dma_wait3A_107 : memref<1x40xi32, #tpu.memory_space<hbm>> -> memref<40xi32, #tpu.memory_space<hbm>>
      tpu.wait_dma2 semaphore(%run_scoped3A_80 : memref<!tpu.dma_semaphore, #tpu.memory_space<semaphore_mem>>) src(%dma_wait3A_108 : memref<40xi32, #tpu.memory_space<hbm>>) dst(%arg9 : memref<40xi32, #tpu.memory_space<vmem>>)
      tpu.yield
    }) : () -> ()
    %run_scoped3A_42 = arith.constant 0 : i32
    "tpu.region"() ({
      %run_scoped3A_80 = tpu.sem_alloc : memref<!tpu.dma_semaphore, #tpu.memory_space<semaphore_mem>>
      %dma_start3A_81 = arith.constant 0 : i32
      %dma_start3A_82 = arith.constant 0 : i32
      %dma_start3A_83 = tpu.memref_slice %arg5[%add3A, %dma_start3A_81, %dma_start3A_82] : memref<32x250x40xi32, #tpu.memory_space<hbm>> -> memref<1x250x40xi32, #tpu.memory_space<hbm>>
      %dma_start3A_84 = tpu.memref_squeeze %dma_start3A_83 : memref<1x250x40xi32, #tpu.memory_space<hbm>> -> memref<250x40xi32, #tpu.memory_space<hbm>>
      %dma_start3A_85 = arith.constant 0 : i32
      %dma_start3A_86 = tpu.memref_slice %dma_start3A_84[%run_scoped3A_42, %dma_start3A_85] : memref<250x40xi32, #tpu.memory_space<hbm>> -> memref<1x40xi32, #tpu.memory_space<hbm>>
      %dma_start3A_87 = tpu.memref_squeeze %dma_start3A_86 : memref<1x40xi32, #tpu.memory_space<hbm>> -> memref<40xi32, #tpu.memory_space<hbm>>
      %dma_start3A_88 = arith.constant 0 : i32
      %dma_start3A_89 = arith.constant 0 : i32
      %dma_start3A_90 = tpu.memref_slice %arg5[%add3A, %dma_start3A_88, %dma_start3A_89] : memref<32x250x40xi32, #tpu.memory_space<hbm>> -> memref<1x250x40xi32, #tpu.memory_space<hbm>>
      %dma_start3A_91 = tpu.memref_squeeze %dma_start3A_90 : memref<1x250x40xi32, #tpu.memory_space<hbm>> -> memref<250x40xi32, #tpu.memory_space<hbm>>
      %dma_start3A_92 = arith.constant 0 : i32
      %dma_start3A_93 = tpu.memref_slice %dma_start3A_91[%run_scoped3A_42, %dma_start3A_92] : memref<250x40xi32, #tpu.memory_space<hbm>> -> memref<1x40xi32, #tpu.memory_space<hbm>>
      %dma_start3A_94 = tpu.memref_squeeze %dma_start3A_93 : memref<1x40xi32, #tpu.memory_space<hbm>> -> memref<40xi32, #tpu.memory_space<hbm>>
      tpu.enqueue_dma source(%dma_start3A_94 : memref<40xi32, #tpu.memory_space<hbm>>) target(%arg11 : memref<40xi32, #tpu.memory_space<vmem>>) target_semaphore(%run_scoped3A_80 : memref<!tpu.dma_semaphore, #tpu.memory_space<semaphore_mem>>)
      %dma_wait3A_95 = arith.constant 0 : i32
      %dma_wait3A_96 = arith.constant 0 : i32
      %dma_wait3A_97 = tpu.memref_slice %arg5[%add3A, %dma_wait3A_95, %dma_wait3A_96] : memref<32x250x40xi32, #tpu.memory_space<hbm>> -> memref<1x250x40xi32, #tpu.memory_space<hbm>>
      %dma_wait3A_98 = tpu.memref_squeeze %dma_wait3A_97 : memref<1x250x40xi32, #tpu.memory_space<hbm>> -> memref<250x40xi32, #tpu.memory_space<hbm>>
      %dma_wait3A_99 = arith.constant 0 : i32
      %dma_wait3A_100 = tpu.memref_slice %dma_wait3A_98[%run_scoped3A_42, %dma_wait3A_99] : memref<250x40xi32, #tpu.memory_space<hbm>> -> memref<1x40xi32, #tpu.memory_space<hbm>>
      %dma_wait3A_101 = tpu.memref_squeeze %dma_wait3A_100 : memref<1x40xi32, #tpu.memory_space<hbm>> -> memref<40xi32, #tpu.memory_space<hbm>>
      %dma_wait3A_102 = arith.constant 0 : i32
      %dma_wait3A_103 = arith.constant 0 : i32
      %dma_wait3A_104 = tpu.memref_slice %arg5[%add3A, %dma_wait3A_102, %dma_wait3A_103] : memref<32x250x40xi32, #tpu.memory_space<hbm>> -> memref<1x250x40xi32, #tpu.memory_space<hbm>>
      %dma_wait3A_105 = tpu.memref_squeeze %dma_wait3A_104 : memref<1x250x40xi32, #tpu.memory_space<hbm>> -> memref<250x40xi32, #tpu.memory_space<hbm>>
      %dma_wait3A_106 = arith.constant 0 : i32
      %dma_wait3A_107 = tpu.memref_slice %dma_wait3A_105[%run_scoped3A_42, %dma_wait3A_106] : memref<250x40xi32, #tpu.memory_space<hbm>> -> memref<1x40xi32, #tpu.memory_space<hbm>>
      %dma_wait3A_108 = tpu.memref_squeeze %dma_wait3A_107 : memref<1x40xi32, #tpu.memory_space<hbm>> -> memref<40xi32, #tpu.memory_space<hbm>>
      tpu.wait_dma2 semaphore(%run_scoped3A_80 : memref<!tpu.dma_semaphore, #tpu.memory_space<semaphore_mem>>) src(%dma_wait3A_108 : memref<40xi32, #tpu.memory_space<hbm>>) dst(%arg11 : memref<40xi32, #tpu.memory_space<vmem>>)
      tpu.yield
    }) : () -> ()
    %dma_start3A = arith.constant 0 : i32
    %dma_start3A_43 = arith.constant 0 : i32
    %dma_start3A_44 = tpu.memref_slice %arg2[%dma_start3A, %dma_start3A_43] : memref<10000x512xf32, #tpu.memory_space<hbm>> -> memref<10000x512xf32, #tpu.memory_space<hbm>>
    tpu.enqueue_indirect_dma source(%dma_start3A_44 : memref<10000x512xf32, #tpu.memory_space<hbm>>) target(%arg14 : memref<40x512xf32, #tpu.memory_space<vmem>>) offsets(%arg9 : memref<40xi32, #tpu.memory_space<vmem>>) semaphore(%arg21 : memref<!tpu.dma_semaphore, #tpu.memory_space<semaphore_mem>>)
    %dma_start3A_45 = arith.constant 0 : i32
    %dma_start3A_46 = arith.constant 0 : i32
    %dma_start3A_47 = tpu.memref_slice %arg3[%dma_start3A_45, %dma_start3A_46] : memref<10000x512xf32, #tpu.memory_space<hbm>> -> memref<10000x512xf32, #tpu.memory_space<hbm>>
    tpu.enqueue_indirect_dma source(%dma_start3A_47 : memref<10000x512xf32, #tpu.memory_space<hbm>>) target(%arg16 : memref<40x512xf32, #tpu.memory_space<vmem>>) offsets(%arg11 : memref<40xi32, #tpu.memory_space<vmem>>) semaphore(%arg23 : memref<!tpu.dma_semaphore, #tpu.memory_space<semaphore_mem>>)
    %scan3A_48 = arith.constant 0 : i32
    %scan3A_49 = arith.constant 0 : i32
    %scan3A_50 = arith.constant 125 : i32
    %scan3A_51 = arith.addi %scan3A_49, %scan3A_50 : i32
    %scan3A_52 = arith.constant 1 : i32
    scf.for %scan3A_80 = %scan3A_49 to %scan3A_51 step %scan3A_52  : i32 {
      %mul3A_81 = arith.constant 2 : i32
      %mul3A_82 = arith.muli %scan3A_80, %mul3A_81 : i32
      %add3A_83 = arith.constant 0 : i32
      %add3A_84 = arith.addi %mul3A_82, %add3A_83 : i32
      %add3A_85 = arith.constant 1 : i32
      %add3A_86 = arith.addi %add3A_84, %add3A_85 : i32
      %lt3A = arith.constant 250 : i32
      %lt3A_87 = arith.cmpi slt, %add3A_86, %lt3A : i32
      %convert_element_type3A_88 = arith.extui %lt3A_87 : i1 to i32
      %cond3A_89 = arith.constant 0 : i32
      %cond3A_90 = arith.cmpi ne, %convert_element_type3A_88, %cond3A_89 : i32
      scf.if %cond3A_90 {
        %add3A_160 = arith.constant 1 : i32
        %add3A_161 = arith.addi %add3A_84, %add3A_160 : i32
        "tpu.region"() ({
          %run_scoped3A_168 = tpu.sem_alloc : memref<!tpu.dma_semaphore, #tpu.memory_space<semaphore_mem>>
          %dma_start3A_169 = arith.constant 0 : i32
          %dma_start3A_170 = arith.constant 0 : i32
          %dma_start3A_171 = tpu.memref_slice %arg4[%add3A, %dma_start3A_169, %dma_start3A_170] : memref<32x250x40xi32, #tpu.memory_space<hbm>> -> memref<1x250x40xi32, #tpu.memory_space<hbm>>
          %dma_start3A_172 = tpu.memref_squeeze %dma_start3A_171 : memref<1x250x40xi32, #tpu.memory_space<hbm>> -> memref<250x40xi32, #tpu.memory_space<hbm>>
          %dma_start3A_173 = arith.constant 0 : i32
          %dma_start3A_174 = tpu.memref_slice %dma_start3A_172[%add3A_161, %dma_start3A_173] : memref<250x40xi32, #tpu.memory_space<hbm>> -> memref<1x40xi32, #tpu.memory_space<hbm>>
          %dma_start3A_175 = tpu.memref_squeeze %dma_start3A_174 : memref<1x40xi32, #tpu.memory_space<hbm>> -> memref<40xi32, #tpu.memory_space<hbm>>
          %dma_start3A_176 = arith.constant 0 : i32
          %dma_start3A_177 = arith.constant 0 : i32
          %dma_start3A_178 = tpu.memref_slice %arg4[%add3A, %dma_start3A_176, %dma_start3A_177] : memref<32x250x40xi32, #tpu.memory_space<hbm>> -> memref<1x250x40xi32, #tpu.memory_space<hbm>>
          %dma_start3A_179 = tpu.memref_squeeze %dma_start3A_178 : memref<1x250x40xi32, #tpu.memory_space<hbm>> -> memref<250x40xi32, #tpu.memory_space<hbm>>
          %dma_start3A_180 = arith.constant 0 : i32
          %dma_start3A_181 = tpu.memref_slice %dma_start3A_179[%add3A_161, %dma_start3A_180] : memref<250x40xi32, #tpu.memory_space<hbm>> -> memref<1x40xi32, #tpu.memory_space<hbm>>
          %dma_start3A_182 = tpu.memref_squeeze %dma_start3A_181 : memref<1x40xi32, #tpu.memory_space<hbm>> -> memref<40xi32, #tpu.memory_space<hbm>>
          tpu.enqueue_dma source(%dma_start3A_182 : memref<40xi32, #tpu.memory_space<hbm>>) target(%arg10 : memref<40xi32, #tpu.memory_space<vmem>>) target_semaphore(%run_scoped3A_168 : memref<!tpu.dma_semaphore, #tpu.memory_space<semaphore_mem>>)
          %dma_wait3A_183 = arith.constant 0 : i32
          %dma_wait3A_184 = arith.constant 0 : i32
          %dma_wait3A_185 = tpu.memref_slice %arg4[%add3A, %dma_wait3A_183, %dma_wait3A_184] : memref<32x250x40xi32, #tpu.memory_space<hbm>> -> memref<1x250x40xi32, #tpu.memory_space<hbm>>
          %dma_wait3A_186 = tpu.memref_squeeze %dma_wait3A_185 : memref<1x250x40xi32, #tpu.memory_space<hbm>> -> memref<250x40xi32, #tpu.memory_space<hbm>>
          %dma_wait3A_187 = arith.constant 0 : i32
          %dma_wait3A_188 = tpu.memref_slice %dma_wait3A_186[%add3A_161, %dma_wait3A_187] : memref<250x40xi32, #tpu.memory_space<hbm>> -> memref<1x40xi32, #tpu.memory_space<hbm>>
          %dma_wait3A_189 = tpu.memref_squeeze %dma_wait3A_188 : memref<1x40xi32, #tpu.memory_space<hbm>> -> memref<40xi32, #tpu.memory_space<hbm>>
          %dma_wait3A_190 = arith.constant 0 : i32
          %dma_wait3A_191 = arith.constant 0 : i32
          %dma_wait3A_192 = tpu.memref_slice %arg4[%add3A, %dma_wait3A_190, %dma_wait3A_191] : memref<32x250x40xi32, #tpu.memory_space<hbm>> -> memref<1x250x40xi32, #tpu.memory_space<hbm>>
          %dma_wait3A_193 = tpu.memref_squeeze %dma_wait3A_192 : memref<1x250x40xi32, #tpu.memory_space<hbm>> -> memref<250x40xi32, #tpu.memory_space<hbm>>
          %dma_wait3A_194 = arith.constant 0 : i32
          %dma_wait3A_195 = tpu.memref_slice %dma_wait3A_193[%add3A_161, %dma_wait3A_194] : memref<250x40xi32, #tpu.memory_space<hbm>> -> memref<1x40xi32, #tpu.memory_space<hbm>>
          %dma_wait3A_196 = tpu.memref_squeeze %dma_wait3A_195 : memref<1x40xi32, #tpu.memory_space<hbm>> -> memref<40xi32, #tpu.memory_space<hbm>>
          tpu.wait_dma2 semaphore(%run_scoped3A_168 : memref<!tpu.dma_semaphore, #tpu.memory_space<semaphore_mem>>) src(%dma_wait3A_196 : memref<40xi32, #tpu.memory_space<hbm>>) dst(%arg10 : memref<40xi32, #tpu.memory_space<vmem>>)
          tpu.yield
        }) : () -> ()
        "tpu.region"() ({
          %run_scoped3A_168 = tpu.sem_alloc : memref<!tpu.dma_semaphore, #tpu.memory_space<semaphore_mem>>
          %dma_start3A_169 = arith.constant 0 : i32
          %dma_start3A_170 = arith.constant 0 : i32
          %dma_start3A_171 = tpu.memref_slice %arg5[%add3A, %dma_start3A_169, %dma_start3A_170] : memref<32x250x40xi32, #tpu.memory_space<hbm>> -> memref<1x250x40xi32, #tpu.memory_space<hbm>>
          %dma_start3A_172 = tpu.memref_squeeze %dma_start3A_171 : memref<1x250x40xi32, #tpu.memory_space<hbm>> -> memref<250x40xi32, #tpu.memory_space<hbm>>
          %dma_start3A_173 = arith.constant 0 : i32
          %dma_start3A_174 = tpu.memref_slice %dma_start3A_172[%add3A_161, %dma_start3A_173] : memref<250x40xi32, #tpu.memory_space<hbm>> -> memref<1x40xi32, #tpu.memory_space<hbm>>
          %dma_start3A_175 = tpu.memref_squeeze %dma_start3A_174 : memref<1x40xi32, #tpu.memory_space<hbm>> -> memref<40xi32, #tpu.memory_space<hbm>>
          %dma_start3A_176 = arith.constant 0 : i32
          %dma_start3A_177 = arith.constant 0 : i32
          %dma_start3A_178 = tpu.memref_slice %arg5[%add3A, %dma_start3A_176, %dma_start3A_177] : memref<32x250x40xi32, #tpu.memory_space<hbm>> -> memref<1x250x40xi32, #tpu.memory_space<hbm>>
          %dma_start3A_179 = tpu.memref_squeeze %dma_start3A_178 : memref<1x250x40xi32, #tpu.memory_space<hbm>> -> memref<250x40xi32, #tpu.memory_space<hbm>>
          %dma_start3A_180 = arith.constant 0 : i32
          %dma_start3A_181 = tpu.memref_slice %dma_start3A_179[%add3A_161, %dma_start3A_180] : memref<250x40xi32, #tpu.memory_space<hbm>> -> memref<1x40xi32, #tpu.memory_space<hbm>>
          %dma_start3A_182 = tpu.memref_squeeze %dma_start3A_181 : memref<1x40xi32, #tpu.memory_space<hbm>> -> memref<40xi32, #tpu.memory_space<hbm>>
          tpu.enqueue_dma source(%dma_start3A_182 : memref<40xi32, #tpu.memory_space<hbm>>) target(%arg12 : memref<40xi32, #tpu.memory_space<vmem>>) target_semaphore(%run_scoped3A_168 : memref<!tpu.dma_semaphore, #tpu.memory_space<semaphore_mem>>)
          %dma_wait3A_183 = arith.constant 0 : i32
          %dma_wait3A_184 = arith.constant 0 : i32
          %dma_wait3A_185 = tpu.memref_slice %arg5[%add3A, %dma_wait3A_183, %dma_wait3A_184] : memref<32x250x40xi32, #tpu.memory_space<hbm>> -> memref<1x250x40xi32, #tpu.memory_space<hbm>>
          %dma_wait3A_186 = tpu.memref_squeeze %dma_wait3A_185 : memref<1x250x40xi32, #tpu.memory_space<hbm>> -> memref<250x40xi32, #tpu.memory_space<hbm>>
          %dma_wait3A_187 = arith.constant 0 : i32
          %dma_wait3A_188 = tpu.memref_slice %dma_wait3A_186[%add3A_161, %dma_wait3A_187] : memref<250x40xi32, #tpu.memory_space<hbm>> -> memref<1x40xi32, #tpu.memory_space<hbm>>
          %dma_wait3A_189 = tpu.memref_squeeze %dma_wait3A_188 : memref<1x40xi32, #tpu.memory_space<hbm>> -> memref<40xi32, #tpu.memory_space<hbm>>
          %dma_wait3A_190 = arith.constant 0 : i32
          %dma_wait3A_191 = arith.constant 0 : i32
          %dma_wait3A_192 = tpu.memref_slice %arg5[%add3A, %dma_wait3A_190, %dma_wait3A_191] : memref<32x250x40xi32, #tpu.memory_space<hbm>> -> memref<1x250x40xi32, #tpu.memory_space<hbm>>
          %dma_wait3A_193 = tpu.memref_squeeze %dma_wait3A_192 : memref<1x250x40xi32, #tpu.memory_space<hbm>> -> memref<250x40xi32, #tpu.memory_space<hbm>>
          %dma_wait3A_194 = arith.constant 0 : i32
          %dma_wait3A_195 = tpu.memref_slice %dma_wait3A_193[%add3A_161, %dma_wait3A_194] : memref<250x40xi32, #tpu.memory_space<hbm>> -> memref<1x40xi32, #tpu.memory_space<hbm>>
          %dma_wait3A_196 = tpu.memref_squeeze %dma_wait3A_195 : memref<1x40xi32, #tpu.memory_space<hbm>> -> memref<40xi32, #tpu.memory_space<hbm>>
          tpu.wait_dma2 semaphore(%run_scoped3A_168 : memref<!tpu.dma_semaphore, #tpu.memory_space<semaphore_mem>>) src(%dma_wait3A_196 : memref<40xi32, #tpu.memory_space<hbm>>) dst(%arg12 : memref<40xi32, #tpu.memory_space<vmem>>)
          tpu.yield
        }) : () -> ()
        %dma_start3A_162 = arith.constant 0 : i32
        %dma_start3A_163 = arith.constant 0 : i32
        %dma_start3A_164 = tpu.memref_slice %arg2[%dma_start3A_162, %dma_start3A_163] : memref<10000x512xf32, #tpu.memory_space<hbm>> -> memref<10000x512xf32, #tpu.memory_space<hbm>>
        tpu.enqueue_indirect_dma source(%dma_start3A_164 : memref<10000x512xf32, #tpu.memory_space<hbm>>) target(%arg15 : memref<40x512xf32, #tpu.memory_space<vmem>>) offsets(%arg10 : memref<40xi32, #tpu.memory_space<vmem>>) semaphore(%arg22 : memref<!tpu.dma_semaphore, #tpu.memory_space<semaphore_mem>>)
        %dma_start3A_165 = arith.constant 0 : i32
        %dma_start3A_166 = arith.constant 0 : i32
        %dma_start3A_167 = tpu.memref_slice %arg3[%dma_start3A_165, %dma_start3A_166] : memref<10000x512xf32, #tpu.memory_space<hbm>> -> memref<10000x512xf32, #tpu.memory_space<hbm>>
        tpu.enqueue_indirect_dma source(%dma_start3A_167 : memref<10000x512xf32, #tpu.memory_space<hbm>>) target(%arg17 : memref<40x512xf32, #tpu.memory_space<vmem>>) offsets(%arg12 : memref<40xi32, #tpu.memory_space<vmem>>) semaphore(%arg24 : memref<!tpu.dma_semaphore, #tpu.memory_space<semaphore_mem>>)
      } else {
      }
      %dma_wait3A_91 = arith.constant 0 : i32
      %dma_wait3A_92 = arith.constant 0 : i32
      %dma_wait3A_93 = tpu.memref_slice %arg2[%dma_wait3A_91, %dma_wait3A_92] : memref<10000x512xf32, #tpu.memory_space<hbm>> -> memref<40x512xf32, #tpu.memory_space<hbm>>
      %dma_wait3A_94 = arith.constant 0 : i32
      %dma_wait3A_95 = arith.constant 0 : i32
      %dma_wait3A_96 = tpu.memref_slice %arg2[%dma_wait3A_94, %dma_wait3A_95] : memref<10000x512xf32, #tpu.memory_space<hbm>> -> memref<40x512xf32, #tpu.memory_space<hbm>>
      tpu.wait_dma2 semaphore(%arg21 : memref<!tpu.dma_semaphore, #tpu.memory_space<semaphore_mem>>) src(%dma_wait3A_96 : memref<40x512xf32, #tpu.memory_space<hbm>>) dst(%arg14 : memref<40x512xf32, #tpu.memory_space<vmem>>)
      %dma_wait3A_97 = arith.constant 0 : i32
      %dma_wait3A_98 = arith.constant 0 : i32
      %dma_wait3A_99 = tpu.memref_slice %arg3[%dma_wait3A_97, %dma_wait3A_98] : memref<10000x512xf32, #tpu.memory_space<hbm>> -> memref<40x512xf32, #tpu.memory_space<hbm>>
      %dma_wait3A_100 = arith.constant 0 : i32
      %dma_wait3A_101 = arith.constant 0 : i32
      %dma_wait3A_102 = tpu.memref_slice %arg3[%dma_wait3A_100, %dma_wait3A_101] : memref<10000x512xf32, #tpu.memory_space<hbm>> -> memref<40x512xf32, #tpu.memory_space<hbm>>
      tpu.wait_dma2 semaphore(%arg23 : memref<!tpu.dma_semaphore, #tpu.memory_space<semaphore_mem>>) src(%dma_wait3A_102 : memref<40x512xf32, #tpu.memory_space<hbm>>) dst(%arg16 : memref<40x512xf32, #tpu.memory_space<vmem>>)
      %ge3A = arith.constant 2 : i32
      %ge3A_103 = arith.cmpi sge, %add3A_84, %ge3A : i32
      %convert_element_type3A_104 = arith.extui %ge3A_103 : i1 to i32
      %cond3A_105 = arith.constant 0 : i32
      %cond3A_106 = arith.cmpi ne, %convert_element_type3A_104, %cond3A_105 : i32
      scf.if %cond3A_106 {
        %dma_wait3A_160 = arith.constant 0 : i32
        %dma_wait3A_161 = arith.constant 0 : i32
        %dma_wait3A_162 = tpu.memref_slice %arg7[%dma_wait3A_160, %dma_wait3A_161] : memref<320000x16xf32, #tpu.memory_space<hbm>> -> memref<40x16xf32, #tpu.memory_space<hbm>>
        %dma_wait3A_163 = arith.constant 0 : i32
        %dma_wait3A_164 = arith.constant 0 : i32
        %dma_wait3A_165 = tpu.memref_slice %arg7[%dma_wait3A_163, %dma_wait3A_164] : memref<320000x16xf32, #tpu.memory_space<hbm>> -> memref<40x16xf32, #tpu.memory_space<hbm>>
        tpu.wait_dma2 semaphore(%arg25 : memref<!tpu.dma_semaphore, #tpu.memory_space<semaphore_mem>>) src(%dma_wait3A_165 : memref<40x16xf32, #tpu.memory_space<hbm>>) dst(%arg18 : memref<40x16xf32, #tpu.memory_space<vmem>>)
        %dma_wait3A_166 = arith.constant 0 : i32
        %dma_wait3A_167 = arith.constant 0 : i32
        %dma_wait3A_168 = tpu.memref_slice %arg20[%dma_wait3A_166, %dma_wait3A_167] : memref<10000x16xf32, #tpu.memory_space<vmem_shared>> -> memref<40x16xf32, #tpu.memory_space<vmem_shared>>
        %dma_wait3A_169 = arith.constant 0 : i32
        %dma_wait3A_170 = arith.constant 0 : i32
        %dma_wait3A_171 = tpu.memref_slice %arg20[%dma_wait3A_169, %dma_wait3A_170] : memref<10000x16xf32, #tpu.memory_space<vmem_shared>> -> memref<40x16xf32, #tpu.memory_space<vmem_shared>>
        tpu.wait_dma2 semaphore(%arg27 : memref<!tpu.dma_semaphore, #tpu.memory_space<semaphore_mem>>) src(%arg18 : memref<40x16xf32, #tpu.memory_space<vmem>>) dst(%dma_wait3A_171 : memref<40x16xf32, #tpu.memory_space<vmem_shared>>)
      } else {
      }
      %parallel_loop3A = arith.constant 0 : i32
      %parallel_loop3A_107 = arith.constant 40 : i32
      %parallel_loop3A_108 = arith.constant 1 : i32
      scf.for %parallel_loop3A_160 = %parallel_loop3A to %parallel_loop3A_107 step %parallel_loop3A_108  : i32 {
        %parallel_loop3A_161 = arith.constant 0.000000e+00 : f32
        %parallel_loop3A_162 = vector.broadcast %parallel_loop3A_161 : f32 to vector<16xf32>
        %parallel_loop3A_163 = arith.constant 0.000000e+00 : f32
        %parallel_loop3A_164 = vector.broadcast %parallel_loop3A_163 : f32 to vector<16xf32>
        %parallel_loop3A_165 = arith.index_cast %parallel_loop3A_160 : i32 to index
        %parallel_loop3A_166 = arith.constant 0 : index
        %parallel_loop3A_167 = tpu.vector_load %arg14[%parallel_loop3A_165, %parallel_loop3A_166] {strides = array<i32>} : memref<40x512xf32, #tpu.memory_space<vmem>>, vector<1x16xf32>,
        %parallel_loop3A_168 = vector.shape_cast %parallel_loop3A_167 : vector<1x16xf32> to vector<16xf32>
        %parallel_loop3A_169 = arith.index_cast %parallel_loop3A_160 : i32 to index
        %parallel_loop3A_170 = arith.constant 0 : index
        %parallel_loop3A_171 = tpu.vector_load %arg16[%parallel_loop3A_169, %parallel_loop3A_170] {strides = array<i32>} : memref<40x512xf32, #tpu.memory_space<vmem>>, vector<1x16xf32>,
        %parallel_loop3A_172 = vector.shape_cast %parallel_loop3A_171 : vector<1x16xf32> to vector<16xf32>
        %parallel_loop3A_173 = arith.addf %parallel_loop3A_168, %parallel_loop3A_172 : vector<16xf32>
        %parallel_loop3A_174 = arith.constant 2.000000e-01 : f32
        %parallel_loop3A_175 = vector.broadcast %parallel_loop3A_174 : f32 to vector<16xf32>
        %parallel_loop3A_176 = arith.mulf %parallel_loop3A_175, %parallel_loop3A_173 : vector<16xf32>
        %parallel_loop3A_177 = arith.maximumf %parallel_loop3A_173, %parallel_loop3A_176 : vector<16xf32>
        %parallel_loop3A_178 = arith.constant 0 : index
        %parallel_loop3A_179 = tpu.vector_load %arg13[%parallel_loop3A_178] {strides = array<i32>} : memref<512xf32, #tpu.memory_space<vmem>>, vector<16xf32>,
        %parallel_loop3A_180 = vector.shape_cast %parallel_loop3A_179 : vector<16xf32> to vector<16xf32>
        %parallel_loop3A_181 = arith.mulf %parallel_loop3A_177, %parallel_loop3A_180 : vector<16xf32>
        %parallel_loop3A_182 = arith.addf %parallel_loop3A_164, %parallel_loop3A_181 : vector<16xf32>
        %parallel_loop3A_183 = arith.index_cast %parallel_loop3A_160 : i32 to index
        %parallel_loop3A_184 = arith.constant 16 : index
        %parallel_loop3A_185 = tpu.vector_load %arg14[%parallel_loop3A_183, %parallel_loop3A_184] {strides = array<i32>} : memref<40x512xf32, #tpu.memory_space<vmem>>, vector<1x16xf32>,
        %parallel_loop3A_186 = vector.shape_cast %parallel_loop3A_185 : vector<1x16xf32> to vector<16xf32>
        %parallel_loop3A_187 = arith.index_cast %parallel_loop3A_160 : i32 to index
        %parallel_loop3A_188 = arith.constant 16 : index
        %parallel_loop3A_189 = tpu.vector_load %arg16[%parallel_loop3A_187, %parallel_loop3A_188] {strides = array<i32>} : memref<40x512xf32, #tpu.memory_space<vmem>>, vector<1x16xf32>,
        %parallel_loop3A_190 = vector.shape_cast %parallel_loop3A_189 : vector<1x16xf32> to vector<16xf32>
        %parallel_loop3A_191 = arith.addf %parallel_loop3A_186, %parallel_loop3A_190 : vector<16xf32>
        %parallel_loop3A_192 = arith.constant 2.000000e-01 : f32
        %parallel_loop3A_193 = vector.broadcast %parallel_loop3A_192 : f32 to vector<16xf32>
        %parallel_loop3A_194 = arith.mulf %parallel_loop3A_193, %parallel_loop3A_191 : vector<16xf32>
        %parallel_loop3A_195 = arith.maximumf %parallel_loop3A_191, %parallel_loop3A_194 : vector<16xf32>
        %parallel_loop3A_196 = arith.constant 16 : index
        %parallel_loop3A_197 = tpu.vector_load %arg13[%parallel_loop3A_196] {strides = array<i32>} : memref<512xf32, #tpu.memory_space<vmem>>, vector<16xf32>,
        %parallel_loop3A_198 = vector.shape_cast %parallel_loop3A_197 : vector<16xf32> to vector<16xf32>
        %parallel_loop3A_199 = arith.mulf %parallel_loop3A_195, %parallel_loop3A_198 : vector<16xf32>
        %parallel_loop3A_200 = arith.addf %parallel_loop3A_182, %parallel_loop3A_199 : vector<16xf32>
        %parallel_loop3A_201 = arith.index_cast %parallel_loop3A_160 : i32 to index
        %parallel_loop3A_202 = arith.constant 32 : index
        %parallel_loop3A_203 = tpu.vector_load %arg14[%parallel_loop3A_201, %parallel_loop3A_202] {strides = array<i32>} : memref<40x512xf32, #tpu.memory_space<vmem>>, vector<1x16xf32>,
        %parallel_loop3A_204 = vector.shape_cast %parallel_loop3A_203 : vector<1x16xf32> to vector<16xf32>
        %parallel_loop3A_205 = arith.index_cast %parallel_loop3A_160 : i32 to index
        %parallel_loop3A_206 = arith.constant 32 : index
        %parallel_loop3A_207 = tpu.vector_load %arg16[%parallel_loop3A_205, %parallel_loop3A_206] {strides = array<i32>} : memref<40x512xf32, #tpu.memory_space<vmem>>, vector<1x16xf32>,
        %parallel_loop3A_208 = vector.shape_cast %parallel_loop3A_207 : vector<1x16xf32> to vector<16xf32>
        %parallel_loop3A_209 = arith.addf %parallel_loop3A_204, %parallel_loop3A_208 : vector<16xf32>
        %parallel_loop3A_210 = arith.constant 2.000000e-01 : f32
        %parallel_loop3A_211 = vector.broadcast %parallel_loop3A_210 : f32 to vector<16xf32>
        %parallel_loop3A_212 = arith.mulf %parallel_loop3A_211, %parallel_loop3A_209 : vector<16xf32>
        %parallel_loop3A_213 = arith.maximumf %parallel_loop3A_209, %parallel_loop3A_212 : vector<16xf32>
        %parallel_loop3A_214 = arith.constant 32 : index
        %parallel_loop3A_215 = tpu.vector_load %arg13[%parallel_loop3A_214] {strides = array<i32>} : memref<512xf32, #tpu.memory_space<vmem>>, vector<16xf32>,
        %parallel_loop3A_216 = vector.shape_cast %parallel_loop3A_215 : vector<16xf32> to vector<16xf32>
        %parallel_loop3A_217 = arith.mulf %parallel_loop3A_213, %parallel_loop3A_216 : vector<16xf32>
        %parallel_loop3A_218 = arith.addf %parallel_loop3A_200, %parallel_loop3A_217 : vector<16xf32>
        %parallel_loop3A_219 = arith.index_cast %parallel_loop3A_160 : i32 to index
        %parallel_loop3A_220 = arith.constant 48 : index
        %parallel_loop3A_221 = tpu.vector_load %arg14[%parallel_loop3A_219, %parallel_loop3A_220] {strides = array<i32>} : memref<40x512xf32, #tpu.memory_space<vmem>>, vector<1x16xf32>,
        %parallel_loop3A_222 = vector.shape_cast %parallel_loop3A_221 : vector<1x16xf32> to vector<16xf32>
        %parallel_loop3A_223 = arith.index_cast %parallel_loop3A_160 : i32 to index
        %parallel_loop3A_224 = arith.constant 48 : index
        %parallel_loop3A_225 = tpu.vector_load %arg16[%parallel_loop3A_223, %parallel_loop3A_224] {strides = array<i32>} : memref<40x512xf32, #tpu.memory_space<vmem>>, vector<1x16xf32>,
        %parallel_loop3A_226 = vector.shape_cast %parallel_loop3A_225 : vector<1x16xf32> to vector<16xf32>
        %parallel_loop3A_227 = arith.addf %parallel_loop3A_222, %parallel_loop3A_226 : vector<16xf32>
        %parallel_loop3A_228 = arith.constant 2.000000e-01 : f32
        %parallel_loop3A_229 = vector.broadcast %parallel_loop3A_228 : f32 to vector<16xf32>
        %parallel_loop3A_230 = arith.mulf %parallel_loop3A_229, %parallel_loop3A_227 : vector<16xf32>
        %parallel_loop3A_231 = arith.maximumf %parallel_loop3A_227, %parallel_loop3A_230 : vector<16xf32>
        %parallel_loop3A_232 = arith.constant 48 : index
        %parallel_loop3A_233 = tpu.vector_load %arg13[%parallel_loop3A_232] {strides = array<i32>} : memref<512xf32, #tpu.memory_space<vmem>>, vector<16xf32>,
        %parallel_loop3A_234 = vector.shape_cast %parallel_loop3A_233 : vector<16xf32> to vector<16xf32>
        %parallel_loop3A_235 = arith.mulf %parallel_loop3A_231, %parallel_loop3A_234 : vector<16xf32>
        %parallel_loop3A_236 = arith.addf %parallel_loop3A_218, %parallel_loop3A_235 : vector<16xf32>
        %parallel_loop3A_237 = arith.index_cast %parallel_loop3A_160 : i32 to index
        %parallel_loop3A_238 = arith.constant 64 : index
        %parallel_loop3A_239 = tpu.vector_load %arg14[%parallel_loop3A_237, %parallel_loop3A_238] {strides = array<i32>} : memref<40x512xf32, #tpu.memory_space<vmem>>, vector<1x16xf32>,
        %parallel_loop3A_240 = vector.shape_cast %parallel_loop3A_239 : vector<1x16xf32> to vector<16xf32>
        %parallel_loop3A_241 = arith.index_cast %parallel_loop3A_160 : i32 to index
        %parallel_loop3A_242 = arith.constant 64 : index
        %parallel_loop3A_243 = tpu.vector_load %arg16[%parallel_loop3A_241, %parallel_loop3A_242] {strides = array<i32>} : memref<40x512xf32, #tpu.memory_space<vmem>>, vector<1x16xf32>,
        %parallel_loop3A_244 = vector.shape_cast %parallel_loop3A_243 : vector<1x16xf32> to vector<16xf32>
        %parallel_loop3A_245 = arith.addf %parallel_loop3A_240, %parallel_loop3A_244 : vector<16xf32>
        %parallel_loop3A_246 = arith.constant 2.000000e-01 : f32
        %parallel_loop3A_247 = vector.broadcast %parallel_loop3A_246 : f32 to vector<16xf32>
        %parallel_loop3A_248 = arith.mulf %parallel_loop3A_247, %parallel_loop3A_245 : vector<16xf32>
        %parallel_loop3A_249 = arith.maximumf %parallel_loop3A_245, %parallel_loop3A_248 : vector<16xf32>
        %parallel_loop3A_250 = arith.constant 64 : index
        %parallel_loop3A_251 = tpu.vector_load %arg13[%parallel_loop3A_250] {strides = array<i32>} : memref<512xf32, #tpu.memory_space<vmem>>, vector<16xf32>,
        %parallel_loop3A_252 = vector.shape_cast %parallel_loop3A_251 : vector<16xf32> to vector<16xf32>
        %parallel_loop3A_253 = arith.mulf %parallel_loop3A_249, %parallel_loop3A_252 : vector<16xf32>
        %parallel_loop3A_254 = arith.addf %parallel_loop3A_236, %parallel_loop3A_253 : vector<16xf32>
        %parallel_loop3A_255 = arith.index_cast %parallel_loop3A_160 : i32 to index
        %parallel_loop3A_256 = arith.constant 80 : index
        %parallel_loop3A_257 = tpu.vector_load %arg14[%parallel_loop3A_255, %parallel_loop3A_256] {strides = array<i32>} : memref<40x512xf32, #tpu.memory_space<vmem>>, vector<1x16xf32>,
        %parallel_loop3A_258 = vector.shape_cast %parallel_loop3A_257 : vector<1x16xf32> to vector<16xf32>
        %parallel_loop3A_259 = arith.index_cast %parallel_loop3A_160 : i32 to index
        %parallel_loop3A_260 = arith.constant 80 : index
        %parallel_loop3A_261 = tpu.vector_load %arg16[%parallel_loop3A_259, %parallel_loop3A_260] {strides = array<i32>} : memref<40x512xf32, #tpu.memory_space<vmem>>, vector<1x16xf32>,
        %parallel_loop3A_262 = vector.shape_cast %parallel_loop3A_261 : vector<1x16xf32> to vector<16xf32>
        %parallel_loop3A_263 = arith.addf %parallel_loop3A_258, %parallel_loop3A_262 : vector<16xf32>
        %parallel_loop3A_264 = arith.constant 2.000000e-01 : f32
        %parallel_loop3A_265 = vector.broadcast %parallel_loop3A_264 : f32 to vector<16xf32>
        %parallel_loop3A_266 = arith.mulf %parallel_loop3A_265, %parallel_loop3A_263 : vector<16xf32>
        %parallel_loop3A_267 = arith.maximumf %parallel_loop3A_263, %parallel_loop3A_266 : vector<16xf32>
        %parallel_loop3A_268 = arith.constant 80 : index
        %parallel_loop3A_269 = tpu.vector_load %arg13[%parallel_loop3A_268] {strides = array<i32>} : memref<512xf32, #tpu.memory_space<vmem>>, vector<16xf32>,
        %parallel_loop3A_270 = vector.shape_cast %parallel_loop3A_269 : vector<16xf32> to vector<16xf32>
        %parallel_loop3A_271 = arith.mulf %parallel_loop3A_267, %parallel_loop3A_270 : vector<16xf32>
        %parallel_loop3A_272 = arith.addf %parallel_loop3A_254, %parallel_loop3A_271 : vector<16xf32>
        %parallel_loop3A_273 = arith.index_cast %parallel_loop3A_160 : i32 to index
        %parallel_loop3A_274 = arith.constant 96 : index
        %parallel_loop3A_275 = tpu.vector_load %arg14[%parallel_loop3A_273, %parallel_loop3A_274] {strides = array<i32>} : memref<40x512xf32, #tpu.memory_space<vmem>>, vector<1x16xf32>,
        %parallel_loop3A_276 = vector.shape_cast %parallel_loop3A_275 : vector<1x16xf32> to vector<16xf32>
        %parallel_loop3A_277 = arith.index_cast %parallel_loop3A_160 : i32 to index
        %parallel_loop3A_278 = arith.constant 96 : index
        %parallel_loop3A_279 = tpu.vector_load %arg16[%parallel_loop3A_277, %parallel_loop3A_278] {strides = array<i32>} : memref<40x512xf32, #tpu.memory_space<vmem>>, vector<1x16xf32>,
        %parallel_loop3A_280 = vector.shape_cast %parallel_loop3A_279 : vector<1x16xf32> to vector<16xf32>
        %parallel_loop3A_281 = arith.addf %parallel_loop3A_276, %parallel_loop3A_280 : vector<16xf32>
        %parallel_loop3A_282 = arith.constant 2.000000e-01 : f32
        %parallel_loop3A_283 = vector.broadcast %parallel_loop3A_282 : f32 to vector<16xf32>
        %parallel_loop3A_284 = arith.mulf %parallel_loop3A_283, %parallel_loop3A_281 : vector<16xf32>
        %parallel_loop3A_285 = arith.maximumf %parallel_loop3A_281, %parallel_loop3A_284 : vector<16xf32>
        %parallel_loop3A_286 = arith.constant 96 : index
        %parallel_loop3A_287 = tpu.vector_load %arg13[%parallel_loop3A_286] {strides = array<i32>} : memref<512xf32, #tpu.memory_space<vmem>>, vector<16xf32>,
        %parallel_loop3A_288 = vector.shape_cast %parallel_loop3A_287 : vector<16xf32> to vector<16xf32>
        %parallel_loop3A_289 = arith.mulf %parallel_loop3A_285, %parallel_loop3A_288 : vector<16xf32>
        %parallel_loop3A_290 = arith.addf %parallel_loop3A_272, %parallel_loop3A_289 : vector<16xf32>
        %parallel_loop3A_291 = arith.index_cast %parallel_loop3A_160 : i32 to index
        %parallel_loop3A_292 = arith.constant 112 : index
        %parallel_loop3A_293 = tpu.vector_load %arg14[%parallel_loop3A_291, %parallel_loop3A_292] {strides = array<i32>} : memref<40x512xf32, #tpu.memory_space<vmem>>, vector<1x16xf32>,
        %parallel_loop3A_294 = vector.shape_cast %parallel_loop3A_293 : vector<1x16xf32> to vector<16xf32>
        %parallel_loop3A_295 = arith.index_cast %parallel_loop3A_160 : i32 to index
        %parallel_loop3A_296 = arith.constant 112 : index
        %parallel_loop3A_297 = tpu.vector_load %arg16[%parallel_loop3A_295, %parallel_loop3A_296] {strides = array<i32>} : memref<40x512xf32, #tpu.memory_space<vmem>>, vector<1x16xf32>,
        %parallel_loop3A_298 = vector.shape_cast %parallel_loop3A_297 : vector<1x16xf32> to vector<16xf32>
        %parallel_loop3A_299 = arith.addf %parallel_loop3A_294, %parallel_loop3A_298 : vector<16xf32>
        %parallel_loop3A_300 = arith.constant 2.000000e-01 : f32
        %parallel_loop3A_301 = vector.broadcast %parallel_loop3A_300 : f32 to vector<16xf32>
        %parallel_loop3A_302 = arith.mulf %parallel_loop3A_301, %parallel_loop3A_299 : vector<16xf32>
        %parallel_loop3A_303 = arith.maximumf %parallel_loop3A_299, %parallel_loop3A_302 : vector<16xf32>
        %parallel_loop3A_304 = arith.constant 112 : index
        %parallel_loop3A_305 = tpu.vector_load %arg13[%parallel_loop3A_304] {strides = array<i32>} : memref<512xf32, #tpu.memory_space<vmem>>, vector<16xf32>,
        %parallel_loop3A_306 = vector.shape_cast %parallel_loop3A_305 : vector<16xf32> to vector<16xf32>
        %parallel_loop3A_307 = arith.mulf %parallel_loop3A_303, %parallel_loop3A_306 : vector<16xf32>
        %parallel_loop3A_308 = arith.addf %parallel_loop3A_290, %parallel_loop3A_307 : vector<16xf32>
        %parallel_loop3A_309 = arith.constant 0 : i32
        %parallel_loop3A_310 = vector.broadcast %parallel_loop3A_309 : i32 to vector<16xi32>
        %parallel_loop3A_311 = arith.cmpi eq, %iota3A, %parallel_loop3A_310 : vector<16xi32>
        %parallel_loop3A_312 = arith.constant 1 : i32
        %parallel_loop3A_313 = vector.broadcast %parallel_loop3A_312 : i32 to vector<16xi32>
        %parallel_loop3A_314 = arith.xori %iota3A, %parallel_loop3A_313 : vector<16xi32>
        %parallel_loop3A_315 = vector.shape_cast %parallel_loop3A_314 : vector<16xi32> to vector<16x1xi32>
        %parallel_loop3A_316 = vector.shape_cast %parallel_loop3A_315 : vector<16x1xi32> to vector<16xi32>
        %parallel_loop3A_317 = tpu.dynamic_gather %parallel_loop3A_308[%parallel_loop3A_316] in [0] : vector<16xf32>, vector<16xi32> -> vector<16xf32>
        %parallel_loop3A_318 = arith.addf %parallel_loop3A_308, %parallel_loop3A_317 : vector<16xf32>
        %parallel_loop3A_319 = arith.constant 2 : i32
        %parallel_loop3A_320 = vector.broadcast %parallel_loop3A_319 : i32 to vector<16xi32>
        %parallel_loop3A_321 = arith.xori %iota3A, %parallel_loop3A_320 : vector<16xi32>
        %parallel_loop3A_322 = vector.shape_cast %parallel_loop3A_321 : vector<16xi32> to vector<16x1xi32>
        %parallel_loop3A_323 = vector.shape_cast %parallel_loop3A_322 : vector<16x1xi32> to vector<16xi32>
        %parallel_loop3A_324 = tpu.dynamic_gather %parallel_loop3A_318[%parallel_loop3A_323] in [0] : vector<16xf32>, vector<16xi32> -> vector<16xf32>
        %parallel_loop3A_325 = arith.addf %parallel_loop3A_318, %parallel_loop3A_324 : vector<16xf32>
        %parallel_loop3A_326 = arith.constant 4 : i32
        %parallel_loop3A_327 = vector.broadcast %parallel_loop3A_326 : i32 to vector<16xi32>
        %parallel_loop3A_328 = arith.xori %iota3A, %parallel_loop3A_327 : vector<16xi32>
        %parallel_loop3A_329 = vector.shape_cast %parallel_loop3A_328 : vector<16xi32> to vector<16x1xi32>
        %parallel_loop3A_330 = vector.shape_cast %parallel_loop3A_329 : vector<16x1xi32> to vector<16xi32>
        %parallel_loop3A_331 = tpu.dynamic_gather %parallel_loop3A_325[%parallel_loop3A_330] in [0] : vector<16xf32>, vector<16xi32> -> vector<16xf32>
        %parallel_loop3A_332 = arith.addf %parallel_loop3A_325, %parallel_loop3A_331 : vector<16xf32>
        %parallel_loop3A_333 = arith.constant 8 : i32
        %parallel_loop3A_334 = vector.broadcast %parallel_loop3A_333 : i32 to vector<16xi32>
        %parallel_loop3A_335 = arith.xori %iota3A, %parallel_loop3A_334 : vector<16xi32>
        %parallel_loop3A_336 = vector.shape_cast %parallel_loop3A_335 : vector<16xi32> to vector<16x1xi32>
        %parallel_loop3A_337 = vector.shape_cast %parallel_loop3A_336 : vector<16x1xi32> to vector<16xi32>
        %parallel_loop3A_338 = tpu.dynamic_gather %parallel_loop3A_332[%parallel_loop3A_337] in [0] : vector<16xf32>, vector<16xi32> -> vector<16xf32>
        %parallel_loop3A_339 = arith.addf %parallel_loop3A_332, %parallel_loop3A_338 : vector<16xf32>
        %parallel_loop3A_340 = arith.select %parallel_loop3A_311, %parallel_loop3A_339, %parallel_loop3A_162 : vector<16xi1>, vector<16xf32>
        %parallel_loop3A_341 = arith.constant 0.000000e+00 : f32
        %parallel_loop3A_342 = vector.broadcast %parallel_loop3A_341 : f32 to vector<16xf32>
        %parallel_loop3A_343 = arith.index_cast %parallel_loop3A_160 : i32 to index
        %parallel_loop3A_344 = arith.constant 128 : index
        %parallel_loop3A_345 = tpu.vector_load %arg14[%parallel_loop3A_343, %parallel_loop3A_344] {strides = array<i32>} : memref<40x512xf32, #tpu.memory_space<vmem>>, vector<1x16xf32>,
        %parallel_loop3A_346 = vector.shape_cast %parallel_loop3A_345 : vector<1x16xf32> to vector<16xf32>
        %parallel_loop3A_347 = arith.index_cast %parallel_loop3A_160 : i32 to index
        %parallel_loop3A_348 = arith.constant 128 : index
        %parallel_loop3A_349 = tpu.vector_load %arg16[%parallel_loop3A_347, %parallel_loop3A_348] {strides = array<i32>} : memref<40x512xf32, #tpu.memory_space<vmem>>, vector<1x16xf32>,
        %parallel_loop3A_350 = vector.shape_cast %parallel_loop3A_349 : vector<1x16xf32> to vector<16xf32>
        %parallel_loop3A_351 = arith.addf %parallel_loop3A_346, %parallel_loop3A_350 : vector<16xf32>
        %parallel_loop3A_352 = arith.constant 2.000000e-01 : f32
        %parallel_loop3A_353 = vector.broadcast %parallel_loop3A_352 : f32 to vector<16xf32>
        %parallel_loop3A_354 = arith.mulf %parallel_loop3A_353, %parallel_loop3A_351 : vector<16xf32>
        %parallel_loop3A_355 = arith.maximumf %parallel_loop3A_351, %parallel_loop3A_354 : vector<16xf32>
        %parallel_loop3A_356 = arith.constant 128 : index
        %parallel_loop3A_357 = tpu.vector_load %arg13[%parallel_loop3A_356] {strides = array<i32>} : memref<512xf32, #tpu.memory_space<vmem>>, vector<16xf32>,
        %parallel_loop3A_358 = vector.shape_cast %parallel_loop3A_357 : vector<16xf32> to vector<16xf32>
        %parallel_loop3A_359 = arith.mulf %parallel_loop3A_355, %parallel_loop3A_358 : vector<16xf32>
        %parallel_loop3A_360 = arith.addf %parallel_loop3A_342, %parallel_loop3A_359 : vector<16xf32>
        %parallel_loop3A_361 = arith.index_cast %parallel_loop3A_160 : i32 to index
        %parallel_loop3A_362 = arith.constant 144 : index
        %parallel_loop3A_363 = tpu.vector_load %arg14[%parallel_loop3A_361, %parallel_loop3A_362] {strides = array<i32>} : memref<40x512xf32, #tpu.memory_space<vmem>>, vector<1x16xf32>,
        %parallel_loop3A_364 = vector.shape_cast %parallel_loop3A_363 : vector<1x16xf32> to vector<16xf32>
        %parallel_loop3A_365 = arith.index_cast %parallel_loop3A_160 : i32 to index
        %parallel_loop3A_366 = arith.constant 144 : index
        %parallel_loop3A_367 = tpu.vector_load %arg16[%parallel_loop3A_365, %parallel_loop3A_366] {strides = array<i32>} : memref<40x512xf32, #tpu.memory_space<vmem>>, vector<1x16xf32>,
        %parallel_loop3A_368 = vector.shape_cast %parallel_loop3A_367 : vector<1x16xf32> to vector<16xf32>
        %parallel_loop3A_369 = arith.addf %parallel_loop3A_364, %parallel_loop3A_368 : vector<16xf32>
        %parallel_loop3A_370 = arith.constant 2.000000e-01 : f32
        %parallel_loop3A_371 = vector.broadcast %parallel_loop3A_370 : f32 to vector<16xf32>
        %parallel_loop3A_372 = arith.mulf %parallel_loop3A_371, %parallel_loop3A_369 : vector<16xf32>
        %parallel_loop3A_373 = arith.maximumf %parallel_loop3A_369, %parallel_loop3A_372 : vector<16xf32>
        %parallel_loop3A_374 = arith.constant 144 : index
        %parallel_loop3A_375 = tpu.vector_load %arg13[%parallel_loop3A_374] {strides = array<i32>} : memref<512xf32, #tpu.memory_space<vmem>>, vector<16xf32>,
        %parallel_loop3A_376 = vector.shape_cast %parallel_loop3A_375 : vector<16xf32> to vector<16xf32>
        %parallel_loop3A_377 = arith.mulf %parallel_loop3A_373, %parallel_loop3A_376 : vector<16xf32>
        %parallel_loop3A_378 = arith.addf %parallel_loop3A_360, %parallel_loop3A_377 : vector<16xf32>
        %parallel_loop3A_379 = arith.index_cast %parallel_loop3A_160 : i32 to index
        %parallel_loop3A_380 = arith.constant 160 : index
        %parallel_loop3A_381 = tpu.vector_load %arg14[%parallel_loop3A_379, %parallel_loop3A_380] {strides = array<i32>} : memref<40x512xf32, #tpu.memory_space<vmem>>, vector<1x16xf32>,
        %parallel_loop3A_382 = vector.shape_cast %parallel_loop3A_381 : vector<1x16xf32> to vector<16xf32>
        %parallel_loop3A_383 = arith.index_cast %parallel_loop3A_160 : i32 to index
        %parallel_loop3A_384 = arith.constant 160 : index
        %parallel_loop3A_385 = tpu.vector_load %arg16[%parallel_loop3A_383, %parallel_loop3A_384] {strides = array<i32>} : memref<40x512xf32, #tpu.memory_space<vmem>>, vector<1x16xf32>,
        %parallel_loop3A_386 = vector.shape_cast %parallel_loop3A_385 : vector<1x16xf32> to vector<16xf32>
        %parallel_loop3A_387 = arith.addf %parallel_loop3A_382, %parallel_loop3A_386 : vector<16xf32>
        %parallel_loop3A_388 = arith.constant 2.000000e-01 : f32
        %parallel_loop3A_389 = vector.broadcast %parallel_loop3A_388 : f32 to vector<16xf32>
        %parallel_loop3A_390 = arith.mulf %parallel_loop3A_389, %parallel_loop3A_387 : vector<16xf32>
        %parallel_loop3A_391 = arith.maximumf %parallel_loop3A_387, %parallel_loop3A_390 : vector<16xf32>
        %parallel_loop3A_392 = arith.constant 160 : index
        %parallel_loop3A_393 = tpu.vector_load %arg13[%parallel_loop3A_392] {strides = array<i32>} : memref<512xf32, #tpu.memory_space<vmem>>, vector<16xf32>,
        %parallel_loop3A_394 = vector.shape_cast %parallel_loop3A_393 : vector<16xf32> to vector<16xf32>
        %parallel_loop3A_395 = arith.mulf %parallel_loop3A_391, %parallel_loop3A_394 : vector<16xf32>
        %parallel_loop3A_396 = arith.addf %parallel_loop3A_378, %parallel_loop3A_395 : vector<16xf32>
        %parallel_loop3A_397 = arith.index_cast %parallel_loop3A_160 : i32 to index
        %parallel_loop3A_398 = arith.constant 176 : index
        %parallel_loop3A_399 = tpu.vector_load %arg14[%parallel_loop3A_397, %parallel_loop3A_398] {strides = array<i32>} : memref<40x512xf32, #tpu.memory_space<vmem>>, vector<1x16xf32>,
        %parallel_loop3A_400 = vector.shape_cast %parallel_loop3A_399 : vector<1x16xf32> to vector<16xf32>
        %parallel_loop3A_401 = arith.index_cast %parallel_loop3A_160 : i32 to index
        %parallel_loop3A_402 = arith.constant 176 : index
        %parallel_loop3A_403 = tpu.vector_load %arg16[%parallel_loop3A_401, %parallel_loop3A_402] {strides = array<i32>} : memref<40x512xf32, #tpu.memory_space<vmem>>, vector<1x16xf32>,
        %parallel_loop3A_404 = vector.shape_cast %parallel_loop3A_403 : vector<1x16xf32> to vector<16xf32>
        %parallel_loop3A_405 = arith.addf %parallel_loop3A_400, %parallel_loop3A_404 : vector<16xf32>
        %parallel_loop3A_406 = arith.constant 2.000000e-01 : f32
        %parallel_loop3A_407 = vector.broadcast %parallel_loop3A_406 : f32 to vector<16xf32>
        %parallel_loop3A_408 = arith.mulf %parallel_loop3A_407, %parallel_loop3A_405 : vector<16xf32>
        %parallel_loop3A_409 = arith.maximumf %parallel_loop3A_405, %parallel_loop3A_408 : vector<16xf32>
        %parallel_loop3A_410 = arith.constant 176 : index
        %parallel_loop3A_411 = tpu.vector_load %arg13[%parallel_loop3A_410] {strides = array<i32>} : memref<512xf32, #tpu.memory_space<vmem>>, vector<16xf32>,
        %parallel_loop3A_412 = vector.shape_cast %parallel_loop3A_411 : vector<16xf32> to vector<16xf32>
        %parallel_loop3A_413 = arith.mulf %parallel_loop3A_409, %parallel_loop3A_412 : vector<16xf32>
        %parallel_loop3A_414 = arith.addf %parallel_loop3A_396, %parallel_loop3A_413 : vector<16xf32>
        %parallel_loop3A_415 = arith.index_cast %parallel_loop3A_160 : i32 to index
        %parallel_loop3A_416 = arith.constant 192 : index
        %parallel_loop3A_417 = tpu.vector_load %arg14[%parallel_loop3A_415, %parallel_loop3A_416] {strides = array<i32>} : memref<40x512xf32, #tpu.memory_space<vmem>>, vector<1x16xf32>,
        %parallel_loop3A_418 = vector.shape_cast %parallel_loop3A_417 : vector<1x16xf32> to vector<16xf32>
        %parallel_loop3A_419 = arith.index_cast %parallel_loop3A_160 : i32 to index
        %parallel_loop3A_420 = arith.constant 192 : index
        %parallel_loop3A_421 = tpu.vector_load %arg16[%parallel_loop3A_419, %parallel_loop3A_420] {strides = array<i32>} : memref<40x512xf32, #tpu.memory_space<vmem>>, vector<1x16xf32>,
        %parallel_loop3A_422 = vector.shape_cast %parallel_loop3A_421 : vector<1x16xf32> to vector<16xf32>
        %parallel_loop3A_423 = arith.addf %parallel_loop3A_418, %parallel_loop3A_422 : vector<16xf32>
        %parallel_loop3A_424 = arith.constant 2.000000e-01 : f32
        %parallel_loop3A_425 = vector.broadcast %parallel_loop3A_424 : f32 to vector<16xf32>
        %parallel_loop3A_426 = arith.mulf %parallel_loop3A_425, %parallel_loop3A_423 : vector<16xf32>
        %parallel_loop3A_427 = arith.maximumf %parallel_loop3A_423, %parallel_loop3A_426 : vector<16xf32>
        %parallel_loop3A_428 = arith.constant 192 : index
        %parallel_loop3A_429 = tpu.vector_load %arg13[%parallel_loop3A_428] {strides = array<i32>} : memref<512xf32, #tpu.memory_space<vmem>>, vector<16xf32>,
        %parallel_loop3A_430 = vector.shape_cast %parallel_loop3A_429 : vector<16xf32> to vector<16xf32>
        %parallel_loop3A_431 = arith.mulf %parallel_loop3A_427, %parallel_loop3A_430 : vector<16xf32>
        %parallel_loop3A_432 = arith.addf %parallel_loop3A_414, %parallel_loop3A_431 : vector<16xf32>
        %parallel_loop3A_433 = arith.index_cast %parallel_loop3A_160 : i32 to index
        %parallel_loop3A_434 = arith.constant 208 : index
        %parallel_loop3A_435 = tpu.vector_load %arg14[%parallel_loop3A_433, %parallel_loop3A_434] {strides = array<i32>} : memref<40x512xf32, #tpu.memory_space<vmem>>, vector<1x16xf32>,
        %parallel_loop3A_436 = vector.shape_cast %parallel_loop3A_435 : vector<1x16xf32> to vector<16xf32>
        %parallel_loop3A_437 = arith.index_cast %parallel_loop3A_160 : i32 to index
        %parallel_loop3A_438 = arith.constant 208 : index
        %parallel_loop3A_439 = tpu.vector_load %arg16[%parallel_loop3A_437, %parallel_loop3A_438] {strides = array<i32>} : memref<40x512xf32, #tpu.memory_space<vmem>>, vector<1x16xf32>,
        %parallel_loop3A_440 = vector.shape_cast %parallel_loop3A_439 : vector<1x16xf32> to vector<16xf32>
        %parallel_loop3A_441 = arith.addf %parallel_loop3A_436, %parallel_loop3A_440 : vector<16xf32>
        %parallel_loop3A_442 = arith.constant 2.000000e-01 : f32
        %parallel_loop3A_443 = vector.broadcast %parallel_loop3A_442 : f32 to vector<16xf32>
        %parallel_loop3A_444 = arith.mulf %parallel_loop3A_443, %parallel_loop3A_441 : vector<16xf32>
        %parallel_loop3A_445 = arith.maximumf %parallel_loop3A_441, %parallel_loop3A_444 : vector<16xf32>
        %parallel_loop3A_446 = arith.constant 208 : index
        %parallel_loop3A_447 = tpu.vector_load %arg13[%parallel_loop3A_446] {strides = array<i32>} : memref<512xf32, #tpu.memory_space<vmem>>, vector<16xf32>,
        %parallel_loop3A_448 = vector.shape_cast %parallel_loop3A_447 : vector<16xf32> to vector<16xf32>
        %parallel_loop3A_449 = arith.mulf %parallel_loop3A_445, %parallel_loop3A_448 : vector<16xf32>
        %parallel_loop3A_450 = arith.addf %parallel_loop3A_432, %parallel_loop3A_449 : vector<16xf32>
        %parallel_loop3A_451 = arith.index_cast %parallel_loop3A_160 : i32 to index
        %parallel_loop3A_452 = arith.constant 224 : index
        %parallel_loop3A_453 = tpu.vector_load %arg14[%parallel_loop3A_451, %parallel_loop3A_452] {strides = array<i32>} : memref<40x512xf32, #tpu.memory_space<vmem>>, vector<1x16xf32>,
        %parallel_loop3A_454 = vector.shape_cast %parallel_loop3A_453 : vector<1x16xf32> to vector<16xf32>
        %parallel_loop3A_455 = arith.index_cast %parallel_loop3A_160 : i32 to index
        %parallel_loop3A_456 = arith.constant 224 : index
        %parallel_loop3A_457 = tpu.vector_load %arg16[%parallel_loop3A_455, %parallel_loop3A_456] {strides = array<i32>} : memref<40x512xf32, #tpu.memory_space<vmem>>, vector<1x16xf32>,
        %parallel_loop3A_458 = vector.shape_cast %parallel_loop3A_457 : vector<1x16xf32> to vector<16xf32>
        %parallel_loop3A_459 = arith.addf %parallel_loop3A_454, %parallel_loop3A_458 : vector<16xf32>
        %parallel_loop3A_460 = arith.constant 2.000000e-01 : f32
        %parallel_loop3A_461 = vector.broadcast %parallel_loop3A_460 : f32 to vector<16xf32>
        %parallel_loop3A_462 = arith.mulf %parallel_loop3A_461, %parallel_loop3A_459 : vector<16xf32>
        %parallel_loop3A_463 = arith.maximumf %parallel_loop3A_459, %parallel_loop3A_462 : vector<16xf32>
        %parallel_loop3A_464 = arith.constant 224 : index
        %parallel_loop3A_465 = tpu.vector_load %arg13[%parallel_loop3A_464] {strides = array<i32>} : memref<512xf32, #tpu.memory_space<vmem>>, vector<16xf32>,
        %parallel_loop3A_466 = vector.shape_cast %parallel_loop3A_465 : vector<16xf32> to vector<16xf32>
        %parallel_loop3A_467 = arith.mulf %parallel_loop3A_463, %parallel_loop3A_466 : vector<16xf32>
        %parallel_loop3A_468 = arith.addf %parallel_loop3A_450, %parallel_loop3A_467 : vector<16xf32>
        %parallel_loop3A_469 = arith.index_cast %parallel_loop3A_160 : i32 to index
        %parallel_loop3A_470 = arith.constant 240 : index
        %parallel_loop3A_471 = tpu.vector_load %arg14[%parallel_loop3A_469, %parallel_loop3A_470] {strides = array<i32>} : memref<40x512xf32, #tpu.memory_space<vmem>>, vector<1x16xf32>,
        %parallel_loop3A_472 = vector.shape_cast %parallel_loop3A_471 : vector<1x16xf32> to vector<16xf32>
        %parallel_loop3A_473 = arith.index_cast %parallel_loop3A_160 : i32 to index
        %parallel_loop3A_474 = arith.constant 240 : index
        %parallel_loop3A_475 = tpu.vector_load %arg16[%parallel_loop3A_473, %parallel_loop3A_474] {strides = array<i32>} : memref<40x512xf32, #tpu.memory_space<vmem>>, vector<1x16xf32>,
        %parallel_loop3A_476 = vector.shape_cast %parallel_loop3A_475 : vector<1x16xf32> to vector<16xf32>
        %parallel_loop3A_477 = arith.addf %parallel_loop3A_472, %parallel_loop3A_476 : vector<16xf32>
        %parallel_loop3A_478 = arith.constant 2.000000e-01 : f32
        %parallel_loop3A_479 = vector.broadcast %parallel_loop3A_478 : f32 to vector<16xf32>
        %parallel_loop3A_480 = arith.mulf %parallel_loop3A_479, %parallel_loop3A_477 : vector<16xf32>
        %parallel_loop3A_481 = arith.maximumf %parallel_loop3A_477, %parallel_loop3A_480 : vector<16xf32>
        %parallel_loop3A_482 = arith.constant 240 : index
        %parallel_loop3A_483 = tpu.vector_load %arg13[%parallel_loop3A_482] {strides = array<i32>} : memref<512xf32, #tpu.memory_space<vmem>>, vector<16xf32>,
        %parallel_loop3A_484 = vector.shape_cast %parallel_loop3A_483 : vector<16xf32> to vector<16xf32>
        %parallel_loop3A_485 = arith.mulf %parallel_loop3A_481, %parallel_loop3A_484 : vector<16xf32>
        %parallel_loop3A_486 = arith.addf %parallel_loop3A_468, %parallel_loop3A_485 : vector<16xf32>
        %parallel_loop3A_487 = arith.constant 1 : i32
        %parallel_loop3A_488 = vector.broadcast %parallel_loop3A_487 : i32 to vector<16xi32>
        %parallel_loop3A_489 = arith.cmpi eq, %iota3A, %parallel_loop3A_488 : vector<16xi32>
        %parallel_loop3A_490 = arith.constant 1 : i32
        %parallel_loop3A_491 = vector.broadcast %parallel_loop3A_490 : i32 to vector<16xi32>
        %parallel_loop3A_492 = arith.xori %iota3A, %parallel_loop3A_491 : vector<16xi32>
        %parallel_loop3A_493 = vector.shape_cast %parallel_loop3A_492 : vector<16xi32> to vector<16x1xi32>
        %parallel_loop3A_494 = vector.shape_cast %parallel_loop3A_493 : vector<16x1xi32> to vector<16xi32>
        %parallel_loop3A_495 = tpu.dynamic_gather %parallel_loop3A_486[%parallel_loop3A_494] in [0] : vector<16xf32>, vector<16xi32> -> vector<16xf32>
        %parallel_loop3A_496 = arith.addf %parallel_loop3A_486, %parallel_loop3A_495 : vector<16xf32>
        %parallel_loop3A_497 = arith.constant 2 : i32
        %parallel_loop3A_498 = vector.broadcast %parallel_loop3A_497 : i32 to vector<16xi32>
        %parallel_loop3A_499 = arith.xori %iota3A, %parallel_loop3A_498 : vector<16xi32>
        %parallel_loop3A_500 = vector.shape_cast %parallel_loop3A_499 : vector<16xi32> to vector<16x1xi32>
        %parallel_loop3A_501 = vector.shape_cast %parallel_loop3A_500 : vector<16x1xi32> to vector<16xi32>
        %parallel_loop3A_502 = tpu.dynamic_gather %parallel_loop3A_496[%parallel_loop3A_501] in [0] : vector<16xf32>, vector<16xi32> -> vector<16xf32>
        %parallel_loop3A_503 = arith.addf %parallel_loop3A_496, %parallel_loop3A_502 : vector<16xf32>
        %parallel_loop3A_504 = arith.constant 4 : i32
        %parallel_loop3A_505 = vector.broadcast %parallel_loop3A_504 : i32 to vector<16xi32>
        %parallel_loop3A_506 = arith.xori %iota3A, %parallel_loop3A_505 : vector<16xi32>
        %parallel_loop3A_507 = vector.shape_cast %parallel_loop3A_506 : vector<16xi32> to vector<16x1xi32>
        %parallel_loop3A_508 = vector.shape_cast %parallel_loop3A_507 : vector<16x1xi32> to vector<16xi32>
        %parallel_loop3A_509 = tpu.dynamic_gather %parallel_loop3A_503[%parallel_loop3A_508] in [0] : vector<16xf32>, vector<16xi32> -> vector<16xf32>
        %parallel_loop3A_510 = arith.addf %parallel_loop3A_503, %parallel_loop3A_509 : vector<16xf32>
        %parallel_loop3A_511 = arith.constant 8 : i32
        %parallel_loop3A_512 = vector.broadcast %parallel_loop3A_511 : i32 to vector<16xi32>
        %parallel_loop3A_513 = arith.xori %iota3A, %parallel_loop3A_512 : vector<16xi32>
        %parallel_loop3A_514 = vector.shape_cast %parallel_loop3A_513 : vector<16xi32> to vector<16x1xi32>
        %parallel_loop3A_515 = vector.shape_cast %parallel_loop3A_514 : vector<16x1xi32> to vector<16xi32>
        %parallel_loop3A_516 = tpu.dynamic_gather %parallel_loop3A_510[%parallel_loop3A_515] in [0] : vector<16xf32>, vector<16xi32> -> vector<16xf32>
        %parallel_loop3A_517 = arith.addf %parallel_loop3A_510, %parallel_loop3A_516 : vector<16xf32>
        %parallel_loop3A_518 = arith.select %parallel_loop3A_489, %parallel_loop3A_517, %parallel_loop3A_340 : vector<16xi1>, vector<16xf32>
        %parallel_loop3A_519 = arith.constant 0.000000e+00 : f32
        %parallel_loop3A_520 = vector.broadcast %parallel_loop3A_519 : f32 to vector<16xf32>
        %parallel_loop3A_521 = arith.index_cast %parallel_loop3A_160 : i32 to index
        %parallel_loop3A_522 = arith.constant 256 : index
        %parallel_loop3A_523 = tpu.vector_load %arg14[%parallel_loop3A_521, %parallel_loop3A_522] {strides = array<i32>} : memref<40x512xf32, #tpu.memory_space<vmem>>, vector<1x16xf32>,
        %parallel_loop3A_524 = vector.shape_cast %parallel_loop3A_523 : vector<1x16xf32> to vector<16xf32>
        %parallel_loop3A_525 = arith.index_cast %parallel_loop3A_160 : i32 to index
        %parallel_loop3A_526 = arith.constant 256 : index
        %parallel_loop3A_527 = tpu.vector_load %arg16[%parallel_loop3A_525, %parallel_loop3A_526] {strides = array<i32>} : memref<40x512xf32, #tpu.memory_space<vmem>>, vector<1x16xf32>,
        %parallel_loop3A_528 = vector.shape_cast %parallel_loop3A_527 : vector<1x16xf32> to vector<16xf32>
        %parallel_loop3A_529 = arith.addf %parallel_loop3A_524, %parallel_loop3A_528 : vector<16xf32>
        %parallel_loop3A_530 = arith.constant 2.000000e-01 : f32
        %parallel_loop3A_531 = vector.broadcast %parallel_loop3A_530 : f32 to vector<16xf32>
        %parallel_loop3A_532 = arith.mulf %parallel_loop3A_531, %parallel_loop3A_529 : vector<16xf32>
        %parallel_loop3A_533 = arith.maximumf %parallel_loop3A_529, %parallel_loop3A_532 : vector<16xf32>
        %parallel_loop3A_534 = arith.constant 256 : index
        %parallel_loop3A_535 = tpu.vector_load %arg13[%parallel_loop3A_534] {strides = array<i32>} : memref<512xf32, #tpu.memory_space<vmem>>, vector<16xf32>,
        %parallel_loop3A_536 = vector.shape_cast %parallel_loop3A_535 : vector<16xf32> to vector<16xf32>
        %parallel_loop3A_537 = arith.mulf %parallel_loop3A_533, %parallel_loop3A_536 : vector<16xf32>
        %parallel_loop3A_538 = arith.addf %parallel_loop3A_520, %parallel_loop3A_537 : vector<16xf32>
        %parallel_loop3A_539 = arith.index_cast %parallel_loop3A_160 : i32 to index
        %parallel_loop3A_540 = arith.constant 272 : index
        %parallel_loop3A_541 = tpu.vector_load %arg14[%parallel_loop3A_539, %parallel_loop3A_540] {strides = array<i32>} : memref<40x512xf32, #tpu.memory_space<vmem>>, vector<1x16xf32>,
        %parallel_loop3A_542 = vector.shape_cast %parallel_loop3A_541 : vector<1x16xf32> to vector<16xf32>
        %parallel_loop3A_543 = arith.index_cast %parallel_loop3A_160 : i32 to index
        %parallel_loop3A_544 = arith.constant 272 : index
        %parallel_loop3A_545 = tpu.vector_load %arg16[%parallel_loop3A_543, %parallel_loop3A_544] {strides = array<i32>} : memref<40x512xf32, #tpu.memory_space<vmem>>, vector<1x16xf32>,
        %parallel_loop3A_546 = vector.shape_cast %parallel_loop3A_545 : vector<1x16xf32> to vector<16xf32>
        %parallel_loop3A_547 = arith.addf %parallel_loop3A_542, %parallel_loop3A_546 : vector<16xf32>
        %parallel_loop3A_548 = arith.constant 2.000000e-01 : f32
        %parallel_loop3A_549 = vector.broadcast %parallel_loop3A_548 : f32 to vector<16xf32>
        %parallel_loop3A_550 = arith.mulf %parallel_loop3A_549, %parallel_loop3A_547 : vector<16xf32>
        %parallel_loop3A_551 = arith.maximumf %parallel_loop3A_547, %parallel_loop3A_550 : vector<16xf32>
        %parallel_loop3A_552 = arith.constant 272 : index
        %parallel_loop3A_553 = tpu.vector_load %arg13[%parallel_loop3A_552] {strides = array<i32>} : memref<512xf32, #tpu.memory_space<vmem>>, vector<16xf32>,
        %parallel_loop3A_554 = vector.shape_cast %parallel_loop3A_553 : vector<16xf32> to vector<16xf32>
        %parallel_loop3A_555 = arith.mulf %parallel_loop3A_551, %parallel_loop3A_554 : vector<16xf32>
        %parallel_loop3A_556 = arith.addf %parallel_loop3A_538, %parallel_loop3A_555 : vector<16xf32>
        %parallel_loop3A_557 = arith.index_cast %parallel_loop3A_160 : i32 to index
        %parallel_loop3A_558 = arith.constant 288 : index
        %parallel_loop3A_559 = tpu.vector_load %arg14[%parallel_loop3A_557, %parallel_loop3A_558] {strides = array<i32>} : memref<40x512xf32, #tpu.memory_space<vmem>>, vector<1x16xf32>,
        %parallel_loop3A_560 = vector.shape_cast %parallel_loop3A_559 : vector<1x16xf32> to vector<16xf32>
        %parallel_loop3A_561 = arith.index_cast %parallel_loop3A_160 : i32 to index
        %parallel_loop3A_562 = arith.constant 288 : index
        %parallel_loop3A_563 = tpu.vector_load %arg16[%parallel_loop3A_561, %parallel_loop3A_562] {strides = array<i32>} : memref<40x512xf32, #tpu.memory_space<vmem>>, vector<1x16xf32>,
        %parallel_loop3A_564 = vector.shape_cast %parallel_loop3A_563 : vector<1x16xf32> to vector<16xf32>
        %parallel_loop3A_565 = arith.addf %parallel_loop3A_560, %parallel_loop3A_564 : vector<16xf32>
        %parallel_loop3A_566 = arith.constant 2.000000e-01 : f32
        %parallel_loop3A_567 = vector.broadcast %parallel_loop3A_566 : f32 to vector<16xf32>
        %parallel_loop3A_568 = arith.mulf %parallel_loop3A_567, %parallel_loop3A_565 : vector<16xf32>
        %parallel_loop3A_569 = arith.maximumf %parallel_loop3A_565, %parallel_loop3A_568 : vector<16xf32>
        %parallel_loop3A_570 = arith.constant 288 : index
        %parallel_loop3A_571 = tpu.vector_load %arg13[%parallel_loop3A_570] {strides = array<i32>} : memref<512xf32, #tpu.memory_space<vmem>>, vector<16xf32>,
        %parallel_loop3A_572 = vector.shape_cast %parallel_loop3A_571 : vector<16xf32> to vector<16xf32>
        %parallel_loop3A_573 = arith.mulf %parallel_loop3A_569, %parallel_loop3A_572 : vector<16xf32>
        %parallel_loop3A_574 = arith.addf %parallel_loop3A_556, %parallel_loop3A_573 : vector<16xf32>
        %parallel_loop3A_575 = arith.index_cast %parallel_loop3A_160 : i32 to index
        %parallel_loop3A_576 = arith.constant 304 : index
        %parallel_loop3A_577 = tpu.vector_load %arg14[%parallel_loop3A_575, %parallel_loop3A_576] {strides = array<i32>} : memref<40x512xf32, #tpu.memory_space<vmem>>, vector<1x16xf32>,
        %parallel_loop3A_578 = vector.shape_cast %parallel_loop3A_577 : vector<1x16xf32> to vector<16xf32>
        %parallel_loop3A_579 = arith.index_cast %parallel_loop3A_160 : i32 to index
        %parallel_loop3A_580 = arith.constant 304 : index
        %parallel_loop3A_581 = tpu.vector_load %arg16[%parallel_loop3A_579, %parallel_loop3A_580] {strides = array<i32>} : memref<40x512xf32, #tpu.memory_space<vmem>>, vector<1x16xf32>,
        %parallel_loop3A_582 = vector.shape_cast %parallel_loop3A_581 : vector<1x16xf32> to vector<16xf32>
        %parallel_loop3A_583 = arith.addf %parallel_loop3A_578, %parallel_loop3A_582 : vector<16xf32>
        %parallel_loop3A_584 = arith.constant 2.000000e-01 : f32
        %parallel_loop3A_585 = vector.broadcast %parallel_loop3A_584 : f32 to vector<16xf32>
        %parallel_loop3A_586 = arith.mulf %parallel_loop3A_585, %parallel_loop3A_583 : vector<16xf32>
        %parallel_loop3A_587 = arith.maximumf %parallel_loop3A_583, %parallel_loop3A_586 : vector<16xf32>
        %parallel_loop3A_588 = arith.constant 304 : index
        %parallel_loop3A_589 = tpu.vector_load %arg13[%parallel_loop3A_588] {strides = array<i32>} : memref<512xf32, #tpu.memory_space<vmem>>, vector<16xf32>,
        %parallel_loop3A_590 = vector.shape_cast %parallel_loop3A_589 : vector<16xf32> to vector<16xf32>
        %parallel_loop3A_591 = arith.mulf %parallel_loop3A_587, %parallel_loop3A_590 : vector<16xf32>
        %parallel_loop3A_592 = arith.addf %parallel_loop3A_574, %parallel_loop3A_591 : vector<16xf32>
        %parallel_loop3A_593 = arith.index_cast %parallel_loop3A_160 : i32 to index
        %parallel_loop3A_594 = arith.constant 320 : index
        %parallel_loop3A_595 = tpu.vector_load %arg14[%parallel_loop3A_593, %parallel_loop3A_594] {strides = array<i32>} : memref<40x512xf32, #tpu.memory_space<vmem>>, vector<1x16xf32>,
        %parallel_loop3A_596 = vector.shape_cast %parallel_loop3A_595 : vector<1x16xf32> to vector<16xf32>
        %parallel_loop3A_597 = arith.index_cast %parallel_loop3A_160 : i32 to index
        %parallel_loop3A_598 = arith.constant 320 : index
        %parallel_loop3A_599 = tpu.vector_load %arg16[%parallel_loop3A_597, %parallel_loop3A_598] {strides = array<i32>} : memref<40x512xf32, #tpu.memory_space<vmem>>, vector<1x16xf32>,
        %parallel_loop3A_600 = vector.shape_cast %parallel_loop3A_599 : vector<1x16xf32> to vector<16xf32>
        %parallel_loop3A_601 = arith.addf %parallel_loop3A_596, %parallel_loop3A_600 : vector<16xf32>
        %parallel_loop3A_602 = arith.constant 2.000000e-01 : f32
        %parallel_loop3A_603 = vector.broadcast %parallel_loop3A_602 : f32 to vector<16xf32>
        %parallel_loop3A_604 = arith.mulf %parallel_loop3A_603, %parallel_loop3A_601 : vector<16xf32>
        %parallel_loop3A_605 = arith.maximumf %parallel_loop3A_601, %parallel_loop3A_604 : vector<16xf32>
        %parallel_loop3A_606 = arith.constant 320 : index
        %parallel_loop3A_607 = tpu.vector_load %arg13[%parallel_loop3A_606] {strides = array<i32>} : memref<512xf32, #tpu.memory_space<vmem>>, vector<16xf32>,
        %parallel_loop3A_608 = vector.shape_cast %parallel_loop3A_607 : vector<16xf32> to vector<16xf32>
        %parallel_loop3A_609 = arith.mulf %parallel_loop3A_605, %parallel_loop3A_608 : vector<16xf32>
        %parallel_loop3A_610 = arith.addf %parallel_loop3A_592, %parallel_loop3A_609 : vector<16xf32>
        %parallel_loop3A_611 = arith.index_cast %parallel_loop3A_160 : i32 to index
        %parallel_loop3A_612 = arith.constant 336 : index
        %parallel_loop3A_613 = tpu.vector_load %arg14[%parallel_loop3A_611, %parallel_loop3A_612] {strides = array<i32>} : memref<40x512xf32, #tpu.memory_space<vmem>>, vector<1x16xf32>,
        %parallel_loop3A_614 = vector.shape_cast %parallel_loop3A_613 : vector<1x16xf32> to vector<16xf32>
        %parallel_loop3A_615 = arith.index_cast %parallel_loop3A_160 : i32 to index
        %parallel_loop3A_616 = arith.constant 336 : index
        %parallel_loop3A_617 = tpu.vector_load %arg16[%parallel_loop3A_615, %parallel_loop3A_616] {strides = array<i32>} : memref<40x512xf32, #tpu.memory_space<vmem>>, vector<1x16xf32>,
        %parallel_loop3A_618 = vector.shape_cast %parallel_loop3A_617 : vector<1x16xf32> to vector<16xf32>
        %parallel_loop3A_619 = arith.addf %parallel_loop3A_614, %parallel_loop3A_618 : vector<16xf32>
        %parallel_loop3A_620 = arith.constant 2.000000e-01 : f32
        %parallel_loop3A_621 = vector.broadcast %parallel_loop3A_620 : f32 to vector<16xf32>
        %parallel_loop3A_622 = arith.mulf %parallel_loop3A_621, %parallel_loop3A_619 : vector<16xf32>
        %parallel_loop3A_623 = arith.maximumf %parallel_loop3A_619, %parallel_loop3A_622 : vector<16xf32>
        %parallel_loop3A_624 = arith.constant 336 : index
        %parallel_loop3A_625 = tpu.vector_load %arg13[%parallel_loop3A_624] {strides = array<i32>} : memref<512xf32, #tpu.memory_space<vmem>>, vector<16xf32>,
        %parallel_loop3A_626 = vector.shape_cast %parallel_loop3A_625 : vector<16xf32> to vector<16xf32>
        %parallel_loop3A_627 = arith.mulf %parallel_loop3A_623, %parallel_loop3A_626 : vector<16xf32>
        %parallel_loop3A_628 = arith.addf %parallel_loop3A_610, %parallel_loop3A_627 : vector<16xf32>
        %parallel_loop3A_629 = arith.index_cast %parallel_loop3A_160 : i32 to index
        %parallel_loop3A_630 = arith.constant 352 : index
        %parallel_loop3A_631 = tpu.vector_load %arg14[%parallel_loop3A_629, %parallel_loop3A_630] {strides = array<i32>} : memref<40x512xf32, #tpu.memory_space<vmem>>, vector<1x16xf32>,
        %parallel_loop3A_632 = vector.shape_cast %parallel_loop3A_631 : vector<1x16xf32> to vector<16xf32>
        %parallel_loop3A_633 = arith.index_cast %parallel_loop3A_160 : i32 to index
        %parallel_loop3A_634 = arith.constant 352 : index
        %parallel_loop3A_635 = tpu.vector_load %arg16[%parallel_loop3A_633, %parallel_loop3A_634] {strides = array<i32>} : memref<40x512xf32, #tpu.memory_space<vmem>>, vector<1x16xf32>,
        %parallel_loop3A_636 = vector.shape_cast %parallel_loop3A_635 : vector<1x16xf32> to vector<16xf32>
        %parallel_loop3A_637 = arith.addf %parallel_loop3A_632, %parallel_loop3A_636 : vector<16xf32>
        %parallel_loop3A_638 = arith.constant 2.000000e-01 : f32
        %parallel_loop3A_639 = vector.broadcast %parallel_loop3A_638 : f32 to vector<16xf32>
        %parallel_loop3A_640 = arith.mulf %parallel_loop3A_639, %parallel_loop3A_637 : vector<16xf32>
        %parallel_loop3A_641 = arith.maximumf %parallel_loop3A_637, %parallel_loop3A_640 : vector<16xf32>
        %parallel_loop3A_642 = arith.constant 352 : index
        %parallel_loop3A_643 = tpu.vector_load %arg13[%parallel_loop3A_642] {strides = array<i32>} : memref<512xf32, #tpu.memory_space<vmem>>, vector<16xf32>,
        %parallel_loop3A_644 = vector.shape_cast %parallel_loop3A_643 : vector<16xf32> to vector<16xf32>
        %parallel_loop3A_645 = arith.mulf %parallel_loop3A_641, %parallel_loop3A_644 : vector<16xf32>
        %parallel_loop3A_646 = arith.addf %parallel_loop3A_628, %parallel_loop3A_645 : vector<16xf32>
        %parallel_loop3A_647 = arith.index_cast %parallel_loop3A_160 : i32 to index
        %parallel_loop3A_648 = arith.constant 368 : index
        %parallel_loop3A_649 = tpu.vector_load %arg14[%parallel_loop3A_647, %parallel_loop3A_648] {strides = array<i32>} : memref<40x512xf32, #tpu.memory_space<vmem>>, vector<1x16xf32>,
        %parallel_loop3A_650 = vector.shape_cast %parallel_loop3A_649 : vector<1x16xf32> to vector<16xf32>
        %parallel_loop3A_651 = arith.index_cast %parallel_loop3A_160 : i32 to index
        %parallel_loop3A_652 = arith.constant 368 : index
        %parallel_loop3A_653 = tpu.vector_load %arg16[%parallel_loop3A_651, %parallel_loop3A_652] {strides = array<i32>} : memref<40x512xf32, #tpu.memory_space<vmem>>, vector<1x16xf32>,
        %parallel_loop3A_654 = vector.shape_cast %parallel_loop3A_653 : vector<1x16xf32> to vector<16xf32>
        %parallel_loop3A_655 = arith.addf %parallel_loop3A_650, %parallel_loop3A_654 : vector<16xf32>
        %parallel_loop3A_656 = arith.constant 2.000000e-01 : f32
        %parallel_loop3A_657 = vector.broadcast %parallel_loop3A_656 : f32 to vector<16xf32>
        %parallel_loop3A_658 = arith.mulf %parallel_loop3A_657, %parallel_loop3A_655 : vector<16xf32>
        %parallel_loop3A_659 = arith.maximumf %parallel_loop3A_655, %parallel_loop3A_658 : vector<16xf32>
        %parallel_loop3A_660 = arith.constant 368 : index
        %parallel_loop3A_661 = tpu.vector_load %arg13[%parallel_loop3A_660] {strides = array<i32>} : memref<512xf32, #tpu.memory_space<vmem>>, vector<16xf32>,
        %parallel_loop3A_662 = vector.shape_cast %parallel_loop3A_661 : vector<16xf32> to vector<16xf32>
        %parallel_loop3A_663 = arith.mulf %parallel_loop3A_659, %parallel_loop3A_662 : vector<16xf32>
        %parallel_loop3A_664 = arith.addf %parallel_loop3A_646, %parallel_loop3A_663 : vector<16xf32>
        %parallel_loop3A_665 = arith.constant 2 : i32
        %parallel_loop3A_666 = vector.broadcast %parallel_loop3A_665 : i32 to vector<16xi32>
        %parallel_loop3A_667 = arith.cmpi eq, %iota3A, %parallel_loop3A_666 : vector<16xi32>
        %parallel_loop3A_668 = arith.constant 1 : i32
        %parallel_loop3A_669 = vector.broadcast %parallel_loop3A_668 : i32 to vector<16xi32>
        %parallel_loop3A_670 = arith.xori %iota3A, %parallel_loop3A_669 : vector<16xi32>
        %parallel_loop3A_671 = vector.shape_cast %parallel_loop3A_670 : vector<16xi32> to vector<16x1xi32>
        %parallel_loop3A_672 = vector.shape_cast %parallel_loop3A_671 : vector<16x1xi32> to vector<16xi32>
        %parallel_loop3A_673 = tpu.dynamic_gather %parallel_loop3A_664[%parallel_loop3A_672] in [0] : vector<16xf32>, vector<16xi32> -> vector<16xf32>
        %parallel_loop3A_674 = arith.addf %parallel_loop3A_664, %parallel_loop3A_673 : vector<16xf32>
        %parallel_loop3A_675 = arith.constant 2 : i32
        %parallel_loop3A_676 = vector.broadcast %parallel_loop3A_675 : i32 to vector<16xi32>
        %parallel_loop3A_677 = arith.xori %iota3A, %parallel_loop3A_676 : vector<16xi32>
        %parallel_loop3A_678 = vector.shape_cast %parallel_loop3A_677 : vector<16xi32> to vector<16x1xi32>
        %parallel_loop3A_679 = vector.shape_cast %parallel_loop3A_678 : vector<16x1xi32> to vector<16xi32>
        %parallel_loop3A_680 = tpu.dynamic_gather %parallel_loop3A_674[%parallel_loop3A_679] in [0] : vector<16xf32>, vector<16xi32> -> vector<16xf32>
        %parallel_loop3A_681 = arith.addf %parallel_loop3A_674, %parallel_loop3A_680 : vector<16xf32>
        %parallel_loop3A_682 = arith.constant 4 : i32
        %parallel_loop3A_683 = vector.broadcast %parallel_loop3A_682 : i32 to vector<16xi32>
        %parallel_loop3A_684 = arith.xori %iota3A, %parallel_loop3A_683 : vector<16xi32>
        %parallel_loop3A_685 = vector.shape_cast %parallel_loop3A_684 : vector<16xi32> to vector<16x1xi32>
        %parallel_loop3A_686 = vector.shape_cast %parallel_loop3A_685 : vector<16x1xi32> to vector<16xi32>
        %parallel_loop3A_687 = tpu.dynamic_gather %parallel_loop3A_681[%parallel_loop3A_686] in [0] : vector<16xf32>, vector<16xi32> -> vector<16xf32>
        %parallel_loop3A_688 = arith.addf %parallel_loop3A_681, %parallel_loop3A_687 : vector<16xf32>
        %parallel_loop3A_689 = arith.constant 8 : i32
        %parallel_loop3A_690 = vector.broadcast %parallel_loop3A_689 : i32 to vector<16xi32>
        %parallel_loop3A_691 = arith.xori %iota3A, %parallel_loop3A_690 : vector<16xi32>
        %parallel_loop3A_692 = vector.shape_cast %parallel_loop3A_691 : vector<16xi32> to vector<16x1xi32>
        %parallel_loop3A_693 = vector.shape_cast %parallel_loop3A_692 : vector<16x1xi32> to vector<16xi32>
        %parallel_loop3A_694 = tpu.dynamic_gather %parallel_loop3A_688[%parallel_loop3A_693] in [0] : vector<16xf32>, vector<16xi32> -> vector<16xf32>
        %parallel_loop3A_695 = arith.addf %parallel_loop3A_688, %parallel_loop3A_694 : vector<16xf32>
        %parallel_loop3A_696 = arith.select %parallel_loop3A_667, %parallel_loop3A_695, %parallel_loop3A_518 : vector<16xi1>, vector<16xf32>
        %parallel_loop3A_697 = arith.constant 0.000000e+00 : f32
        %parallel_loop3A_698 = vector.broadcast %parallel_loop3A_697 : f32 to vector<16xf32>
        %parallel_loop3A_699 = arith.index_cast %parallel_loop3A_160 : i32 to index
        %parallel_loop3A_700 = arith.constant 384 : index
        %parallel_loop3A_701 = tpu.vector_load %arg14[%parallel_loop3A_699, %parallel_loop3A_700] {strides = array<i32>} : memref<40x512xf32, #tpu.memory_space<vmem>>, vector<1x16xf32>,
        %parallel_loop3A_702 = vector.shape_cast %parallel_loop3A_701 : vector<1x16xf32> to vector<16xf32>
        %parallel_loop3A_703 = arith.index_cast %parallel_loop3A_160 : i32 to index
        %parallel_loop3A_704 = arith.constant 384 : index
        %parallel_loop3A_705 = tpu.vector_load %arg16[%parallel_loop3A_703, %parallel_loop3A_704] {strides = array<i32>} : memref<40x512xf32, #tpu.memory_space<vmem>>, vector<1x16xf32>,
        %parallel_loop3A_706 = vector.shape_cast %parallel_loop3A_705 : vector<1x16xf32> to vector<16xf32>
        %parallel_loop3A_707 = arith.addf %parallel_loop3A_702, %parallel_loop3A_706 : vector<16xf32>
        %parallel_loop3A_708 = arith.constant 2.000000e-01 : f32
        %parallel_loop3A_709 = vector.broadcast %parallel_loop3A_708 : f32 to vector<16xf32>
        %parallel_loop3A_710 = arith.mulf %parallel_loop3A_709, %parallel_loop3A_707 : vector<16xf32>
        %parallel_loop3A_711 = arith.maximumf %parallel_loop3A_707, %parallel_loop3A_710 : vector<16xf32>
        %parallel_loop3A_712 = arith.constant 384 : index
        %parallel_loop3A_713 = tpu.vector_load %arg13[%parallel_loop3A_712] {strides = array<i32>} : memref<512xf32, #tpu.memory_space<vmem>>, vector<16xf32>,
        %parallel_loop3A_714 = vector.shape_cast %parallel_loop3A_713 : vector<16xf32> to vector<16xf32>
        %parallel_loop3A_715 = arith.mulf %parallel_loop3A_711, %parallel_loop3A_714 : vector<16xf32>
        %parallel_loop3A_716 = arith.addf %parallel_loop3A_698, %parallel_loop3A_715 : vector<16xf32>
        %parallel_loop3A_717 = arith.index_cast %parallel_loop3A_160 : i32 to index
        %parallel_loop3A_718 = arith.constant 400 : index
        %parallel_loop3A_719 = tpu.vector_load %arg14[%parallel_loop3A_717, %parallel_loop3A_718] {strides = array<i32>} : memref<40x512xf32, #tpu.memory_space<vmem>>, vector<1x16xf32>,
        %parallel_loop3A_720 = vector.shape_cast %parallel_loop3A_719 : vector<1x16xf32> to vector<16xf32>
        %parallel_loop3A_721 = arith.index_cast %parallel_loop3A_160 : i32 to index
        %parallel_loop3A_722 = arith.constant 400 : index
        %parallel_loop3A_723 = tpu.vector_load %arg16[%parallel_loop3A_721, %parallel_loop3A_722] {strides = array<i32>} : memref<40x512xf32, #tpu.memory_space<vmem>>, vector<1x16xf32>,
        %parallel_loop3A_724 = vector.shape_cast %parallel_loop3A_723 : vector<1x16xf32> to vector<16xf32>
        %parallel_loop3A_725 = arith.addf %parallel_loop3A_720, %parallel_loop3A_724 : vector<16xf32>
        %parallel_loop3A_726 = arith.constant 2.000000e-01 : f32
        %parallel_loop3A_727 = vector.broadcast %parallel_loop3A_726 : f32 to vector<16xf32>
        %parallel_loop3A_728 = arith.mulf %parallel_loop3A_727, %parallel_loop3A_725 : vector<16xf32>
        %parallel_loop3A_729 = arith.maximumf %parallel_loop3A_725, %parallel_loop3A_728 : vector<16xf32>
        %parallel_loop3A_730 = arith.constant 400 : index
        %parallel_loop3A_731 = tpu.vector_load %arg13[%parallel_loop3A_730] {strides = array<i32>} : memref<512xf32, #tpu.memory_space<vmem>>, vector<16xf32>,
        %parallel_loop3A_732 = vector.shape_cast %parallel_loop3A_731 : vector<16xf32> to vector<16xf32>
        %parallel_loop3A_733 = arith.mulf %parallel_loop3A_729, %parallel_loop3A_732 : vector<16xf32>
        %parallel_loop3A_734 = arith.addf %parallel_loop3A_716, %parallel_loop3A_733 : vector<16xf32>
        %parallel_loop3A_735 = arith.index_cast %parallel_loop3A_160 : i32 to index
        %parallel_loop3A_736 = arith.constant 416 : index
        %parallel_loop3A_737 = tpu.vector_load %arg14[%parallel_loop3A_735, %parallel_loop3A_736] {strides = array<i32>} : memref<40x512xf32, #tpu.memory_space<vmem>>, vector<1x16xf32>,
        %parallel_loop3A_738 = vector.shape_cast %parallel_loop3A_737 : vector<1x16xf32> to vector<16xf32>
        %parallel_loop3A_739 = arith.index_cast %parallel_loop3A_160 : i32 to index
        %parallel_loop3A_740 = arith.constant 416 : index
        %parallel_loop3A_741 = tpu.vector_load %arg16[%parallel_loop3A_739, %parallel_loop3A_740] {strides = array<i32>} : memref<40x512xf32, #tpu.memory_space<vmem>>, vector<1x16xf32>,
        %parallel_loop3A_742 = vector.shape_cast %parallel_loop3A_741 : vector<1x16xf32> to vector<16xf32>
        %parallel_loop3A_743 = arith.addf %parallel_loop3A_738, %parallel_loop3A_742 : vector<16xf32>
        %parallel_loop3A_744 = arith.constant 2.000000e-01 : f32
        %parallel_loop3A_745 = vector.broadcast %parallel_loop3A_744 : f32 to vector<16xf32>
        %parallel_loop3A_746 = arith.mulf %parallel_loop3A_745, %parallel_loop3A_743 : vector<16xf32>
        %parallel_loop3A_747 = arith.maximumf %parallel_loop3A_743, %parallel_loop3A_746 : vector<16xf32>
        %parallel_loop3A_748 = arith.constant 416 : index
        %parallel_loop3A_749 = tpu.vector_load %arg13[%parallel_loop3A_748] {strides = array<i32>} : memref<512xf32, #tpu.memory_space<vmem>>, vector<16xf32>,
        %parallel_loop3A_750 = vector.shape_cast %parallel_loop3A_749 : vector<16xf32> to vector<16xf32>
        %parallel_loop3A_751 = arith.mulf %parallel_loop3A_747, %parallel_loop3A_750 : vector<16xf32>
        %parallel_loop3A_752 = arith.addf %parallel_loop3A_734, %parallel_loop3A_751 : vector<16xf32>
        %parallel_loop3A_753 = arith.index_cast %parallel_loop3A_160 : i32 to index
        %parallel_loop3A_754 = arith.constant 432 : index
        %parallel_loop3A_755 = tpu.vector_load %arg14[%parallel_loop3A_753, %parallel_loop3A_754] {strides = array<i32>} : memref<40x512xf32, #tpu.memory_space<vmem>>, vector<1x16xf32>,
        %parallel_loop3A_756 = vector.shape_cast %parallel_loop3A_755 : vector<1x16xf32> to vector<16xf32>
        %parallel_loop3A_757 = arith.index_cast %parallel_loop3A_160 : i32 to index
        %parallel_loop3A_758 = arith.constant 432 : index
        %parallel_loop3A_759 = tpu.vector_load %arg16[%parallel_loop3A_757, %parallel_loop3A_758] {strides = array<i32>} : memref<40x512xf32, #tpu.memory_space<vmem>>, vector<1x16xf32>,
        %parallel_loop3A_760 = vector.shape_cast %parallel_loop3A_759 : vector<1x16xf32> to vector<16xf32>
        %parallel_loop3A_761 = arith.addf %parallel_loop3A_756, %parallel_loop3A_760 : vector<16xf32>
        %parallel_loop3A_762 = arith.constant 2.000000e-01 : f32
        %parallel_loop3A_763 = vector.broadcast %parallel_loop3A_762 : f32 to vector<16xf32>
        %parallel_loop3A_764 = arith.mulf %parallel_loop3A_763, %parallel_loop3A_761 : vector<16xf32>
        %parallel_loop3A_765 = arith.maximumf %parallel_loop3A_761, %parallel_loop3A_764 : vector<16xf32>
        %parallel_loop3A_766 = arith.constant 432 : index
        %parallel_loop3A_767 = tpu.vector_load %arg13[%parallel_loop3A_766] {strides = array<i32>} : memref<512xf32, #tpu.memory_space<vmem>>, vector<16xf32>,
        %parallel_loop3A_768 = vector.shape_cast %parallel_loop3A_767 : vector<16xf32> to vector<16xf32>
        %parallel_loop3A_769 = arith.mulf %parallel_loop3A_765, %parallel_loop3A_768 : vector<16xf32>
        %parallel_loop3A_770 = arith.addf %parallel_loop3A_752, %parallel_loop3A_769 : vector<16xf32>
        %parallel_loop3A_771 = arith.index_cast %parallel_loop3A_160 : i32 to index
        %parallel_loop3A_772 = arith.constant 448 : index
        %parallel_loop3A_773 = tpu.vector_load %arg14[%parallel_loop3A_771, %parallel_loop3A_772] {strides = array<i32>} : memref<40x512xf32, #tpu.memory_space<vmem>>, vector<1x16xf32>,
        %parallel_loop3A_774 = vector.shape_cast %parallel_loop3A_773 : vector<1x16xf32> to vector<16xf32>
        %parallel_loop3A_775 = arith.index_cast %parallel_loop3A_160 : i32 to index
        %parallel_loop3A_776 = arith.constant 448 : index
        %parallel_loop3A_777 = tpu.vector_load %arg16[%parallel_loop3A_775, %parallel_loop3A_776] {strides = array<i32>} : memref<40x512xf32, #tpu.memory_space<vmem>>, vector<1x16xf32>,
        %parallel_loop3A_778 = vector.shape_cast %parallel_loop3A_777 : vector<1x16xf32> to vector<16xf32>
        %parallel_loop3A_779 = arith.addf %parallel_loop3A_774, %parallel_loop3A_778 : vector<16xf32>
        %parallel_loop3A_780 = arith.constant 2.000000e-01 : f32
        %parallel_loop3A_781 = vector.broadcast %parallel_loop3A_780 : f32 to vector<16xf32>
        %parallel_loop3A_782 = arith.mulf %parallel_loop3A_781, %parallel_loop3A_779 : vector<16xf32>
        %parallel_loop3A_783 = arith.maximumf %parallel_loop3A_779, %parallel_loop3A_782 : vector<16xf32>
        %parallel_loop3A_784 = arith.constant 448 : index
        %parallel_loop3A_785 = tpu.vector_load %arg13[%parallel_loop3A_784] {strides = array<i32>} : memref<512xf32, #tpu.memory_space<vmem>>, vector<16xf32>,
        %parallel_loop3A_786 = vector.shape_cast %parallel_loop3A_785 : vector<16xf32> to vector<16xf32>
        %parallel_loop3A_787 = arith.mulf %parallel_loop3A_783, %parallel_loop3A_786 : vector<16xf32>
        %parallel_loop3A_788 = arith.addf %parallel_loop3A_770, %parallel_loop3A_787 : vector<16xf32>
        %parallel_loop3A_789 = arith.index_cast %parallel_loop3A_160 : i32 to index
        %parallel_loop3A_790 = arith.constant 464 : index
        %parallel_loop3A_791 = tpu.vector_load %arg14[%parallel_loop3A_789, %parallel_loop3A_790] {strides = array<i32>} : memref<40x512xf32, #tpu.memory_space<vmem>>, vector<1x16xf32>,
        %parallel_loop3A_792 = vector.shape_cast %parallel_loop3A_791 : vector<1x16xf32> to vector<16xf32>
        %parallel_loop3A_793 = arith.index_cast %parallel_loop3A_160 : i32 to index
        %parallel_loop3A_794 = arith.constant 464 : index
        %parallel_loop3A_795 = tpu.vector_load %arg16[%parallel_loop3A_793, %parallel_loop3A_794] {strides = array<i32>} : memref<40x512xf32, #tpu.memory_space<vmem>>, vector<1x16xf32>,
        %parallel_loop3A_796 = vector.shape_cast %parallel_loop3A_795 : vector<1x16xf32> to vector<16xf32>
        %parallel_loop3A_797 = arith.addf %parallel_loop3A_792, %parallel_loop3A_796 : vector<16xf32>
        %parallel_loop3A_798 = arith.constant 2.000000e-01 : f32
        %parallel_loop3A_799 = vector.broadcast %parallel_loop3A_798 : f32 to vector<16xf32>
        %parallel_loop3A_800 = arith.mulf %parallel_loop3A_799, %parallel_loop3A_797 : vector<16xf32>
        %parallel_loop3A_801 = arith.maximumf %parallel_loop3A_797, %parallel_loop3A_800 : vector<16xf32>
        %parallel_loop3A_802 = arith.constant 464 : index
        %parallel_loop3A_803 = tpu.vector_load %arg13[%parallel_loop3A_802] {strides = array<i32>} : memref<512xf32, #tpu.memory_space<vmem>>, vector<16xf32>,
        %parallel_loop3A_804 = vector.shape_cast %parallel_loop3A_803 : vector<16xf32> to vector<16xf32>
        %parallel_loop3A_805 = arith.mulf %parallel_loop3A_801, %parallel_loop3A_804 : vector<16xf32>
        %parallel_loop3A_806 = arith.addf %parallel_loop3A_788, %parallel_loop3A_805 : vector<16xf32>
        %parallel_loop3A_807 = arith.index_cast %parallel_loop3A_160 : i32 to index
        %parallel_loop3A_808 = arith.constant 480 : index
        %parallel_loop3A_809 = tpu.vector_load %arg14[%parallel_loop3A_807, %parallel_loop3A_808] {strides = array<i32>} : memref<40x512xf32, #tpu.memory_space<vmem>>, vector<1x16xf32>,
        %parallel_loop3A_810 = vector.shape_cast %parallel_loop3A_809 : vector<1x16xf32> to vector<16xf32>
        %parallel_loop3A_811 = arith.index_cast %parallel_loop3A_160 : i32 to index
        %parallel_loop3A_812 = arith.constant 480 : index
        %parallel_loop3A_813 = tpu.vector_load %arg16[%parallel_loop3A_811, %parallel_loop3A_812] {strides = array<i32>} : memref<40x512xf32, #tpu.memory_space<vmem>>, vector<1x16xf32>,
        %parallel_loop3A_814 = vector.shape_cast %parallel_loop3A_813 : vector<1x16xf32> to vector<16xf32>
        %parallel_loop3A_815 = arith.addf %parallel_loop3A_810, %parallel_loop3A_814 : vector<16xf32>
        %parallel_loop3A_816 = arith.constant 2.000000e-01 : f32
        %parallel_loop3A_817 = vector.broadcast %parallel_loop3A_816 : f32 to vector<16xf32>
        %parallel_loop3A_818 = arith.mulf %parallel_loop3A_817, %parallel_loop3A_815 : vector<16xf32>
        %parallel_loop3A_819 = arith.maximumf %parallel_loop3A_815, %parallel_loop3A_818 : vector<16xf32>
        %parallel_loop3A_820 = arith.constant 480 : index
        %parallel_loop3A_821 = tpu.vector_load %arg13[%parallel_loop3A_820] {strides = array<i32>} : memref<512xf32, #tpu.memory_space<vmem>>, vector<16xf32>,
        %parallel_loop3A_822 = vector.shape_cast %parallel_loop3A_821 : vector<16xf32> to vector<16xf32>
        %parallel_loop3A_823 = arith.mulf %parallel_loop3A_819, %parallel_loop3A_822 : vector<16xf32>
        %parallel_loop3A_824 = arith.addf %parallel_loop3A_806, %parallel_loop3A_823 : vector<16xf32>
        %parallel_loop3A_825 = arith.index_cast %parallel_loop3A_160 : i32 to index
        %parallel_loop3A_826 = arith.constant 496 : index
        %parallel_loop3A_827 = tpu.vector_load %arg14[%parallel_loop3A_825, %parallel_loop3A_826] {strides = array<i32>} : memref<40x512xf32, #tpu.memory_space<vmem>>, vector<1x16xf32>,
        %parallel_loop3A_828 = vector.shape_cast %parallel_loop3A_827 : vector<1x16xf32> to vector<16xf32>
        %parallel_loop3A_829 = arith.index_cast %parallel_loop3A_160 : i32 to index
        %parallel_loop3A_830 = arith.constant 496 : index
        %parallel_loop3A_831 = tpu.vector_load %arg16[%parallel_loop3A_829, %parallel_loop3A_830] {strides = array<i32>} : memref<40x512xf32, #tpu.memory_space<vmem>>, vector<1x16xf32>,
        %parallel_loop3A_832 = vector.shape_cast %parallel_loop3A_831 : vector<1x16xf32> to vector<16xf32>
        %parallel_loop3A_833 = arith.addf %parallel_loop3A_828, %parallel_loop3A_832 : vector<16xf32>
        %parallel_loop3A_834 = arith.constant 2.000000e-01 : f32
        %parallel_loop3A_835 = vector.broadcast %parallel_loop3A_834 : f32 to vector<16xf32>
        %parallel_loop3A_836 = arith.mulf %parallel_loop3A_835, %parallel_loop3A_833 : vector<16xf32>
        %parallel_loop3A_837 = arith.maximumf %parallel_loop3A_833, %parallel_loop3A_836 : vector<16xf32>
        %parallel_loop3A_838 = arith.constant 496 : index
        %parallel_loop3A_839 = tpu.vector_load %arg13[%parallel_loop3A_838] {strides = array<i32>} : memref<512xf32, #tpu.memory_space<vmem>>, vector<16xf32>,
        %parallel_loop3A_840 = vector.shape_cast %parallel_loop3A_839 : vector<16xf32> to vector<16xf32>
        %parallel_loop3A_841 = arith.mulf %parallel_loop3A_837, %parallel_loop3A_840 : vector<16xf32>
        %parallel_loop3A_842 = arith.addf %parallel_loop3A_824, %parallel_loop3A_841 : vector<16xf32>
        %parallel_loop3A_843 = arith.constant 3 : i32
        %parallel_loop3A_844 = vector.broadcast %parallel_loop3A_843 : i32 to vector<16xi32>
        %parallel_loop3A_845 = arith.cmpi eq, %iota3A, %parallel_loop3A_844 : vector<16xi32>
        %parallel_loop3A_846 = arith.constant 1 : i32
        %parallel_loop3A_847 = vector.broadcast %parallel_loop3A_846 : i32 to vector<16xi32>
        %parallel_loop3A_848 = arith.xori %iota3A, %parallel_loop3A_847 : vector<16xi32>
        %parallel_loop3A_849 = vector.shape_cast %parallel_loop3A_848 : vector<16xi32> to vector<16x1xi32>
        %parallel_loop3A_850 = vector.shape_cast %parallel_loop3A_849 : vector<16x1xi32> to vector<16xi32>
        %parallel_loop3A_851 = tpu.dynamic_gather %parallel_loop3A_842[%parallel_loop3A_850] in [0] : vector<16xf32>, vector<16xi32> -> vector<16xf32>
        %parallel_loop3A_852 = arith.addf %parallel_loop3A_842, %parallel_loop3A_851 : vector<16xf32>
        %parallel_loop3A_853 = arith.constant 2 : i32
        %parallel_loop3A_854 = vector.broadcast %parallel_loop3A_853 : i32 to vector<16xi32>
        %parallel_loop3A_855 = arith.xori %iota3A, %parallel_loop3A_854 : vector<16xi32>
        %parallel_loop3A_856 = vector.shape_cast %parallel_loop3A_855 : vector<16xi32> to vector<16x1xi32>
        %parallel_loop3A_857 = vector.shape_cast %parallel_loop3A_856 : vector<16x1xi32> to vector<16xi32>
        %parallel_loop3A_858 = tpu.dynamic_gather %parallel_loop3A_852[%parallel_loop3A_857] in [0] : vector<16xf32>, vector<16xi32> -> vector<16xf32>
        %parallel_loop3A_859 = arith.addf %parallel_loop3A_852, %parallel_loop3A_858 : vector<16xf32>
        %parallel_loop3A_860 = arith.constant 4 : i32
        %parallel_loop3A_861 = vector.broadcast %parallel_loop3A_860 : i32 to vector<16xi32>
        %parallel_loop3A_862 = arith.xori %iota3A, %parallel_loop3A_861 : vector<16xi32>
        %parallel_loop3A_863 = vector.shape_cast %parallel_loop3A_862 : vector<16xi32> to vector<16x1xi32>
        %parallel_loop3A_864 = vector.shape_cast %parallel_loop3A_863 : vector<16x1xi32> to vector<16xi32>
        %parallel_loop3A_865 = tpu.dynamic_gather %parallel_loop3A_859[%parallel_loop3A_864] in [0] : vector<16xf32>, vector<16xi32> -> vector<16xf32>
        %parallel_loop3A_866 = arith.addf %parallel_loop3A_859, %parallel_loop3A_865 : vector<16xf32>
        %parallel_loop3A_867 = arith.constant 8 : i32
        %parallel_loop3A_868 = vector.broadcast %parallel_loop3A_867 : i32 to vector<16xi32>
        %parallel_loop3A_869 = arith.xori %iota3A, %parallel_loop3A_868 : vector<16xi32>
        %parallel_loop3A_870 = vector.shape_cast %parallel_loop3A_869 : vector<16xi32> to vector<16x1xi32>
        %parallel_loop3A_871 = vector.shape_cast %parallel_loop3A_870 : vector<16x1xi32> to vector<16xi32>
        %parallel_loop3A_872 = tpu.dynamic_gather %parallel_loop3A_866[%parallel_loop3A_871] in [0] : vector<16xf32>, vector<16xi32> -> vector<16xf32>
        %parallel_loop3A_873 = arith.addf %parallel_loop3A_866, %parallel_loop3A_872 : vector<16xf32>
        %parallel_loop3A_874 = arith.select %parallel_loop3A_845, %parallel_loop3A_873, %parallel_loop3A_696 : vector<16xi1>, vector<16xf32>
        %parallel_loop3A_875 = arith.constant 4 : i32
        %parallel_loop3A_876 = vector.broadcast %parallel_loop3A_875 : i32 to vector<16xi32>
        %parallel_loop3A_877 = arith.cmpi slt, %iota3A, %parallel_loop3A_876 : vector<16xi32>
        %parallel_loop3A_878 = math.exp %parallel_loop3A_874 : vector<16xf32>
        %parallel_loop3A_879 = arith.constant 0.000000e+00 : f32
        %parallel_loop3A_880 = vector.broadcast %parallel_loop3A_879 : f32 to vector<16xf32>
        %parallel_loop3A_881 = arith.select %parallel_loop3A_877, %parallel_loop3A_878, %parallel_loop3A_880 : vector<16xi1>, vector<16xf32>
        %parallel_loop3A_882 = arith.index_cast %parallel_loop3A_160 : i32 to index
        %parallel_loop3A_883 = arith.constant 0 : index
        %parallel_loop3A_884 = tpu.vector_load %arg18[%parallel_loop3A_882, %parallel_loop3A_883] {strides = array<i32>} : memref<40x16xf32, #tpu.memory_space<vmem>>, vector<1x16xf32>,
        %parallel_loop3A_885 = vector.shape_cast %parallel_loop3A_884 : vector<1x16xf32> to vector<16xf32>
        %parallel_loop3A_886 = vector.shape_cast %parallel_loop3A_881 : vector<16xf32> to vector<1x16xf32>
        tpu.vector_store %arg18[%parallel_loop3A_882, %parallel_loop3A_883], %parallel_loop3A_886 {strides = array<i32>} : memref<40x16xf32, #tpu.memory_space<vmem>>, vector<1x16xf32>,
      } {sc.loop_unroll_factor = 4 : i64, sc.parallel_access}
      %mul3A_109 = arith.constant 40 : i32
      %mul3A_110 = arith.muli %add3A_84, %mul3A_109 : i32
      %add3A_111 = arith.addi %mul3A_2, %mul3A_110 : i32
      %dma_start3A_112 = arith.constant 0 : i32
      %dma_start3A_113 = tpu.memref_slice %arg7[%add3A_111, %dma_start3A_112] : memref<320000x16xf32, #tpu.memory_space<hbm>> -> memref<40x16xf32, #tpu.memory_space<hbm>>
      %dma_start3A_114 = arith.constant 0 : i32
      %dma_start3A_115 = tpu.memref_slice %arg7[%add3A_111, %dma_start3A_114] : memref<320000x16xf32, #tpu.memory_space<hbm>> -> memref<40x16xf32, #tpu.memory_space<hbm>>
      tpu.enqueue_dma source(%arg18 : memref<40x16xf32, #tpu.memory_space<vmem>>) target(%dma_start3A_115 : memref<40x16xf32, #tpu.memory_space<hbm>>) target_semaphore(%arg25 : memref<!tpu.dma_semaphore, #tpu.memory_space<semaphore_mem>>)
      %dma_start3A_116 = arith.constant 0 : i32
      %dma_start3A_117 = arith.constant 0 : i32
      %dma_start3A_118 = tpu.memref_slice %arg20[%dma_start3A_116, %dma_start3A_117] : memref<10000x16xf32, #tpu.memory_space<vmem_shared>> -> memref<10000x16xf32, #tpu.memory_space<vmem_shared>>
      tpu.enqueue_indirect_dma source(%arg18 : memref<40x16xf32, #tpu.memory_space<vmem>>) target(%dma_start3A_118 : memref<10000x16xf32, #tpu.memory_space<vmem_shared>>) offsets(%arg11 : memref<40xi32, #tpu.memory_space<vmem>>) semaphore(%arg27 : memref<!tpu.dma_semaphore, #tpu.memory_space<semaphore_mem>>) {add = true}
      %mul3A_119 = arith.constant 2 : i32
      %mul3A_120 = arith.muli %scan3A_80, %mul3A_119 : i32
      %add3A_121 = arith.constant 1 : i32
      %add3A_122 = arith.addi %mul3A_120, %add3A_121 : i32
      %add3A_123 = arith.constant 1 : i32
      %add3A_124 = arith.addi %add3A_122, %add3A_123 : i32
      %lt3A_125 = arith.constant 250 : i32
      %lt3A_126 = arith.cmpi slt, %add3A_124, %lt3A_125 : i32
      %convert_element_type3A_127 = arith.extui %lt3A_126 : i1 to i32
      %cond3A_128 = arith.constant 0 : i32
      %cond3A_129 = arith.cmpi ne, %convert_element_type3A_127, %cond3A_128 : i32
      scf.if %cond3A_129 {
        %add3A_160 = arith.constant 1 : i32
        %add3A_161 = arith.addi %add3A_122, %add3A_160 : i32
        "tpu.region"() ({
          %run_scoped3A_168 = tpu.sem_alloc : memref<!tpu.dma_semaphore, #tpu.memory_space<semaphore_mem>>
          %dma_start3A_169 = arith.constant 0 : i32
          %dma_start3A_170 = arith.constant 0 : i32
          %dma_start3A_171 = tpu.memref_slice %arg4[%add3A, %dma_start3A_169, %dma_start3A_170] : memref<32x250x40xi32, #tpu.memory_space<hbm>> -> memref<1x250x40xi32, #tpu.memory_space<hbm>>
          %dma_start3A_172 = tpu.memref_squeeze %dma_start3A_171 : memref<1x250x40xi32, #tpu.memory_space<hbm>> -> memref<250x40xi32, #tpu.memory_space<hbm>>
          %dma_start3A_173 = arith.constant 0 : i32
          %dma_start3A_174 = tpu.memref_slice %dma_start3A_172[%add3A_161, %dma_start3A_173] : memref<250x40xi32, #tpu.memory_space<hbm>> -> memref<1x40xi32, #tpu.memory_space<hbm>>
          %dma_start3A_175 = tpu.memref_squeeze %dma_start3A_174 : memref<1x40xi32, #tpu.memory_space<hbm>> -> memref<40xi32, #tpu.memory_space<hbm>>
          %dma_start3A_176 = arith.constant 0 : i32
          %dma_start3A_177 = arith.constant 0 : i32
          %dma_start3A_178 = tpu.memref_slice %arg4[%add3A, %dma_start3A_176, %dma_start3A_177] : memref<32x250x40xi32, #tpu.memory_space<hbm>> -> memref<1x250x40xi32, #tpu.memory_space<hbm>>
          %dma_start3A_179 = tpu.memref_squeeze %dma_start3A_178 : memref<1x250x40xi32, #tpu.memory_space<hbm>> -> memref<250x40xi32, #tpu.memory_space<hbm>>
          %dma_start3A_180 = arith.constant 0 : i32
          %dma_start3A_181 = tpu.memref_slice %dma_start3A_179[%add3A_161, %dma_start3A_180] : memref<250x40xi32, #tpu.memory_space<hbm>> -> memref<1x40xi32, #tpu.memory_space<hbm>>
          %dma_start3A_182 = tpu.memref_squeeze %dma_start3A_181 : memref<1x40xi32, #tpu.memory_space<hbm>> -> memref<40xi32, #tpu.memory_space<hbm>>
          tpu.enqueue_dma source(%dma_start3A_182 : memref<40xi32, #tpu.memory_space<hbm>>) target(%arg9 : memref<40xi32, #tpu.memory_space<vmem>>) target_semaphore(%run_scoped3A_168 : memref<!tpu.dma_semaphore, #tpu.memory_space<semaphore_mem>>)
          %dma_wait3A_183 = arith.constant 0 : i32
          %dma_wait3A_184 = arith.constant 0 : i32
          %dma_wait3A_185 = tpu.memref_slice %arg4[%add3A, %dma_wait3A_183, %dma_wait3A_184] : memref<32x250x40xi32, #tpu.memory_space<hbm>> -> memref<1x250x40xi32, #tpu.memory_space<hbm>>
          %dma_wait3A_186 = tpu.memref_squeeze %dma_wait3A_185 : memref<1x250x40xi32, #tpu.memory_space<hbm>> -> memref<250x40xi32, #tpu.memory_space<hbm>>
          %dma_wait3A_187 = arith.constant 0 : i32
          %dma_wait3A_188 = tpu.memref_slice %dma_wait3A_186[%add3A_161, %dma_wait3A_187] : memref<250x40xi32, #tpu.memory_space<hbm>> -> memref<1x40xi32, #tpu.memory_space<hbm>>
          %dma_wait3A_189 = tpu.memref_squeeze %dma_wait3A_188 : memref<1x40xi32, #tpu.memory_space<hbm>> -> memref<40xi32, #tpu.memory_space<hbm>>
          %dma_wait3A_190 = arith.constant 0 : i32
          %dma_wait3A_191 = arith.constant 0 : i32
          %dma_wait3A_192 = tpu.memref_slice %arg4[%add3A, %dma_wait3A_190, %dma_wait3A_191] : memref<32x250x40xi32, #tpu.memory_space<hbm>> -> memref<1x250x40xi32, #tpu.memory_space<hbm>>
          %dma_wait3A_193 = tpu.memref_squeeze %dma_wait3A_192 : memref<1x250x40xi32, #tpu.memory_space<hbm>> -> memref<250x40xi32, #tpu.memory_space<hbm>>
          %dma_wait3A_194 = arith.constant 0 : i32
          %dma_wait3A_195 = tpu.memref_slice %dma_wait3A_193[%add3A_161, %dma_wait3A_194] : memref<250x40xi32, #tpu.memory_space<hbm>> -> memref<1x40xi32, #tpu.memory_space<hbm>>
          %dma_wait3A_196 = tpu.memref_squeeze %dma_wait3A_195 : memref<1x40xi32, #tpu.memory_space<hbm>> -> memref<40xi32, #tpu.memory_space<hbm>>
          tpu.wait_dma2 semaphore(%run_scoped3A_168 : memref<!tpu.dma_semaphore, #tpu.memory_space<semaphore_mem>>) src(%dma_wait3A_196 : memref<40xi32, #tpu.memory_space<hbm>>) dst(%arg9 : memref<40xi32, #tpu.memory_space<vmem>>)
          tpu.yield
        }) : () -> ()
        "tpu.region"() ({
          %run_scoped3A_168 = tpu.sem_alloc : memref<!tpu.dma_semaphore, #tpu.memory_space<semaphore_mem>>
          %dma_start3A_169 = arith.constant 0 : i32
          %dma_start3A_170 = arith.constant 0 : i32
          %dma_start3A_171 = tpu.memref_slice %arg5[%add3A, %dma_start3A_169, %dma_start3A_170] : memref<32x250x40xi32, #tpu.memory_space<hbm>> -> memref<1x250x40xi32, #tpu.memory_space<hbm>>
          %dma_start3A_172 = tpu.memref_squeeze %dma_start3A_171 : memref<1x250x40xi32, #tpu.memory_space<hbm>> -> memref<250x40xi32, #tpu.memory_space<hbm>>
          %dma_start3A_173 = arith.constant 0 : i32
          %dma_start3A_174 = tpu.memref_slice %dma_start3A_172[%add3A_161, %dma_start3A_173] : memref<250x40xi32, #tpu.memory_space<hbm>> -> memref<1x40xi32, #tpu.memory_space<hbm>>
          %dma_start3A_175 = tpu.memref_squeeze %dma_start3A_174 : memref<1x40xi32, #tpu.memory_space<hbm>> -> memref<40xi32, #tpu.memory_space<hbm>>
          %dma_start3A_176 = arith.constant 0 : i32
          %dma_start3A_177 = arith.constant 0 : i32
          %dma_start3A_178 = tpu.memref_slice %arg5[%add3A, %dma_start3A_176, %dma_start3A_177] : memref<32x250x40xi32, #tpu.memory_space<hbm>> -> memref<1x250x40xi32, #tpu.memory_space<hbm>>
          %dma_start3A_179 = tpu.memref_squeeze %dma_start3A_178 : memref<1x250x40xi32, #tpu.memory_space<hbm>> -> memref<250x40xi32, #tpu.memory_space<hbm>>
          %dma_start3A_180 = arith.constant 0 : i32
          %dma_start3A_181 = tpu.memref_slice %dma_start3A_179[%add3A_161, %dma_start3A_180] : memref<250x40xi32, #tpu.memory_space<hbm>> -> memref<1x40xi32, #tpu.memory_space<hbm>>
          %dma_start3A_182 = tpu.memref_squeeze %dma_start3A_181 : memref<1x40xi32, #tpu.memory_space<hbm>> -> memref<40xi32, #tpu.memory_space<hbm>>
          tpu.enqueue_dma source(%dma_start3A_182 : memref<40xi32, #tpu.memory_space<hbm>>) target(%arg11 : memref<40xi32, #tpu.memory_space<vmem>>) target_semaphore(%run_scoped3A_168 : memref<!tpu.dma_semaphore, #tpu.memory_space<semaphore_mem>>)
          %dma_wait3A_183 = arith.constant 0 : i32
          %dma_wait3A_184 = arith.constant 0 : i32
          %dma_wait3A_185 = tpu.memref_slice %arg5[%add3A, %dma_wait3A_183, %dma_wait3A_184] : memref<32x250x40xi32, #tpu.memory_space<hbm>> -> memref<1x250x40xi32, #tpu.memory_space<hbm>>
          %dma_wait3A_186 = tpu.memref_squeeze %dma_wait3A_185 : memref<1x250x40xi32, #tpu.memory_space<hbm>> -> memref<250x40xi32, #tpu.memory_space<hbm>>
          %dma_wait3A_187 = arith.constant 0 : i32
          %dma_wait3A_188 = tpu.memref_slice %dma_wait3A_186[%add3A_161, %dma_wait3A_187] : memref<250x40xi32, #tpu.memory_space<hbm>> -> memref<1x40xi32, #tpu.memory_space<hbm>>
          %dma_wait3A_189 = tpu.memref_squeeze %dma_wait3A_188 : memref<1x40xi32, #tpu.memory_space<hbm>> -> memref<40xi32, #tpu.memory_space<hbm>>
          %dma_wait3A_190 = arith.constant 0 : i32
          %dma_wait3A_191 = arith.constant 0 : i32
          %dma_wait3A_192 = tpu.memref_slice %arg5[%add3A, %dma_wait3A_190, %dma_wait3A_191] : memref<32x250x40xi32, #tpu.memory_space<hbm>> -> memref<1x250x40xi32, #tpu.memory_space<hbm>>
          %dma_wait3A_193 = tpu.memref_squeeze %dma_wait3A_192 : memref<1x250x40xi32, #tpu.memory_space<hbm>> -> memref<250x40xi32, #tpu.memory_space<hbm>>
          %dma_wait3A_194 = arith.constant 0 : i32
          %dma_wait3A_195 = tpu.memref_slice %dma_wait3A_193[%add3A_161, %dma_wait3A_194] : memref<250x40xi32, #tpu.memory_space<hbm>> -> memref<1x40xi32, #tpu.memory_space<hbm>>
          %dma_wait3A_196 = tpu.memref_squeeze %dma_wait3A_195 : memref<1x40xi32, #tpu.memory_space<hbm>> -> memref<40xi32, #tpu.memory_space<hbm>>
          tpu.wait_dma2 semaphore(%run_scoped3A_168 : memref<!tpu.dma_semaphore, #tpu.memory_space<semaphore_mem>>) src(%dma_wait3A_196 : memref<40xi32, #tpu.memory_space<hbm>>) dst(%arg11 : memref<40xi32, #tpu.memory_space<vmem>>)
          tpu.yield
        }) : () -> ()
        %dma_start3A_162 = arith.constant 0 : i32
        %dma_start3A_163 = arith.constant 0 : i32
        %dma_start3A_164 = tpu.memref_slice %arg2[%dma_start3A_162, %dma_start3A_163] : memref<10000x512xf32, #tpu.memory_space<hbm>> -> memref<10000x512xf32, #tpu.memory_space<hbm>>
        tpu.enqueue_indirect_dma source(%dma_start3A_164 : memref<10000x512xf32, #tpu.memory_space<hbm>>) target(%arg14 : memref<40x512xf32, #tpu.memory_space<vmem>>) offsets(%arg9 : memref<40xi32, #tpu.memory_space<vmem>>) semaphore(%arg21 : memref<!tpu.dma_semaphore, #tpu.memory_space<semaphore_mem>>)
        %dma_start3A_165 = arith.constant 0 : i32
        %dma_start3A_166 = arith.constant 0 : i32
        %dma_start3A_167 = tpu.memref_slice %arg3[%dma_start3A_165, %dma_start3A_166] : memref<10000x512xf32, #tpu.memory_space<hbm>> -> memref<10000x512xf32, #tpu.memory_space<hbm>>
        tpu.enqueue_indirect_dma source(%dma_start3A_167 : memref<10000x512xf32, #tpu.memory_space<hbm>>) target(%arg16 : memref<40x512xf32, #tpu.memory_space<vmem>>) offsets(%arg11 : memref<40xi32, #tpu.memory_space<vmem>>) semaphore(%arg23 : memref<!tpu.dma_semaphore, #tpu.memory_space<semaphore_mem>>)
      } else {
      }
      %dma_wait3A_130 = arith.constant 0 : i32
      %dma_wait3A_131 = arith.constant 0 : i32
      %dma_wait3A_132 = tpu.memref_slice %arg2[%dma_wait3A_130, %dma_wait3A_131] : memref<10000x512xf32, #tpu.memory_space<hbm>> -> memref<40x512xf32, #tpu.memory_space<hbm>>
      %dma_wait3A_133 = arith.constant 0 : i32
      %dma_wait3A_134 = arith.constant 0 : i32
      %dma_wait3A_135 = tpu.memref_slice %arg2[%dma_wait3A_133, %dma_wait3A_134] : memref<10000x512xf32, #tpu.memory_space<hbm>> -> memref<40x512xf32, #tpu.memory_space<hbm>>
      tpu.wait_dma2 semaphore(%arg22 : memref<!tpu.dma_semaphore, #tpu.memory_space<semaphore_mem>>) src(%dma_wait3A_135 : memref<40x512xf32, #tpu.memory_space<hbm>>) dst(%arg15 : memref<40x512xf32, #tpu.memory_space<vmem>>)
      %dma_wait3A_136 = arith.constant 0 : i32
      %dma_wait3A_137 = arith.constant 0 : i32
      %dma_wait3A_138 = tpu.memref_slice %arg3[%dma_wait3A_136, %dma_wait3A_137] : memref<10000x512xf32, #tpu.memory_space<hbm>> -> memref<40x512xf32, #tpu.memory_space<hbm>>
      %dma_wait3A_139 = arith.constant 0 : i32
      %dma_wait3A_140 = arith.constant 0 : i32
      %dma_wait3A_141 = tpu.memref_slice %arg3[%dma_wait3A_139, %dma_wait3A_140] : memref<10000x512xf32, #tpu.memory_space<hbm>> -> memref<40x512xf32, #tpu.memory_space<hbm>>
      tpu.wait_dma2 semaphore(%arg24 : memref<!tpu.dma_semaphore, #tpu.memory_space<semaphore_mem>>) src(%dma_wait3A_141 : memref<40x512xf32, #tpu.memory_space<hbm>>) dst(%arg17 : memref<40x512xf32, #tpu.memory_space<vmem>>)
      %ge3A_142 = arith.constant 2 : i32
      %ge3A_143 = arith.cmpi sge, %add3A_122, %ge3A_142 : i32
      %convert_element_type3A_144 = arith.extui %ge3A_143 : i1 to i32
      %cond3A_145 = arith.constant 0 : i32
      %cond3A_146 = arith.cmpi ne, %convert_element_type3A_144, %cond3A_145 : i32
      scf.if %cond3A_146 {
        %dma_wait3A_160 = arith.constant 0 : i32
        %dma_wait3A_161 = arith.constant 0 : i32
        %dma_wait3A_162 = tpu.memref_slice %arg7[%dma_wait3A_160, %dma_wait3A_161] : memref<320000x16xf32, #tpu.memory_space<hbm>> -> memref<40x16xf32, #tpu.memory_space<hbm>>
        %dma_wait3A_163 = arith.constant 0 : i32
        %dma_wait3A_164 = arith.constant 0 : i32
        %dma_wait3A_165 = tpu.memref_slice %arg7[%dma_wait3A_163, %dma_wait3A_164] : memref<320000x16xf32, #tpu.memory_space<hbm>> -> memref<40x16xf32, #tpu.memory_space<hbm>>
        tpu.wait_dma2 semaphore(%arg26 : memref<!tpu.dma_semaphore, #tpu.memory_space<semaphore_mem>>) src(%dma_wait3A_165 : memref<40x16xf32, #tpu.memory_space<hbm>>) dst(%arg19 : memref<40x16xf32, #tpu.memory_space<vmem>>)
        %dma_wait3A_166 = arith.constant 0 : i32
        %dma_wait3A_167 = arith.constant 0 : i32
        %dma_wait3A_168 = tpu.memref_slice %arg20[%dma_wait3A_166, %dma_wait3A_167] : memref<10000x16xf32, #tpu.memory_space<vmem_shared>> -> memref<40x16xf32, #tpu.memory_space<vmem_shared>>
        %dma_wait3A_169 = arith.constant 0 : i32
        %dma_wait3A_170 = arith.constant 0 : i32
        %dma_wait3A_171 = tpu.memref_slice %arg20[%dma_wait3A_169, %dma_wait3A_170] : memref<10000x16xf32, #tpu.memory_space<vmem_shared>> -> memref<40x16xf32, #tpu.memory_space<vmem_shared>>
        tpu.wait_dma2 semaphore(%arg28 : memref<!tpu.dma_semaphore, #tpu.memory_space<semaphore_mem>>) src(%arg19 : memref<40x16xf32, #tpu.memory_space<vmem>>) dst(%dma_wait3A_171 : memref<40x16xf32, #tpu.memory_space<vmem_shared>>)
      } else {
      }
      %parallel_loop3A_147 = arith.constant 0 : i32
      %parallel_loop3A_148 = arith.constant 40 : i32
      %parallel_loop3A_149 = arith.constant 1 : i32
      scf.for %parallel_loop3A_160 = %parallel_loop3A_147 to %parallel_loop3A_148 step %parallel_loop3A_149  : i32 {
        %parallel_loop3A_161 = arith.constant 0.000000e+00 : f32
        %parallel_loop3A_162 = vector.broadcast %parallel_loop3A_161 : f32 to vector<16xf32>
        %parallel_loop3A_163 = arith.constant 0.000000e+00 : f32
        %parallel_loop3A_164 = vector.broadcast %parallel_loop3A_163 : f32 to vector<16xf32>
        %parallel_loop3A_165 = arith.index_cast %parallel_loop3A_160 : i32 to index
        %parallel_loop3A_166 = arith.constant 0 : index
        %parallel_loop3A_167 = tpu.vector_load %arg15[%parallel_loop3A_165, %parallel_loop3A_166] {strides = array<i32>} : memref<40x512xf32, #tpu.memory_space<vmem>>, vector<1x16xf32>,
        %parallel_loop3A_168 = vector.shape_cast %parallel_loop3A_167 : vector<1x16xf32> to vector<16xf32>
        %parallel_loop3A_169 = arith.index_cast %parallel_loop3A_160 : i32 to index
        %parallel_loop3A_170 = arith.constant 0 : index
        %parallel_loop3A_171 = tpu.vector_load %arg17[%parallel_loop3A_169, %parallel_loop3A_170] {strides = array<i32>} : memref<40x512xf32, #tpu.memory_space<vmem>>, vector<1x16xf32>,
        %parallel_loop3A_172 = vector.shape_cast %parallel_loop3A_171 : vector<1x16xf32> to vector<16xf32>
        %parallel_loop3A_173 = arith.addf %parallel_loop3A_168, %parallel_loop3A_172 : vector<16xf32>
        %parallel_loop3A_174 = arith.constant 2.000000e-01 : f32
        %parallel_loop3A_175 = vector.broadcast %parallel_loop3A_174 : f32 to vector<16xf32>
        %parallel_loop3A_176 = arith.mulf %parallel_loop3A_175, %parallel_loop3A_173 : vector<16xf32>
        %parallel_loop3A_177 = arith.maximumf %parallel_loop3A_173, %parallel_loop3A_176 : vector<16xf32>
        %parallel_loop3A_178 = arith.constant 0 : index
        %parallel_loop3A_179 = tpu.vector_load %arg13[%parallel_loop3A_178] {strides = array<i32>} : memref<512xf32, #tpu.memory_space<vmem>>, vector<16xf32>,
        %parallel_loop3A_180 = vector.shape_cast %parallel_loop3A_179 : vector<16xf32> to vector<16xf32>
        %parallel_loop3A_181 = arith.mulf %parallel_loop3A_177, %parallel_loop3A_180 : vector<16xf32>
        %parallel_loop3A_182 = arith.addf %parallel_loop3A_164, %parallel_loop3A_181 : vector<16xf32>
        %parallel_loop3A_183 = arith.index_cast %parallel_loop3A_160 : i32 to index
        %parallel_loop3A_184 = arith.constant 16 : index
        %parallel_loop3A_185 = tpu.vector_load %arg15[%parallel_loop3A_183, %parallel_loop3A_184] {strides = array<i32>} : memref<40x512xf32, #tpu.memory_space<vmem>>, vector<1x16xf32>,
        %parallel_loop3A_186 = vector.shape_cast %parallel_loop3A_185 : vector<1x16xf32> to vector<16xf32>
        %parallel_loop3A_187 = arith.index_cast %parallel_loop3A_160 : i32 to index
        %parallel_loop3A_188 = arith.constant 16 : index
        %parallel_loop3A_189 = tpu.vector_load %arg17[%parallel_loop3A_187, %parallel_loop3A_188] {strides = array<i32>} : memref<40x512xf32, #tpu.memory_space<vmem>>, vector<1x16xf32>,
        %parallel_loop3A_190 = vector.shape_cast %parallel_loop3A_189 : vector<1x16xf32> to vector<16xf32>
        %parallel_loop3A_191 = arith.addf %parallel_loop3A_186, %parallel_loop3A_190 : vector<16xf32>
        %parallel_loop3A_192 = arith.constant 2.000000e-01 : f32
        %parallel_loop3A_193 = vector.broadcast %parallel_loop3A_192 : f32 to vector<16xf32>
        %parallel_loop3A_194 = arith.mulf %parallel_loop3A_193, %parallel_loop3A_191 : vector<16xf32>
        %parallel_loop3A_195 = arith.maximumf %parallel_loop3A_191, %parallel_loop3A_194 : vector<16xf32>
        %parallel_loop3A_196 = arith.constant 16 : index
        %parallel_loop3A_197 = tpu.vector_load %arg13[%parallel_loop3A_196] {strides = array<i32>} : memref<512xf32, #tpu.memory_space<vmem>>, vector<16xf32>,
        %parallel_loop3A_198 = vector.shape_cast %parallel_loop3A_197 : vector<16xf32> to vector<16xf32>
        %parallel_loop3A_199 = arith.mulf %parallel_loop3A_195, %parallel_loop3A_198 : vector<16xf32>
        %parallel_loop3A_200 = arith.addf %parallel_loop3A_182, %parallel_loop3A_199 : vector<16xf32>
        %parallel_loop3A_201 = arith.index_cast %parallel_loop3A_160 : i32 to index
        %parallel_loop3A_202 = arith.constant 32 : index
        %parallel_loop3A_203 = tpu.vector_load %arg15[%parallel_loop3A_201, %parallel_loop3A_202] {strides = array<i32>} : memref<40x512xf32, #tpu.memory_space<vmem>>, vector<1x16xf32>,
        %parallel_loop3A_204 = vector.shape_cast %parallel_loop3A_203 : vector<1x16xf32> to vector<16xf32>
        %parallel_loop3A_205 = arith.index_cast %parallel_loop3A_160 : i32 to index
        %parallel_loop3A_206 = arith.constant 32 : index
        %parallel_loop3A_207 = tpu.vector_load %arg17[%parallel_loop3A_205, %parallel_loop3A_206] {strides = array<i32>} : memref<40x512xf32, #tpu.memory_space<vmem>>, vector<1x16xf32>,
        %parallel_loop3A_208 = vector.shape_cast %parallel_loop3A_207 : vector<1x16xf32> to vector<16xf32>
        %parallel_loop3A_209 = arith.addf %parallel_loop3A_204, %parallel_loop3A_208 : vector<16xf32>
        %parallel_loop3A_210 = arith.constant 2.000000e-01 : f32
        %parallel_loop3A_211 = vector.broadcast %parallel_loop3A_210 : f32 to vector<16xf32>
        %parallel_loop3A_212 = arith.mulf %parallel_loop3A_211, %parallel_loop3A_209 : vector<16xf32>
        %parallel_loop3A_213 = arith.maximumf %parallel_loop3A_209, %parallel_loop3A_212 : vector<16xf32>
        %parallel_loop3A_214 = arith.constant 32 : index
        %parallel_loop3A_215 = tpu.vector_load %arg13[%parallel_loop3A_214] {strides = array<i32>} : memref<512xf32, #tpu.memory_space<vmem>>, vector<16xf32>,
        %parallel_loop3A_216 = vector.shape_cast %parallel_loop3A_215 : vector<16xf32> to vector<16xf32>
        %parallel_loop3A_217 = arith.mulf %parallel_loop3A_213, %parallel_loop3A_216 : vector<16xf32>
        %parallel_loop3A_218 = arith.addf %parallel_loop3A_200, %parallel_loop3A_217 : vector<16xf32>
        %parallel_loop3A_219 = arith.index_cast %parallel_loop3A_160 : i32 to index
        %parallel_loop3A_220 = arith.constant 48 : index
        %parallel_loop3A_221 = tpu.vector_load %arg15[%parallel_loop3A_219, %parallel_loop3A_220] {strides = array<i32>} : memref<40x512xf32, #tpu.memory_space<vmem>>, vector<1x16xf32>,
        %parallel_loop3A_222 = vector.shape_cast %parallel_loop3A_221 : vector<1x16xf32> to vector<16xf32>
        %parallel_loop3A_223 = arith.index_cast %parallel_loop3A_160 : i32 to index
        %parallel_loop3A_224 = arith.constant 48 : index
        %parallel_loop3A_225 = tpu.vector_load %arg17[%parallel_loop3A_223, %parallel_loop3A_224] {strides = array<i32>} : memref<40x512xf32, #tpu.memory_space<vmem>>, vector<1x16xf32>,
        %parallel_loop3A_226 = vector.shape_cast %parallel_loop3A_225 : vector<1x16xf32> to vector<16xf32>
        %parallel_loop3A_227 = arith.addf %parallel_loop3A_222, %parallel_loop3A_226 : vector<16xf32>
        %parallel_loop3A_228 = arith.constant 2.000000e-01 : f32
        %parallel_loop3A_229 = vector.broadcast %parallel_loop3A_228 : f32 to vector<16xf32>
        %parallel_loop3A_230 = arith.mulf %parallel_loop3A_229, %parallel_loop3A_227 : vector<16xf32>
        %parallel_loop3A_231 = arith.maximumf %parallel_loop3A_227, %parallel_loop3A_230 : vector<16xf32>
        %parallel_loop3A_232 = arith.constant 48 : index
        %parallel_loop3A_233 = tpu.vector_load %arg13[%parallel_loop3A_232] {strides = array<i32>} : memref<512xf32, #tpu.memory_space<vmem>>, vector<16xf32>,
        %parallel_loop3A_234 = vector.shape_cast %parallel_loop3A_233 : vector<16xf32> to vector<16xf32>
        %parallel_loop3A_235 = arith.mulf %parallel_loop3A_231, %parallel_loop3A_234 : vector<16xf32>
        %parallel_loop3A_236 = arith.addf %parallel_loop3A_218, %parallel_loop3A_235 : vector<16xf32>
        %parallel_loop3A_237 = arith.index_cast %parallel_loop3A_160 : i32 to index
        %parallel_loop3A_238 = arith.constant 64 : index
        %parallel_loop3A_239 = tpu.vector_load %arg15[%parallel_loop3A_237, %parallel_loop3A_238] {strides = array<i32>} : memref<40x512xf32, #tpu.memory_space<vmem>>, vector<1x16xf32>,
        %parallel_loop3A_240 = vector.shape_cast %parallel_loop3A_239 : vector<1x16xf32> to vector<16xf32>
        %parallel_loop3A_241 = arith.index_cast %parallel_loop3A_160 : i32 to index
        %parallel_loop3A_242 = arith.constant 64 : index
        %parallel_loop3A_243 = tpu.vector_load %arg17[%parallel_loop3A_241, %parallel_loop3A_242] {strides = array<i32>} : memref<40x512xf32, #tpu.memory_space<vmem>>, vector<1x16xf32>,
        %parallel_loop3A_244 = vector.shape_cast %parallel_loop3A_243 : vector<1x16xf32> to vector<16xf32>
        %parallel_loop3A_245 = arith.addf %parallel_loop3A_240, %parallel_loop3A_244 : vector<16xf32>
        %parallel_loop3A_246 = arith.constant 2.000000e-01 : f32
        %parallel_loop3A_247 = vector.broadcast %parallel_loop3A_246 : f32 to vector<16xf32>
        %parallel_loop3A_248 = arith.mulf %parallel_loop3A_247, %parallel_loop3A_245 : vector<16xf32>
        %parallel_loop3A_249 = arith.maximumf %parallel_loop3A_245, %parallel_loop3A_248 : vector<16xf32>
        %parallel_loop3A_250 = arith.constant 64 : index
        %parallel_loop3A_251 = tpu.vector_load %arg13[%parallel_loop3A_250] {strides = array<i32>} : memref<512xf32, #tpu.memory_space<vmem>>, vector<16xf32>,
        %parallel_loop3A_252 = vector.shape_cast %parallel_loop3A_251 : vector<16xf32> to vector<16xf32>
        %parallel_loop3A_253 = arith.mulf %parallel_loop3A_249, %parallel_loop3A_252 : vector<16xf32>
        %parallel_loop3A_254 = arith.addf %parallel_loop3A_236, %parallel_loop3A_253 : vector<16xf32>
        %parallel_loop3A_255 = arith.index_cast %parallel_loop3A_160 : i32 to index
        %parallel_loop3A_256 = arith.constant 80 : index
        %parallel_loop3A_257 = tpu.vector_load %arg15[%parallel_loop3A_255, %parallel_loop3A_256] {strides = array<i32>} : memref<40x512xf32, #tpu.memory_space<vmem>>, vector<1x16xf32>,
        %parallel_loop3A_258 = vector.shape_cast %parallel_loop3A_257 : vector<1x16xf32> to vector<16xf32>
        %parallel_loop3A_259 = arith.index_cast %parallel_loop3A_160 : i32 to index
        %parallel_loop3A_260 = arith.constant 80 : index
        %parallel_loop3A_261 = tpu.vector_load %arg17[%parallel_loop3A_259, %parallel_loop3A_260] {strides = array<i32>} : memref<40x512xf32, #tpu.memory_space<vmem>>, vector<1x16xf32>,
        %parallel_loop3A_262 = vector.shape_cast %parallel_loop3A_261 : vector<1x16xf32> to vector<16xf32>
        %parallel_loop3A_263 = arith.addf %parallel_loop3A_258, %parallel_loop3A_262 : vector<16xf32>
        %parallel_loop3A_264 = arith.constant 2.000000e-01 : f32
        %parallel_loop3A_265 = vector.broadcast %parallel_loop3A_264 : f32 to vector<16xf32>
        %parallel_loop3A_266 = arith.mulf %parallel_loop3A_265, %parallel_loop3A_263 : vector<16xf32>
        %parallel_loop3A_267 = arith.maximumf %parallel_loop3A_263, %parallel_loop3A_266 : vector<16xf32>
        %parallel_loop3A_268 = arith.constant 80 : index
        %parallel_loop3A_269 = tpu.vector_load %arg13[%parallel_loop3A_268] {strides = array<i32>} : memref<512xf32, #tpu.memory_space<vmem>>, vector<16xf32>,
        %parallel_loop3A_270 = vector.shape_cast %parallel_loop3A_269 : vector<16xf32> to vector<16xf32>
        %parallel_loop3A_271 = arith.mulf %parallel_loop3A_267, %parallel_loop3A_270 : vector<16xf32>
        %parallel_loop3A_272 = arith.addf %parallel_loop3A_254, %parallel_loop3A_271 : vector<16xf32>
        %parallel_loop3A_273 = arith.index_cast %parallel_loop3A_160 : i32 to index
        %parallel_loop3A_274 = arith.constant 96 : index
        %parallel_loop3A_275 = tpu.vector_load %arg15[%parallel_loop3A_273, %parallel_loop3A_274] {strides = array<i32>} : memref<40x512xf32, #tpu.memory_space<vmem>>, vector<1x16xf32>,
        %parallel_loop3A_276 = vector.shape_cast %parallel_loop3A_275 : vector<1x16xf32> to vector<16xf32>
        %parallel_loop3A_277 = arith.index_cast %parallel_loop3A_160 : i32 to index
        %parallel_loop3A_278 = arith.constant 96 : index
        %parallel_loop3A_279 = tpu.vector_load %arg17[%parallel_loop3A_277, %parallel_loop3A_278] {strides = array<i32>} : memref<40x512xf32, #tpu.memory_space<vmem>>, vector<1x16xf32>,
        %parallel_loop3A_280 = vector.shape_cast %parallel_loop3A_279 : vector<1x16xf32> to vector<16xf32>
        %parallel_loop3A_281 = arith.addf %parallel_loop3A_276, %parallel_loop3A_280 : vector<16xf32>
        %parallel_loop3A_282 = arith.constant 2.000000e-01 : f32
        %parallel_loop3A_283 = vector.broadcast %parallel_loop3A_282 : f32 to vector<16xf32>
        %parallel_loop3A_284 = arith.mulf %parallel_loop3A_283, %parallel_loop3A_281 : vector<16xf32>
        %parallel_loop3A_285 = arith.maximumf %parallel_loop3A_281, %parallel_loop3A_284 : vector<16xf32>
        %parallel_loop3A_286 = arith.constant 96 : index
        %parallel_loop3A_287 = tpu.vector_load %arg13[%parallel_loop3A_286] {strides = array<i32>} : memref<512xf32, #tpu.memory_space<vmem>>, vector<16xf32>,
        %parallel_loop3A_288 = vector.shape_cast %parallel_loop3A_287 : vector<16xf32> to vector<16xf32>
        %parallel_loop3A_289 = arith.mulf %parallel_loop3A_285, %parallel_loop3A_288 : vector<16xf32>
        %parallel_loop3A_290 = arith.addf %parallel_loop3A_272, %parallel_loop3A_289 : vector<16xf32>
        %parallel_loop3A_291 = arith.index_cast %parallel_loop3A_160 : i32 to index
        %parallel_loop3A_292 = arith.constant 112 : index
        %parallel_loop3A_293 = tpu.vector_load %arg15[%parallel_loop3A_291, %parallel_loop3A_292] {strides = array<i32>} : memref<40x512xf32, #tpu.memory_space<vmem>>, vector<1x16xf32>,
        %parallel_loop3A_294 = vector.shape_cast %parallel_loop3A_293 : vector<1x16xf32> to vector<16xf32>
        %parallel_loop3A_295 = arith.index_cast %parallel_loop3A_160 : i32 to index
        %parallel_loop3A_296 = arith.constant 112 : index
        %parallel_loop3A_297 = tpu.vector_load %arg17[%parallel_loop3A_295, %parallel_loop3A_296] {strides = array<i32>} : memref<40x512xf32, #tpu.memory_space<vmem>>, vector<1x16xf32>,
        %parallel_loop3A_298 = vector.shape_cast %parallel_loop3A_297 : vector<1x16xf32> to vector<16xf32>
        %parallel_loop3A_299 = arith.addf %parallel_loop3A_294, %parallel_loop3A_298 : vector<16xf32>
        %parallel_loop3A_300 = arith.constant 2.000000e-01 : f32
        %parallel_loop3A_301 = vector.broadcast %parallel_loop3A_300 : f32 to vector<16xf32>
        %parallel_loop3A_302 = arith.mulf %parallel_loop3A_301, %parallel_loop3A_299 : vector<16xf32>
        %parallel_loop3A_303 = arith.maximumf %parallel_loop3A_299, %parallel_loop3A_302 : vector<16xf32>
        %parallel_loop3A_304 = arith.constant 112 : index
        %parallel_loop3A_305 = tpu.vector_load %arg13[%parallel_loop3A_304] {strides = array<i32>} : memref<512xf32, #tpu.memory_space<vmem>>, vector<16xf32>,
        %parallel_loop3A_306 = vector.shape_cast %parallel_loop3A_305 : vector<16xf32> to vector<16xf32>
        %parallel_loop3A_307 = arith.mulf %parallel_loop3A_303, %parallel_loop3A_306 : vector<16xf32>
        %parallel_loop3A_308 = arith.addf %parallel_loop3A_290, %parallel_loop3A_307 : vector<16xf32>
        %parallel_loop3A_309 = arith.constant 0 : i32
        %parallel_loop3A_310 = vector.broadcast %parallel_loop3A_309 : i32 to vector<16xi32>
        %parallel_loop3A_311 = arith.cmpi eq, %iota3A, %parallel_loop3A_310 : vector<16xi32>
        %parallel_loop3A_312 = arith.constant 1 : i32
        %parallel_loop3A_313 = vector.broadcast %parallel_loop3A_312 : i32 to vector<16xi32>
        %parallel_loop3A_314 = arith.xori %iota3A, %parallel_loop3A_313 : vector<16xi32>
        %parallel_loop3A_315 = vector.shape_cast %parallel_loop3A_314 : vector<16xi32> to vector<16x1xi32>
        %parallel_loop3A_316 = vector.shape_cast %parallel_loop3A_315 : vector<16x1xi32> to vector<16xi32>
        %parallel_loop3A_317 = tpu.dynamic_gather %parallel_loop3A_308[%parallel_loop3A_316] in [0] : vector<16xf32>, vector<16xi32> -> vector<16xf32>
        %parallel_loop3A_318 = arith.addf %parallel_loop3A_308, %parallel_loop3A_317 : vector<16xf32>
        %parallel_loop3A_319 = arith.constant 2 : i32
        %parallel_loop3A_320 = vector.broadcast %parallel_loop3A_319 : i32 to vector<16xi32>
        %parallel_loop3A_321 = arith.xori %iota3A, %parallel_loop3A_320 : vector<16xi32>
        %parallel_loop3A_322 = vector.shape_cast %parallel_loop3A_321 : vector<16xi32> to vector<16x1xi32>
        %parallel_loop3A_323 = vector.shape_cast %parallel_loop3A_322 : vector<16x1xi32> to vector<16xi32>
        %parallel_loop3A_324 = tpu.dynamic_gather %parallel_loop3A_318[%parallel_loop3A_323] in [0] : vector<16xf32>, vector<16xi32> -> vector<16xf32>
        %parallel_loop3A_325 = arith.addf %parallel_loop3A_318, %parallel_loop3A_324 : vector<16xf32>
        %parallel_loop3A_326 = arith.constant 4 : i32
        %parallel_loop3A_327 = vector.broadcast %parallel_loop3A_326 : i32 to vector<16xi32>
        %parallel_loop3A_328 = arith.xori %iota3A, %parallel_loop3A_327 : vector<16xi32>
        %parallel_loop3A_329 = vector.shape_cast %parallel_loop3A_328 : vector<16xi32> to vector<16x1xi32>
        %parallel_loop3A_330 = vector.shape_cast %parallel_loop3A_329 : vector<16x1xi32> to vector<16xi32>
        %parallel_loop3A_331 = tpu.dynamic_gather %parallel_loop3A_325[%parallel_loop3A_330] in [0] : vector<16xf32>, vector<16xi32> -> vector<16xf32>
        %parallel_loop3A_332 = arith.addf %parallel_loop3A_325, %parallel_loop3A_331 : vector<16xf32>
        %parallel_loop3A_333 = arith.constant 8 : i32
        %parallel_loop3A_334 = vector.broadcast %parallel_loop3A_333 : i32 to vector<16xi32>
        %parallel_loop3A_335 = arith.xori %iota3A, %parallel_loop3A_334 : vector<16xi32>
        %parallel_loop3A_336 = vector.shape_cast %parallel_loop3A_335 : vector<16xi32> to vector<16x1xi32>
        %parallel_loop3A_337 = vector.shape_cast %parallel_loop3A_336 : vector<16x1xi32> to vector<16xi32>
        %parallel_loop3A_338 = tpu.dynamic_gather %parallel_loop3A_332[%parallel_loop3A_337] in [0] : vector<16xf32>, vector<16xi32> -> vector<16xf32>
        %parallel_loop3A_339 = arith.addf %parallel_loop3A_332, %parallel_loop3A_338 : vector<16xf32>
        %parallel_loop3A_340 = arith.select %parallel_loop3A_311, %parallel_loop3A_339, %parallel_loop3A_162 : vector<16xi1>, vector<16xf32>
        %parallel_loop3A_341 = arith.constant 0.000000e+00 : f32
        %parallel_loop3A_342 = vector.broadcast %parallel_loop3A_341 : f32 to vector<16xf32>
        %parallel_loop3A_343 = arith.index_cast %parallel_loop3A_160 : i32 to index
        %parallel_loop3A_344 = arith.constant 128 : index
        %parallel_loop3A_345 = tpu.vector_load %arg15[%parallel_loop3A_343, %parallel_loop3A_344] {strides = array<i32>} : memref<40x512xf32, #tpu.memory_space<vmem>>, vector<1x16xf32>,
        %parallel_loop3A_346 = vector.shape_cast %parallel_loop3A_345 : vector<1x16xf32> to vector<16xf32>
        %parallel_loop3A_347 = arith.index_cast %parallel_loop3A_160 : i32 to index
        %parallel_loop3A_348 = arith.constant 128 : index
        %parallel_loop3A_349 = tpu.vector_load %arg17[%parallel_loop3A_347, %parallel_loop3A_348] {strides = array<i32>} : memref<40x512xf32, #tpu.memory_space<vmem>>, vector<1x16xf32>,
        %parallel_loop3A_350 = vector.shape_cast %parallel_loop3A_349 : vector<1x16xf32> to vector<16xf32>
        %parallel_loop3A_351 = arith.addf %parallel_loop3A_346, %parallel_loop3A_350 : vector<16xf32>
        %parallel_loop3A_352 = arith.constant 2.000000e-01 : f32
        %parallel_loop3A_353 = vector.broadcast %parallel_loop3A_352 : f32 to vector<16xf32>
        %parallel_loop3A_354 = arith.mulf %parallel_loop3A_353, %parallel_loop3A_351 : vector<16xf32>
        %parallel_loop3A_355 = arith.maximumf %parallel_loop3A_351, %parallel_loop3A_354 : vector<16xf32>
        %parallel_loop3A_356 = arith.constant 128 : index
        %parallel_loop3A_357 = tpu.vector_load %arg13[%parallel_loop3A_356] {strides = array<i32>} : memref<512xf32, #tpu.memory_space<vmem>>, vector<16xf32>,
        %parallel_loop3A_358 = vector.shape_cast %parallel_loop3A_357 : vector<16xf32> to vector<16xf32>
        %parallel_loop3A_359 = arith.mulf %parallel_loop3A_355, %parallel_loop3A_358 : vector<16xf32>
        %parallel_loop3A_360 = arith.addf %parallel_loop3A_342, %parallel_loop3A_359 : vector<16xf32>
        %parallel_loop3A_361 = arith.index_cast %parallel_loop3A_160 : i32 to index
        %parallel_loop3A_362 = arith.constant 144 : index
        %parallel_loop3A_363 = tpu.vector_load %arg15[%parallel_loop3A_361, %parallel_loop3A_362] {strides = array<i32>} : memref<40x512xf32, #tpu.memory_space<vmem>>, vector<1x16xf32>,
        %parallel_loop3A_364 = vector.shape_cast %parallel_loop3A_363 : vector<1x16xf32> to vector<16xf32>
        %parallel_loop3A_365 = arith.index_cast %parallel_loop3A_160 : i32 to index
        %parallel_loop3A_366 = arith.constant 144 : index
        %parallel_loop3A_367 = tpu.vector_load %arg17[%parallel_loop3A_365, %parallel_loop3A_366] {strides = array<i32>} : memref<40x512xf32, #tpu.memory_space<vmem>>, vector<1x16xf32>,
        %parallel_loop3A_368 = vector.shape_cast %parallel_loop3A_367 : vector<1x16xf32> to vector<16xf32>
        %parallel_loop3A_369 = arith.addf %parallel_loop3A_364, %parallel_loop3A_368 : vector<16xf32>
        %parallel_loop3A_370 = arith.constant 2.000000e-01 : f32
        %parallel_loop3A_371 = vector.broadcast %parallel_loop3A_370 : f32 to vector<16xf32>
        %parallel_loop3A_372 = arith.mulf %parallel_loop3A_371, %parallel_loop3A_369 : vector<16xf32>
        %parallel_loop3A_373 = arith.maximumf %parallel_loop3A_369, %parallel_loop3A_372 : vector<16xf32>
        %parallel_loop3A_374 = arith.constant 144 : index
        %parallel_loop3A_375 = tpu.vector_load %arg13[%parallel_loop3A_374] {strides = array<i32>} : memref<512xf32, #tpu.memory_space<vmem>>, vector<16xf32>,
        %parallel_loop3A_376 = vector.shape_cast %parallel_loop3A_375 : vector<16xf32> to vector<16xf32>
        %parallel_loop3A_377 = arith.mulf %parallel_loop3A_373, %parallel_loop3A_376 : vector<16xf32>
        %parallel_loop3A_378 = arith.addf %parallel_loop3A_360, %parallel_loop3A_377 : vector<16xf32>
        %parallel_loop3A_379 = arith.index_cast %parallel_loop3A_160 : i32 to index
        %parallel_loop3A_380 = arith.constant 160 : index
        %parallel_loop3A_381 = tpu.vector_load %arg15[%parallel_loop3A_379, %parallel_loop3A_380] {strides = array<i32>} : memref<40x512xf32, #tpu.memory_space<vmem>>, vector<1x16xf32>,
        %parallel_loop3A_382 = vector.shape_cast %parallel_loop3A_381 : vector<1x16xf32> to vector<16xf32>
        %parallel_loop3A_383 = arith.index_cast %parallel_loop3A_160 : i32 to index
        %parallel_loop3A_384 = arith.constant 160 : index
        %parallel_loop3A_385 = tpu.vector_load %arg17[%parallel_loop3A_383, %parallel_loop3A_384] {strides = array<i32>} : memref<40x512xf32, #tpu.memory_space<vmem>>, vector<1x16xf32>,
        %parallel_loop3A_386 = vector.shape_cast %parallel_loop3A_385 : vector<1x16xf32> to vector<16xf32>
        %parallel_loop3A_387 = arith.addf %parallel_loop3A_382, %parallel_loop3A_386 : vector<16xf32>
        %parallel_loop3A_388 = arith.constant 2.000000e-01 : f32
        %parallel_loop3A_389 = vector.broadcast %parallel_loop3A_388 : f32 to vector<16xf32>
        %parallel_loop3A_390 = arith.mulf %parallel_loop3A_389, %parallel_loop3A_387 : vector<16xf32>
        %parallel_loop3A_391 = arith.maximumf %parallel_loop3A_387, %parallel_loop3A_390 : vector<16xf32>
        %parallel_loop3A_392 = arith.constant 160 : index
        %parallel_loop3A_393 = tpu.vector_load %arg13[%parallel_loop3A_392] {strides = array<i32>} : memref<512xf32, #tpu.memory_space<vmem>>, vector<16xf32>,
        %parallel_loop3A_394 = vector.shape_cast %parallel_loop3A_393 : vector<16xf32> to vector<16xf32>
        %parallel_loop3A_395 = arith.mulf %parallel_loop3A_391, %parallel_loop3A_394 : vector<16xf32>
        %parallel_loop3A_396 = arith.addf %parallel_loop3A_378, %parallel_loop3A_395 : vector<16xf32>
        %parallel_loop3A_397 = arith.index_cast %parallel_loop3A_160 : i32 to index
        %parallel_loop3A_398 = arith.constant 176 : index
        %parallel_loop3A_399 = tpu.vector_load %arg15[%parallel_loop3A_397, %parallel_loop3A_398] {strides = array<i32>} : memref<40x512xf32, #tpu.memory_space<vmem>>, vector<1x16xf32>,
        %parallel_loop3A_400 = vector.shape_cast %parallel_loop3A_399 : vector<1x16xf32> to vector<16xf32>
        %parallel_loop3A_401 = arith.index_cast %parallel_loop3A_160 : i32 to index
        %parallel_loop3A_402 = arith.constant 176 : index
        %parallel_loop3A_403 = tpu.vector_load %arg17[%parallel_loop3A_401, %parallel_loop3A_402] {strides = array<i32>} : memref<40x512xf32, #tpu.memory_space<vmem>>, vector<1x16xf32>,
        %parallel_loop3A_404 = vector.shape_cast %parallel_loop3A_403 : vector<1x16xf32> to vector<16xf32>
        %parallel_loop3A_405 = arith.addf %parallel_loop3A_400, %parallel_loop3A_404 : vector<16xf32>
        %parallel_loop3A_406 = arith.constant 2.000000e-01 : f32
        %parallel_loop3A_407 = vector.broadcast %parallel_loop3A_406 : f32 to vector<16xf32>
        %parallel_loop3A_408 = arith.mulf %parallel_loop3A_407, %parallel_loop3A_405 : vector<16xf32>
        %parallel_loop3A_409 = arith.maximumf %parallel_loop3A_405, %parallel_loop3A_408 : vector<16xf32>
        %parallel_loop3A_410 = arith.constant 176 : index
        %parallel_loop3A_411 = tpu.vector_load %arg13[%parallel_loop3A_410] {strides = array<i32>} : memref<512xf32, #tpu.memory_space<vmem>>, vector<16xf32>,
        %parallel_loop3A_412 = vector.shape_cast %parallel_loop3A_411 : vector<16xf32> to vector<16xf32>
        %parallel_loop3A_413 = arith.mulf %parallel_loop3A_409, %parallel_loop3A_412 : vector<16xf32>
        %parallel_loop3A_414 = arith.addf %parallel_loop3A_396, %parallel_loop3A_413 : vector<16xf32>
        %parallel_loop3A_415 = arith.index_cast %parallel_loop3A_160 : i32 to index
        %parallel_loop3A_416 = arith.constant 192 : index
        %parallel_loop3A_417 = tpu.vector_load %arg15[%parallel_loop3A_415, %parallel_loop3A_416] {strides = array<i32>} : memref<40x512xf32, #tpu.memory_space<vmem>>, vector<1x16xf32>,
        %parallel_loop3A_418 = vector.shape_cast %parallel_loop3A_417 : vector<1x16xf32> to vector<16xf32>
        %parallel_loop3A_419 = arith.index_cast %parallel_loop3A_160 : i32 to index
        %parallel_loop3A_420 = arith.constant 192 : index
        %parallel_loop3A_421 = tpu.vector_load %arg17[%parallel_loop3A_419, %parallel_loop3A_420] {strides = array<i32>} : memref<40x512xf32, #tpu.memory_space<vmem>>, vector<1x16xf32>,
        %parallel_loop3A_422 = vector.shape_cast %parallel_loop3A_421 : vector<1x16xf32> to vector<16xf32>
        %parallel_loop3A_423 = arith.addf %parallel_loop3A_418, %parallel_loop3A_422 : vector<16xf32>
        %parallel_loop3A_424 = arith.constant 2.000000e-01 : f32
        %parallel_loop3A_425 = vector.broadcast %parallel_loop3A_424 : f32 to vector<16xf32>
        %parallel_loop3A_426 = arith.mulf %parallel_loop3A_425, %parallel_loop3A_423 : vector<16xf32>
        %parallel_loop3A_427 = arith.maximumf %parallel_loop3A_423, %parallel_loop3A_426 : vector<16xf32>
        %parallel_loop3A_428 = arith.constant 192 : index
        %parallel_loop3A_429 = tpu.vector_load %arg13[%parallel_loop3A_428] {strides = array<i32>} : memref<512xf32, #tpu.memory_space<vmem>>, vector<16xf32>,
        %parallel_loop3A_430 = vector.shape_cast %parallel_loop3A_429 : vector<16xf32> to vector<16xf32>
        %parallel_loop3A_431 = arith.mulf %parallel_loop3A_427, %parallel_loop3A_430 : vector<16xf32>
        %parallel_loop3A_432 = arith.addf %parallel_loop3A_414, %parallel_loop3A_431 : vector<16xf32>
        %parallel_loop3A_433 = arith.index_cast %parallel_loop3A_160 : i32 to index
        %parallel_loop3A_434 = arith.constant 208 : index
        %parallel_loop3A_435 = tpu.vector_load %arg15[%parallel_loop3A_433, %parallel_loop3A_434] {strides = array<i32>} : memref<40x512xf32, #tpu.memory_space<vmem>>, vector<1x16xf32>,
        %parallel_loop3A_436 = vector.shape_cast %parallel_loop3A_435 : vector<1x16xf32> to vector<16xf32>
        %parallel_loop3A_437 = arith.index_cast %parallel_loop3A_160 : i32 to index
        %parallel_loop3A_438 = arith.constant 208 : index
        %parallel_loop3A_439 = tpu.vector_load %arg17[%parallel_loop3A_437, %parallel_loop3A_438] {strides = array<i32>} : memref<40x512xf32, #tpu.memory_space<vmem>>, vector<1x16xf32>,
        %parallel_loop3A_440 = vector.shape_cast %parallel_loop3A_439 : vector<1x16xf32> to vector<16xf32>
        %parallel_loop3A_441 = arith.addf %parallel_loop3A_436, %parallel_loop3A_440 : vector<16xf32>
        %parallel_loop3A_442 = arith.constant 2.000000e-01 : f32
        %parallel_loop3A_443 = vector.broadcast %parallel_loop3A_442 : f32 to vector<16xf32>
        %parallel_loop3A_444 = arith.mulf %parallel_loop3A_443, %parallel_loop3A_441 : vector<16xf32>
        %parallel_loop3A_445 = arith.maximumf %parallel_loop3A_441, %parallel_loop3A_444 : vector<16xf32>
        %parallel_loop3A_446 = arith.constant 208 : index
        %parallel_loop3A_447 = tpu.vector_load %arg13[%parallel_loop3A_446] {strides = array<i32>} : memref<512xf32, #tpu.memory_space<vmem>>, vector<16xf32>,
        %parallel_loop3A_448 = vector.shape_cast %parallel_loop3A_447 : vector<16xf32> to vector<16xf32>
        %parallel_loop3A_449 = arith.mulf %parallel_loop3A_445, %parallel_loop3A_448 : vector<16xf32>
        %parallel_loop3A_450 = arith.addf %parallel_loop3A_432, %parallel_loop3A_449 : vector<16xf32>
        %parallel_loop3A_451 = arith.index_cast %parallel_loop3A_160 : i32 to index
        %parallel_loop3A_452 = arith.constant 224 : index
        %parallel_loop3A_453 = tpu.vector_load %arg15[%parallel_loop3A_451, %parallel_loop3A_452] {strides = array<i32>} : memref<40x512xf32, #tpu.memory_space<vmem>>, vector<1x16xf32>,
        %parallel_loop3A_454 = vector.shape_cast %parallel_loop3A_453 : vector<1x16xf32> to vector<16xf32>
        %parallel_loop3A_455 = arith.index_cast %parallel_loop3A_160 : i32 to index
        %parallel_loop3A_456 = arith.constant 224 : index
        %parallel_loop3A_457 = tpu.vector_load %arg17[%parallel_loop3A_455, %parallel_loop3A_456] {strides = array<i32>} : memref<40x512xf32, #tpu.memory_space<vmem>>, vector<1x16xf32>,
        %parallel_loop3A_458 = vector.shape_cast %parallel_loop3A_457 : vector<1x16xf32> to vector<16xf32>
        %parallel_loop3A_459 = arith.addf %parallel_loop3A_454, %parallel_loop3A_458 : vector<16xf32>
        %parallel_loop3A_460 = arith.constant 2.000000e-01 : f32
        %parallel_loop3A_461 = vector.broadcast %parallel_loop3A_460 : f32 to vector<16xf32>
        %parallel_loop3A_462 = arith.mulf %parallel_loop3A_461, %parallel_loop3A_459 : vector<16xf32>
        %parallel_loop3A_463 = arith.maximumf %parallel_loop3A_459, %parallel_loop3A_462 : vector<16xf32>
        %parallel_loop3A_464 = arith.constant 224 : index
        %parallel_loop3A_465 = tpu.vector_load %arg13[%parallel_loop3A_464] {strides = array<i32>} : memref<512xf32, #tpu.memory_space<vmem>>, vector<16xf32>,
        %parallel_loop3A_466 = vector.shape_cast %parallel_loop3A_465 : vector<16xf32> to vector<16xf32>
        %parallel_loop3A_467 = arith.mulf %parallel_loop3A_463, %parallel_loop3A_466 : vector<16xf32>
        %parallel_loop3A_468 = arith.addf %parallel_loop3A_450, %parallel_loop3A_467 : vector<16xf32>
        %parallel_loop3A_469 = arith.index_cast %parallel_loop3A_160 : i32 to index
        %parallel_loop3A_470 = arith.constant 240 : index
        %parallel_loop3A_471 = tpu.vector_load %arg15[%parallel_loop3A_469, %parallel_loop3A_470] {strides = array<i32>} : memref<40x512xf32, #tpu.memory_space<vmem>>, vector<1x16xf32>,
        %parallel_loop3A_472 = vector.shape_cast %parallel_loop3A_471 : vector<1x16xf32> to vector<16xf32>
        %parallel_loop3A_473 = arith.index_cast %parallel_loop3A_160 : i32 to index
        %parallel_loop3A_474 = arith.constant 240 : index
        %parallel_loop3A_475 = tpu.vector_load %arg17[%parallel_loop3A_473, %parallel_loop3A_474] {strides = array<i32>} : memref<40x512xf32, #tpu.memory_space<vmem>>, vector<1x16xf32>,
        %parallel_loop3A_476 = vector.shape_cast %parallel_loop3A_475 : vector<1x16xf32> to vector<16xf32>
        %parallel_loop3A_477 = arith.addf %parallel_loop3A_472, %parallel_loop3A_476 : vector<16xf32>
        %parallel_loop3A_478 = arith.constant 2.000000e-01 : f32
        %parallel_loop3A_479 = vector.broadcast %parallel_loop3A_478 : f32 to vector<16xf32>
        %parallel_loop3A_480 = arith.mulf %parallel_loop3A_479, %parallel_loop3A_477 : vector<16xf32>
        %parallel_loop3A_481 = arith.maximumf %parallel_loop3A_477, %parallel_loop3A_480 : vector<16xf32>
        %parallel_loop3A_482 = arith.constant 240 : index
        %parallel_loop3A_483 = tpu.vector_load %arg13[%parallel_loop3A_482] {strides = array<i32>} : memref<512xf32, #tpu.memory_space<vmem>>, vector<16xf32>,
        %parallel_loop3A_484 = vector.shape_cast %parallel_loop3A_483 : vector<16xf32> to vector<16xf32>
        %parallel_loop3A_485 = arith.mulf %parallel_loop3A_481, %parallel_loop3A_484 : vector<16xf32>
        %parallel_loop3A_486 = arith.addf %parallel_loop3A_468, %parallel_loop3A_485 : vector<16xf32>
        %parallel_loop3A_487 = arith.constant 1 : i32
        %parallel_loop3A_488 = vector.broadcast %parallel_loop3A_487 : i32 to vector<16xi32>
        %parallel_loop3A_489 = arith.cmpi eq, %iota3A, %parallel_loop3A_488 : vector<16xi32>
        %parallel_loop3A_490 = arith.constant 1 : i32
        %parallel_loop3A_491 = vector.broadcast %parallel_loop3A_490 : i32 to vector<16xi32>
        %parallel_loop3A_492 = arith.xori %iota3A, %parallel_loop3A_491 : vector<16xi32>
        %parallel_loop3A_493 = vector.shape_cast %parallel_loop3A_492 : vector<16xi32> to vector<16x1xi32>
        %parallel_loop3A_494 = vector.shape_cast %parallel_loop3A_493 : vector<16x1xi32> to vector<16xi32>
        %parallel_loop3A_495 = tpu.dynamic_gather %parallel_loop3A_486[%parallel_loop3A_494] in [0] : vector<16xf32>, vector<16xi32> -> vector<16xf32>
        %parallel_loop3A_496 = arith.addf %parallel_loop3A_486, %parallel_loop3A_495 : vector<16xf32>
        %parallel_loop3A_497 = arith.constant 2 : i32
        %parallel_loop3A_498 = vector.broadcast %parallel_loop3A_497 : i32 to vector<16xi32>
        %parallel_loop3A_499 = arith.xori %iota3A, %parallel_loop3A_498 : vector<16xi32>
        %parallel_loop3A_500 = vector.shape_cast %parallel_loop3A_499 : vector<16xi32> to vector<16x1xi32>
        %parallel_loop3A_501 = vector.shape_cast %parallel_loop3A_500 : vector<16x1xi32> to vector<16xi32>
        %parallel_loop3A_502 = tpu.dynamic_gather %parallel_loop3A_496[%parallel_loop3A_501] in [0] : vector<16xf32>, vector<16xi32> -> vector<16xf32>
        %parallel_loop3A_503 = arith.addf %parallel_loop3A_496, %parallel_loop3A_502 : vector<16xf32>
        %parallel_loop3A_504 = arith.constant 4 : i32
        %parallel_loop3A_505 = vector.broadcast %parallel_loop3A_504 : i32 to vector<16xi32>
        %parallel_loop3A_506 = arith.xori %iota3A, %parallel_loop3A_505 : vector<16xi32>
        %parallel_loop3A_507 = vector.shape_cast %parallel_loop3A_506 : vector<16xi32> to vector<16x1xi32>
        %parallel_loop3A_508 = vector.shape_cast %parallel_loop3A_507 : vector<16x1xi32> to vector<16xi32>
        %parallel_loop3A_509 = tpu.dynamic_gather %parallel_loop3A_503[%parallel_loop3A_508] in [0] : vector<16xf32>, vector<16xi32> -> vector<16xf32>
        %parallel_loop3A_510 = arith.addf %parallel_loop3A_503, %parallel_loop3A_509 : vector<16xf32>
        %parallel_loop3A_511 = arith.constant 8 : i32
        %parallel_loop3A_512 = vector.broadcast %parallel_loop3A_511 : i32 to vector<16xi32>
        %parallel_loop3A_513 = arith.xori %iota3A, %parallel_loop3A_512 : vector<16xi32>
        %parallel_loop3A_514 = vector.shape_cast %parallel_loop3A_513 : vector<16xi32> to vector<16x1xi32>
        %parallel_loop3A_515 = vector.shape_cast %parallel_loop3A_514 : vector<16x1xi32> to vector<16xi32>
        %parallel_loop3A_516 = tpu.dynamic_gather %parallel_loop3A_510[%parallel_loop3A_515] in [0] : vector<16xf32>, vector<16xi32> -> vector<16xf32>
        %parallel_loop3A_517 = arith.addf %parallel_loop3A_510, %parallel_loop3A_516 : vector<16xf32>
        %parallel_loop3A_518 = arith.select %parallel_loop3A_489, %parallel_loop3A_517, %parallel_loop3A_340 : vector<16xi1>, vector<16xf32>
        %parallel_loop3A_519 = arith.constant 0.000000e+00 : f32
        %parallel_loop3A_520 = vector.broadcast %parallel_loop3A_519 : f32 to vector<16xf32>
        %parallel_loop3A_521 = arith.index_cast %parallel_loop3A_160 : i32 to index
        %parallel_loop3A_522 = arith.constant 256 : index
        %parallel_loop3A_523 = tpu.vector_load %arg15[%parallel_loop3A_521, %parallel_loop3A_522] {strides = array<i32>} : memref<40x512xf32, #tpu.memory_space<vmem>>, vector<1x16xf32>,
        %parallel_loop3A_524 = vector.shape_cast %parallel_loop3A_523 : vector<1x16xf32> to vector<16xf32>
        %parallel_loop3A_525 = arith.index_cast %parallel_loop3A_160 : i32 to index
        %parallel_loop3A_526 = arith.constant 256 : index
        %parallel_loop3A_527 = tpu.vector_load %arg17[%parallel_loop3A_525, %parallel_loop3A_526] {strides = array<i32>} : memref<40x512xf32, #tpu.memory_space<vmem>>, vector<1x16xf32>,
        %parallel_loop3A_528 = vector.shape_cast %parallel_loop3A_527 : vector<1x16xf32> to vector<16xf32>
        %parallel_loop3A_529 = arith.addf %parallel_loop3A_524, %parallel_loop3A_528 : vector<16xf32>
        %parallel_loop3A_530 = arith.constant 2.000000e-01 : f32
        %parallel_loop3A_531 = vector.broadcast %parallel_loop3A_530 : f32 to vector<16xf32>
        %parallel_loop3A_532 = arith.mulf %parallel_loop3A_531, %parallel_loop3A_529 : vector<16xf32>
        %parallel_loop3A_533 = arith.maximumf %parallel_loop3A_529, %parallel_loop3A_532 : vector<16xf32>
        %parallel_loop3A_534 = arith.constant 256 : index
        %parallel_loop3A_535 = tpu.vector_load %arg13[%parallel_loop3A_534] {strides = array<i32>} : memref<512xf32, #tpu.memory_space<vmem>>, vector<16xf32>,
        %parallel_loop3A_536 = vector.shape_cast %parallel_loop3A_535 : vector<16xf32> to vector<16xf32>
        %parallel_loop3A_537 = arith.mulf %parallel_loop3A_533, %parallel_loop3A_536 : vector<16xf32>
        %parallel_loop3A_538 = arith.addf %parallel_loop3A_520, %parallel_loop3A_537 : vector<16xf32>
        %parallel_loop3A_539 = arith.index_cast %parallel_loop3A_160 : i32 to index
        %parallel_loop3A_540 = arith.constant 272 : index
        %parallel_loop3A_541 = tpu.vector_load %arg15[%parallel_loop3A_539, %parallel_loop3A_540] {strides = array<i32>} : memref<40x512xf32, #tpu.memory_space<vmem>>, vector<1x16xf32>,
        %parallel_loop3A_542 = vector.shape_cast %parallel_loop3A_541 : vector<1x16xf32> to vector<16xf32>
        %parallel_loop3A_543 = arith.index_cast %parallel_loop3A_160 : i32 to index
        %parallel_loop3A_544 = arith.constant 272 : index
        %parallel_loop3A_545 = tpu.vector_load %arg17[%parallel_loop3A_543, %parallel_loop3A_544] {strides = array<i32>} : memref<40x512xf32, #tpu.memory_space<vmem>>, vector<1x16xf32>,
        %parallel_loop3A_546 = vector.shape_cast %parallel_loop3A_545 : vector<1x16xf32> to vector<16xf32>
        %parallel_loop3A_547 = arith.addf %parallel_loop3A_542, %parallel_loop3A_546 : vector<16xf32>
        %parallel_loop3A_548 = arith.constant 2.000000e-01 : f32
        %parallel_loop3A_549 = vector.broadcast %parallel_loop3A_548 : f32 to vector<16xf32>
        %parallel_loop3A_550 = arith.mulf %parallel_loop3A_549, %parallel_loop3A_547 : vector<16xf32>
        %parallel_loop3A_551 = arith.maximumf %parallel_loop3A_547, %parallel_loop3A_550 : vector<16xf32>
        %parallel_loop3A_552 = arith.constant 272 : index
        %parallel_loop3A_553 = tpu.vector_load %arg13[%parallel_loop3A_552] {strides = array<i32>} : memref<512xf32, #tpu.memory_space<vmem>>, vector<16xf32>,
        %parallel_loop3A_554 = vector.shape_cast %parallel_loop3A_553 : vector<16xf32> to vector<16xf32>
        %parallel_loop3A_555 = arith.mulf %parallel_loop3A_551, %parallel_loop3A_554 : vector<16xf32>
        %parallel_loop3A_556 = arith.addf %parallel_loop3A_538, %parallel_loop3A_555 : vector<16xf32>
        %parallel_loop3A_557 = arith.index_cast %parallel_loop3A_160 : i32 to index
        %parallel_loop3A_558 = arith.constant 288 : index
        %parallel_loop3A_559 = tpu.vector_load %arg15[%parallel_loop3A_557, %parallel_loop3A_558] {strides = array<i32>} : memref<40x512xf32, #tpu.memory_space<vmem>>, vector<1x16xf32>,
        %parallel_loop3A_560 = vector.shape_cast %parallel_loop3A_559 : vector<1x16xf32> to vector<16xf32>
        %parallel_loop3A_561 = arith.index_cast %parallel_loop3A_160 : i32 to index
        %parallel_loop3A_562 = arith.constant 288 : index
        %parallel_loop3A_563 = tpu.vector_load %arg17[%parallel_loop3A_561, %parallel_loop3A_562] {strides = array<i32>} : memref<40x512xf32, #tpu.memory_space<vmem>>, vector<1x16xf32>,
        %parallel_loop3A_564 = vector.shape_cast %parallel_loop3A_563 : vector<1x16xf32> to vector<16xf32>
        %parallel_loop3A_565 = arith.addf %parallel_loop3A_560, %parallel_loop3A_564 : vector<16xf32>
        %parallel_loop3A_566 = arith.constant 2.000000e-01 : f32
        %parallel_loop3A_567 = vector.broadcast %parallel_loop3A_566 : f32 to vector<16xf32>
        %parallel_loop3A_568 = arith.mulf %parallel_loop3A_567, %parallel_loop3A_565 : vector<16xf32>
        %parallel_loop3A_569 = arith.maximumf %parallel_loop3A_565, %parallel_loop3A_568 : vector<16xf32>
        %parallel_loop3A_570 = arith.constant 288 : index
        %parallel_loop3A_571 = tpu.vector_load %arg13[%parallel_loop3A_570] {strides = array<i32>} : memref<512xf32, #tpu.memory_space<vmem>>, vector<16xf32>,
        %parallel_loop3A_572 = vector.shape_cast %parallel_loop3A_571 : vector<16xf32> to vector<16xf32>
        %parallel_loop3A_573 = arith.mulf %parallel_loop3A_569, %parallel_loop3A_572 : vector<16xf32>
        %parallel_loop3A_574 = arith.addf %parallel_loop3A_556, %parallel_loop3A_573 : vector<16xf32>
        %parallel_loop3A_575 = arith.index_cast %parallel_loop3A_160 : i32 to index
        %parallel_loop3A_576 = arith.constant 304 : index
        %parallel_loop3A_577 = tpu.vector_load %arg15[%parallel_loop3A_575, %parallel_loop3A_576] {strides = array<i32>} : memref<40x512xf32, #tpu.memory_space<vmem>>, vector<1x16xf32>,
        %parallel_loop3A_578 = vector.shape_cast %parallel_loop3A_577 : vector<1x16xf32> to vector<16xf32>
        %parallel_loop3A_579 = arith.index_cast %parallel_loop3A_160 : i32 to index
        %parallel_loop3A_580 = arith.constant 304 : index
        %parallel_loop3A_581 = tpu.vector_load %arg17[%parallel_loop3A_579, %parallel_loop3A_580] {strides = array<i32>} : memref<40x512xf32, #tpu.memory_space<vmem>>, vector<1x16xf32>,
        %parallel_loop3A_582 = vector.shape_cast %parallel_loop3A_581 : vector<1x16xf32> to vector<16xf32>
        %parallel_loop3A_583 = arith.addf %parallel_loop3A_578, %parallel_loop3A_582 : vector<16xf32>
        %parallel_loop3A_584 = arith.constant 2.000000e-01 : f32
        %parallel_loop3A_585 = vector.broadcast %parallel_loop3A_584 : f32 to vector<16xf32>
        %parallel_loop3A_586 = arith.mulf %parallel_loop3A_585, %parallel_loop3A_583 : vector<16xf32>
        %parallel_loop3A_587 = arith.maximumf %parallel_loop3A_583, %parallel_loop3A_586 : vector<16xf32>
        %parallel_loop3A_588 = arith.constant 304 : index
        %parallel_loop3A_589 = tpu.vector_load %arg13[%parallel_loop3A_588] {strides = array<i32>} : memref<512xf32, #tpu.memory_space<vmem>>, vector<16xf32>,
        %parallel_loop3A_590 = vector.shape_cast %parallel_loop3A_589 : vector<16xf32> to vector<16xf32>
        %parallel_loop3A_591 = arith.mulf %parallel_loop3A_587, %parallel_loop3A_590 : vector<16xf32>
        %parallel_loop3A_592 = arith.addf %parallel_loop3A_574, %parallel_loop3A_591 : vector<16xf32>
        %parallel_loop3A_593 = arith.index_cast %parallel_loop3A_160 : i32 to index
        %parallel_loop3A_594 = arith.constant 320 : index
        %parallel_loop3A_595 = tpu.vector_load %arg15[%parallel_loop3A_593, %parallel_loop3A_594] {strides = array<i32>} : memref<40x512xf32, #tpu.memory_space<vmem>>, vector<1x16xf32>,
        %parallel_loop3A_596 = vector.shape_cast %parallel_loop3A_595 : vector<1x16xf32> to vector<16xf32>
        %parallel_loop3A_597 = arith.index_cast %parallel_loop3A_160 : i32 to index
        %parallel_loop3A_598 = arith.constant 320 : index
        %parallel_loop3A_599 = tpu.vector_load %arg17[%parallel_loop3A_597, %parallel_loop3A_598] {strides = array<i32>} : memref<40x512xf32, #tpu.memory_space<vmem>>, vector<1x16xf32>,
        %parallel_loop3A_600 = vector.shape_cast %parallel_loop3A_599 : vector<1x16xf32> to vector<16xf32>
        %parallel_loop3A_601 = arith.addf %parallel_loop3A_596, %parallel_loop3A_600 : vector<16xf32>
        %parallel_loop3A_602 = arith.constant 2.000000e-01 : f32
        %parallel_loop3A_603 = vector.broadcast %parallel_loop3A_602 : f32 to vector<16xf32>
        %parallel_loop3A_604 = arith.mulf %parallel_loop3A_603, %parallel_loop3A_601 : vector<16xf32>
        %parallel_loop3A_605 = arith.maximumf %parallel_loop3A_601, %parallel_loop3A_604 : vector<16xf32>
        %parallel_loop3A_606 = arith.constant 320 : index
        %parallel_loop3A_607 = tpu.vector_load %arg13[%parallel_loop3A_606] {strides = array<i32>} : memref<512xf32, #tpu.memory_space<vmem>>, vector<16xf32>,
        %parallel_loop3A_608 = vector.shape_cast %parallel_loop3A_607 : vector<16xf32> to vector<16xf32>
        %parallel_loop3A_609 = arith.mulf %parallel_loop3A_605, %parallel_loop3A_608 : vector<16xf32>
        %parallel_loop3A_610 = arith.addf %parallel_loop3A_592, %parallel_loop3A_609 : vector<16xf32>
        %parallel_loop3A_611 = arith.index_cast %parallel_loop3A_160 : i32 to index
        %parallel_loop3A_612 = arith.constant 336 : index
        %parallel_loop3A_613 = tpu.vector_load %arg15[%parallel_loop3A_611, %parallel_loop3A_612] {strides = array<i32>} : memref<40x512xf32, #tpu.memory_space<vmem>>, vector<1x16xf32>,
        %parallel_loop3A_614 = vector.shape_cast %parallel_loop3A_613 : vector<1x16xf32> to vector<16xf32>
        %parallel_loop3A_615 = arith.index_cast %parallel_loop3A_160 : i32 to index
        %parallel_loop3A_616 = arith.constant 336 : index
        %parallel_loop3A_617 = tpu.vector_load %arg17[%parallel_loop3A_615, %parallel_loop3A_616] {strides = array<i32>} : memref<40x512xf32, #tpu.memory_space<vmem>>, vector<1x16xf32>,
        %parallel_loop3A_618 = vector.shape_cast %parallel_loop3A_617 : vector<1x16xf32> to vector<16xf32>
        %parallel_loop3A_619 = arith.addf %parallel_loop3A_614, %parallel_loop3A_618 : vector<16xf32>
        %parallel_loop3A_620 = arith.constant 2.000000e-01 : f32
        %parallel_loop3A_621 = vector.broadcast %parallel_loop3A_620 : f32 to vector<16xf32>
        %parallel_loop3A_622 = arith.mulf %parallel_loop3A_621, %parallel_loop3A_619 : vector<16xf32>
        %parallel_loop3A_623 = arith.maximumf %parallel_loop3A_619, %parallel_loop3A_622 : vector<16xf32>
        %parallel_loop3A_624 = arith.constant 336 : index
        %parallel_loop3A_625 = tpu.vector_load %arg13[%parallel_loop3A_624] {strides = array<i32>} : memref<512xf32, #tpu.memory_space<vmem>>, vector<16xf32>,
        %parallel_loop3A_626 = vector.shape_cast %parallel_loop3A_625 : vector<16xf32> to vector<16xf32>
        %parallel_loop3A_627 = arith.mulf %parallel_loop3A_623, %parallel_loop3A_626 : vector<16xf32>
        %parallel_loop3A_628 = arith.addf %parallel_loop3A_610, %parallel_loop3A_627 : vector<16xf32>
        %parallel_loop3A_629 = arith.index_cast %parallel_loop3A_160 : i32 to index
        %parallel_loop3A_630 = arith.constant 352 : index
        %parallel_loop3A_631 = tpu.vector_load %arg15[%parallel_loop3A_629, %parallel_loop3A_630] {strides = array<i32>} : memref<40x512xf32, #tpu.memory_space<vmem>>, vector<1x16xf32>,
        %parallel_loop3A_632 = vector.shape_cast %parallel_loop3A_631 : vector<1x16xf32> to vector<16xf32>
        %parallel_loop3A_633 = arith.index_cast %parallel_loop3A_160 : i32 to index
        %parallel_loop3A_634 = arith.constant 352 : index
        %parallel_loop3A_635 = tpu.vector_load %arg17[%parallel_loop3A_633, %parallel_loop3A_634] {strides = array<i32>} : memref<40x512xf32, #tpu.memory_space<vmem>>, vector<1x16xf32>,
        %parallel_loop3A_636 = vector.shape_cast %parallel_loop3A_635 : vector<1x16xf32> to vector<16xf32>
        %parallel_loop3A_637 = arith.addf %parallel_loop3A_632, %parallel_loop3A_636 : vector<16xf32>
        %parallel_loop3A_638 = arith.constant 2.000000e-01 : f32
        %parallel_loop3A_639 = vector.broadcast %parallel_loop3A_638 : f32 to vector<16xf32>
        %parallel_loop3A_640 = arith.mulf %parallel_loop3A_639, %parallel_loop3A_637 : vector<16xf32>
        %parallel_loop3A_641 = arith.maximumf %parallel_loop3A_637, %parallel_loop3A_640 : vector<16xf32>
        %parallel_loop3A_642 = arith.constant 352 : index
        %parallel_loop3A_643 = tpu.vector_load %arg13[%parallel_loop3A_642] {strides = array<i32>} : memref<512xf32, #tpu.memory_space<vmem>>, vector<16xf32>,
        %parallel_loop3A_644 = vector.shape_cast %parallel_loop3A_643 : vector<16xf32> to vector<16xf32>
        %parallel_loop3A_645 = arith.mulf %parallel_loop3A_641, %parallel_loop3A_644 : vector<16xf32>
        %parallel_loop3A_646 = arith.addf %parallel_loop3A_628, %parallel_loop3A_645 : vector<16xf32>
        %parallel_loop3A_647 = arith.index_cast %parallel_loop3A_160 : i32 to index
        %parallel_loop3A_648 = arith.constant 368 : index
        %parallel_loop3A_649 = tpu.vector_load %arg15[%parallel_loop3A_647, %parallel_loop3A_648] {strides = array<i32>} : memref<40x512xf32, #tpu.memory_space<vmem>>, vector<1x16xf32>,
        %parallel_loop3A_650 = vector.shape_cast %parallel_loop3A_649 : vector<1x16xf32> to vector<16xf32>
        %parallel_loop3A_651 = arith.index_cast %parallel_loop3A_160 : i32 to index
        %parallel_loop3A_652 = arith.constant 368 : index
        %parallel_loop3A_653 = tpu.vector_load %arg17[%parallel_loop3A_651, %parallel_loop3A_652] {strides = array<i32>} : memref<40x512xf32, #tpu.memory_space<vmem>>, vector<1x16xf32>,
        %parallel_loop3A_654 = vector.shape_cast %parallel_loop3A_653 : vector<1x16xf32> to vector<16xf32>
        %parallel_loop3A_655 = arith.addf %parallel_loop3A_650, %parallel_loop3A_654 : vector<16xf32>
        %parallel_loop3A_656 = arith.constant 2.000000e-01 : f32
        %parallel_loop3A_657 = vector.broadcast %parallel_loop3A_656 : f32 to vector<16xf32>
        %parallel_loop3A_658 = arith.mulf %parallel_loop3A_657, %parallel_loop3A_655 : vector<16xf32>
        %parallel_loop3A_659 = arith.maximumf %parallel_loop3A_655, %parallel_loop3A_658 : vector<16xf32>
        %parallel_loop3A_660 = arith.constant 368 : index
        %parallel_loop3A_661 = tpu.vector_load %arg13[%parallel_loop3A_660] {strides = array<i32>} : memref<512xf32, #tpu.memory_space<vmem>>, vector<16xf32>,
        %parallel_loop3A_662 = vector.shape_cast %parallel_loop3A_661 : vector<16xf32> to vector<16xf32>
        %parallel_loop3A_663 = arith.mulf %parallel_loop3A_659, %parallel_loop3A_662 : vector<16xf32>
        %parallel_loop3A_664 = arith.addf %parallel_loop3A_646, %parallel_loop3A_663 : vector<16xf32>
        %parallel_loop3A_665 = arith.constant 2 : i32
        %parallel_loop3A_666 = vector.broadcast %parallel_loop3A_665 : i32 to vector<16xi32>
        %parallel_loop3A_667 = arith.cmpi eq, %iota3A, %parallel_loop3A_666 : vector<16xi32>
        %parallel_loop3A_668 = arith.constant 1 : i32
        %parallel_loop3A_669 = vector.broadcast %parallel_loop3A_668 : i32 to vector<16xi32>
        %parallel_loop3A_670 = arith.xori %iota3A, %parallel_loop3A_669 : vector<16xi32>
        %parallel_loop3A_671 = vector.shape_cast %parallel_loop3A_670 : vector<16xi32> to vector<16x1xi32>
        %parallel_loop3A_672 = vector.shape_cast %parallel_loop3A_671 : vector<16x1xi32> to vector<16xi32>
        %parallel_loop3A_673 = tpu.dynamic_gather %parallel_loop3A_664[%parallel_loop3A_672] in [0] : vector<16xf32>, vector<16xi32> -> vector<16xf32>
        %parallel_loop3A_674 = arith.addf %parallel_loop3A_664, %parallel_loop3A_673 : vector<16xf32>
        %parallel_loop3A_675 = arith.constant 2 : i32
        %parallel_loop3A_676 = vector.broadcast %parallel_loop3A_675 : i32 to vector<16xi32>
        %parallel_loop3A_677 = arith.xori %iota3A, %parallel_loop3A_676 : vector<16xi32>
        %parallel_loop3A_678 = vector.shape_cast %parallel_loop3A_677 : vector<16xi32> to vector<16x1xi32>
        %parallel_loop3A_679 = vector.shape_cast %parallel_loop3A_678 : vector<16x1xi32> to vector<16xi32>
        %parallel_loop3A_680 = tpu.dynamic_gather %parallel_loop3A_674[%parallel_loop3A_679] in [0] : vector<16xf32>, vector<16xi32> -> vector<16xf32>
        %parallel_loop3A_681 = arith.addf %parallel_loop3A_674, %parallel_loop3A_680 : vector<16xf32>
        %parallel_loop3A_682 = arith.constant 4 : i32
        %parallel_loop3A_683 = vector.broadcast %parallel_loop3A_682 : i32 to vector<16xi32>
        %parallel_loop3A_684 = arith.xori %iota3A, %parallel_loop3A_683 : vector<16xi32>
        %parallel_loop3A_685 = vector.shape_cast %parallel_loop3A_684 : vector<16xi32> to vector<16x1xi32>
        %parallel_loop3A_686 = vector.shape_cast %parallel_loop3A_685 : vector<16x1xi32> to vector<16xi32>
        %parallel_loop3A_687 = tpu.dynamic_gather %parallel_loop3A_681[%parallel_loop3A_686] in [0] : vector<16xf32>, vector<16xi32> -> vector<16xf32>
        %parallel_loop3A_688 = arith.addf %parallel_loop3A_681, %parallel_loop3A_687 : vector<16xf32>
        %parallel_loop3A_689 = arith.constant 8 : i32
        %parallel_loop3A_690 = vector.broadcast %parallel_loop3A_689 : i32 to vector<16xi32>
        %parallel_loop3A_691 = arith.xori %iota3A, %parallel_loop3A_690 : vector<16xi32>
        %parallel_loop3A_692 = vector.shape_cast %parallel_loop3A_691 : vector<16xi32> to vector<16x1xi32>
        %parallel_loop3A_693 = vector.shape_cast %parallel_loop3A_692 : vector<16x1xi32> to vector<16xi32>
        %parallel_loop3A_694 = tpu.dynamic_gather %parallel_loop3A_688[%parallel_loop3A_693] in [0] : vector<16xf32>, vector<16xi32> -> vector<16xf32>
        %parallel_loop3A_695 = arith.addf %parallel_loop3A_688, %parallel_loop3A_694 : vector<16xf32>
        %parallel_loop3A_696 = arith.select %parallel_loop3A_667, %parallel_loop3A_695, %parallel_loop3A_518 : vector<16xi1>, vector<16xf32>
        %parallel_loop3A_697 = arith.constant 0.000000e+00 : f32
        %parallel_loop3A_698 = vector.broadcast %parallel_loop3A_697 : f32 to vector<16xf32>
        %parallel_loop3A_699 = arith.index_cast %parallel_loop3A_160 : i32 to index
        %parallel_loop3A_700 = arith.constant 384 : index
        %parallel_loop3A_701 = tpu.vector_load %arg15[%parallel_loop3A_699, %parallel_loop3A_700] {strides = array<i32>} : memref<40x512xf32, #tpu.memory_space<vmem>>, vector<1x16xf32>,
        %parallel_loop3A_702 = vector.shape_cast %parallel_loop3A_701 : vector<1x16xf32> to vector<16xf32>
        %parallel_loop3A_703 = arith.index_cast %parallel_loop3A_160 : i32 to index
        %parallel_loop3A_704 = arith.constant 384 : index
        %parallel_loop3A_705 = tpu.vector_load %arg17[%parallel_loop3A_703, %parallel_loop3A_704] {strides = array<i32>} : memref<40x512xf32, #tpu.memory_space<vmem>>, vector<1x16xf32>,
        %parallel_loop3A_706 = vector.shape_cast %parallel_loop3A_705 : vector<1x16xf32> to vector<16xf32>
        %parallel_loop3A_707 = arith.addf %parallel_loop3A_702, %parallel_loop3A_706 : vector<16xf32>
        %parallel_loop3A_708 = arith.constant 2.000000e-01 : f32
        %parallel_loop3A_709 = vector.broadcast %parallel_loop3A_708 : f32 to vector<16xf32>
        %parallel_loop3A_710 = arith.mulf %parallel_loop3A_709, %parallel_loop3A_707 : vector<16xf32>
        %parallel_loop3A_711 = arith.maximumf %parallel_loop3A_707, %parallel_loop3A_710 : vector<16xf32>
        %parallel_loop3A_712 = arith.constant 384 : index
        %parallel_loop3A_713 = tpu.vector_load %arg13[%parallel_loop3A_712] {strides = array<i32>} : memref<512xf32, #tpu.memory_space<vmem>>, vector<16xf32>,
        %parallel_loop3A_714 = vector.shape_cast %parallel_loop3A_713 : vector<16xf32> to vector<16xf32>
        %parallel_loop3A_715 = arith.mulf %parallel_loop3A_711, %parallel_loop3A_714 : vector<16xf32>
        %parallel_loop3A_716 = arith.addf %parallel_loop3A_698, %parallel_loop3A_715 : vector<16xf32>
        %parallel_loop3A_717 = arith.index_cast %parallel_loop3A_160 : i32 to index
        %parallel_loop3A_718 = arith.constant 400 : index
        %parallel_loop3A_719 = tpu.vector_load %arg15[%parallel_loop3A_717, %parallel_loop3A_718] {strides = array<i32>} : memref<40x512xf32, #tpu.memory_space<vmem>>, vector<1x16xf32>,
        %parallel_loop3A_720 = vector.shape_cast %parallel_loop3A_719 : vector<1x16xf32> to vector<16xf32>
        %parallel_loop3A_721 = arith.index_cast %parallel_loop3A_160 : i32 to index
        %parallel_loop3A_722 = arith.constant 400 : index
        %parallel_loop3A_723 = tpu.vector_load %arg17[%parallel_loop3A_721, %parallel_loop3A_722] {strides = array<i32>} : memref<40x512xf32, #tpu.memory_space<vmem>>, vector<1x16xf32>,
        %parallel_loop3A_724 = vector.shape_cast %parallel_loop3A_723 : vector<1x16xf32> to vector<16xf32>
        %parallel_loop3A_725 = arith.addf %parallel_loop3A_720, %parallel_loop3A_724 : vector<16xf32>
        %parallel_loop3A_726 = arith.constant 2.000000e-01 : f32
        %parallel_loop3A_727 = vector.broadcast %parallel_loop3A_726 : f32 to vector<16xf32>
        %parallel_loop3A_728 = arith.mulf %parallel_loop3A_727, %parallel_loop3A_725 : vector<16xf32>
        %parallel_loop3A_729 = arith.maximumf %parallel_loop3A_725, %parallel_loop3A_728 : vector<16xf32>
        %parallel_loop3A_730 = arith.constant 400 : index
        %parallel_loop3A_731 = tpu.vector_load %arg13[%parallel_loop3A_730] {strides = array<i32>} : memref<512xf32, #tpu.memory_space<vmem>>, vector<16xf32>,
        %parallel_loop3A_732 = vector.shape_cast %parallel_loop3A_731 : vector<16xf32> to vector<16xf32>
        %parallel_loop3A_733 = arith.mulf %parallel_loop3A_729, %parallel_loop3A_732 : vector<16xf32>
        %parallel_loop3A_734 = arith.addf %parallel_loop3A_716, %parallel_loop3A_733 : vector<16xf32>
        %parallel_loop3A_735 = arith.index_cast %parallel_loop3A_160 : i32 to index
        %parallel_loop3A_736 = arith.constant 416 : index
        %parallel_loop3A_737 = tpu.vector_load %arg15[%parallel_loop3A_735, %parallel_loop3A_736] {strides = array<i32>} : memref<40x512xf32, #tpu.memory_space<vmem>>, vector<1x16xf32>,
        %parallel_loop3A_738 = vector.shape_cast %parallel_loop3A_737 : vector<1x16xf32> to vector<16xf32>
        %parallel_loop3A_739 = arith.index_cast %parallel_loop3A_160 : i32 to index
        %parallel_loop3A_740 = arith.constant 416 : index
        %parallel_loop3A_741 = tpu.vector_load %arg17[%parallel_loop3A_739, %parallel_loop3A_740] {strides = array<i32>} : memref<40x512xf32, #tpu.memory_space<vmem>>, vector<1x16xf32>,
        %parallel_loop3A_742 = vector.shape_cast %parallel_loop3A_741 : vector<1x16xf32> to vector<16xf32>
        %parallel_loop3A_743 = arith.addf %parallel_loop3A_738, %parallel_loop3A_742 : vector<16xf32>
        %parallel_loop3A_744 = arith.constant 2.000000e-01 : f32
        %parallel_loop3A_745 = vector.broadcast %parallel_loop3A_744 : f32 to vector<16xf32>
        %parallel_loop3A_746 = arith.mulf %parallel_loop3A_745, %parallel_loop3A_743 : vector<16xf32>
        %parallel_loop3A_747 = arith.maximumf %parallel_loop3A_743, %parallel_loop3A_746 : vector<16xf32>
        %parallel_loop3A_748 = arith.constant 416 : index
        %parallel_loop3A_749 = tpu.vector_load %arg13[%parallel_loop3A_748] {strides = array<i32>} : memref<512xf32, #tpu.memory_space<vmem>>, vector<16xf32>,
        %parallel_loop3A_750 = vector.shape_cast %parallel_loop3A_749 : vector<16xf32> to vector<16xf32>
        %parallel_loop3A_751 = arith.mulf %parallel_loop3A_747, %parallel_loop3A_750 : vector<16xf32>
        %parallel_loop3A_752 = arith.addf %parallel_loop3A_734, %parallel_loop3A_751 : vector<16xf32>
        %parallel_loop3A_753 = arith.index_cast %parallel_loop3A_160 : i32 to index
        %parallel_loop3A_754 = arith.constant 432 : index
        %parallel_loop3A_755 = tpu.vector_load %arg15[%parallel_loop3A_753, %parallel_loop3A_754] {strides = array<i32>} : memref<40x512xf32, #tpu.memory_space<vmem>>, vector<1x16xf32>,
        %parallel_loop3A_756 = vector.shape_cast %parallel_loop3A_755 : vector<1x16xf32> to vector<16xf32>
        %parallel_loop3A_757 = arith.index_cast %parallel_loop3A_160 : i32 to index
        %parallel_loop3A_758 = arith.constant 432 : index
        %parallel_loop3A_759 = tpu.vector_load %arg17[%parallel_loop3A_757, %parallel_loop3A_758] {strides = array<i32>} : memref<40x512xf32, #tpu.memory_space<vmem>>, vector<1x16xf32>,
        %parallel_loop3A_760 = vector.shape_cast %parallel_loop3A_759 : vector<1x16xf32> to vector<16xf32>
        %parallel_loop3A_761 = arith.addf %parallel_loop3A_756, %parallel_loop3A_760 : vector<16xf32>
        %parallel_loop3A_762 = arith.constant 2.000000e-01 : f32
        %parallel_loop3A_763 = vector.broadcast %parallel_loop3A_762 : f32 to vector<16xf32>
        %parallel_loop3A_764 = arith.mulf %parallel_loop3A_763, %parallel_loop3A_761 : vector<16xf32>
        %parallel_loop3A_765 = arith.maximumf %parallel_loop3A_761, %parallel_loop3A_764 : vector<16xf32>
        %parallel_loop3A_766 = arith.constant 432 : index
        %parallel_loop3A_767 = tpu.vector_load %arg13[%parallel_loop3A_766] {strides = array<i32>} : memref<512xf32, #tpu.memory_space<vmem>>, vector<16xf32>,
        %parallel_loop3A_768 = vector.shape_cast %parallel_loop3A_767 : vector<16xf32> to vector<16xf32>
        %parallel_loop3A_769 = arith.mulf %parallel_loop3A_765, %parallel_loop3A_768 : vector<16xf32>
        %parallel_loop3A_770 = arith.addf %parallel_loop3A_752, %parallel_loop3A_769 : vector<16xf32>
        %parallel_loop3A_771 = arith.index_cast %parallel_loop3A_160 : i32 to index
        %parallel_loop3A_772 = arith.constant 448 : index
        %parallel_loop3A_773 = tpu.vector_load %arg15[%parallel_loop3A_771, %parallel_loop3A_772] {strides = array<i32>} : memref<40x512xf32, #tpu.memory_space<vmem>>, vector<1x16xf32>,
        %parallel_loop3A_774 = vector.shape_cast %parallel_loop3A_773 : vector<1x16xf32> to vector<16xf32>
        %parallel_loop3A_775 = arith.index_cast %parallel_loop3A_160 : i32 to index
        %parallel_loop3A_776 = arith.constant 448 : index
        %parallel_loop3A_777 = tpu.vector_load %arg17[%parallel_loop3A_775, %parallel_loop3A_776] {strides = array<i32>} : memref<40x512xf32, #tpu.memory_space<vmem>>, vector<1x16xf32>,
        %parallel_loop3A_778 = vector.shape_cast %parallel_loop3A_777 : vector<1x16xf32> to vector<16xf32>
        %parallel_loop3A_779 = arith.addf %parallel_loop3A_774, %parallel_loop3A_778 : vector<16xf32>
        %parallel_loop3A_780 = arith.constant 2.000000e-01 : f32
        %parallel_loop3A_781 = vector.broadcast %parallel_loop3A_780 : f32 to vector<16xf32>
        %parallel_loop3A_782 = arith.mulf %parallel_loop3A_781, %parallel_loop3A_779 : vector<16xf32>
        %parallel_loop3A_783 = arith.maximumf %parallel_loop3A_779, %parallel_loop3A_782 : vector<16xf32>
        %parallel_loop3A_784 = arith.constant 448 : index
        %parallel_loop3A_785 = tpu.vector_load %arg13[%parallel_loop3A_784] {strides = array<i32>} : memref<512xf32, #tpu.memory_space<vmem>>, vector<16xf32>,
        %parallel_loop3A_786 = vector.shape_cast %parallel_loop3A_785 : vector<16xf32> to vector<16xf32>
        %parallel_loop3A_787 = arith.mulf %parallel_loop3A_783, %parallel_loop3A_786 : vector<16xf32>
        %parallel_loop3A_788 = arith.addf %parallel_loop3A_770, %parallel_loop3A_787 : vector<16xf32>
        %parallel_loop3A_789 = arith.index_cast %parallel_loop3A_160 : i32 to index
        %parallel_loop3A_790 = arith.constant 464 : index
        %parallel_loop3A_791 = tpu.vector_load %arg15[%parallel_loop3A_789, %parallel_loop3A_790] {strides = array<i32>} : memref<40x512xf32, #tpu.memory_space<vmem>>, vector<1x16xf32>,
        %parallel_loop3A_792 = vector.shape_cast %parallel_loop3A_791 : vector<1x16xf32> to vector<16xf32>
        %parallel_loop3A_793 = arith.index_cast %parallel_loop3A_160 : i32 to index
        %parallel_loop3A_794 = arith.constant 464 : index
        %parallel_loop3A_795 = tpu.vector_load %arg17[%parallel_loop3A_793, %parallel_loop3A_794] {strides = array<i32>} : memref<40x512xf32, #tpu.memory_space<vmem>>, vector<1x16xf32>,
        %parallel_loop3A_796 = vector.shape_cast %parallel_loop3A_795 : vector<1x16xf32> to vector<16xf32>
        %parallel_loop3A_797 = arith.addf %parallel_loop3A_792, %parallel_loop3A_796 : vector<16xf32>
        %parallel_loop3A_798 = arith.constant 2.000000e-01 : f32
        %parallel_loop3A_799 = vector.broadcast %parallel_loop3A_798 : f32 to vector<16xf32>
        %parallel_loop3A_800 = arith.mulf %parallel_loop3A_799, %parallel_loop3A_797 : vector<16xf32>
        %parallel_loop3A_801 = arith.maximumf %parallel_loop3A_797, %parallel_loop3A_800 : vector<16xf32>
        %parallel_loop3A_802 = arith.constant 464 : index
        %parallel_loop3A_803 = tpu.vector_load %arg13[%parallel_loop3A_802] {strides = array<i32>} : memref<512xf32, #tpu.memory_space<vmem>>, vector<16xf32>,
        %parallel_loop3A_804 = vector.shape_cast %parallel_loop3A_803 : vector<16xf32> to vector<16xf32>
        %parallel_loop3A_805 = arith.mulf %parallel_loop3A_801, %parallel_loop3A_804 : vector<16xf32>
        %parallel_loop3A_806 = arith.addf %parallel_loop3A_788, %parallel_loop3A_805 : vector<16xf32>
        %parallel_loop3A_807 = arith.index_cast %parallel_loop3A_160 : i32 to index
        %parallel_loop3A_808 = arith.constant 480 : index
        %parallel_loop3A_809 = tpu.vector_load %arg15[%parallel_loop3A_807, %parallel_loop3A_808] {strides = array<i32>} : memref<40x512xf32, #tpu.memory_space<vmem>>, vector<1x16xf32>,
        %parallel_loop3A_810 = vector.shape_cast %parallel_loop3A_809 : vector<1x16xf32> to vector<16xf32>
        %parallel_loop3A_811 = arith.index_cast %parallel_loop3A_160 : i32 to index
        %parallel_loop3A_812 = arith.constant 480 : index
        %parallel_loop3A_813 = tpu.vector_load %arg17[%parallel_loop3A_811, %parallel_loop3A_812] {strides = array<i32>} : memref<40x512xf32, #tpu.memory_space<vmem>>, vector<1x16xf32>,
        %parallel_loop3A_814 = vector.shape_cast %parallel_loop3A_813 : vector<1x16xf32> to vector<16xf32>
        %parallel_loop3A_815 = arith.addf %parallel_loop3A_810, %parallel_loop3A_814 : vector<16xf32>
        %parallel_loop3A_816 = arith.constant 2.000000e-01 : f32
        %parallel_loop3A_817 = vector.broadcast %parallel_loop3A_816 : f32 to vector<16xf32>
        %parallel_loop3A_818 = arith.mulf %parallel_loop3A_817, %parallel_loop3A_815 : vector<16xf32>
        %parallel_loop3A_819 = arith.maximumf %parallel_loop3A_815, %parallel_loop3A_818 : vector<16xf32>
        %parallel_loop3A_820 = arith.constant 480 : index
        %parallel_loop3A_821 = tpu.vector_load %arg13[%parallel_loop3A_820] {strides = array<i32>} : memref<512xf32, #tpu.memory_space<vmem>>, vector<16xf32>,
        %parallel_loop3A_822 = vector.shape_cast %parallel_loop3A_821 : vector<16xf32> to vector<16xf32>
        %parallel_loop3A_823 = arith.mulf %parallel_loop3A_819, %parallel_loop3A_822 : vector<16xf32>
        %parallel_loop3A_824 = arith.addf %parallel_loop3A_806, %parallel_loop3A_823 : vector<16xf32>
        %parallel_loop3A_825 = arith.index_cast %parallel_loop3A_160 : i32 to index
        %parallel_loop3A_826 = arith.constant 496 : index
        %parallel_loop3A_827 = tpu.vector_load %arg15[%parallel_loop3A_825, %parallel_loop3A_826] {strides = array<i32>} : memref<40x512xf32, #tpu.memory_space<vmem>>, vector<1x16xf32>,
        %parallel_loop3A_828 = vector.shape_cast %parallel_loop3A_827 : vector<1x16xf32> to vector<16xf32>
        %parallel_loop3A_829 = arith.index_cast %parallel_loop3A_160 : i32 to index
        %parallel_loop3A_830 = arith.constant 496 : index
        %parallel_loop3A_831 = tpu.vector_load %arg17[%parallel_loop3A_829, %parallel_loop3A_830] {strides = array<i32>} : memref<40x512xf32, #tpu.memory_space<vmem>>, vector<1x16xf32>,
        %parallel_loop3A_832 = vector.shape_cast %parallel_loop3A_831 : vector<1x16xf32> to vector<16xf32>
        %parallel_loop3A_833 = arith.addf %parallel_loop3A_828, %parallel_loop3A_832 : vector<16xf32>
        %parallel_loop3A_834 = arith.constant 2.000000e-01 : f32
        %parallel_loop3A_835 = vector.broadcast %parallel_loop3A_834 : f32 to vector<16xf32>
        %parallel_loop3A_836 = arith.mulf %parallel_loop3A_835, %parallel_loop3A_833 : vector<16xf32>
        %parallel_loop3A_837 = arith.maximumf %parallel_loop3A_833, %parallel_loop3A_836 : vector<16xf32>
        %parallel_loop3A_838 = arith.constant 496 : index
        %parallel_loop3A_839 = tpu.vector_load %arg13[%parallel_loop3A_838] {strides = array<i32>} : memref<512xf32, #tpu.memory_space<vmem>>, vector<16xf32>,
        %parallel_loop3A_840 = vector.shape_cast %parallel_loop3A_839 : vector<16xf32> to vector<16xf32>
        %parallel_loop3A_841 = arith.mulf %parallel_loop3A_837, %parallel_loop3A_840 : vector<16xf32>
        %parallel_loop3A_842 = arith.addf %parallel_loop3A_824, %parallel_loop3A_841 : vector<16xf32>
        %parallel_loop3A_843 = arith.constant 3 : i32
        %parallel_loop3A_844 = vector.broadcast %parallel_loop3A_843 : i32 to vector<16xi32>
        %parallel_loop3A_845 = arith.cmpi eq, %iota3A, %parallel_loop3A_844 : vector<16xi32>
        %parallel_loop3A_846 = arith.constant 1 : i32
        %parallel_loop3A_847 = vector.broadcast %parallel_loop3A_846 : i32 to vector<16xi32>
        %parallel_loop3A_848 = arith.xori %iota3A, %parallel_loop3A_847 : vector<16xi32>
        %parallel_loop3A_849 = vector.shape_cast %parallel_loop3A_848 : vector<16xi32> to vector<16x1xi32>
        %parallel_loop3A_850 = vector.shape_cast %parallel_loop3A_849 : vector<16x1xi32> to vector<16xi32>
        %parallel_loop3A_851 = tpu.dynamic_gather %parallel_loop3A_842[%parallel_loop3A_850] in [0] : vector<16xf32>, vector<16xi32> -> vector<16xf32>
        %parallel_loop3A_852 = arith.addf %parallel_loop3A_842, %parallel_loop3A_851 : vector<16xf32>
        %parallel_loop3A_853 = arith.constant 2 : i32
        %parallel_loop3A_854 = vector.broadcast %parallel_loop3A_853 : i32 to vector<16xi32>
        %parallel_loop3A_855 = arith.xori %iota3A, %parallel_loop3A_854 : vector<16xi32>
        %parallel_loop3A_856 = vector.shape_cast %parallel_loop3A_855 : vector<16xi32> to vector<16x1xi32>
        %parallel_loop3A_857 = vector.shape_cast %parallel_loop3A_856 : vector<16x1xi32> to vector<16xi32>
        %parallel_loop3A_858 = tpu.dynamic_gather %parallel_loop3A_852[%parallel_loop3A_857] in [0] : vector<16xf32>, vector<16xi32> -> vector<16xf32>
        %parallel_loop3A_859 = arith.addf %parallel_loop3A_852, %parallel_loop3A_858 : vector<16xf32>
        %parallel_loop3A_860 = arith.constant 4 : i32
        %parallel_loop3A_861 = vector.broadcast %parallel_loop3A_860 : i32 to vector<16xi32>
        %parallel_loop3A_862 = arith.xori %iota3A, %parallel_loop3A_861 : vector<16xi32>
        %parallel_loop3A_863 = vector.shape_cast %parallel_loop3A_862 : vector<16xi32> to vector<16x1xi32>
        %parallel_loop3A_864 = vector.shape_cast %parallel_loop3A_863 : vector<16x1xi32> to vector<16xi32>
        %parallel_loop3A_865 = tpu.dynamic_gather %parallel_loop3A_859[%parallel_loop3A_864] in [0] : vector<16xf32>, vector<16xi32> -> vector<16xf32>
        %parallel_loop3A_866 = arith.addf %parallel_loop3A_859, %parallel_loop3A_865 : vector<16xf32>
        %parallel_loop3A_867 = arith.constant 8 : i32
        %parallel_loop3A_868 = vector.broadcast %parallel_loop3A_867 : i32 to vector<16xi32>
        %parallel_loop3A_869 = arith.xori %iota3A, %parallel_loop3A_868 : vector<16xi32>
        %parallel_loop3A_870 = vector.shape_cast %parallel_loop3A_869 : vector<16xi32> to vector<16x1xi32>
        %parallel_loop3A_871 = vector.shape_cast %parallel_loop3A_870 : vector<16x1xi32> to vector<16xi32>
        %parallel_loop3A_872 = tpu.dynamic_gather %parallel_loop3A_866[%parallel_loop3A_871] in [0] : vector<16xf32>, vector<16xi32> -> vector<16xf32>
        %parallel_loop3A_873 = arith.addf %parallel_loop3A_866, %parallel_loop3A_872 : vector<16xf32>
        %parallel_loop3A_874 = arith.select %parallel_loop3A_845, %parallel_loop3A_873, %parallel_loop3A_696 : vector<16xi1>, vector<16xf32>
        %parallel_loop3A_875 = arith.constant 4 : i32
        %parallel_loop3A_876 = vector.broadcast %parallel_loop3A_875 : i32 to vector<16xi32>
        %parallel_loop3A_877 = arith.cmpi slt, %iota3A, %parallel_loop3A_876 : vector<16xi32>
        %parallel_loop3A_878 = math.exp %parallel_loop3A_874 : vector<16xf32>
        %parallel_loop3A_879 = arith.constant 0.000000e+00 : f32
        %parallel_loop3A_880 = vector.broadcast %parallel_loop3A_879 : f32 to vector<16xf32>
        %parallel_loop3A_881 = arith.select %parallel_loop3A_877, %parallel_loop3A_878, %parallel_loop3A_880 : vector<16xi1>, vector<16xf32>
        %parallel_loop3A_882 = arith.index_cast %parallel_loop3A_160 : i32 to index
        %parallel_loop3A_883 = arith.constant 0 : index
        %parallel_loop3A_884 = tpu.vector_load %arg19[%parallel_loop3A_882, %parallel_loop3A_883] {strides = array<i32>} : memref<40x16xf32, #tpu.memory_space<vmem>>, vector<1x16xf32>,
        %parallel_loop3A_885 = vector.shape_cast %parallel_loop3A_884 : vector<1x16xf32> to vector<16xf32>
        %parallel_loop3A_886 = vector.shape_cast %parallel_loop3A_881 : vector<16xf32> to vector<1x16xf32>
        tpu.vector_store %arg19[%parallel_loop3A_882, %parallel_loop3A_883], %parallel_loop3A_886 {strides = array<i32>} : memref<40x16xf32, #tpu.memory_space<vmem>>, vector<1x16xf32>,
      } {sc.loop_unroll_factor = 4 : i64, sc.parallel_access}
      %mul3A_150 = arith.constant 40 : i32
      %mul3A_151 = arith.muli %add3A_122, %mul3A_150 : i32
      %add3A_152 = arith.addi %mul3A_2, %mul3A_151 : i32
      %dma_start3A_153 = arith.constant 0 : i32
      %dma_start3A_154 = tpu.memref_slice %arg7[%add3A_152, %dma_start3A_153] : memref<320000x16xf32, #tpu.memory_space<hbm>> -> memref<40x16xf32, #tpu.memory_space<hbm>>
      %dma_start3A_155 = arith.constant 0 : i32
      %dma_start3A_156 = tpu.memref_slice %arg7[%add3A_152, %dma_start3A_155] : memref<320000x16xf32, #tpu.memory_space<hbm>> -> memref<40x16xf32, #tpu.memory_space<hbm>>
      tpu.enqueue_dma source(%arg19 : memref<40x16xf32, #tpu.memory_space<vmem>>) target(%dma_start3A_156 : memref<40x16xf32, #tpu.memory_space<hbm>>) target_semaphore(%arg26 : memref<!tpu.dma_semaphore, #tpu.memory_space<semaphore_mem>>)
      %dma_start3A_157 = arith.constant 0 : i32
      %dma_start3A_158 = arith.constant 0 : i32
      %dma_start3A_159 = tpu.memref_slice %arg20[%dma_start3A_157, %dma_start3A_158] : memref<10000x16xf32, #tpu.memory_space<vmem_shared>> -> memref<10000x16xf32, #tpu.memory_space<vmem_shared>>
      tpu.enqueue_indirect_dma source(%arg19 : memref<40x16xf32, #tpu.memory_space<vmem>>) target(%dma_start3A_159 : memref<10000x16xf32, #tpu.memory_space<vmem_shared>>) offsets(%arg12 : memref<40xi32, #tpu.memory_space<vmem>>) semaphore(%arg28 : memref<!tpu.dma_semaphore, #tpu.memory_space<semaphore_mem>>) {add = true}
    }
    %scan3A_53 = arith.constant 125 : i32
    %dma_wait3A = arith.constant 0 : i32
    %dma_wait3A_54 = arith.constant 0 : i32
    %dma_wait3A_55 = tpu.memref_slice %arg7[%dma_wait3A, %dma_wait3A_54] : memref<320000x16xf32, #tpu.memory_space<hbm>> -> memref<40x16xf32, #tpu.memory_space<hbm>>
    %dma_wait3A_56 = arith.constant 0 : i32
    %dma_wait3A_57 = arith.constant 0 : i32
    %dma_wait3A_58 = tpu.memref_slice %arg7[%dma_wait3A_56, %dma_wait3A_57] : memref<320000x16xf32, #tpu.memory_space<hbm>> -> memref<40x16xf32, #tpu.memory_space<hbm>>
    tpu.wait_dma2 semaphore(%arg25 : memref<!tpu.dma_semaphore, #tpu.memory_space<semaphore_mem>>) src(%dma_wait3A_58 : memref<40x16xf32, #tpu.memory_space<hbm>>) dst(%arg18 : memref<40x16xf32, #tpu.memory_space<vmem>>)
    %dma_wait3A_59 = arith.constant 0 : i32
    %dma_wait3A_60 = arith.constant 0 : i32
    %dma_wait3A_61 = tpu.memref_slice %arg20[%dma_wait3A_59, %dma_wait3A_60] : memref<10000x16xf32, #tpu.memory_space<vmem_shared>> -> memref<40x16xf32, #tpu.memory_space<vmem_shared>>
    %dma_wait3A_62 = arith.constant 0 : i32
    %dma_wait3A_63 = arith.constant 0 : i32
    %dma_wait3A_64 = tpu.memref_slice %arg20[%dma_wait3A_62, %dma_wait3A_63] : memref<10000x16xf32, #tpu.memory_space<vmem_shared>> -> memref<40x16xf32, #tpu.memory_space<vmem_shared>>
    tpu.wait_dma2 semaphore(%arg27 : memref<!tpu.dma_semaphore, #tpu.memory_space<semaphore_mem>>) src(%arg18 : memref<40x16xf32, #tpu.memory_space<vmem>>) dst(%dma_wait3A_64 : memref<40x16xf32, #tpu.memory_space<vmem_shared>>)
    %dma_wait3A_65 = arith.constant 0 : i32
    %dma_wait3A_66 = arith.constant 0 : i32
    %dma_wait3A_67 = tpu.memref_slice %arg7[%dma_wait3A_65, %dma_wait3A_66] : memref<320000x16xf32, #tpu.memory_space<hbm>> -> memref<40x16xf32, #tpu.memory_space<hbm>>
    %dma_wait3A_68 = arith.constant 0 : i32
    %dma_wait3A_69 = arith.constant 0 : i32
    %dma_wait3A_70 = tpu.memref_slice %arg7[%dma_wait3A_68, %dma_wait3A_69] : memref<320000x16xf32, #tpu.memory_space<hbm>> -> memref<40x16xf32, #tpu.memory_space<hbm>>
    tpu.wait_dma2 semaphore(%arg26 : memref<!tpu.dma_semaphore, #tpu.memory_space<semaphore_mem>>) src(%dma_wait3A_70 : memref<40x16xf32, #tpu.memory_space<hbm>>) dst(%arg19 : memref<40x16xf32, #tpu.memory_space<vmem>>)
    %dma_wait3A_71 = arith.constant 0 : i32
    %dma_wait3A_72 = arith.constant 0 : i32
    %dma_wait3A_73 = tpu.memref_slice %arg20[%dma_wait3A_71, %dma_wait3A_72] : memref<10000x16xf32, #tpu.memory_space<vmem_shared>> -> memref<40x16xf32, #tpu.memory_space<vmem_shared>>
    %dma_wait3A_74 = arith.constant 0 : i32
    %dma_wait3A_75 = arith.constant 0 : i32
    %dma_wait3A_76 = tpu.memref_slice %arg20[%dma_wait3A_74, %dma_wait3A_75] : memref<10000x16xf32, #tpu.memory_space<vmem_shared>> -> memref<40x16xf32, #tpu.memory_space<vmem_shared>>
    tpu.wait_dma2 semaphore(%arg28 : memref<!tpu.dma_semaphore, #tpu.memory_space<semaphore_mem>>) src(%arg19 : memref<40x16xf32, #tpu.memory_space<vmem>>) dst(%dma_wait3A_76 : memref<40x16xf32, #tpu.memory_space<vmem_shared>>)
    %barrier3A_77 = arith.constant 0 : index
    tpu.barrier barrier_id(%barrier3A_77)
    %eq3A = arith.constant 0 : i32
    %eq3A_78 = arith.cmpi eq, %arg1, %eq3A : i32
    %convert_element_type3A = arith.extui %eq3A_78 : i1 to i32
    %cond3A = arith.constant 0 : i32
    %cond3A_79 = arith.cmpi ne, %convert_element_type3A, %cond3A : i32
    scf.if %cond3A_79 {
      "tpu.region"() ({
        %run_scoped3A_80 = tpu.sem_alloc : memref<!tpu.dma_semaphore, #tpu.memory_space<semaphore_mem>>
        %dma_start3A_81 = arith.constant 0 : i32
        %dma_start3A_82 = arith.constant 0 : i32
        %dma_start3A_83 = tpu.memref_slice %arg8[%arg0, %dma_start3A_81, %dma_start3A_82] : memref<2x10000x16xf32, #tpu.memory_space<hbm>> -> memref<1x10000x16xf32, #tpu.memory_space<hbm>>
        %dma_start3A_84 = tpu.memref_squeeze %dma_start3A_83 : memref<1x10000x16xf32, #tpu.memory_space<hbm>> -> memref<10000x16xf32, #tpu.memory_space<hbm>>
        tpu.enqueue_dma source(%arg20 : memref<10000x16xf32, #tpu.memory_space<vmem_shared>>) target(%dma_start3A_84 : memref<10000x16xf32, #tpu.memory_space<hbm>>) target_semaphore(%run_scoped3A_80 : memref<!tpu.dma_semaphore, #tpu.memory_space<semaphore_mem>>)
        %dma_wait3A_85 = arith.constant 0 : i32
        %dma_wait3A_86 = arith.constant 0 : i32
        %dma_wait3A_87 = tpu.memref_slice %arg8[%arg0, %dma_wait3A_85, %dma_wait3A_86] : memref<2x10000x16xf32, #tpu.memory_space<hbm>> -> memref<1x10000x16xf32, #tpu.memory_space<hbm>>
        %dma_wait3A_88 = tpu.memref_squeeze %dma_wait3A_87 : memref<1x10000x16xf32, #tpu.memory_space<hbm>> -> memref<10000x16xf32, #tpu.memory_space<hbm>>
        tpu.wait_dma2 semaphore(%run_scoped3A_80 : memref<!tpu.dma_semaphore, #tpu.memory_space<semaphore_mem>>) src(%arg20 : memref<10000x16xf32, #tpu.memory_space<vmem_shared>>) dst(%dma_wait3A_88 : memref<10000x16xf32, #tpu.memory_space<hbm>>)
        tpu.yield
      }) : () -> ()
    } else {
    }
    return
  }
}

</mosaic_0001>

<sc_bundles>
// kernel: _sc_pass1.3.cloned.1.call-start
scs
__scs_entry_jumppad:
0x0: {  	(pc) =	sbr.rel $0x88, $3  }
0x1: {  	(tag) =	ssettag $0x0;
	lr =	simm.s32 $0x1  }
0x2: {  	[smem:$0x3F9C] =	sst lr;
	_ =	strace $0xD0000000  }
0x3: {  	_ = 	snop  }
0x4: {  	_ = 	snop  }
0x5: {  	_ = 	snop  }
0x6: {  	_ = 	snop  }
0x7: {  	_ = 	snop  }
__scs_overlays_trampoline_lowered:
0x8: {  	[smem:$0x3FAB] =	sst s0  }
0x9: {  	[smem:$0x3FAC] =	sst s1  }
0xa: {  	[smem:$0x3FAD] =	sst s2  }
0xb: {  	[smem:$0x3FAE] =	sst s3  }
0xc: {  	[smem:$0x3FAF] =	sst s4  }
0xd: {  	[smem:$0x3FB0] =	sst s5  }
0xe: {  	[smem:$0x3FB1] =	sst s6  }
0xf: {  	[smem:$0x3FB2] =	sst s7  }
0x10: {  	[smem:$0x3FB3] =	sst s8  }
0x11: {  	[smem:$0x3FB4] =	sst s9;
	s0 =	simm.s32 @!p0 $0x0  }
0x12: {  	s1 =	sld [smem:$0x3F9A];
	s0 =	simm.s32 @p0 $0x1  }
0x13: {  	[smem:$0x3FB5] =	sst s0;
	s0 =	simm.s32 @!p1 $0x0  }
0x14: {  	s2 =	sld [smem:$0x3F99];
	s0 =	simm.s32 @p1 $0x1  }
0x15: {  	[smem:$0x3FB6] =	sst s0;
	s0 =	simm.s32 @!p2 $0x0  }
0x16: {  	s3 =	sld [smem:$0x3FDB];
	s0 =	simm.s32 @p2 $0x1  }
0x17: {  	s4 =	simm.s32 $0x1BF5;
	[smem:$0x3FB8] =	sst s0  }
0x18: {  	s0 =	sld [smem:$0x3F9B];
	_ =	swait.ge [sflag:s4], $0x0  }
0x19: {  	s7 =	sld [smem:$0x3F9C]  }
0x1a: {  	s8 =	sadd.s32 $0xFFFFE003, lr  }
0x1b: {  	s9 =	sadd.s32 $0xFFFFFEF7, lr;
	s5 =	simm.s32 $0xFFFFFFFF;
	p2 =	slt.u32 s8, $0xFFFFF086  }
0x1c: {  	p1 =	slt.u32 s9, $0xF7A;
	s5 =	simm.s32 @!p2 $0x0  }
0x1d: {  	s5 =	simm.s32 @p1 $0x1;
	p0 =	seq.s32 s7, s2  }
0x1e: {  	s7 =	smul.u32 @!p0 $0xF7A, s2;
	p2 =	seq.s32 @!p0 s5, $0x0  }
0x1f: {  	s9 =	smul.u32 $0xF7A, s1;
	s8 =	simm.s32 @!p0 $0x1BF5;
	p2 =	por !p2, p0  }
0x20: {  	[sflag:s8] =	ssyncset.s32 @!p0 $0xFFFFF086;
	s6 =	sadd.s32 @!p0 s3, s7;
	s7 =	simm.s32 @!p0 $0x108  }
0x21: {  	s3 =	sadd.s32 s3, s9;
	s6 =	sadd.s32 @!p0 $0x88, s6;
	s7 =	simm.s32 @p2 $0x1082  }
0x22: {  	[simem:s7], [sflag:s8] =	dma.local @!p0 [hbm:s6], $0xF7A  }
0x23: {  	s9 =	sor.u32 $0xD0000000, s2;
	s6 =	simm.s32 $0x108;
	_ =	swait.ge @!p0 [sflag:s8], $0x0  }
0x24: {  	s3 =	sadd.s32 $0x88, s3;
	s6 =	simm.s32 @!p1 $0x1082;
	[sflag:s4] =	ssyncset.s32 $0xFFFFF086  }
0x25: {  	[simem:s6], [sflag:s4] =	dma.local [hbm:s3], $0xF7A  }
0x26: {  	[smem:$0x3F9C] =	sst s1;
	(tag) =	ssettag s2;
	_ =	strace s9  }
0x27: {  	s1 =	sld [smem:$0x3FAC]  }
0x28: {  	s2 =	sld [smem:$0x3FAD]  }
0x29: {  	s4 =	sld [smem:$0x3FAF]  }
0x2a: {  	p0 =	seq.s32 s5, $0x0;
	s5 =	sld [smem:$0x3FB0]  }
0x2b: {  	s6 =	sld [smem:$0x3FB1]  }
0x2c: {  	s7 =	sld [smem:$0x3FB2]  }
0x2d: {  	s3 =	simm.s32 $0x108;
	s8 =	sld [smem:$0x3FB3]  }
0x2e: {  	s3 =	simm.s32 @!p0 $0x1082;
	s9 =	sld [smem:$0x3FB4]  }
0x2f: {  	lr =	sadd.s32 s0, s3;
	s0 =	sld [smem:$0x3FAB]  }
0x30: {  	s3 =	sld [smem:$0x3FAE]  }
0x31: {  	[smem:$0x3FB7] =	sst s10  }
0x32: {  	s10 =	sld [smem:$0x3FB5];
	_ =	sdelay $0x3  }
0x33: {  	p0 =	seq.s32 s10, $0x1;
	s10 =	sld [smem:$0x3FB7];
	_ =	sdelay $0x3  }
0x34: {  	[smem:$0x3FB7] =	sst s10  }
0x35: {  	s10 =	sld [smem:$0x3FB6];
	_ =	sdelay $0x3  }
0x36: {  	p1 =	seq.s32 s10, $0x1;
	s10 =	sld [smem:$0x3FB7];
	_ =	sdelay $0x3  }
0x37: {  	[smem:$0x3FB7] =	sst s10  }
0x38: {  	s10 =	sld [smem:$0x3FB8]  }
0x39: {  	_ = 	snop;
	(pc) =	sbr.ind lr, $3  }
0x3a: {  	_ = 	snop  }
0x3b: {  	_ = 	snop  }
0x3c: {  	p2 =	seq.s32 s10, $0x1;
	s10 =	sld [smem:$0x3FB7]  }
0x3d: {  	_ =	shalt  }
0x3e: {  	_ =	shalt  }
0x3f: {  	_ =	shalt  }
0x40: {  	_ =	shalt  }
0x41: {  	_ =	shalt  }
0x42: {  	_ =	shalt  }
0x43: {  	_ =	shalt  }
0x44: {  	_ =	shalt  }
0x45: {  	_ =	shalt  }
0x46: {  	_ =	shalt  }
0x47: {  	_ =	shalt  }
0x48: {  	_ =	shalt  }
0x49: {  	_ =	shalt  }
0x4a: {  	_ =	shalt  }
0x4b: {  	_ =	shalt  }
0x4c: {  	_ =	shalt  }
0x4d: {  	_ =	shalt  }
0x4e: {  	_ =	shalt  }
0x4f: {  	_ =	shalt  }
0x50: {  	_ =	shalt  }
0x51: {  	_ =	shalt  }
0x52: {  	_ =	shalt  }
0x53: {  	_ =	shalt  }
0x54: {  	_ =	shalt  }
0x55: {  	_ =	shalt  }
0x56: {  	_ =	shalt  }
0x57: {  	_ =	shalt  }
0x58: {  	_ =	shalt  }
0x59: {  	_ =	shalt  }
0x5a: {  	_ =	shalt  }
0x5b: {  	_ =	shalt  }
0x5c: {  	_ =	shalt  }
0x5d: {  	_ =	shalt  }
0x5e: {  	_ =	shalt  }
0x5f: {  	_ =	shalt  }
0x60: {  	_ =	shalt  }
0x61: {  	_ =	shalt  }
0x62: {  	_ =	shalt  }
0x63: {  	_ =	shalt  }
0x64: {  	_ =	shalt  }
0x65: {  	_ =	shalt  }
0x66: {  	_ =	shalt  }
0x67: {  	_ =	shalt  }
0x68: {  	_ =	shalt  }
0x69: {  	_ =	shalt  }
0x6a: {  	_ =	shalt  }
0x6b: {  	_ =	shalt  }
0x6c: {  	_ =	shalt  }
0x6d: {  	_ =	shalt  }
0x6e: {  	_ =	shalt  }
0x6f: {  	_ =	shalt  }
0x70: {  	_ =	shalt  }
0x71: {  	_ =	shalt  }
0x72: {  	_ =	shalt  }
0x73: {  	_ =	shalt  }
0x74: {  	_ =	shalt  }
0x75: {  	_ =	shalt  }
0x76: {  	_ =	shalt  }
0x77: {  	_ =	shalt  }
0x78: {  	_ =	shalt  }
0x79: {  	_ =	shalt  }
0x7a: {  	_ =	shalt  }
0x7b: {  	_ =	shalt  }
0x7c: {  	_ =	shalt  }
0x7d: {  	_ =	shalt  }
0x7e: {  	_ =	shalt  }
0x7f: {  	_ =	shalt  }
0x80: {  	_ =	shalt  }
0x81: {  	_ =	shalt  }
0x82: {  	_ =	shalt  }
0x83: {  	_ =	shalt  }
0x84: {  	_ =	shalt  }
0x85: {  	_ =	shalt  }
0x86: {  	_ =	shalt  }
0x87: {  	_ =	shalt  }
.Lfunc_end0:
.L_simem_size_0:
called_computation_lowered:
.L_overlay_start_0:
0x88: {  	s2 =	sld [smem:$0x3FD9]  }
0x89: {  	s3 =	sld [smem:$0x3FFE];
	_ =	sdelay $0x1  }
0x8a: {  	s1 =	srdreg.scid  }
0x8b: {  	s0 =	sand.u32 $0x1, s1  }
0x8c: {  	s14 =	sshll.u32 s0, $0xA;
	s2 =	sadd.s32 s3, s2  }
0x8d: {  	s2 =	sadd.s32 s2, s14  }
0x8e: {  	[smem:$0x3FC3] =	sst s2  }
0x8f: {  	_ = 	snop  }
0x90: {  	s2 =	sld [smem:$0x3FD0];
	_ =	sdelay $0x2  }
0x91: {  	s4 =	simm.s32 $0xA;
	s5 =	simm.s32 $0x10;
	s15 =	sld [smem:$0x3FC5]  }
0x92: {  	[smem:s5], [sflag:s4] =	dma.local [hbm:s2], $0x1  }
0x93: {  	_ =	swait.eq [sflag:s4], $0x1  }
0x94: {  	[sflag:s4] =	ssyncset.done $0x0  }
0x95: {  	s16 =	sld [smem:$0x10];
	[sflag:s4] =	ssyncadd.s32 $0xFFFFFFFF  }
0x96: {  	s17 =	sld [smem:$0x11];
	(tm) =	ssettm $0x1  }
0x97: {  	s18 =	sld [smem:$0x3FFB];
	_ =	sdelay $0x3  }
0x98: {  	_ =	strace s18  }
0x99: {  	s5 =	sld [smem:$0x3FFC];
	_ =	sdelay $0x3  }
0x9a: {  	_ =	strace s5  }
0x9b: {  	s5 =	sld [smem:$0x3FFD];
	_ =	sdelay $0x3  }
0x9c: {  	_ =	strace s5  }
0x9d: {  	_ =	strace $0x8FFFFFFF  }
0x9e: {  	s19 =	sld [smem:$0x3FDB];
	_ =	sdelay $0x1  }
0x9f: {  	s6 =	simm.s32 $_scs_section_size  }
0xa0: {  	s7 =	simm.s32 $_size__tile_overlayer_lowered;
	s8 =	simm.s32 $_tile_overlayer_lowered  }
0xa1: {  	s22 =	simm.s32 $0x1BFF;
	s21 =	sshll.u32 s8, $0x1;
	s5 =	sadd.s32 s6, s19  }
0xa2: {  	s9 =	simm.s32 $0x0;
	s20 =	sshll.u32 s7, $0x1;
	s7 =	sadd.s32 s21, s5  }
0xa3: {  	[timem:s9], [sflag:s22] =	dma.local [hbm:s7], s20  }
0xa4: {  	_ =	swait.ge [sflag:s22], s20  }
0xa5: {  	s6 =	ssub.s32 $0x0, s20;
	[sflag:s22] =	ssyncset.done $0x0  }
0xa6: {  	[sflag:s22] =	ssyncadd.s32 s6;
	_ =	sdelay $0x1  }
0xa7: {  	s23 =	simm.s32 $0x1B8B  }
0xa8: {  	_ =	swait.ge [sflag:s23], $0x1  }
0xa9: {  	[sflag:s23] =	ssyncset.done $0x0  }
0xaa: {  	s25 =	simm.s32 $0x1B8E;
	s24 =	sld [smem:$0x3FFE];
	[sflag:s23] =	ssyncadd.s32 $0xFFFFFFFF  }
0xab: {  	s26 =	simm.s32 $execute0_lowered;
	[smem:$0x3FD2] =	sst s25  }
0xac: {  	s7 =	sshll.u32 s26, $0x1;
	_ =	strace $0x80000046;
	[dreg:$0x1] =	wrdreg $0xFFFFFFFF  }
0xad: {  	s28 =	simm.s32 $_size_execute0_lowered;
	s5 =	sadd.s32 s5, s7;
	[dreg:$0x0] =	wrdreg $0x0  }
0xae: {  	s7 =	sshll.u32 s28, $0x1;
	[dreg:$0x2] =	wrdreg s5  }
0xaf: {  	[dreg:$0x3] =	wrdreg s7  }
0xb0: {  	[dreg:$0x4] =	wrdreg $0xC0  }
0xb1: {  	_ =	task [dreg:s9], $0x5FFFF  }
0xb2: {  	[dreg:$0x1] =	wrdreg $0xFFFFFFFF  }
0xb3: {  	[dreg:$0x0] =	wrdreg $0x60  }
0xb4: {  	[dreg:$0x2] =	wrdreg s16  }
0xb5: {  	[dreg:$0x3] =	wrdreg s24  }
0xb6: {  	[dreg:$0x4] =	wrdreg s17  }
0xb7: {  	[dreg:$0x5] =	wrdreg s15  }
0xb8: {  	[dreg:$0x6] =	wrdreg $0x147A00  }
0xb9: {  	[dreg:$0x7] =	wrdreg $0x9  }
0xba: {  	_ =	task.clear_ibuf [dreg:s9], $0x8FFFF;
	_ =	strace $0x90000046  }
0xbb: {  	s29 =	simm.s32 $0x9;
	_ =	strace $0x80000048  }
0xbc: {  	_ =	swait.ge [sflag:s29], $0x1  }
0xbd: {  	[sflag:s29] =	ssyncadd.s32 $0xFFFFFFFF  }
0xbe: {  	_ =	strace $0x90000048  }
0xbf: {  	_ =	sfence  }
0xc0: {  	s30 =	sld [smem:$0x0];
	_ =	sdelay $0x2  }
0xc1: {  	s31 =	sshll.u32 s1, $0xD;
	s1 =	sshrl.u32 s1, $0x2  }
0xc2: {  	s3 =	sand.u32 $0x4000, s31;
	s1 =	sadd.s32 s1, s30  }
0xc3: {  	s0 =	sor.u32 s3, s0;
	s1 =	sshll.u32 s1, $0x11  }
0xc4: {  	s0 =	sor.u32 s1, s0  }
0xc5: {  	s0 =	sadd.s32 $0x8F2B, s0  }
0xc6: {  	[sflag:s0] =	ssyncadd.remote.s32 $0x1  }
0xc7: {  	_ =	sfence.sel $0xFFFF  }
0xc8: {  	[dreg:$0x0] =	wrdreg $0xFFFFFFFF;
	(pc) =	sbr.abs _section_cstart, $3  }
0xc9: {  	[dreg:$0x1] =	wrdreg $0xFFFFFFFF  }
0xca: {  	_ =	task.clear_ibuf [dreg:s9], $0x2FFFF;
	_ =	strace $0x9FFFFFFF  }
0xcb: {  	(tm) =	ssettm $0x7FFFFFFF  }
tec
execute0_lowered:
.L_overlay_start_1:
0x0: {  	(tag) =	ssettag $0x1  }
0x1: {  	s0 =	rddreg [dreg:$0x0]  }
0x2: {  	s1 =	rddreg [dreg:$0x1]  }
0x3: {  	s2 =	rddreg [dreg:$0x2];
	s4 =	srdreg.scid  }
0x4: {  	s8 =	stileid.u32;
	s3 =	rddreg [dreg:$0x4]  }
0x5: {  	s9 =	sand.u32 $0x1, s4;
	s5 =	sshll.u32 s8, $0x1;
	s10 =	smul.u32 $0x9C40, s8  }
0x6: {  	s4 =	simm.s32 $0x0;
	s5 =	sor.u32 s9, s5;
	s12 =	smul.u32 $0x4E20, s9  }
0x7: {  	s6 =	sadd.s32 $0x1000, s1;
	s9 =	ssub.s32 $0x2, s9;
	s5 =	smul.u32 $0x2710, s5  }
0x8: {  	s7 =	sadd.s32 $0xA7200, s1;
	[smem:$0x7FF] =	sst s4;
	s25 =	sshrl.u32 s9, $0x1  }
0x9: {  	_ =	strace $0x80000047;
	s9 =	ssub.s32 s9, s25;
	s11 =	sshrl.u32 s5, $0x3  }
0xa: {  	s10 =	sshrl.u32 s10, $0x2;
	s25 =	smax.u32 s9, $0x1;
	s13 =	sadd.s32 s11, s1  }
0xb: {  	s1 =	sadd.s32 s12, s1;
	s12 =	sadd.s32 s10, s3;
	[dreg:$0x15] =	wrdreg s25  }
0xc: {  	s14 =	sadd.s32 $0x280, s12;
	[dreg:$0x6] =	wrdreg s12  }
0xd: {  	s26 =	sadd.s32 $0x500, s12;
	[dreg:$0x7] =	wrdreg s14  }
0xe: {  	s28 =	sadd.s32 $0x780, s12;
	[dreg:$0x8] =	wrdreg s26  }
0xf: {  	s15 =	sadd.s32 $0xA00, s12;
	[dreg:$0x9] =	wrdreg s28  }
0x10: {  	s16 =	sadd.s32 $0xC80, s12;
	[dreg:$0xa] =	wrdreg s15  }
0x11: {  	s17 =	sadd.s32 $0xF00, s12;
	[dreg:$0xb] =	wrdreg s16  }
0x12: {  	v0 =	vimm.s32 $0xEFCDAB89;
	s18 =	sadd.s32 $0x1180, s12;
	[dreg:$0xc] =	wrdreg s17  }
0x13: {  	v1 =	vimm.s32 $0x67452301;
	v2 =	vimm.s32 $0xDCFE98BA;
	s19 =	sadd.s32 $0x1400, s12;
	[dreg:$0xd] =	wrdreg s18  }
0x14: {  	v3 =	vimm.s32 $0x54761032;
	v4 =	vimm.s32 $0xBA98FEDC;
	s30 =	simm.s32 $0x9;
	s20 =	sadd.s32 $0x1680, s12;
	[dreg:$0xe] =	wrdreg s19  }
0x15: {  	v5 =	vimm.s32 $0x32107654;
	v6 =	vimm.s32 $0xFEDCBA98;
	s31 =	simm.s32 $0x142A0;
	s21 =	sadd.s32 $0x1900, s12;
	[dreg:$0xf] =	wrdreg s20  }
0x16: {  	v7 =	vimm.s32 $0x76543210;
	s29 =	simm.s32 $0x78;
	vm0 =	vmmov $0x1;
	v0 =	vunpack.c.l.s4.s8 v0;
	s22 =	sadd.s32 $0x1B80, s12;
	[dreg:$0x10] =	wrdreg s21  }
0x17: {  	v1 =	vunpack.c.l.s4.s8 v1;
	v2 =	vunpack.c.l.s4.s8 v2;
	v3 =	vunpack.c.l.s4.s8 v3;
	p0 =	sne.s32 s8, $0x0;
	s23 =	sadd.s32 $0x1E00, s12;
	[dreg:$0x11] =	wrdreg s22  }
0x18: {  	v4 =	vunpack.c.l.s4.s8 v4;
	v5 =	vunpack.c.l.s4.s8 v5;
	v6 =	vunpack.c.l.s4.s8 v6;
	s9 =	simm.s32 $0x52A0;
	s24 =	sadd.s32 $0x2080, s12;
	[dreg:$0x12] =	wrdreg s23  }
0x19: {  	v0 =	vunpack.c.0.s8.s32 v0;
	v1 =	vunpack.c.0.s8.s32 v1;
	v2 =	vunpack.c.0.s8.s32 v2;
	s10 =	simm.s32 $0xF2A0;
	s1 =	sadd.s32 $0x143600, s1;
	[dreg:$0x13] =	wrdreg s24  }
0x1a: {  	v3 =	vunpack.c.0.s8.s32 v3;
	v4 =	vunpack.c.0.s8.s32 v4;
	v5 =	vunpack.c.0.s8.s32 v5;
	s20 =	sadd.s32 s2, s11;
	s23 =	sadd.s32 $0x9D400, s13;
	[dreg:$0x14] =	wrdreg s1  }
0x1b: {  	vm1 =	vcmask $0x310;
	v7 =	vunpack.c.l.s4.s8 v7;
	v1 =	vcombine.low v1, v0;
	s26 =	sadd.s32 $0x2300, s12;
	s28 =	sadd.s32 $0x2580, s12;
	s2 =	simm.s32 $0x50  }
0x1c: {  	v2 =	vcombine.low v3, v2;
	v3 =	vcombine.low v5, v4;
	v4 =	vunpack.c.0.s8.s32 v6;
	s1 =	simm.s32 $0x28;
	s11 =	simm.s32 $0x1;
	s12 =	simm.s32 $0x3  }
0x1d: {  	vm2 =	vcmask $0x710;
	vm3 =	vcmask $0xB10;
	v5 =	vunpack.c.0.s8.s32 v7;
	s13 =	simm.s32 $0x2;
	s14 =	simm.s32 $0x4;
	s15 =	simm.s32 $0x14520  }
0x1e: {  	vm4 =	vmmov $0xf;
	v14 =	vand.u32 $0xF, v1;
	v4 =	vand.u32 $0xF, v4;
	s17 =	simm.s32 $0x7;
	s18 =	simm.s32 $0x6;
	[dreg:$0x16] =	wrdreg s26  }
0x1f: {  	v2 =	vand.u32 $0xF, v2;
	v3 =	vand.u32 $0xF, v3;
	v4 =	vcombine.low v4, v5;
	s19 =	simm.s32 $0x8;
	s21 =	simm.s32 $0x0;
	[tilespmem:$0x1FFF0] =	vst v14;
	[dreg:$0x17] =	wrdreg s28  }
.LBB2_1:
0x20: {  	s8 =	rddreg [dreg:$0x3];
	s16 =	simm.s32 $0xA0  }
0x21: {  	[tilespmem:s16], [sflag:$0x9] =	stream.linear.gather [hbm4b:s8+s4], $0x200, $0x38;
	[tilespmem:$0x16EB0] =	vst v63  }
0x22: {  	_ =	swait.ge [sflag:s30], $0x200  }
0x23: {  	[sflag:s30] =	ssyncset.done $0x0  }
0x24: {  	v0 =	vimm.f32 $0.0e+00;
	[sflag:s30] =	ssyncadd.s32 $0xFFFFFE00  }
0x25: {  	[tilespmem:$0x142A0] =	vst v0  }
0x26: {  	[tilespmem:$0x142B0] =	vst v0  }
0x27: {  	[tilespmem:$0x142C0] =	vst v0  }
0x28: {  	[tilespmem:$0x142D0] =	vst v0  }
0x29: {  	[tilespmem:$0x142E0] =	vst v0  }
0x2a: {  	[tilespmem:$0x142F0] =	vst v0  }
0x2b: {  	[tilespmem:$0x14300] =	vst v0  }
0x2c: {  	[tilespmem:$0x14310] =	vst v0  }
0x2d: {  	[tilespmem:$0x14320] =	vst v0  }
0x2e: {  	[tilespmem:$0x14330] =	vst v0  }
0x2f: {  	[tilespmem:$0x14340] =	vst v0  }
0x30: {  	[tilespmem:$0x14350] =	vst v0  }
0x31: {  	[tilespmem:$0x14360] =	vst v0  }
0x32: {  	[tilespmem:$0x14370] =	vst v0  }
0x33: {  	[tilespmem:$0x14380] =	vst v0  }
0x34: {  	[tilespmem:$0x14390] =	vst v0  }
0x35: {  	[tilespmem:$0x143A0] =	vst v0  }
0x36: {  	[tilespmem:$0x143B0] =	vst v0  }
0x37: {  	[tilespmem:$0x143C0] =	vst v0  }
0x38: {  	[tilespmem:$0x143D0] =	vst v0  }
0x39: {  	[tilespmem:$0x143E0] =	vst v0  }
0x3a: {  	[tilespmem:$0x143F0] =	vst v0  }
0x3b: {  	[tilespmem:$0x14400] =	vst v0  }
0x3c: {  	[tilespmem:$0x14410] =	vst v0  }
0x3d: {  	[tilespmem:$0x14420] =	vst v0  }
0x3e: {  	[tilespmem:$0x14430] =	vst v0  }
0x3f: {  	[tilespmem:$0x14440] =	vst v0  }
0x40: {  	[tilespmem:$0x14450] =	vst v0  }
0x41: {  	[tilespmem:$0x14460] =	vst v0  }
0x42: {  	[tilespmem:$0x14470] =	vst v0  }
0x43: {  	[tilespmem:$0x14480] =	vst v0  }
0x44: {  	[tilespmem:$0x14490] =	vst v0  }
0x45: {  	[tilespmem:$0x144A0] =	vst v0  }
0x46: {  	[tilespmem:$0x144B0] =	vst v0  }
0x47: {  	[tilespmem:$0x144C0] =	vst v0  }
0x48: {  	[tilespmem:$0x144D0] =	vst v0  }
0x49: {  	[tilespmem:$0x144E0] =	vst v0  }
0x4a: {  	[tilespmem:$0x144F0] =	vst v0  }
0x4b: {  	[tilespmem:$0x14500] =	vst v0  }
0x4c: {  	s16 =	rddreg [dreg:$0x6];
	[tilespmem:$0x14510] =	vst v0  }
0x4d: {  	[spmem:s16] =	stream.linear.scatter [tilespmem:s31], [sflag:$0x9], $0x280, $0x38;
	[tilespmem:$0x16EB0] =	vst v63  }
0x4e: {  	_ =	swait.ge [sflag:s30], $0x280  }
0x4f: {  	[sflag:s30] =	ssyncset.done $0x0  }
0x50: {  	s22 =	rddreg [dreg:$0x7];
	[sflag:s30] =	ssyncadd.s32 $0xFFFFFD80  }
0x51: {  	[spmem:s22] =	stream.linear.scatter [tilespmem:s31], [sflag:$0x9], $0x280, $0x38;
	[tilespmem:$0x16EB0] =	vst v63  }
0x52: {  	_ =	swait.ge [sflag:s30], $0x280  }
0x53: {  	[sflag:s30] =	ssyncset.done $0x0  }
0x54: {  	s24 =	rddreg [dreg:$0x8];
	[sflag:s30] =	ssyncadd.s32 $0xFFFFFD80  }
0x55: {  	[spmem:s24] =	stream.linear.scatter [tilespmem:s31], [sflag:$0x9], $0x280, $0x38;
	[tilespmem:$0x16EB0] =	vst v63  }
0x56: {  	_ =	swait.ge [sflag:s30], $0x280  }
0x57: {  	[sflag:s30] =	ssyncset.done $0x0  }
0x58: {  	s25 =	rddreg [dreg:$0x9];
	[sflag:s30] =	ssyncadd.s32 $0xFFFFFD80  }
0x59: {  	[spmem:s25] =	stream.linear.scatter [tilespmem:s31], [sflag:$0x9], $0x280, $0x38;
	[tilespmem:$0x16EB0] =	vst v63  }
0x5a: {  	_ =	swait.ge [sflag:s30], $0x280  }
0x5b: {  	[sflag:s30] =	ssyncset.done $0x0  }
0x5c: {  	s26 =	rddreg [dreg:$0xa];
	[sflag:s30] =	ssyncadd.s32 $0xFFFFFD80  }
0x5d: {  	[spmem:s26] =	stream.linear.scatter [tilespmem:s31], [sflag:$0x9], $0x280, $0x38;
	[tilespmem:$0x16EB0] =	vst v63  }
0x5e: {  	_ =	swait.ge [sflag:s30], $0x280  }
0x5f: {  	[sflag:s30] =	ssyncset.done $0x0  }
0x60: {  	s28 =	rddreg [dreg:$0xb];
	[sflag:s30] =	ssyncadd.s32 $0xFFFFFD80  }
0x61: {  	[spmem:s28] =	stream.linear.scatter [tilespmem:s31], [sflag:$0x9], $0x280, $0x38;
	[tilespmem:$0x16EB0] =	vst v63  }
0x62: {  	_ =	swait.ge [sflag:s30], $0x280  }
0x63: {  	[sflag:s30] =	ssyncset.done $0x0  }
0x64: {  	s16 =	rddreg [dreg:$0xc];
	[sflag:s30] =	ssyncadd.s32 $0xFFFFFD80  }
0x65: {  	[spmem:s16] =	stream.linear.scatter [tilespmem:s31], [sflag:$0x9], $0x280, $0x38;
	[tilespmem:$0x16EB0] =	vst v63  }
0x66: {  	_ =	swait.ge [sflag:s30], $0x280  }
0x67: {  	[sflag:s30] =	ssyncset.done $0x0  }
0x68: {  	s22 =	rddreg [dreg:$0xd];
	[sflag:s30] =	ssyncadd.s32 $0xFFFFFD80  }
0x69: {  	[spmem:s22] =	stream.linear.scatter [tilespmem:s31], [sflag:$0x9], $0x280, $0x38;
	[tilespmem:$0x16EB0] =	vst v63  }
0x6a: {  	_ =	swait.ge [sflag:s30], $0x280  }
0x6b: {  	[sflag:s30] =	ssyncset.done $0x0  }
0x6c: {  	s24 =	rddreg [dreg:$0xe];
	[sflag:s30] =	ssyncadd.s32 $0xFFFFFD80  }
0x6d: {  	[spmem:s24] =	stream.linear.scatter [tilespmem:s31], [sflag:$0x9], $0x280, $0x38;
	[tilespmem:$0x16EB0] =	vst v63  }
0x6e: {  	_ =	swait.ge [sflag:s30], $0x280  }
0x6f: {  	[sflag:s30] =	ssyncset.done $0x0  }
0x70: {  	s25 =	rddreg [dreg:$0xf];
	[sflag:s30] =	ssyncadd.s32 $0xFFFFFD80  }
0x71: {  	[spmem:s25] =	stream.linear.scatter [tilespmem:s31], [sflag:$0x9], $0x280, $0x38;
	[tilespmem:$0x16EB0] =	vst v63  }
0x72: {  	_ =	swait.ge [sflag:s30], $0x280  }
0x73: {  	[sflag:s30] =	ssyncset.done $0x0  }
0x74: {  	s26 =	rddreg [dreg:$0x10];
	[sflag:s30] =	ssyncadd.s32 $0xFFFFFD80  }
0x75: {  	[spmem:s26] =	stream.linear.scatter [tilespmem:s31], [sflag:$0x9], $0x280, $0x38;
	[tilespmem:$0x16EB0] =	vst v63  }
0x76: {  	_ =	swait.ge [sflag:s30], $0x280  }
0x77: {  	[sflag:s30] =	ssyncset.done $0x0  }
0x78: {  	s28 =	rddreg [dreg:$0x11];
	[sflag:s30] =	ssyncadd.s32 $0xFFFFFD80  }
0x79: {  	[spmem:s28] =	stream.linear.scatter [tilespmem:s31], [sflag:$0x9], $0x280, $0x38;
	[tilespmem:$0x16EB0] =	vst v63  }
0x7a: {  	_ =	swait.ge [sflag:s30], $0x280  }
0x7b: {  	[sflag:s30] =	ssyncset.done $0x0  }
0x7c: {  	s16 =	rddreg [dreg:$0x12];
	[sflag:s30] =	ssyncadd.s32 $0xFFFFFD80  }
0x7d: {  	[spmem:s16] =	stream.linear.scatter [tilespmem:s31], [sflag:$0x9], $0x280, $0x38;
	[tilespmem:$0x16EB0] =	vst v63  }
0x7e: {  	_ =	swait.ge [sflag:s30], $0x280  }
0x7f: {  	[sflag:s30] =	ssyncset.done $0x0  }
0x80: {  	s22 =	rddreg [dreg:$0x13];
	[sflag:s30] =	ssyncadd.s32 $0xFFFFFD80  }
0x81: {  	[spmem:s22] =	stream.linear.scatter [tilespmem:s31], [sflag:$0x9], $0x280, $0x38;
	[tilespmem:$0x16EB0] =	vst v63  }
0x82: {  	_ =	swait.ge [sflag:s30], $0x280  }
0x83: {  	[sflag:s30] =	ssyncset.done $0x0  }
0x84: {  	s24 =	rddreg [dreg:$0x16];
	[sflag:s30] =	ssyncadd.s32 $0xFFFFFD80  }
0x85: {  	[spmem:s24] =	stream.linear.scatter [tilespmem:s31], [sflag:$0x9], $0x280, $0x38;
	[tilespmem:$0x16EB0] =	vst v63  }
0x86: {  	_ =	swait.ge [sflag:s30], $0x280  }
0x87: {  	[sflag:s30] =	ssyncset.done $0x0  }
0x88: {  	s25 =	rddreg [dreg:$0x17];
	[sflag:s30] =	ssyncadd.s32 $0xFFFFFD80  }
0x89: {  	[spmem:s25] =	stream.linear.scatter [tilespmem:s31], [sflag:$0x9], $0x190, $0x38;
	[tilespmem:$0x16EB0] =	vst v63  }
0x8a: {  	_ =	swait.ge [sflag:s30], $0x190  }
0x8b: {  	[sflag:s30] =	ssyncset.done $0x0  }
0x8c: {  	[sflag:s30] =	ssyncadd.s32 $0xFFFFFE70  }
0x8d: {  	[bflag:$0x0] =	sbarrier.arrive $0xFFFF  }
0x8e: {  	[tilespmem:s4], [sflag:$0x9] =	stream.linear.gather [hbm4b:s20+s4], $0x28, $0x38;
	[tilespmem:$0x16EB0] =	vst v63  }
0x8f: {  	_ =	swait.ge [sflag:s30], $0x28  }
0x90: {  	[sflag:s30] =	ssyncset.done $0x0  }
0x91: {  	[sflag:s30] =	ssyncadd.s32 $0xFFFFFFD8  }
0x92: {  	[tilespmem:s2], [sflag:$0x9] =	stream.linear.gather [hbm4b:s23+s4], $0x28, $0x38;
	[tilespmem:$0x16EB0] =	vst v63  }
0x93: {  	_ =	swait.ge [sflag:s30], $0x28  }
0x94: {  	[sflag:s30] =	ssyncset.done $0x0  }
0x95: {  	s26 =	simm.s32 $0x2A0;
	[sflag:s30] =	ssyncadd.s32 $0xFFFFFFD8  }
0x96: {  	[tilespmem:s26], [sflag:$0x1] =	stream.indirect.gather [hbm4b:s0+s1], $0x200, s4, s1, $0xb8;
	[tilespmem:$0x16EB0] =	vst v63  }
0x97: {  	s28 =	simm.s32 $0xA2A0;
	s22 =	simm.s32 $0x0  }
0x98: {  	[tilespmem:s28], [sflag:$0x3] =	stream.indirect.gather [hbm4b:s6+s1], $0x200, s2, s1, $0xb8;
	[tilespmem:$0x16EB0] =	vst v63  }
.LBB2_2:
0x99: {  	s24 =	sshllo.u32 s22, $0x1  }
0x9a: {  	s8 =	smul.u32 $0x5, s24;
	_ =	sdelay $0x1  }
0x9b: {  	s16 =	sadd.s32 s20, s8  }
0x9c: {  	[tilespmem:s1], [sflag:$0x9] =	stream.linear.gather [hbm4b:s16+s4], $0x28, $0x38;
	[tilespmem:$0x16EB0] =	vst v63  }
0x9d: {  	_ =	swait.ge [sflag:s30], $0x28  }
0x9e: {  	[sflag:s30] =	ssyncset.done $0x0  }
0x9f: {  	s8 =	sadd.s32 s23, s8;
	[sflag:s30] =	ssyncadd.s32 $0xFFFFFFD8  }
0xa0: {  	[tilespmem:s29], [sflag:$0x9] =	stream.linear.gather [hbm4b:s8+s4], $0x28, $0x38;
	[tilespmem:$0x16EB0] =	vst v63  }
0xa1: {  	_ =	swait.ge [sflag:s30], $0x28  }
0xa2: {  	[sflag:s30] =	ssyncset.done $0x0  }
0xa3: {  	[sflag:s30] =	ssyncadd.s32 $0xFFFFFFD8  }
0xa4: {  	[tilespmem:s9], [sflag:$0x2] =	stream.indirect.gather [hbm4b:s0+s1], $0x200, s1, s1, $0xb8;
	[tilespmem:$0x16EB0] =	vst v63  }
0xa5: {  	_ = 	snop  }
0xa6: {  	[tilespmem:s10], [sflag:$0x4] =	stream.indirect.gather [hbm4b:s6+s1], $0x200, s29, s1, $0xb8;
	[tilespmem:$0x16EB0] =	vst v63  }
0xa7: {  	_ =	swait.ge [sflag:s11], $0x5000  }
0xa8: {  	[sflag:s11] =	ssyncset.done $0x0  }
0xa9: {  	[sflag:s11] =	ssyncadd.s32 $0xFFFFB000  }
0xaa: {  	_ =	swait.ge [sflag:s12], $0x5000  }
0xab: {  	p1 =	seq.s32 s22, $0x0;
	[sflag:s12] =	ssyncset.done $0x0  }
0xac: {  	s8 =	simm.s32 @!p1 $0x5;
	[sflag:s12] =	ssyncadd.s32 $0xFFFFB000  }
0xad: {  	_ =	swait.ge @!p1 [sflag:s8], $0x280  }
0xae: {  	[sflag:s8] =	ssyncset.done @!p1 $0x0  }
0xaf: {  	[sflag:s8] =	ssyncadd.s32 @!p1 $0xFFFFFD80;
	s8 =	simm.s32 @!p1 $0x7  }
0xb0: {  	_ =	swait.ge @!p1 [sflag:s8], $0x280  }
0xb1: {  	[sflag:s8] =	ssyncset.done @!p1 $0x0  }
0xb2: {  	s25 =	simm.s32 $0x0;
	[sflag:s8] =	ssyncadd.s32 @!p1 $0xFFFFFD80  }
.LBB2_3:
0xb3: {  	v29 =	vld [tilespmem:$0xA0]  }
0xb4: {  	v27 =	vld [tilespmem:$0xB0]  }
0xb5: {  	v24 =	vld [tilespmem:$0xC0]  }
0xb6: {  	v23 =	vld [tilespmem:$0xD0]  }
0xb7: {  	v22 =	vld [tilespmem:$0xE0]  }
0xb8: {  	v21 =	vld [tilespmem:$0xF0]  }
0xb9: {  	v11 =	vld [tilespmem:$0x100]  }
0xba: {  	v0 =	vld [tilespmem:$0x110]  }
0xbb: {  	v58 =	vld [tilespmem:$0x120]  }
0xbc: {  	v20 =	vld [tilespmem:$0x130]  }
0xbd: {  	v19 =	vld [tilespmem:$0x140]  }
0xbe: {  	v25 =	vld [tilespmem:$0x150]  }
0xbf: {  	v9 =	vld [tilespmem:$0x160]  }
0xc0: {  	v6 =	vld [tilespmem:$0x170]  }
0xc1: {  	s8 =	sshll.u32 s25, $0x9;
	v1 =	vld [tilespmem:$0x180]  }
0xc2: {  	v5 =	vld [tilespmem:s8+$0x2A0]  }
0xc3: {  	v7 =	vld [tilespmem:s8+$0xA2A0]  }
0xc4: {  	v8 =	vld [tilespmem:s8+$0x2B0]  }
0xc5: {  	v10 =	vld [tilespmem:s8+$0xA2B0]  }
0xc6: {  	v12 =	vld [tilespmem:s8+$0x2C0]  }
0xc7: {  	v13 =	vld [tilespmem:s8+$0xA2C0]  }
0xc8: {  	v15 =	vld [tilespmem:s8+$0x2D0]  }
0xc9: {  	v16 =	vld [tilespmem:s8+$0xA2D0]  }
0xca: {  	v18 =	vld [tilespmem:s8+$0x2E0]  }
0xcb: {  	v26 =	vld [tilespmem:s8+$0xA2E0]  }
0xcc: {  	v28 =	vld [tilespmem:s8+$0x2F0]  }
0xcd: {  	v30 =	vld [tilespmem:s8+$0xA2F0]  }
0xce: {  	v33 =	vld [tilespmem:s8+$0x300]  }
0xcf: {  	v34 =	vld [tilespmem:s8+$0xA300]  }
0xd0: {  	v35 =	vld [tilespmem:s8+$0x310]  }
0xd1: {  	v36 =	vld [tilespmem:s8+$0xA310]  }
0xd2: {  	v37 =	vld [tilespmem:s8+$0x320]  }
0xd3: {  	v38 =	vld [tilespmem:s8+$0xA320]  }
0xd4: {  	v39 =	vld [tilespmem:s8+$0x330]  }
0xd5: {  	v40 =	vld [tilespmem:s8+$0xA330]  }
0xd6: {  	v41 =	vld [tilespmem:s8+$0x340]  }
0xd7: {  	v42 =	vld [tilespmem:s8+$0xA340]  }
0xd8: {  	v43 =	vld [tilespmem:s8+$0x350]  }
0xd9: {  	v44 =	vld [tilespmem:s8+$0xA350]  }
0xda: {  	v45 =	vld [tilespmem:s8+$0x360]  }
0xdb: {  	v46 =	vld [tilespmem:s8+$0xA360]  }
0xdc: {  	v47 =	vld [tilespmem:s8+$0x370]  }
0xdd: {  	v48 =	vld [tilespmem:s8+$0xA370]  }
0xde: {  	v49 =	vld [tilespmem:s8+$0x380]  }
0xdf: {  	v50 =	vld [tilespmem:s8+$0xA380]  }
0xe0: {  	v32 =	vld [tilespmem:s8+$0x390]  }
0xe1: {  	v51 =	vld [tilespmem:s8+$0xA390]  }
0xe2: {  	v53 =	vld [tilespmem:s8+$0x3A0]  }
0xe3: {  	v54 =	vld [tilespmem:s8+$0xA3A0];
	v7 =	vadd.f32 v7, v5  }
0xe4: {  	v55 =	vld [tilespmem:s8+$0x3B0];
	v8 =	vadd.f32 v10, v8  }
0xe5: {  	v56 =	vld [tilespmem:s8+$0xA3B0];
	v13 =	vadd.f32 v13, v12;
	v15 =	vadd.f32 v16, v15;
	v52 =	vmul.f32 $2.000000030e-01, v7  }
0xe6: {  	v57 =	vld [tilespmem:s8+$0xA3C0];
	v18 =	vadd.f32 v26, v18;
	v63 =	vadd.f32 v30, v28;
	v59 =	vmul.f32 $2.000000030e-01, v8  }
0xe7: {  	v5 =	vld [tilespmem:$0x190];
	v60 =	vmul.f32 $2.000000030e-01, v13;
	v16 =	vmul.f32 $2.000000030e-01, v15;
	v7 =	vmax.f32 v7, v52  }
0xe8: {  	v10 =	vld [tilespmem:$0x1A0];
	v45 =	vadd.f32 v46, v45;
	v62 =	vmul.f32 $2.000000030e-01, v18;
	v7 =	vmul.f32 v7, v29  }
0xe9: {  	v12 =	vld [tilespmem:$0x1B0];
	v8 =	vmax.f32 v8, v59;
	v13 =	vmax.f32 v13, v60;
	v15 =	vmax.f32 v15, v16  }
0xea: {  	v30 =	vld [tilespmem:s8+$0x3D0];
	v59 =	vmul.f32 $2.000000030e-01, v63;
	v8 =	vmul.f32 v8, v27;
	v7 =	vadd.f32 $0.0e+00, v7  }
0xeb: {  	[tilespmem:$0x1FF00] =	vst v23;
	v46 =	vld [tilespmem:s8+$0xA410];
	v60 =	vadd.f32 v34, v33;
	v61 =	vmul.f32 v13, v24;
	v23 =	vmul.f32 v15, v23  }
0xec: {  	v33 =	vld [tilespmem:s8+$0xA3D0];
	v15 =	vmax.f32 v18, v62;
	v16 =	vmax.f32 v63, v59;
	v7 =	vadd.f32 v8, v7  }
0xed: {  	v34 =	vld [tilespmem:s8+$0x3E0];
	v62 =	vmul.f32 $2.000000030e-01, v60;
	v63 =	vadd.f32 v36, v35;
	v59 =	vadd.f32 v38, v37  }
0xee: {  	v35 =	vld [tilespmem:s8+$0xA3E0];
	v7 =	vadd.f32 v61, v7  }
0xef: {  	v52 =	vld [tilespmem:s8+$0x3C0];
	v18 =	vmax.f32 v60, v62;
	v31 =	vmul.f32 $2.000000030e-01, v63;
	v62 =	vmul.f32 $2.000000030e-01, v59  }
0xf0: {  	v38 =	vld [tilespmem:s8+$0x3F0];
	v60 =	vmul.f32 v18, v11;
	v61 =	vmul.f32 v15, v22;
	v7 =	vadd.f32 v23, v7  }
0xf1: {  	v26 =	vmax.f32 v59, v62;
	v59 =	vadd.f32 v42, v41;
	v41 =	vld [tilespmem:s8+$0xA400];
	v23 =	vmul.f32 v16, v21  }
0xf2: {  	v7 =	vadd.f32 v61, v7;
	v61 =	vmax.f32 v63, v31;
	v63 =	vadd.f32 v40, v39;
	v39 =	vld [tilespmem:s8+$0xA3F0]  }
0xf3: {  	v33 =	vadd.f32 v33, v30;
	v26 =	vmul.f32 v26, v58;
	v34 =	vadd.f32 v35, v34;
	v40 =	vld [tilespmem:s8+$0x400]  }
0xf4: {  	[tilespmem:$0x1FF10] =	vst v21;
	v13 =	vld [tilespmem:$0x1C0];
	v21 =	vmovc v58;
	v58 =	vmul.f32 $2.000000030e-01, v45;
	v7 =	vadd.f32 v23, v7;
	v31 =	vmul.f32 $2.000000030e-01, v63  }
0xf5: {  	v18 =	vld [tilespmem:$0x1F0];
	v26 =	vadd.f32 $0.0e+00, v26;
	v23 =	vmul.f32 v61, v0;
	v61 =	vadd.f32 v44, v43  }
0xf6: {  	v42 =	vmax.f32 v45, v58;
	v44 =	vld [tilespmem:s8+$0x410];
	v7 =	vadd.f32 v60, v7;
	v28 =	vmax.f32 v63, v31  }
0xf7: {  	v30 =	vld [tilespmem:$0x240];
	v60 =	vmul.f32 $2.000000030e-01, v59;
	v63 =	vmul.f32 $2.000000030e-01, v61;
	v38 =	vadd.f32 v39, v38  }
0xf8: {  	v15 =	vld [tilespmem:$0x1D0];
	v28 =	vmul.f32 v28, v20;
	v40 =	vadd.f32 v41, v40;
	v8 =	vadd.f32 v23, v7  }
0xf9: {  	v16 =	vld [tilespmem:$0x1E0];
	v36 =	vmax.f32 v59, v60;
	v23 =	vmax.f32 v61, v63;
	v59 =	vadd.f32 v48, v47  }
0xfa: {  	v31 =	vld [tilespmem:$0x200];
	v60 =	vadd.f32 v50, v49;
	v17 =	vmul.f32 v36, v19;
	v62 =	vperm.xlane v8, v14  }
0xfb: {  	v39 =	vld [tilespmem:s8+$0x460];
	v63 =	vmul.f32 v42, v9;
	v26 =	vadd.f32 v28, v26;
	v44 =	vadd.f32 v46, v44  }
0xfc: {  	v7 =	vld [tilespmem:$0x210];
	v61 =	vmul.f32 $2.000000030e-01, v59;
	v37 =	vadd.f32 v8, v62;
	v62 =	vadd.f32 v54, v53  }
0xfd: {  	v47 =	vld [tilespmem:s8+$0x420];
	v36 =	vmul.f32 v23, v25;
	v28 =	vadd.f32 v17, v26;
	v26 =	vadd.f32 v56, v55  }
0xfe: {  	s26 =	sor.u32 $0x1, s25;
	v49 =	vld [tilespmem:s8+$0xA420];
	v43 =	vmax.f32 v59, v61;
	v59 =	vadd.f32 v57, v52;
	v17 =	vmovc v9;
	v9 =	vmul.f32 $2.000000030e-01, v62  }
0xff: {  	s16 =	sshll.u32 s26, $0x9;
	v23 =	vld [tilespmem:$0x220];
	v8 =	vmul.f32 $2.000000030e-01, v60;
	v57 =	vadd.f32 v51, v32;
	v28 =	vadd.f32 v36, v28  }
0x100: {  	v46 =	vld [tilespmem:s16+$0xA2A0];
	v43 =	vmul.f32 v43, v6;
	v58 =	vmul.f32 $2.000000030e-01, v26;
	v45 =	vmax.f32 v62, v9  }
0x101: {  	v55 =	vld [tilespmem:s8+$0xA430];
	v42 =	vmax.f32 v60, v8;
	v36 =	vadd.f32 v63, v28;
	v60 =	vmul.f32 v45, v10  }
0x102: {  	v56 =	vld [tilespmem:s8+$0xA450];
	v61 =	vmul.f32 $2.000000030e-01, v59;
	v42 =	vmul.f32 v42, v1;
	v48 =	vmax.f32 v26, v58  }
0x103: {  	v53 =	vld [tilespmem:s8+$0x430];
	v63 =	vmul.f32 v48, v12;
	v36 =	vadd.f32 v43, v36;
	v62 =	vadd.f32 $0.0e+00, v60  }
0x104: {  	v54 =	vld [tilespmem:s8+$0xA460];
	v51 =	vmul.f32 $2.000000030e-01, v57;
	v26 =	vmul.f32 $2.000000030e-01, v33;
	v50 =	vmax.f32 v59, v61  }
0x105: {  	v48 =	vld [tilespmem:s8+$0x450];
	v58 =	vmul.f32 v50, v13;
	v36 =	vadd.f32 v42, v36;
	v42 =	vadd.f32 v63, v62  }
0x106: {  	v52 =	vld [tilespmem:s8+$0x440];
	v47 =	vadd.f32 v49, v47;
	v59 =	vmul.f32 $2.000000030e-01, v34;
	v33 =	vmax.f32 v33, v26  }
0x107: {  	v35 =	vmax.f32 v57, v51;
	v45 =	vld [tilespmem:s8+$0xA440];
	v60 =	vmul.f32 v33, v15;
	v42 =	vadd.f32 v58, v42  }
0x108: {  	v32 =	vld [tilespmem:$0x260];
	v61 =	vmul.f32 $2.000000030e-01, v38;
	v35 =	vmul.f32 v35, v5;
	v34 =	vmax.f32 v34, v59  }
0x109: {  	v39 =	vadd.f32 v54, v39;
	v54 =	vld [tilespmem:s16+$0x2A0];
	v34 =	vmul.f32 v34, v16;
	v62 =	vadd.f32 v60, v42  }
0x10a: {  	[tilespmem:$0x1FF40] =	vst v12;
	v28 =	vld [tilespmem:$0x230];
	v26 =	vmul.f32 $2.000000030e-01, v47;
	v63 =	vmul.f32 $2.000000030e-01, v40;
	v48 =	vadd.f32 v56, v48  }
0x10b: {  	v8 =	vmovc v12;
	v12 =	vld [tilespmem:$0x250];
	v38 =	vmax.f32 v38, v61;
	v41 =	vadd.f32 v34, v62;
	v34 =	vadd.f32 v55, v53  }
0x10c: {  	v49 =	vld [tilespmem:s8+$0xA470];
	v38 =	vmul.f32 v38, v18;
	v45 =	vadd.f32 v45, v52;
	v40 =	vmax.f32 v40, v63  }
0x10d: {  	v51 =	vld [tilespmem:s8+$0x480];
	v58 =	vmax.f32 v47, v26;
	v26 =	vmul.f32 $2.000000030e-01, v48;
	v59 =	vmul.f32 $2.000000030e-01, v34  }
0x10e: {  	v46 =	vadd.f32 v46, v54;
	v57 =	vmul.f32 v40, v31;
	v42 =	vld [tilespmem:s8+$0x470];
	v60 =	vmul.f32 v58, v23  }
0x10f: {  	v40 =	vld [tilespmem:s8+$0xA480];
	v48 =	vmax.f32 v48, v26;
	v62 =	vmul.f32 $2.000000030e-01, v45;
	v43 =	vmax.f32 v34, v59  }
0x110: {  	[tilespmem:$0x1FF60] =	vst v18;
	v61 =	vld [tilespmem:s8+$0x490];
	v33 =	vmovc v18;
	v58 =	vmul.f32 v48, v12;
	v18 =	vadd.f32 $0.0e+00, v60;
	v43 =	vmul.f32 v43, v28  }
0x111: {  	v63 =	vld [tilespmem:s8+$0xA490];
	v53 =	vadd.f32 v35, v36;
	v55 =	vadd.f32 v38, v41;
	v45 =	vmax.f32 v45, v62  }
0x112: {  	[tilespmem:$0x1FF50] =	vst v13;
	v36 =	vmul.f32 $2.000000030e-01, v44;
	v45 =	vmul.f32 v45, v30;
	v43 =	vadd.f32 v43, v18  }
0x113: {  	v9 =	vmovc v13;
	v13 =	vmovc v5;
	v5 =	vld [tilespmem:$0x270];
	v42 =	vadd.f32 v49, v42;
	v38 =	vadd.f32 v57, v55;
	v57 =	vmul.f32 $2.000000030e-01, v39  }
0x114: {  	v44 =	vmax.f32 v44, v36;
	v40 =	vadd.f32 v40, v51;
	v43 =	vadd.f32 v45, v43  }
0x115: {  	[tilespmem:$0x1FFB0] =	vst v0;
	v0 =	vld [tilespmem:$0x280];
	v44 =	vmul.f32 v44, v7;
	v59 =	vmul.f32 $2.000000030e-01, v42;
	v39 =	vmax.f32 v39, v57  }
0x116: {  	v41 =	vadd.f32 v63, v61;
	v39 =	vmul.f32 v39, v32;
	v43 =	vadd.f32 v58, v43  }
0x117: {  	[tilespmem:$0x1FF20] =	vst v23;
	v23 =	vld [tilespmem:$0x290];
	v60 =	vmul.f32 $2.000000030e-01, v40;
	v38 =	vadd.f32 v44, v38;
	v42 =	vmax.f32 v42, v59  }
0x118: {  	v50 =	vld [tilespmem:s16+$0x2E0];
	v47 =	vperm.xlane v53, v14;
	v42 =	vmul.f32 v42, v5;
	v39 =	vadd.f32 v39, v43  }
0x119: {  	v56 =	vld [tilespmem:s16+$0x320];
	v62 =	vmul.f32 $2.000000030e-01, v41;
	v40 =	vmax.f32 v40, v60;
	v63 =	vperm.xlane v38, v14  }
0x11a: {  	v52 =	vld [tilespmem:s16+$0x2D0];
	v61 =	vadd.f32 v53, v47;
	v40 =	vmul.f32 v40, v0;
	v39 =	vadd.f32 v42, v39  }
0x11b: {  	v54 =	vld [tilespmem:s16+$0x340];
	v41 =	vmax.f32 v41, v62;
	v18 =	vperm.xlane v37, v2;
	v38 =	vadd.f32 v38, v63  }
0x11c: {  	v48 =	vld [tilespmem:s16+$0xA2B0];
	v26 =	vperm.xlane v61, v2;
	v59 =	vmul.f32 v41, v23;
	v39 =	vadd.f32 v40, v39  }
0x11d: {  	v51 =	vld [tilespmem:s16+$0x2C0];
	v37 =	vadd.f32 v37, v18;
	v60 =	vperm.xlane v38, v2  }
0x11e: {  	v49 =	vld [tilespmem:s16+$0x2B0];
	v44 =	vadd.f32 v61, v26;
	v39 =	vadd.f32 v59, v39  }
0x11f: {  	v47 =	vld [tilespmem:s16+$0x2F0];
	v61 =	vperm.xlane v37, v3;
	v38 =	vadd.f32 v38, v60  }
0x120: {  	v55 =	vld [tilespmem:s16+$0xA320];
	v62 =	vperm.xlane v44, v3;
	v63 =	vperm.xlane v39, v14  }
0x121: {  	v53 =	vld [tilespmem:s16+$0x300];
	v37 =	vadd.f32 v37, v61;
	v18 =	vperm.xlane v38, v3  }
0x122: {  	v57 =	vld [tilespmem:s16+$0x310];
	v44 =	vadd.f32 v44, v62;
	v39 =	vadd.f32 v39, v63  }
0x123: {  	v45 =	vld [tilespmem:s16+$0xA2C0];
	v60 =	vperm.xlane v37, v4;
	v38 =	vadd.f32 v38, v18  }
0x124: {  	v41 =	vld [tilespmem:s16+$0xA2F0];
	v48 =	vadd.f32 v48, v49;
	v62 =	vperm.xlane v44, v4;
	v26 =	vperm.xlane v39, v2  }
0x125: {  	v36 =	vmovc v0;
	v0 =	vld [tilespmem:s16+$0xA370];
	v55 =	vadd.f32 v55, v56;
	v37 =	vadd.f32 v37, v60;
	v18 =	vperm.xlane v38, v4  }
0x126: {  	v43 =	vld [tilespmem:s16+$0xA2D0];
	v44 =	vadd.f32 v44, v62;
	v39 =	vadd.f32 v39, v26  }
0x127: {  	v49 =	vld [tilespmem:s16+$0x350];
	v37 =	vnsel vm0, $0x0, v37;
	v38 =	vadd.f32 v38, v18;
	v26 =	vmul.f32 $2.000000030e-01, v46  }
0x128: {  	v56 =	vld [tilespmem:s16+$0x3B0];
	v45 =	vadd.f32 v45, v51;
	v37 =	vsel vm1, v37, v44;
	v18 =	vperm.xlane v39, v3  }
0x129: {  	v58 =	vld [tilespmem:s16+$0xA340];
	v37 =	vsel vm2, v37, v38;
	v46 =	vmax.f32 v46, v26;
	v26 =	vmul.f32 $2.000000030e-01, v48  }
0x12a: {  	v42 =	vld [tilespmem:s16+$0xA2E0];
	v38 =	vadd.f32 v39, v18;
	v39 =	vmul.f32 v46, v29;
	v18 =	vmul.f32 $2.000000030e-01, v45  }
0x12b: {  	v41 =	vadd.f32 v41, v47;
	v47 =	vld [tilespmem:s16+$0x390];
	v43 =	vadd.f32 v43, v52;
	v46 =	vmax.f32 v48, v26  }
0x12c: {  	v61 =	vld [tilespmem:s16+$0x330];
	v46 =	vmul.f32 v46, v27;
	v39 =	vadd.f32 $0.0e+00, v39;
	v45 =	vmax.f32 v45, v18  }
0x12d: {  	[tilespmem:$0x1FF30] =	vst v5;
	v5 =	vmov v27;
	v27 =	vmov v24;
	v45 =	vmul.f32 v45, v24;
	v24 =	vld [tilespmem:$0x1FF00]  }
0x12e: {  	v51 =	vld [tilespmem:s16+$0x360];
	v18 =	vmul.f32 $2.000000030e-01, v43;
	v39 =	vadd.f32 v46, v39  }
0x12f: {  	v40 =	vld [tilespmem:s16+$0xA300];
	v42 =	vadd.f32 v42, v50  }
0x130: {  	v60 =	vld [tilespmem:s16+$0xA350];
	v26 =	vperm.xlane v38, v4;
	v43 =	vmax.f32 v43, v18;
	v18 =	vadd.f32 v45, v39  }
0x131: {  	v52 =	vld [tilespmem:s16+$0x370];
	v62 =	vmul.f32 $2.000000030e-01, v42  }
0x132: {  	v59 =	vld [tilespmem:s16+$0xA310];
	v38 =	vadd.f32 v38, v26;
	v26 =	vmul.f32 v43, v24  }
0x133: {  	[tilespmem:$0x1FF70] =	vst v7;
	v34 =	vmovc v30;
	v30 =	vmov v7;
	v54 =	vadd.f32 v58, v54;
	v44 =	vld [tilespmem:s16+$0xA360];
	v42 =	vmax.f32 v42, v62  }
0x134: {  	v7 =	vsel vm3, v37, v38;
	v38 =	vadd.f32 v26, v18;
	v18 =	vmovc v22;
	v26 =	vmul.f32 v42, v22;
	v22 =	vld [tilespmem:$0x1FF10]  }
0x135: {  	v58 =	vmul.f32 $2.000000030e-01, v54;
	v50 =	vld [tilespmem:s16+$0x380]  }
0x136: {  	v40 =	vadd.f32 v40, v53;
	v53 =	vld [tilespmem:s16+$0xA3A0];
	v49 =	vadd.f32 v60, v49;
	v62 =	vmul.f32 $2.000000030e-01, v41  }
0x137: {  	v54 =	vmax.f32 v54, v58;
	v63 =	vld [tilespmem:s16+$0xA330];
	v0 =	vadd.f32 v0, v52  }
0x138: {  	v52 =	vld [tilespmem:s16+$0x400];
	v58 =	vmul.f32 $2.000000030e-01, v49;
	v41 =	vmax.f32 v41, v62;
	v62 =	vmul.f32 $2.000000030e-01, v40  }
0x139: {  	v44 =	vadd.f32 v44, v51;
	v51 =	vld [tilespmem:s16+$0x3F0];
	v38 =	vadd.f32 v26, v38;
	v39 =	vmul.f32 v41, v22  }
0x13a: {  	v49 =	vmax.f32 v49, v58;
	v58 =	vld [tilespmem:s16+$0x440];
	v40 =	vmax.f32 v40, v62  }
0x13b: {  	v35 =	vmovc v12;
	v12 =	vmov v11;
	v11 =	vmul.f32 v40, v11;
	v48 =	vld [tilespmem:s16+$0x3A0];
	v38 =	vadd.f32 v39, v38  }
0x13c: {  	v46 =	vld [tilespmem:s16+$0xA380]  }
0x13d: {  	v42 =	vadd.f32 v59, v57;
	v38 =	vadd.f32 v11, v38;
	v11 =	vld [tilespmem:$0x1FFB0]  }
0x13e: {  	v43 =	vld [tilespmem:s16+$0xA390];
	v59 =	vadd.f32 v63, v61;
	v26 =	vmul.f32 $2.000000030e-01, v55  }
0x13f: {  	v57 =	vld [tilespmem:s16+$0xA3B0];
	v41 =	vmul.f32 $2.000000030e-01, v42  }
0x140: {  	v61 =	vld [tilespmem:s16+$0x3C0];
	v63 =	vmax.f32 v55, v26;
	v26 =	vmul.f32 $2.000000030e-01, v59  }
0x141: {  	v55 =	vld [tilespmem:s16+$0x3D0];
	v62 =	vmax.f32 v42, v41  }
0x142: {  	v63 =	vmul.f32 v63, v21;
	v45 =	vmax.f32 v59, v26;
	v59 =	vld [tilespmem:s16+$0x3E0];
	v62 =	vmul.f32 v62, v11  }
0x143: {  	v41 =	vld [tilespmem:s16+$0xA3C0]  }
0x144: {  	v42 =	vld [tilespmem:s16+$0xA3D0];
	v26 =	vadd.f32 $0.0e+00, v63;
	v37 =	vmul.f32 v45, v20;
	v38 =	vadd.f32 v62, v38  }
0x145: {  	v48 =	vadd.f32 v53, v48;
	v46 =	vadd.f32 v46, v50;
	v45 =	vld [tilespmem:s16+$0xA3E0];
	v63 =	vmul.f32 $2.000000030e-01, v44  }
0x146: {  	v40 =	vld [tilespmem:s16+$0xA420];
	v43 =	vadd.f32 v43, v47;
	v39 =	vadd.f32 v37, v26;
	v60 =	vperm.xlane v38, v14  }
0x147: {  	v37 =	vmul.f32 v49, v25;
	v49 =	vld [tilespmem:s16+$0xA400];
	v44 =	vmax.f32 v44, v63;
	v62 =	vmul.f32 v54, v19  }
0x148: {  	[tilespmem:$0x1FF80] =	vst v19;
	v53 =	vld [tilespmem:s16+$0x420];
	v56 =	vadd.f32 v57, v56;
	v63 =	vmul.f32 v44, v17;
	v38 =	vadd.f32 v38, v60  }
0x149: {  	v50 =	vld [tilespmem:s16+$0x410];
	v26 =	vmovc v19;
	v41 =	vadd.f32 v41, v61;
	v19 =	vmovc v25;
	v25 =	vmul.f32 $2.000000030e-01, v0;
	v39 =	vadd.f32 v62, v39  }
0x14a: {  	v42 =	vadd.f32 v42, v55;
	v45 =	vadd.f32 v45, v59;
	v54 =	vld [tilespmem:s16+$0xA3F0];
	v60 =	vperm.xlane v38, v2  }
0x14b: {  	v57 =	vld [tilespmem:s16+$0x430];
	v0 =	vmax.f32 v0, v25;
	v25 =	vmul.f32 $2.000000030e-01, v46;
	v39 =	vadd.f32 v37, v39  }
0x14c: {  	v44 =	vld [tilespmem:s16+$0xA410];
	v49 =	vadd.f32 v49, v52;
	v38 =	vadd.f32 v38, v60;
	v60 =	vmul.f32 $2.000000030e-01, v48  }
0x14d: {  	v55 =	vld [tilespmem:s16+$0x450];
	v0 =	vmul.f32 v0, v6;
	v46 =	vmax.f32 v46, v25;
	v39 =	vadd.f32 v63, v39  }
0x14e: {  	v59 =	vld [tilespmem:s16+$0x460];
	v25 =	vmul.f32 $2.000000030e-01, v56;
	v62 =	vmul.f32 v46, v1;
	v63 =	vmax.f32 v48, v60  }
0x14f: {  	v52 =	vld [tilespmem:s16+$0x480];
	v51 =	vadd.f32 v54, v51;
	v0 =	vadd.f32 v0, v39;
	v47 =	vmul.f32 v63, v10  }
0x150: {  	v46 =	vld [tilespmem:s16+$0xA430];
	v39 =	vmul.f32 $2.000000030e-01, v43;
	v48 =	vmax.f32 v56, v25;
	v25 =	vmul.f32 $2.000000030e-01, v41  }
0x151: {  	v54 =	vld [tilespmem:s16+$0x470];
	v0 =	vadd.f32 v62, v0;
	v62 =	vmul.f32 v48, v8;
	v61 =	vadd.f32 $0.0e+00, v47  }
0x152: {  	v60 =	vld [tilespmem:s16+$0xA440];
	v39 =	vmax.f32 v43, v39;
	v63 =	vmul.f32 $2.000000030e-01, v42;
	v41 =	vmax.f32 v41, v25  }
0x153: {  	[tilespmem:$0x1FFE0] =	vst v13;
	v48 =	vld [tilespmem:s16+$0xA450];
	v39 =	vmul.f32 v39, v13;
	v41 =	vmul.f32 v41, v9;
	v43 =	vadd.f32 v62, v61  }
0x154: {  	[tilespmem:$0x1FFC0] =	vst v7;
	v7 =	vmov v13;
	v13 =	vld [tilespmem:$0x1FF20];
	v25 =	vmul.f32 $2.000000030e-01, v45;
	v42 =	vmax.f32 v42, v63  }
0x155: {  	v47 =	vld [tilespmem:s16+$0xA460];
	v0 =	vadd.f32 v39, v0;
	v62 =	vmul.f32 v42, v15;
	v61 =	vadd.f32 v41, v43  }
0x156: {  	v63 =	vmax.f32 v45, v25;
	v42 =	vld [tilespmem:s16+$0xA470]  }
0x157: {  	v9 =	vperm.xlane v0, v14;
	v43 =	vmul.f32 v63, v16;
	v41 =	vadd.f32 v62, v61;
	v61 =	vld [tilespmem:s16+$0xA480]  }
0x158: {  	s28 =	sor.u32 $0x2, s25;
	v53 =	vadd.f32 v40, v53;
	v8 =	vmul.f32 $2.000000030e-01, v51;
	v62 =	vld [tilespmem:s16+$0x490]  }
0x159: {  	v39 =	vadd.f32 v0, v9;
	v0 =	vadd.f32 v43, v41;
	v43 =	vld [tilespmem:s16+$0xA490];
	s16 =	sshll.u32 s28, $0x9  }
0x15a: {  	v45 =	vmax.f32 v51, v8;
	v25 =	vmul.f32 $2.000000030e-01, v49;
	v8 =	vmul.f32 $2.000000030e-01, v53;
	v51 =	vld [tilespmem:s16+$0x2A0]  }
0x15b: {  	v46 =	vadd.f32 v46, v57;
	v56 =	vmul.f32 v45, v33;
	v45 =	vld [tilespmem:s16+$0xA2A0]  }
0x15c: {  	v33 =	vadd.f32 v60, v58;
	v63 =	vmax.f32 v49, v25;
	v49 =	vmax.f32 v53, v8;
	v57 =	vld [tilespmem:s16+$0x2B0]  }
0x15d: {  	v25 =	vmul.f32 $2.000000030e-01, v46;
	v60 =	vmul.f32 v49, v13;
	v49 =	vld [tilespmem:s16+$0xA2B0]  }
0x15e: {  	v9 =	vmul.f32 v63, v31;
	v63 =	vmul.f32 $2.000000030e-01, v33;
	v53 =	vld [tilespmem:s16+$0x2C0]  }
0x15f: {  	v37 =	vadd.f32 v44, v50;
	v58 =	vld [tilespmem:s16+$0xA2C0]  }
0x160: {  	v47 =	vadd.f32 v47, v59;
	v46 =	vmax.f32 v46, v25;
	v50 =	vmax.f32 v33, v63;
	v59 =	vld [tilespmem:s16+$0x2D0]  }
0x161: {  	v44 =	vadd.f32 $0.0e+00, v60;
	v46 =	vmul.f32 v46, v28;
	v25 =	vmul.f32 v50, v34;
	v50 =	vld [tilespmem:s16+$0xA2D0]  }
0x162: {  	v40 =	vperm.xlane v39, v2;
	v42 =	vadd.f32 v42, v54;
	v54 =	vld [tilespmem:s16+$0x2E0]  }
0x163: {  	v44 =	vadd.f32 v46, v44;
	v46 =	vld [tilespmem:s16+$0xA2F0]  }
0x164: {  	v39 =	vadd.f32 v39, v40;
	v60 =	vmul.f32 $2.000000030e-01, v42;
	v40 =	vld [tilespmem:s16+$0x410]  }
0x165: {  	v8 =	vmul.f32 $2.000000030e-01, v37;
	v0 =	vadd.f32 v56, v0;
	v56 =	vld [tilespmem:s16+$0x2F0]  }
0x166: {  	v48 =	vadd.f32 v48, v55;
	v33 =	vmul.f32 $2.000000030e-01, v47;
	v42 =	vmax.f32 v42, v60;
	v60 =	vld [tilespmem:s16+$0xA320]  }
0x167: {  	v41 =	vmax.f32 v37, v8;
	v52 =	vadd.f32 v61, v52;
	v45 =	vadd.f32 v45, v51;
	v51 =	vld [tilespmem:s16+$0x300]  }
0x168: {  	v0 =	vadd.f32 v9, v0;
	v9 =	vmul.f32 $2.000000030e-01, v48;
	v49 =	vadd.f32 v49, v57;
	v57 =	vld [tilespmem:s16+$0x310]  }
0x169: {  	v41 =	vmul.f32 v41, v30;
	v44 =	vadd.f32 v25, v44;
	v53 =	vadd.f32 v58, v53;
	v58 =	vld [tilespmem:s16+$0x320]  }
0x16a: {  	v25 =	vmul.f32 $2.000000030e-01, v52;
	v48 =	vmax.f32 v48, v9;
	v50 =	vadd.f32 v50, v59;
	v59 =	vld [tilespmem:s16+$0x330]  }
0x16b: {  	v47 =	vmax.f32 v47, v33;
	v37 =	vmul.f32 v48, v35;
	v48 =	vld [tilespmem:s16+$0xA2E0]  }
0x16c: {  	v8 =	vmovc v35;
	v0 =	vadd.f32 v41, v0;
	v9 =	vmul.f32 v47, v32;
	v35 =	vld [tilespmem:$0x1FF30];
	v47 =	vmax.f32 v52, v25  }
0x16d: {  	v46 =	vadd.f32 v46, v56;
	v56 =	vld [tilespmem:s16+$0x350];
	v30 =	vmul.f32 $2.000000030e-01, v45;
	v33 =	vmul.f32 v47, v36  }
0x16e: {  	v43 =	vadd.f32 v43, v62;
	v47 =	vld [tilespmem:s16+$0xA310];
	v25 =	vmul.f32 $2.000000030e-01, v53;
	v61 =	vmul.f32 $2.000000030e-01, v50  }
0x16f: {  	v55 =	vperm.xlane v0, v14;
	v63 =	vadd.f32 v37, v44;
	v44 =	vld [tilespmem:s16+$0xA300];
	v37 =	vmul.f32 $2.000000030e-01, v49  }
0x170: {  	v45 =	vmax.f32 v45, v30;
	v52 =	vmax.f32 v53, v25;
	v50 =	vmax.f32 v50, v61;
	v53 =	vld [tilespmem:s16+$0x380]  }
0x171: {  	v41 =	vadd.f32 v9, v63;
	v62 =	vmul.f32 v52, v27;
	v52 =	vld [tilespmem:s16+$0xA340];
	v42 =	vmul.f32 v42, v35  }
0x172: {  	v0 =	vadd.f32 v0, v55;
	v45 =	vmul.f32 v45, v29;
	v48 =	vadd.f32 v48, v54;
	v54 =	vld [tilespmem:s16+$0x340]  }
0x173: {  	v55 =	vld [tilespmem:s16+$0x400];
	v9 =	vmul.f32 $2.000000030e-01, v43;
	v49 =	vmax.f32 v49, v37;
	v41 =	vadd.f32 v42, v41  }
0x174: {  	v30 =	vadd.f32 $0.0e+00, v45;
	v45 =	vld [tilespmem:s16+$0xA350];
	v47 =	vadd.f32 v47, v57;
	v63 =	vmul.f32 $2.000000030e-01, v48  }
0x175: {  	v42 =	vmax.f32 v43, v9;
	v41 =	vadd.f32 v33, v41;
	v33 =	vmul.f32 v49, v5;
	v49 =	vld [tilespmem:s16+$0xA330]  }
0x176: {  	v37 =	vmovc v5;
	v44 =	vadd.f32 v44, v51;
	v42 =	vmul.f32 v42, v23;
	v48 =	vmax.f32 v48, v63;
	v5 =	vld [tilespmem:$0x1FF50]  }
0x177: {  	[tilespmem:$0x1FFD0] =	vst v23;
	v23 =	vmul.f32 v50, v24;
	v61 =	vmul.f32 v48, v18;
	v48 =	vld [tilespmem:s16+$0xA360];
	v52 =	vadd.f32 v52, v54  }
0x178: {  	v57 =	vmul.f32 $2.000000030e-01, v47;
	v54 =	vld [tilespmem:s16+$0xA380];
	v43 =	vadd.f32 v33, v30;
	v41 =	vadd.f32 v42, v41  }
0x179: {  	v25 =	vmovc v24;
	v24 =	vmovc v18;
	v18 =	vmul.f32 $2.000000030e-01, v44;
	v30 =	vmul.f32 $2.000000030e-01, v46;
	v33 =	vadd.f32 v60, v58;
	v58 =	vld [tilespmem:s16+$0x360]  }
0x17a: {  	v45 =	vadd.f32 v45, v56;
	v56 =	vld [tilespmem:s16+$0x390];
	v9 =	vadd.f32 v62, v43;
	v60 =	vperm.xlane v41, v14  }
0x17b: {  	v46 =	vmax.f32 v46, v30;
	v62 =	vmul.f32 $2.000000030e-01, v33;
	v49 =	vadd.f32 v49, v59;
	v59 =	vld [tilespmem:s16+$0x370]  }
0x17c: {  	v30 =	vmul.f32 $2.000000030e-01, v52;
	v63 =	vmul.f32 v46, v22;
	v46 =	vld [tilespmem:s16+$0xA370]  }
0x17d: {  	v43 =	vmax.f32 v44, v18;
	v42 =	vadd.f32 v23, v9;
	v53 =	vadd.f32 v54, v53;
	v54 =	vld [tilespmem:s16+$0x3C0]  }
0x17e: {  	v50 =	vmax.f32 v33, v62;
	v51 =	vmax.f32 v52, v30;
	v52 =	vld [tilespmem:s16+$0x3F0];
	v9 =	vmul.f32 $2.000000030e-01, v49  }
0x17f: {  	v43 =	vmul.f32 v43, v12;
	v41 =	vadd.f32 v41, v60;
	v60 =	vld [tilespmem:s16+$0xA410];
	v50 =	vmul.f32 v50, v21  }
0x180: {  	v62 =	vmul.f32 $2.000000030e-01, v45;
	v48 =	vadd.f32 v48, v58;
	v58 =	vld [tilespmem:s16+$0x3A0];
	v49 =	vmax.f32 v49, v9  }
0x181: {  	v42 =	vadd.f32 v61, v42;
	v61 =	vld [tilespmem:s16+$0xA390];
	v33 =	vadd.f32 $0.0e+00, v50;
	v49 =	vmul.f32 v49, v20  }
0x182: {  	v45 =	vmax.f32 v45, v62;
	v62 =	vmax.f32 v47, v57;
	v47 =	vld [tilespmem:s16+$0xA3E0];
	v9 =	vmul.f32 $2.000000030e-01, v48  }
0x183: {  	v57 =	vld [tilespmem:s16+$0xA420];
	v42 =	vadd.f32 v63, v42;
	v63 =	vmul.f32 v51, v26;
	v44 =	vadd.f32 v49, v33  }
0x184: {  	v30 =	vmul.f32 $2.000000030e-01, v53;
	v45 =	vmul.f32 v45, v19;
	v51 =	vld [tilespmem:s16+$0xA3A0];
	v46 =	vadd.f32 v46, v59  }
0x185: {  	v18 =	vmovc v19;
	v59 =	vld [tilespmem:s16+$0x3B0];
	v48 =	vmax.f32 v48, v9;
	v40 =	vadd.f32 v60, v40;
	v44 =	vadd.f32 v63, v44  }
0x186: {  	v23 =	vmovc v21;
	v21 =	vmovc v20;
	v20 =	vmov v12;
	v12 =	vld [tilespmem:$0x1FF40];
	v19 =	vmul.f32 $2.000000030e-01, v46;
	v26 =	vmul.f32 v48, v17  }
0x187: {  	v49 =	vld [tilespmem:s16+$0xA3B0];
	v50 =	vadd.f32 v61, v56;
	v60 =	vmul.f32 $2.000000030e-01, v40;
	v44 =	vadd.f32 v45, v44  }
0x188: {  	v48 =	vld [tilespmem:s16+$0xA3C0];
	v46 =	vmax.f32 v46, v19;
	v63 =	vmax.f32 v53, v30;
	v30 =	vperm.xlane v0, v2  }
0x189: {  	v56 =	vld [tilespmem:s16+$0x3D0];
	v61 =	vmul.f32 v46, v6;
	v9 =	vmul.f32 $2.000000030e-01, v50;
	v33 =	vadd.f32 v26, v44  }
0x18a: {  	[tilespmem:$0x1FF90] =	vst v17;
	v42 =	vadd.f32 v43, v42;
	v53 =	vld [tilespmem:s16+$0x3E0];
	v46 =	vmul.f32 v62, v11;
	v17 =	vmul.f32 v63, v1  }
0x18b: {  	v62 =	vld [tilespmem:s16+$0x420];
	v0 =	vadd.f32 v0, v30;
	v50 =	vmax.f32 v50, v9;
	v43 =	vadd.f32 v61, v33  }
0x18c: {  	v63 =	vld [tilespmem:s16+$0xA430];
	v42 =	vadd.f32 v46, v42;
	v9 =	vperm.xlane v41, v2;
	v49 =	vadd.f32 v49, v59  }
0x18d: {  	v45 =	vld [tilespmem:s16+$0xA3D0];
	v48 =	vadd.f32 v48, v54;
	v19 =	vmul.f32 v50, v7;
	v43 =	vadd.f32 v17, v43  }
0x18e: {  	[tilespmem:$0x1FFA0] =	vst v6;
	v6 =	vld [tilespmem:s16+$0x440];
	v26 =	vperm.xlane v38, v3;
	v30 =	vperm.xlane v0, v3;
	v41 =	vadd.f32 v41, v9  }
0x18f: {  	v40 =	vmax.f32 v40, v60;
	v60 =	vld [tilespmem:$0x1FF70];
	v47 =	vadd.f32 v47, v53;
	v43 =	vadd.f32 v19, v43  }
0x190: {  	v46 =	vld [tilespmem:s16+$0xA3F0];
	v11 =	vperm.xlane v42, v14;
	v38 =	vadd.f32 v38, v26;
	v0 =	vadd.f32 v0, v30  }
0x191: {  	v50 =	vld [tilespmem:s16+$0x430];
	v61 =	vadd.f32 v51, v58;
	v17 =	vperm.xlane v39, v3;
	v19 =	vperm.xlane v43, v14  }
0x192: {  	v59 =	vld [tilespmem:s16+$0x460];
	v42 =	vadd.f32 v42, v11;
	v9 =	vperm.xlane v41, v3;
	v45 =	vadd.f32 v45, v56  }
0x193: {  	v54 =	vld [tilespmem:s16+$0x470];
	v26 =	vperm.xlane v38, v4;
	v39 =	vadd.f32 v39, v17;
	v43 =	vadd.f32 v43, v19  }
0x194: {  	v44 =	vld [tilespmem:s16+$0xA400];
	v33 =	vmovc v1;
	v58 =	vmul.f32 $2.000000030e-01, v61;
	v1 =	vperm.xlane v42, v2;
	v41 =	vadd.f32 v41, v9  }
0x195: {  	v53 =	vld [tilespmem:s16+$0x490];
	v38 =	vadd.f32 v38, v26;
	v11 =	vperm.xlane v39, v4;
	v17 =	vperm.xlane v43, v2  }
0x196: {  	v51 =	vld [tilespmem:s16+$0x450];
	v50 =	vadd.f32 v63, v50;
	v1 =	vadd.f32 v42, v1;
	v26 =	vperm.xlane v41, v4  }
0x197: {  	v56 =	vld [tilespmem:s16+$0x480];
	v38 =	vnsel vm0, $0x0, v38;
	v39 =	vadd.f32 v39, v11;
	v42 =	vadd.f32 v43, v17  }
0x198: {  	v63 =	vld [tilespmem:$0x1FF60];
	v9 =	vadd.f32 v41, v26;
	v26 =	vmul.f32 $2.000000030e-01, v49;
	v19 =	vperm.xlane v0, v4  }
0x199: {  	v41 =	vld [tilespmem:s16+$0xA450];
	v38 =	vsel vm1, v38, v39;
	v39 =	vmax.f32 v61, v58;
	v17 =	vperm.xlane v42, v3  }
0x19a: {  	v30 =	vperm.xlane v1, v3;
	v11 =	vld [tilespmem:s16+$0xA460];
	v39 =	vmul.f32 v39, v10  }
0x19b: {  	v0 =	vadd.f32 v0, v19;
	v58 =	vld [tilespmem:s16+$0xA470];
	v19 =	vadd.f32 v42, v17;
	v42 =	vmax.f32 v49, v26  }
0x19c: {  	v43 =	vld [tilespmem:s16+$0xA440];
	v61 =	vadd.f32 $0.0e+00, v39;
	v17 =	vmul.f32 v42, v12  }
0x19d: {  	s8 =	sor.u32 $0x3, s25;
	v1 =	vadd.f32 v1, v30;
	v0 =	vsel vm2, v38, v0;
	v42 =	vld [tilespmem:s16+$0xA480]  }
0x19e: {  	v38 =	vsel vm3, v0, v9;
	v9 =	vadd.f32 v17, v61;
	v61 =	vld [tilespmem:s16+$0xA490];
	s16 =	sshll.u32 s8, $0x9  }
0x19f: {  	v46 =	vadd.f32 v46, v52;
	v0 =	vperm.xlane v1, v4;
	v52 =	vld [tilespmem:s16+$0x2A0]  }
0x1a0: {  	v30 =	vmul.f32 $2.000000030e-01, v48;
	v49 =	vld [tilespmem:s16+$0x2B0]  }
0x1a1: {  	v44 =	vadd.f32 v44, v55;
	v0 =	vadd.f32 v1, v0;
	v1 =	vperm.xlane v19, v4;
	v55 =	vld [tilespmem:s16+$0x2C0]  }
0x1a2: {  	v48 =	vmax.f32 v48, v30;
	v6 =	vadd.f32 v43, v6;
	v43 =	vld [tilespmem:s16+$0x2D0]  }
0x1a3: {  	v48 =	vmul.f32 v48, v5;
	v41 =	vadd.f32 v41, v51;
	v1 =	vadd.f32 v19, v1;
	v51 =	vld [tilespmem:s16+$0xA2E0]  }
0x1a4: {  	v11 =	vadd.f32 v11, v59;
	v0 =	vnsel vm0, $0x0, v0;
	v19 =	vmul.f32 $2.000000030e-01, v45;
	v59 =	vld [tilespmem:s16+$0x2F0]  }
0x1a5: {  	v26 =	vmul.f32 $2.000000030e-01, v47;
	v39 =	vsel vm1, v0, v1;
	v0 =	vadd.f32 v48, v9;
	v9 =	vld [tilespmem:s16+$0xA2A0]  }
0x1a6: {  	v17 =	vmul.f32 $2.000000030e-01, v46;
	v45 =	vmax.f32 v45, v19;
	v19 =	vadd.f32 v57, v62;
	v57 =	vld [tilespmem:s16+$0xA2C0]  }
0x1a7: {  	v30 =	vmax.f32 v47, v26;
	v42 =	vadd.f32 v42, v56;
	v56 =	vld [tilespmem:s16+$0xA320];
	v1 =	vmul.f32 v45, v15  }
0x1a8: {  	v46 =	vmax.f32 v46, v17;
	v62 =	vmul.f32 $2.000000030e-01, v50;
	v48 =	vld [tilespmem:s16+$0x330];
	v26 =	vmul.f32 $2.000000030e-01, v19  }
0x1a9: {  	v45 =	vld [tilespmem:s16+$0xA2B0];
	v0 =	vadd.f32 v1, v0;
	v1 =	vmul.f32 v30, v16;
	v30 =	vmul.f32 $2.000000030e-01, v44  }
0x1aa: {  	v47 =	vmax.f32 v19, v26;
	v19 =	vmax.f32 v50, v62;
	v26 =	vmul.f32 $2.000000030e-01, v6;
	v50 =	vld [tilespmem:s16+$0x2E0]  }
0x1ab: {  	v0 =	vadd.f32 v1, v0;
	v1 =	vmul.f32 v46, v63;
	v17 =	vmul.f32 v47, v13;
	v46 =	vld [tilespmem:s16+$0xA2D0]  }
0x1ac: {  	v47 =	vmul.f32 v19, v28;
	v9 =	vadd.f32 v9, v52;
	v52 =	vld [tilespmem:s16+$0x320];
	v55 =	vadd.f32 v57, v55  }
0x1ad: {  	v57 =	vld [tilespmem:s16+$0x340];
	v6 =	vmax.f32 v6, v26;
	v0 =	vadd.f32 v1, v0;
	v1 =	vmax.f32 v44, v30  }
0x1ae: {  	v26 =	vadd.f32 v58, v54;
	v54 =	vld [tilespmem:s16+$0x300];
	v44 =	vadd.f32 $0.0e+00, v17;
	v1 =	vmul.f32 v1, v31  }
0x1af: {  	v19 =	vmul.f32 $2.000000030e-01, v11;
	v58 =	vld [tilespmem:s16+$0xA300];
	v45 =	vadd.f32 v45, v49;
	v17 =	vmul.f32 $2.000000030e-01, v41  }
0x1b0: {  	v49 =	vld [tilespmem:s16+$0xA330];
	v6 =	vmul.f32 v6, v34;
	v0 =	vadd.f32 v1, v0;
	v1 =	vadd.f32 v47, v44  }
0x1b1: {  	v40 =	vmul.f32 v40, v60;
	v62 =	vmovc v31;
	v30 =	vmovc v13;
	v11 =	vmax.f32 v11, v19;
	v13 =	vld [tilespmem:$0x1FF80];
	v31 =	vmul.f32 $2.000000030e-01, v26  }
0x1b2: {  	v41 =	vmax.f32 v41, v17;
	v17 =	vmul.f32 $2.000000030e-01, v42;
	v44 =	vld [tilespmem:s16+$0xA2F0];
	v1 =	vadd.f32 v6, v1  }
0x1b3: {  	v47 =	vld [tilespmem:s16+$0x310];
	v6 =	vmul.f32 v41, v8;
	v41 =	vmax.f32 v26, v31;
	v26 =	vmul.f32 $2.000000030e-01, v9  }
0x1b4: {  	v56 =	vadd.f32 v56, v52;
	v52 =	vld [tilespmem:s16+$0x3A0];
	v19 =	vmax.f32 v42, v17;
	v17 =	vmul.f32 $2.000000030e-01, v55  }
0x1b5: {  	v42 =	vld [tilespmem:s16+$0x350];
	v1 =	vadd.f32 v6, v1;
	v6 =	vmul.f32 v11, v32;
	v9 =	vmax.f32 v9, v26  }
0x1b6: {  	v40 =	vadd.f32 v40, v0;
	v0 =	vmul.f32 v9, v29;
	v29 =	vld [tilespmem:s16+$0xA350];
	v9 =	vmax.f32 v55, v17  }
0x1b7: {  	v17 =	vadd.f32 v51, v50;
	v50 =	vld [tilespmem:s16+$0x360];
	v1 =	vadd.f32 v6, v1;
	v6 =	vmul.f32 v41, v35  }
0x1b8: {  	v48 =	vadd.f32 v49, v48;
	v9 =	vmul.f32 v9, v27;
	v27 =	vld [tilespmem:s16+$0xA360]  }
0x1b9: {  	v49 =	vld [tilespmem:s16+$0x390];
	v31 =	vmul.f32 $2.000000030e-01, v45;
	v1 =	vadd.f32 v6, v1;
	v6 =	vmul.f32 v19, v36  }
0x1ba: {  	v11 =	vld [tilespmem:s16+$0xA310];
	v44 =	vadd.f32 v44, v59;
	v19 =	vadd.f32 v46, v43  }
0x1bb: {  	v51 =	vld [tilespmem:s16+$0x370];
	v0 =	vadd.f32 $0.0e+00, v0;
	v41 =	vadd.f32 v6, v1;
	v6 =	vmax.f32 v45, v31  }
0x1bc: {  	v43 =	vadd.f32 v61, v53;
	v46 =	vld [tilespmem:s16+$0x380];
	v61 =	vmul.f32 $2.000000030e-01, v19;
	v6 =	vmul.f32 v6, v37  }
0x1bd: {  	v55 =	vmul.f32 $2.000000030e-01, v44;
	v1 =	vld [tilespmem:s16+$0xA340];
	v29 =	vadd.f32 v29, v42;
	v27 =	vadd.f32 v27, v50  }
0x1be: {  	v42 =	vld [tilespmem:s16+$0x3B0];
	v31 =	vmax.f32 v19, v61;
	v0 =	vadd.f32 v6, v0;
	v6 =	vmul.f32 $2.000000030e-01, v43  }
0x1bf: {  	v37 =	vmul.f32 v31, v25;
	v25 =	vld [tilespmem:s16+$0xA370];
	v50 =	vmul.f32 $2.000000030e-01, v27  }
0x1c0: {  	v19 =	vmul.f32 $2.000000030e-01, v17;
	v61 =	vadd.f32 v58, v54;
	v31 =	vld [tilespmem:s16+$0xA380]  }
0x1c1: {  	v6 =	vmax.f32 v43, v6;
	v43 =	vmax.f32 v44, v55;
	v55 =	vmax.f32 v27, v50;
	v27 =	vld [tilespmem:s16+$0x400]  }
0x1c2: {  	v53 =	vmax.f32 v17, v19;
	v17 =	vmul.f32 $2.000000030e-01, v56;
	v19 =	vmul.f32 v43, v22;
	v43 =	vld [tilespmem:s16+$0xA390]  }
0x1c3: {  	v26 =	vmul.f32 $2.000000030e-01, v61;
	v22 =	vld [tilespmem:s16+$0xA3B0]  }
0x1c4: {  	v0 =	vadd.f32 v9, v0;
	v44 =	vmax.f32 v56, v17;
	v17 =	vld [tilespmem:s16+$0xA3D0]  }
0x1c5: {  	v59 =	vmul.f32 v53, v24;
	v1 =	vadd.f32 v1, v57;
	v56 =	vmax.f32 v61, v26;
	v26 =	vld [tilespmem:s16+$0xA430]  }
0x1c6: {  	v0 =	vadd.f32 v37, v0;
	v37 =	vmul.f32 $2.000000030e-01, v48;
	v57 =	vmul.f32 v44, v23;
	v23 =	vld [tilespmem:s16+$0xA3A0]  }
0x1c7: {  	v44 =	vld [tilespmem:s16+$0x3C0];
	v53 =	vadd.f32 v25, v51  }
0x1c8: {  	v25 =	vld [tilespmem:s16+$0x3D0];
	v0 =	vadd.f32 v59, v0;
	v58 =	vmax.f32 v48, v37;
	v59 =	vmul.f32 $2.000000030e-01, v1  }
0x1c9: {  	v61 =	vadd.f32 $0.0e+00, v57;
	v37 =	vmul.f32 $2.000000030e-01, v29;
	v57 =	vadd.f32 v31, v46;
	v46 =	vld [tilespmem:s16+$0xA3F0]  }
0x1ca: {  	v0 =	vadd.f32 v19, v0;
	v19 =	vld [tilespmem:s16+$0xA3C0]  }
0x1cb: {  	v1 =	vmax.f32 v1, v59;
	v48 =	vmax.f32 v29, v37;
	v29 =	vld [tilespmem:s16+$0x3E0]  }
0x1cc: {  	v11 =	vadd.f32 v11, v47;
	v9 =	vmul.f32 v56, v20;
	v1 =	vmul.f32 v1, v13;
	v13 =	vld [tilespmem:$0x1FF90]  }
0x1cd: {  	v21 =	vmul.f32 v58, v21;
	v56 =	vmul.f32 $2.000000030e-01, v53;
	v59 =	vld [tilespmem:s16+$0xA3E0]  }
0x1ce: {  	v58 =	vmul.f32 $2.000000030e-01, v11;
	v37 =	vld [tilespmem:$0x1FFA0];
	v22 =	vadd.f32 v22, v42  }
0x1cf: {  	v42 =	vld [tilespmem:s16+$0x410];
	v45 =	vadd.f32 v21, v61;
	v54 =	vmul.f32 v48, v18;
	v21 =	vmax.f32 v53, v56  }
0x1d0: {  	v61 =	vmul.f32 $2.000000030e-01, v57;
	v23 =	vadd.f32 v23, v52;
	v56 =	vadd.f32 v43, v49;
	v49 =	vld [tilespmem:$0x1FFD0]  }
0x1d1: {  	v51 =	vmul.f32 $2.000000030e-01, v22;
	v1 =	vadd.f32 v1, v45;
	v20 =	vmul.f32 v55, v13;
	v13 =	vld [tilespmem:$0x1FFB0]  }
0x1d2: {  	v0 =	vadd.f32 v9, v0;
	v9 =	vmax.f32 v11, v58;
	v45 =	vld [tilespmem:s16+$0x3F0];
	v47 =	vmax.f32 v57, v61  }
0x1d3: {  	v48 =	vmul.f32 $2.000000030e-01, v23;
	v53 =	vmax.f32 v22, v51;
	v51 =	vld [tilespmem:s16+$0xA460];
	v1 =	vadd.f32 v54, v1  }
0x1d4: {  	v61 =	vmul.f32 $2.000000030e-01, v56;
	v11 =	vmul.f32 v21, v37;
	v21 =	vld [tilespmem:s16+$0xA400];
	v19 =	vadd.f32 v19, v44  }
0x1d5: {  	v23 =	vmax.f32 v23, v48;
	v58 =	vadd.f32 v59, v29;
	v59 =	vld [tilespmem:s16+$0x430];
	v1 =	vadd.f32 v20, v1  }
0x1d6: {  	v17 =	vadd.f32 v17, v25;
	v37 =	vld [tilespmem:s16+$0x440];
	v52 =	vmul.f32 v23, v10;
	v9 =	vmul.f32 v9, v13  }
0x1d7: {  	v50 =	vmul.f32 v47, v33;
	v55 =	vld [tilespmem:s16+$0x420];
	v54 =	vmul.f32 $2.000000030e-01, v19;
	v1 =	vadd.f32 v11, v1  }
0x1d8: {  	v11 =	vmul.f32 v53, v12;
	v12 =	vld [tilespmem:s16+$0xA420];
	v0 =	vadd.f32 v9, v0;
	v9 =	vadd.f32 $0.0e+00, v52  }
0x1d9: {  	v57 =	vmul.f32 $2.000000030e-01, v17;
	v48 =	vld [tilespmem:s16+$0x460];
	v6 =	vmul.f32 v6, v49;
	v19 =	vmax.f32 v19, v54  }
0x1da: {  	v33 =	vmul.f32 $2.000000030e-01, v58;
	v13 =	vmul.f32 v19, v5;
	v5 =	vld [tilespmem:$0x1FFC0];
	v9 =	vadd.f32 v11, v9  }
0x1db: {  	v10 =	vld [tilespmem:s16+$0xA410];
	v17 =	vmax.f32 v17, v57;
	v20 =	vadd.f32 v46, v45;
	v6 =	vadd.f32 v6, v41  }
0x1dc: {  	v43 =	vmax.f32 v58, v33;
	v9 =	vadd.f32 v13, v9;
	v13 =	vmul.f32 v17, v15;
	v15 =	vld [tilespmem:s16+$0xA440]  }
0x1dd: {  	v45 =	vld [tilespmem:s16+$0x450];
	v44 =	vmul.f32 $2.000000030e-01, v20;
	v21 =	vadd.f32 v21, v27;
	v12 =	vadd.f32 v12, v55  }
0x1de: {  	v46 =	vld [tilespmem:s16+$0xA450];
	v16 =	vmul.f32 v43, v16;
	v18 =	vadd.f32 v51, v48;
	v19 =	vadd.f32 v26, v59  }
0x1df: {  	v47 =	vmul.f32 $2.000000030e-01, v12;
	v9 =	vadd.f32 v13, v9;
	v13 =	vmul.f32 $1.442695020e+00, v5;
	v5 =	vld [tilespmem:$0x1FFE0]  }
0x1e0: {  	v57 =	vld [tilespmem:s16+$0x480];
	v10 =	vadd.f32 v10, v42;
	v1 =	vadd.f32 v50, v1;
	v52 =	vmul.f32 $2.000000030e-01, v19  }
0x1e1: {  	v53 =	vld [tilespmem:s16+$0x470];
	v20 =	vmax.f32 v20, v44;
	v12 =	vmax.f32 v12, v47;
	v15 =	vadd.f32 v15, v37  }
0x1e2: {  	v11 =	vmax.f32 v56, v61;
	v55 =	vmax.f32 v19, v52;
	v54 =	vmul.f32 v12, v30;
	v12 =	vld [tilespmem:s16+$0xA470]  }
0x1e3: {  	v58 =	vld [tilespmem:s16+$0xA480];
	v17 =	vadd.f32 v46, v45;
	v9 =	vadd.f32 v16, v9;
	v56 =	vmul.f32 $2.000000030e-01, v15  }
0x1e4: {  	v16 =	vmul.f32 v55, v28;
	v5 =	vmul.f32 v11, v5;
	v11 =	vadd.f32 $0.0e+00, v54  }
0x1e5: {  	v26 =	vld [tilespmem:s16+$0xA490];
	v27 =	vmul.f32 $2.000000030e-01, v18;
	v59 =	vmul.f32 $2.000000030e-01, v17;
	v15 =	vmax.f32 v15, v56  }
0x1e6: {  	v50 =	vmul.f32 v20, v63;
	v61 =	vld [tilespmem:s16+$0x490];
	v11 =	vadd.f32 v16, v11;
	v15 =	vmul.f32 v15, v34  }
0x1e7: {  	v63 =	vmul.f32 $2.000000030e-01, v21;
	v17 =	vmax.f32 v17, v59;
	v12 =	vadd.f32 v12, v53  }
0x1e8: {  	v31 =	vadd.f32 v58, v57;
	v11 =	vadd.f32 v15, v11;
	v15 =	vmul.f32 v17, v8  }
0x1e9: {  	v21 =	vmax.f32 v21, v63;
	v28 =	vmax.f32 v18, v27;
	v30 =	vmul.f32 $2.000000030e-01, v12  }
0x1ea: {  	v33 =	vmul.f32 $2.000000030e-01, v31;
	v11 =	vadd.f32 v15, v11;
	v15 =	vmul.f32 v28, v32  }
0x1eb: {  	v7 =	vmul.f32 v21, v62;
	v16 =	vadd.f32 v26, v61;
	v12 =	vmax.f32 v12, v30  }
0x1ec: {  	v34 =	vmul.f32 $2.000000030e-01, v10;
	v12 =	vmul.f32 v12, v35;
	v11 =	vadd.f32 v15, v11  }
0x1ed: {  	v9 =	vadd.f32 v50, v9;
	v35 =	vmul.f32 $2.000000030e-01, v16;
	v15 =	vmax.f32 v31, v33  }
0x1ee: {  	v10 =	vmax.f32 v10, v34;
	v11 =	vadd.f32 v12, v11;
	v12 =	vmul.f32 v15, v36  }
0x1ef: {  	v7 =	vadd.f32 v7, v9;
	v37 =	vmul.f32 v10, v60;
	v42 =	vmax.f32 v16, v35  }
0x1f0: {  	v1 =	vadd.f32 v5, v1;
	v9 =	vmul.f32 v42, v49;
	v5 =	vadd.f32 v12, v11  }
0x1f1: {  	v43 =	vperm.xlane v0, v14;
	v7 =	vadd.f32 v37, v7  }
0x1f2: {  	v46 =	vperm.xlane v6, v14;
	v45 =	vperm.xlane v1, v14;
	v5 =	vadd.f32 v9, v5  }
0x1f3: {  	v44 =	vperm.xlane v40, v14;
	v0 =	vadd.f32 v0, v43;
	v47 =	vperm.xlane v7, v14  }
0x1f4: {  	v6 =	vadd.f32 v6, v46;
	v1 =	vadd.f32 v1, v45;
	v48 =	vperm.xlane v5, v14  }
0x1f5: {  	v8 =	vadd.f32 v40, v44;
	v49 =	vperm.xlane v0, v2;
	v7 =	vadd.f32 v7, v47  }
0x1f6: {  	v51 =	vperm.xlane v6, v2;
	v12 =	vperm.xlane v1, v2;
	v5 =	vadd.f32 v5, v48  }
0x1f7: {  	v50 =	vperm.xlane v8, v2;
	v0 =	vadd.f32 v0, v49;
	v52 =	vperm.xlane v7, v2  }
0x1f8: {  	v6 =	vadd.f32 v6, v51;
	v1 =	vadd.f32 v1, v12;
	v53 =	vperm.xlane v5, v2  }
0x1f9: {  	v8 =	vadd.f32 v8, v50;
	v54 =	vperm.xlane v0, v3;
	v7 =	vadd.f32 v7, v52  }
0x1fa: {  	v56 =	vperm.xlane v6, v3;
	v12 =	vperm.xlane v1, v3;
	v5 =	vadd.f32 v5, v53  }
0x1fb: {  	v55 =	vperm.xlane v8, v3;
	v0 =	vadd.f32 v0, v54;
	v57 =	vperm.xlane v7, v3  }
0x1fc: {  	v6 =	vadd.f32 v6, v56;
	v1 =	vadd.f32 v1, v12;
	v58 =	vperm.xlane v5, v3  }
0x1fd: {  	v8 =	vadd.f32 v8, v55;
	v59 =	vperm.xlane v0, v4;
	v7 =	vadd.f32 v7, v57  }
0x1fe: {  	v61 =	vperm.xlane v6, v4;
	v12 =	vperm.xlane v1, v4;
	v5 =	vadd.f32 v5, v58  }
0x1ff: {  	v60 =	vperm.xlane v8, v4;
	v0 =	vadd.f32 v0, v59;
	v62 =	vperm.xlane v7, v4  }
0x200: {  	v6 =	vadd.f32 v6, v61;
	v1 =	vadd.f32 v1, v12;
	v63 =	vperm.xlane v5, v4  }
0x201: {  	v8 =	vadd.f32 v8, v60;
	v0 =	vnsel vm0, $0x0, v0;
	v7 =	vadd.f32 v7, v62  }
0x202: {  	v0 =	vsel vm1, v0, v1;
	v1 =	vadd.f32 v5, v63;
	v5 =	vmul.f32 $1.442695020e+00, v38  }
0x203: {  	(erf) = vpow2.f32 v13;
	v8 =	vsel vm2, v39, v8  }
0x204: {  	v6 =	vsel vm3, v8, v6;
	v0 =	vsel vm2, v0, v7;
	(erf) = vpow2.f32 v5  }
0x205: {  	v6 =	vmul.f32 $1.442695020e+00, v6;
	v0 =	vsel vm3, v0, v1  }
0x206: {  	v0 =	vmul.f32 $1.442695020e+00, v0  }
0x207: {  	(erf) = vpow2.f32 v6  }
0x208: {  	(erf) = vpow2.f32 v0;
	_ =	sdelay $0x3  }
0x209: {  	v0 =	vpop (erf)  }
0x20a: {  	v0 =	vnsel vm4, $0x0, v0;
	v1 =	vpop (erf)  }
0x20b: {  	p2 =	slt.u32 s25, $0x24;
	s16 =	sshll.u32 s25, $0x4;
	v1 =	vnsel vm4, $0x0, v1  }
.Ltmp0:
0x20c: {  	s26 =	sshll.u32 s26, $0x4;
	s16 =	sand.u32 $0x3FFFFFF0, s16;
	(pc) =	sbr.rel @p2 .LBB2_3-.Ltmp0, $4  }
0x20d: {  	s26 =	sand.u32 $0x3FFFFFF0, s26;
	s28 =	sshll.u32 s28, $0x4;
	[tilespmem:s16+$0x142A0] =	vst v0;
	v0 =	vpop (erf)  }
0x20e: {  	s8 =	sshll.u32 s8, $0x4;
	[tilespmem:s26+$0x142A0] =	vst v1;
	v0 =	vnsel vm4, $0x0, v0;
	s26 =	sand.u32 $0x3FFFFFF0, s28;
	v1 =	vpop (erf)  }
0x20f: {  	s8 =	sand.u32 $0x3FFFFFF0, s8;
	s28 =	sadd.s32 $0x4, s25;
	[tilespmem:s26+$0x142A0] =	vst v0;
	v0 =	vnsel vm4, $0x0, v1  }
0x210: {  	s25 =	smov.u32 s28;
	[tilespmem:s8+$0x142A0] =	vst v0  }
0x211: {  	s8 =	smul.u32 $0x50, s22;
	_ =	sdelay $0x1  }
0x212: {  	s16 =	sadd.s32 s5, s8  }
0x213: {  	p2 =	seq.s32 s22, $0x7C;
	s16 =	sshll.u32 s16, $0x1  }
0x214: {  	s8 =	sshrl.u32 @!p2 s8, $0x3;
	s16 =	sadd.s32 s7, s16  }
0x215: {  	[hbm4b:s16+s4] =	stream.linear.scatter [tilespmem:s31], [sflag:$0x5], $0x280, $0x38;
	[tilespmem:$0x16EB0] =	vst v63  }
0x216: {  	s8 =	sadd.s32 @!p2 $0xA, s8  }
0x217: {  	[spmem:s3] =	stream.indirect.scatter.add.f32 [tilespmem:s31], [sflag:$0x7], $0x10, s2, s1, $0xb8;
	[tilespmem:$0x16EB0] =	vst v63  }
0x218: {  	s25 =	simm.s32 @!p2 $0x0;
	s16 =	sadd.s32 @!p2 s20, s8  }
0x219: {  	[tilespmem:s25], [sflag:$0x9] =	stream.linear.gather @!p2 [hbm4b:s16+s25], $0x28, $0x38;
	[tilespmem:$0x16EB0] =	vst v63  }
0x21a: {  	s16 =	simm.s32 @!p2 $0x9  }
0x21b: {  	_ =	swait.ge @!p2 [sflag:s16], $0x28  }
0x21c: {  	[sflag:s16] =	ssyncset.done @!p2 $0x0  }
0x21d: {  	s26 =	simm.s32 @!p2 $0x50;
	s8 =	sadd.s32 @!p2 s23, s8;
	[sflag:s16] =	ssyncadd.s32 @!p2 $0xFFFFFFD8  }
0x21e: {  	[tilespmem:s26], [sflag:$0x9] =	stream.linear.gather @!p2 [hbm4b:s8+s25], $0x28, $0x38;
	[tilespmem:$0x16EB0] =	vst v63  }
0x21f: {  	_ =	swait.ge @!p2 [sflag:s16], $0x28  }
0x220: {  	[sflag:s16] =	ssyncset.done @!p2 $0x0  }
0x221: {  	s8 =	simm.s32 @!p2 $0x28;
	[sflag:s16] =	ssyncadd.s32 @!p2 $0xFFFFFFD8;
	s16 =	simm.s32 @!p2 $0x2A0  }
0x222: {  	[tilespmem:s16], [sflag:$0x1] =	stream.indirect.gather @!p2 [hbm4b:s0+s8], $0x200, s25, s8, $0xb8;
	[tilespmem:$0x16EB0] =	vst v63  }
0x223: {  	s16 =	simm.s32 @!p2 $0xA2A0  }
0x224: {  	[tilespmem:s16], [sflag:$0x3] =	stream.indirect.gather @!p2 [hbm4b:s6+s8], $0x200, s26, s8, $0xb8;
	[tilespmem:$0x16EB0] =	vst v63  }
0x225: {  	_ =	swait.ge [sflag:s13], $0x5000  }
0x226: {  	[sflag:s13] =	ssyncset.done $0x0  }
0x227: {  	[sflag:s13] =	ssyncadd.s32 $0xFFFFB000  }
0x228: {  	_ =	swait.ge [sflag:s14], $0x5000  }
0x229: {  	[sflag:s14] =	ssyncset.done $0x0  }
0x22a: {  	s8 =	simm.s32 @!p1 $0x6;
	[sflag:s14] =	ssyncadd.s32 $0xFFFFB000  }
0x22b: {  	_ =	swait.ge @!p1 [sflag:s8], $0x280  }
0x22c: {  	[sflag:s8] =	ssyncset.done @!p1 $0x0  }
0x22d: {  	[sflag:s8] =	ssyncadd.s32 @!p1 $0xFFFFFD80;
	s8 =	simm.s32 @!p1 $0x8  }
0x22e: {  	_ =	swait.ge @!p1 [sflag:s8], $0x280  }
0x22f: {  	[sflag:s8] =	ssyncset.done @!p1 $0x0  }
0x230: {  	s25 =	simm.s32 $0x0;
	[sflag:s8] =	ssyncadd.s32 @!p1 $0xFFFFFD80  }
.LBB2_5:
0x231: {  	v63 =	vld [tilespmem:$0xA0]  }
0x232: {  	v27 =	vld [tilespmem:$0xB0]  }
0x233: {  	v24 =	vld [tilespmem:$0xC0]  }
0x234: {  	v23 =	vld [tilespmem:$0xD0]  }
0x235: {  	v29 =	vld [tilespmem:$0xE0]  }
0x236: {  	v21 =	vld [tilespmem:$0xF0]  }
0x237: {  	v19 =	vld [tilespmem:$0x100]  }
0x238: {  	v0 =	vld [tilespmem:$0x110]  }
0x239: {  	v22 =	vld [tilespmem:$0x120]  }
0x23a: {  	v20 =	vld [tilespmem:$0x130]  }
0x23b: {  	v60 =	vld [tilespmem:$0x140]  }
0x23c: {  	v17 =	vld [tilespmem:$0x150]  }
0x23d: {  	v9 =	vld [tilespmem:$0x160]  }
0x23e: {  	v58 =	vld [tilespmem:$0x170]  }
0x23f: {  	v1 =	vld [tilespmem:$0x180]  }
0x240: {  	v31 =	vld [tilespmem:$0x190]  }
0x241: {  	s8 =	sshll.u32 s25, $0x9;
	v6 =	vld [tilespmem:$0x1A0]  }
0x242: {  	v5 =	vld [tilespmem:s8+$0x52A0]  }
0x243: {  	v7 =	vld [tilespmem:s8+$0xF2A0]  }
0x244: {  	v8 =	vld [tilespmem:s8+$0x52B0]  }
0x245: {  	v10 =	vld [tilespmem:s8+$0xF2B0]  }
0x246: {  	v11 =	vld [tilespmem:s8+$0x52C0]  }
0x247: {  	v12 =	vld [tilespmem:s8+$0xF2C0]  }
0x248: {  	v13 =	vld [tilespmem:s8+$0x52D0]  }
0x249: {  	v15 =	vld [tilespmem:s8+$0xF2D0]  }
0x24a: {  	v16 =	vld [tilespmem:s8+$0x52E0]  }
0x24b: {  	v18 =	vld [tilespmem:s8+$0xF2E0]  }
0x24c: {  	v26 =	vld [tilespmem:s8+$0x52F0]  }
0x24d: {  	v28 =	vld [tilespmem:s8+$0xF2F0]  }
0x24e: {  	v30 =	vld [tilespmem:s8+$0x5300]  }
0x24f: {  	v33 =	vld [tilespmem:s8+$0xF300]  }
0x250: {  	v34 =	vld [tilespmem:s8+$0x5310]  }
0x251: {  	v35 =	vld [tilespmem:s8+$0xF310]  }
0x252: {  	v36 =	vld [tilespmem:s8+$0x5320]  }
0x253: {  	v37 =	vld [tilespmem:s8+$0xF320]  }
0x254: {  	v38 =	vld [tilespmem:s8+$0x5330]  }
0x255: {  	v39 =	vld [tilespmem:s8+$0xF330]  }
0x256: {  	v40 =	vld [tilespmem:s8+$0x5340]  }
0x257: {  	v41 =	vld [tilespmem:s8+$0xF340]  }
0x258: {  	v42 =	vld [tilespmem:s8+$0x5350]  }
0x259: {  	v43 =	vld [tilespmem:s8+$0xF350]  }
0x25a: {  	v44 =	vld [tilespmem:s8+$0x5360]  }
0x25b: {  	v45 =	vld [tilespmem:s8+$0xF360]  }
0x25c: {  	v46 =	vld [tilespmem:s8+$0x5370]  }
0x25d: {  	v47 =	vld [tilespmem:s8+$0xF370]  }
0x25e: {  	v48 =	vld [tilespmem:s8+$0x5380]  }
0x25f: {  	v49 =	vld [tilespmem:s8+$0xF380]  }
0x260: {  	v32 =	vld [tilespmem:s8+$0x5390]  }
0x261: {  	v50 =	vld [tilespmem:s8+$0xF390]  }
0x262: {  	v52 =	vld [tilespmem:s8+$0x53A0];
	v7 =	vadd.f32 v7, v5  }
0x263: {  	v53 =	vld [tilespmem:s8+$0xF3A0]  }
0x264: {  	v54 =	vld [tilespmem:s8+$0x53B0];
	v8 =	vadd.f32 v10, v8;
	v51 =	vmul.f32 $2.000000030e-01, v7  }
0x265: {  	v55 =	vld [tilespmem:s8+$0xF3B0]  }
0x266: {  	v56 =	vld [tilespmem:s8+$0x53D0];
	v11 =	vadd.f32 v12, v11;
	v59 =	vmul.f32 $2.000000030e-01, v8;
	v7 =	vmax.f32 v7, v51  }
0x267: {  	v13 =	vadd.f32 v15, v13;
	v12 =	vld [tilespmem:$0x1B0];
	v26 =	vadd.f32 v28, v26;
	v7 =	vmul.f32 v7, v63  }
0x268: {  	v28 =	vadd.f32 v35, v34;
	v34 =	vld [tilespmem:s8+$0xF3E0];
	v61 =	vmul.f32 $2.000000030e-01, v11;
	v8 =	vmax.f32 v8, v59  }
0x269: {  	v16 =	vadd.f32 v18, v16;
	v51 =	vld [tilespmem:s8+$0x53C0];
	v8 =	vmul.f32 v8, v27;
	v7 =	vadd.f32 $0.0e+00, v7  }
0x26a: {  	v15 =	vmul.f32 $2.000000030e-01, v13;
	v11 =	vmax.f32 v11, v61;
	v59 =	vadd.f32 v33, v30;
	v30 =	vld [tilespmem:s8+$0xF3D0]  }
0x26b: {  	v44 =	vadd.f32 v45, v44;
	v62 =	vmul.f32 v11, v24;
	v11 =	vld [tilespmem:s8+$0xF3C0];
	v7 =	vadd.f32 v8, v7  }
0x26c: {  	v45 =	vld [tilespmem:s8+$0xF410];
	v18 =	vmul.f32 $2.000000030e-01, v16;
	v57 =	vmul.f32 $2.000000030e-01, v26;
	v15 =	vmax.f32 v13, v15  }
0x26d: {  	v13 =	vld [tilespmem:$0x1C0];
	v25 =	vmul.f32 v15, v23;
	v7 =	vadd.f32 v62, v7  }
0x26e: {  	v33 =	vld [tilespmem:s8+$0x53E0];
	v15 =	vmax.f32 v16, v18;
	v16 =	vmax.f32 v26, v57;
	v62 =	vmul.f32 $2.000000030e-01, v59  }
0x26f: {  	v5 =	vmovc v24;
	v24 =	vld [tilespmem:$0x200];
	v61 =	vmul.f32 v15, v29;
	v30 =	vadd.f32 v30, v56;
	v7 =	vadd.f32 v25, v7  }
0x270: {  	v15 =	vld [tilespmem:$0x1D0];
	v11 =	vadd.f32 v11, v51;
	v18 =	vmax.f32 v59, v62;
	v59 =	vmul.f32 $2.000000030e-01, v28  }
0x271: {  	v57 =	vmul.f32 v16, v21;
	v16 =	vld [tilespmem:$0x1E0];
	v7 =	vadd.f32 v61, v7;
	v61 =	vadd.f32 v37, v36  }
0x272: {  	[tilespmem:$0x1FEA0] =	vst v21;
	v21 =	vld [tilespmem:$0x1F0];
	v51 =	vmul.f32 $2.000000030e-01, v11;
	v62 =	vmul.f32 v18, v19;
	v10 =	vmax.f32 v28, v59  }
0x273: {  	[tilespmem:$0x1FDF0] =	vst v19;
	v36 =	vld [tilespmem:s8+$0x53F0];
	v7 =	vadd.f32 v57, v7;
	v19 =	vmul.f32 $2.000000030e-01, v61;
	v57 =	vadd.f32 v39, v38  }
0x274: {  	v33 =	vadd.f32 v34, v33;
	v11 =	vmax.f32 v11, v51;
	v59 =	vmul.f32 v10, v0;
	v38 =	vld [tilespmem:s8+$0xF3F0]  }
0x275: {  	[tilespmem:$0x1FE00] =	vst v0;
	v0 =	vld [tilespmem:$0x280];
	v7 =	vadd.f32 v62, v7;
	v26 =	vmax.f32 v61, v19;
	v61 =	vmul.f32 $2.000000030e-01, v57  }
0x276: {  	v11 =	vmul.f32 v11, v13;
	v39 =	vld [tilespmem:s8+$0x5400];
	v62 =	vadd.f32 v41, v40;
	v26 =	vmul.f32 v26, v22  }
0x277: {  	v40 =	vld [tilespmem:s8+$0xF400];
	v19 =	vadd.f32 v43, v42;
	v8 =	vadd.f32 v59, v7;
	v28 =	vmax.f32 v57, v61  }
0x278: {  	v43 =	vld [tilespmem:s8+$0x5410];
	v18 =	vmul.f32 $2.000000030e-01, v62;
	v26 =	vadd.f32 $0.0e+00, v26;
	v28 =	vmul.f32 v28, v20  }
0x279: {  	v57 =	vmul.f32 $2.000000030e-01, v19;
	v7 =	vld [tilespmem:$0x210];
	v36 =	vadd.f32 v38, v36;
	v61 =	vperm.xlane v8, v14  }
0x27a: {  	s26 =	sor.u32 $0x1, s25;
	v38 =	vld [tilespmem:s8+$0x5460];
	v35 =	vmax.f32 v62, v18;
	v18 =	vmul.f32 $2.000000030e-01, v44;
	v26 =	vadd.f32 v28, v26  }
0x27b: {  	s16 =	sshll.u32 s26, $0x9;
	v10 =	vmovc v60;
	v62 =	vmul.f32 v35, v60;
	v60 =	vadd.f32 v53, v52;
	v52 =	vld [tilespmem:s8+$0x5430];
	v37 =	vadd.f32 v8, v61  }
0x27c: {  	v53 =	vld [tilespmem:s16+$0x52D0];
	v8 =	vmax.f32 v19, v57;
	v19 =	vadd.f32 v47, v46;
	v57 =	vadd.f32 v49, v48  }
0x27d: {  	v46 =	vld [tilespmem:s8+$0x5420];
	v41 =	vmax.f32 v44, v18;
	v28 =	vadd.f32 v62, v26;
	v35 =	vmul.f32 v8, v17  }
0x27e: {  	[tilespmem:$0x1FE10] =	vst v17;
	v25 =	vmovc v9;
	v48 =	vld [tilespmem:s8+$0xF420];
	v61 =	vmul.f32 v41, v9;
	v9 =	vmul.f32 $2.000000030e-01, v60;
	v17 =	vadd.f32 v55, v54  }
0x27f: {  	v39 =	vadd.f32 v40, v39;
	v49 =	vld [tilespmem:s8+$0x5440];
	v59 =	vmul.f32 $2.000000030e-01, v19;
	v62 =	vmul.f32 $2.000000030e-01, v57  }
0x280: {  	v8 =	vld [tilespmem:$0x220];
	v28 =	vadd.f32 v35, v28;
	v44 =	vmax.f32 v60, v9;
	v18 =	vmul.f32 $2.000000030e-01, v17  }
0x281: {  	v54 =	vld [tilespmem:s8+$0xF430];
	v60 =	vadd.f32 v50, v32;
	v42 =	vmax.f32 v19, v59;
	v19 =	vmul.f32 v44, v6  }
0x282: {  	v55 =	vld [tilespmem:s8+$0xF450];
	v41 =	vmax.f32 v57, v62;
	v59 =	vmul.f32 $2.000000030e-01, v30;
	v62 =	vmul.f32 $2.000000030e-01, v33  }
0x283: {  	v9 =	vld [tilespmem:$0x240];
	v35 =	vadd.f32 v61, v28;
	v42 =	vmul.f32 v42, v58;
	v41 =	vmul.f32 v41, v1  }
0x284: {  	v44 =	vld [tilespmem:s8+$0xF440];
	v47 =	vmax.f32 v17, v18;
	v18 =	vmul.f32 $2.000000030e-01, v60;
	v46 =	vadd.f32 v48, v46  }
0x285: {  	v26 =	vmovc v58;
	v28 =	vld [tilespmem:$0x230];
	v57 =	vadd.f32 $0.0e+00, v19;
	v58 =	vmul.f32 v47, v12;
	v61 =	vmax.f32 v30, v59  }
0x286: {  	v48 =	vld [tilespmem:s8+$0xF470];
	v50 =	vmax.f32 v33, v62;
	v59 =	vmul.f32 $2.000000030e-01, v39;
	v35 =	vadd.f32 v42, v35  }
0x287: {  	v47 =	vld [tilespmem:s8+$0x5450];
	v56 =	vmul.f32 v61, v15;
	v34 =	vmax.f32 v60, v18;
	v60 =	vmul.f32 $2.000000030e-01, v46  }
0x288: {  	v19 =	vld [tilespmem:$0x250];
	v61 =	vadd.f32 v54, v52;
	v51 =	vmul.f32 v34, v31;
	v39 =	vmax.f32 v39, v59  }
0x289: {  	v30 =	vld [tilespmem:$0x260];
	v35 =	vadd.f32 v41, v35;
	v41 =	vadd.f32 v58, v57;
	v57 =	vmul.f32 $2.000000030e-01, v36  }
0x28a: {  	v43 =	vadd.f32 v45, v43;
	v42 =	vld [tilespmem:s8+$0xF460];
	v58 =	vmul.f32 v50, v16;
	v62 =	vmul.f32 v39, v24  }
0x28b: {  	v52 =	vld [tilespmem:s8+$0x5480];
	v54 =	vmul.f32 $2.000000030e-01, v61;
	v44 =	vadd.f32 v44, v49;
	v11 =	vadd.f32 v11, v41  }
0x28c: {  	v18 =	vld [tilespmem:s8+$0xF480];
	v40 =	vmax.f32 v46, v60;
	v36 =	vmax.f32 v36, v57;
	v51 =	vadd.f32 v51, v35  }
0x28d: {  	[tilespmem:$0x1FE20] =	vst v6;
	v6 =	vmovc v12;
	v12 =	vld [tilespmem:$0x270];
	v46 =	vmax.f32 v61, v54;
	v57 =	vmul.f32 $2.000000030e-01, v44;
	v11 =	vadd.f32 v56, v11  }
0x28e: {  	v41 =	vld [tilespmem:s8+$0x5470];
	v47 =	vadd.f32 v55, v47;
	v61 =	vmul.f32 $2.000000030e-01, v43;
	v56 =	vmul.f32 v40, v8  }
0x28f: {  	v50 =	vld [tilespmem:s16+$0x52E0];
	v36 =	vmul.f32 v36, v21;
	v46 =	vmul.f32 v46, v28;
	v11 =	vadd.f32 v58, v11  }
0x290: {  	v35 =	vld [tilespmem:$0x290];
	v38 =	vadd.f32 v42, v38;
	v60 =	vmul.f32 $2.000000030e-01, v47;
	v59 =	vadd.f32 $0.0e+00, v56  }
0x291: {  	v39 =	vadd.f32 v18, v52;
	v40 =	vld [tilespmem:s8+$0x5490];
	v44 =	vmax.f32 v44, v57;
	v11 =	vadd.f32 v36, v11  }
0x292: {  	v44 =	vmul.f32 v44, v9;
	v58 =	vld [tilespmem:s8+$0xF490];
	v47 =	vmax.f32 v47, v60;
	v45 =	vadd.f32 v46, v59  }
0x293: {  	v55 =	vld [tilespmem:s16+$0x5320];
	v41 =	vadd.f32 v48, v41;
	v11 =	vadd.f32 v62, v11;
	v62 =	vmul.f32 $2.000000030e-01, v38  }
0x294: {  	v32 =	vmovc v8;
	v54 =	vld [tilespmem:s16+$0xF320];
	v49 =	vperm.xlane v51, v14;
	v8 =	vmul.f32 v47, v19;
	v44 =	vadd.f32 v44, v45  }
0x295: {  	v33 =	vmovc v9;
	v42 =	vld [tilespmem:s16+$0x52A0];
	v43 =	vmax.f32 v43, v61;
	v9 =	vmul.f32 $2.000000030e-01, v41;
	v38 =	vmax.f32 v38, v62  }
0x296: {  	v52 =	vld [tilespmem:s16+$0x52C0];
	v43 =	vmul.f32 v43, v7;
	v44 =	vadd.f32 v8, v44;
	v38 =	vmul.f32 v38, v30  }
0x297: {  	v18 =	vmul.f32 $2.000000030e-01, v39;
	v56 =	vld [tilespmem:s16+$0x5310];
	v41 =	vmax.f32 v41, v9;
	v40 =	vadd.f32 v58, v40  }
0x298: {  	v48 =	vld [tilespmem:s16+$0x52B0];
	v11 =	vadd.f32 v43, v11;
	v41 =	vmul.f32 v41, v12;
	v38 =	vadd.f32 v38, v44  }
0x299: {  	v34 =	vmovc v19;
	v47 =	vld [tilespmem:s16+$0xF2B0];
	v19 =	vadd.f32 v51, v49;
	v39 =	vmax.f32 v39, v18;
	v36 =	vmovc v30;
	v30 =	vmul.f32 $2.000000030e-01, v40  }
0x29a: {  	v46 =	vld [tilespmem:s16+$0xF2A0];
	v39 =	vmul.f32 v39, v0;
	v57 =	vperm.xlane v11, v14;
	v38 =	vadd.f32 v41, v38  }
0x29b: {  	v49 =	vld [tilespmem:s16+$0x52F0];
	v59 =	vperm.xlane v19, v2;
	v58 =	vperm.xlane v37, v2;
	v40 =	vmax.f32 v40, v30  }
0x29c: {  	v45 =	vld [tilespmem:s16+$0xF2C0];
	v11 =	vadd.f32 v11, v57;
	v60 =	vmul.f32 v40, v35;
	v38 =	vadd.f32 v39, v38  }
0x29d: {  	v51 =	vld [tilespmem:s16+$0x5300];
	v54 =	vadd.f32 v54, v55;
	v37 =	vadd.f32 v37, v58  }
0x29e: {  	v43 =	vld [tilespmem:s16+$0xF2D0];
	v44 =	vadd.f32 v19, v59;
	v61 =	vperm.xlane v11, v2;
	v38 =	vadd.f32 v60, v38  }
0x29f: {  	v47 =	vadd.f32 v47, v48;
	v42 =	vadd.f32 v46, v42;
	v46 =	vld [tilespmem:s16+$0x5340];
	v62 =	vperm.xlane v37, v3  }
0x2a0: {  	v40 =	vld [tilespmem:s16+$0xF2F0];
	v18 =	vperm.xlane v44, v3;
	v11 =	vadd.f32 v11, v61;
	v19 =	vperm.xlane v38, v14  }
0x2a1: {  	v45 =	vadd.f32 v45, v52;
	v57 =	vld [tilespmem:s16+$0xF340];
	v37 =	vadd.f32 v37, v62  }
0x2a2: {  	v41 =	vld [tilespmem:s16+$0xF2E0];
	v44 =	vadd.f32 v44, v18;
	v30 =	vperm.xlane v11, v3;
	v38 =	vadd.f32 v38, v19  }
0x2a3: {  	v55 =	vld [tilespmem:s16+$0x53B0];
	v43 =	vadd.f32 v43, v53;
	v59 =	vperm.xlane v37, v4;
	v18 =	vmul.f32 $2.000000030e-01, v42  }
0x2a4: {  	v48 =	vld [tilespmem:s16+$0x5350];
	v61 =	vperm.xlane v44, v4;
	v11 =	vadd.f32 v11, v30;
	v8 =	vperm.xlane v38, v2  }
0x2a5: {  	v58 =	vld [tilespmem:s16+$0xF310];
	v37 =	vadd.f32 v37, v59;
	v42 =	vmax.f32 v42, v18;
	v40 =	vadd.f32 v40, v49  }
0x2a6: {  	v52 =	vld [tilespmem:s16+$0x5360];
	v46 =	vadd.f32 v57, v46;
	v9 =	vperm.xlane v11, v4;
	v38 =	vadd.f32 v38, v8  }
0x2a7: {  	v62 =	vld [tilespmem:s16+$0xF330];
	v41 =	vadd.f32 v41, v50;
	v44 =	vadd.f32 v44, v61;
	v30 =	vmul.f32 $2.000000030e-01, v47  }
0x2a8: {  	v53 =	vld [tilespmem:s16+$0x5370];
	v37 =	vnsel vm0, $0x0, v37;
	v11 =	vadd.f32 v11, v9;
	v19 =	vperm.xlane v38, v3  }
0x2a9: {  	v39 =	vld [tilespmem:s16+$0xF300];
	v37 =	vsel vm1, v37, v44;
	v18 =	vmax.f32 v47, v30;
	v9 =	vmul.f32 v42, v63  }
0x2aa: {  	v60 =	vld [tilespmem:s16+$0x5330];
	v11 =	vsel vm2, v37, v11;
	v37 =	vadd.f32 v38, v19;
	v19 =	vmul.f32 $2.000000030e-01, v45  }
0x2ab: {  	[tilespmem:$0x1FE50] =	vst v13;
	v59 =	vld [tilespmem:s16+$0xF350];
	v61 =	vmul.f32 $2.000000030e-01, v40;
	v44 =	vmul.f32 v18, v27;
	v38 =	vadd.f32 $0.0e+00, v9  }
0x2ac: {  	[tilespmem:$0x1FE90] =	vst v7;
	v49 =	vld [tilespmem:s16+$0x5390];
	v8 =	vmul.f32 $2.000000030e-01, v43;
	v30 =	vperm.xlane v37, v4;
	v45 =	vmax.f32 v45, v19  }
0x2ad: {  	v17 =	vmovc v13;
	v13 =	vmovc v7;
	v50 =	vld [tilespmem:s16+$0x5380];
	v57 =	vmul.f32 $2.000000030e-01, v46;
	v38 =	vadd.f32 v44, v38;
	v9 =	vmul.f32 v45, v5  }
0x2ae: {  	v7 =	vmovc v27;
	v27 =	vmovc v5;
	v18 =	vmul.f32 $2.000000030e-01, v41;
	v43 =	vmax.f32 v43, v8;
	v5 =	vld [tilespmem:$0x1FEA0];
	v37 =	vadd.f32 v37, v30  }
0x2af: {  	v39 =	vadd.f32 v39, v51;
	v51 =	vld [tilespmem:s16+$0xF3A0];
	v30 =	vmul.f32 v43, v23;
	v19 =	vadd.f32 v9, v38  }
0x2b0: {  	[tilespmem:$0x1FE40] =	vst v0;
	v46 =	vmax.f32 v46, v57;
	v57 =	vld [tilespmem:s16+$0xF440];
	v41 =	vmax.f32 v41, v18;
	v0 =	vsel vm3, v11, v37  }
0x2b1: {  	v47 =	vld [tilespmem:s16+$0x53A0];
	v11 =	vadd.f32 v30, v19;
	v30 =	vmul.f32 v41, v29;
	v41 =	vadd.f32 v58, v56  }
0x2b2: {  	v40 =	vmax.f32 v40, v61;
	v42 =	vld [tilespmem:s16+$0xF360]  }
0x2b3: {  	v8 =	vld [tilespmem:$0x1FDF0];
	v18 =	vmul.f32 v40, v5;
	v19 =	vmovc v29;
	v11 =	vadd.f32 v30, v11;
	v29 =	vmul.f32 $2.000000030e-01, v41  }
0x2b4: {  	[tilespmem:$0x1FE30] =	vst v12;
	v12 =	vmov v63;
	v61 =	vmul.f32 $2.000000030e-01, v39;
	v63 =	vld [tilespmem:s16+$0xF370]  }
0x2b5: {  	v11 =	vadd.f32 v18, v11;
	v18 =	vmax.f32 v41, v29;
	v29 =	vld [tilespmem:$0x1FE00]  }
0x2b6: {  	v39 =	vmax.f32 v39, v61;
	v47 =	vadd.f32 v51, v47;
	v51 =	vld [tilespmem:s16+$0x5420]  }
0x2b7: {  	v42 =	vadd.f32 v42, v52;
	v52 =	vld [tilespmem:s16+$0x53F0];
	v58 =	vadd.f32 v62, v60;
	v30 =	vmul.f32 $2.000000030e-01, v54  }
0x2b8: {  	v45 =	vld [tilespmem:s16+$0xF380];
	v9 =	vmul.f32 v39, v8  }
0x2b9: {  	v43 =	vld [tilespmem:s16+$0xF390];
	v62 =	vmul.f32 $2.000000030e-01, v58;
	v61 =	vmax.f32 v54, v30  }
0x2ba: {  	v56 =	vld [tilespmem:s16+$0xF3B0];
	v11 =	vadd.f32 v9, v11;
	v9 =	vmul.f32 v18, v29;
	v18 =	vmul.f32 v61, v22  }
0x2bb: {  	v48 =	vadd.f32 v59, v48;
	[tilespmem:$0x1FED0] =	vst v0;
	v0 =	vld [tilespmem:$0x1FE10];
	v44 =	vmax.f32 v58, v62  }
0x2bc: {  	v60 =	vld [tilespmem:s16+$0x53C0];
	v61 =	vmul.f32 v44, v20;
	v30 =	vadd.f32 $0.0e+00, v18  }
0x2bd: {  	v40 =	vld [tilespmem:s16+$0xF3C0];
	v45 =	vadd.f32 v45, v50;
	v62 =	vmul.f32 $2.000000030e-01, v48  }
0x2be: {  	v50 =	vld [tilespmem:s16+$0x5410];
	v11 =	vadd.f32 v9, v11;
	v18 =	vmul.f32 v46, v10;
	v38 =	vadd.f32 v61, v30  }
0x2bf: {  	v53 =	vadd.f32 v63, v53;
	v54 =	vld [tilespmem:s16+$0x53D0];
	v48 =	vmax.f32 v48, v62;
	v30 =	vmul.f32 $2.000000030e-01, v42  }
0x2c0: {  	v41 =	vld [tilespmem:s16+$0xF3D0];
	v59 =	vperm.xlane v11, v14;
	v38 =	vadd.f32 v18, v38;
	v18 =	vmul.f32 v48, v0  }
0x2c1: {  	v58 =	vld [tilespmem:s16+$0x53E0];
	v55 =	vadd.f32 v56, v55;
	v42 =	vmax.f32 v42, v30;
	v30 =	vmul.f32 $2.000000030e-01, v53  }
0x2c2: {  	v56 =	vld [tilespmem:s16+$0x5430];
	v11 =	vadd.f32 v11, v59;
	v42 =	vmul.f32 v42, v25;
	v39 =	vadd.f32 v18, v38  }
0x2c3: {  	[tilespmem:$0x1FEB0] =	vst v25;
	v62 =	vld [tilespmem:s16+$0xF410];
	v9 =	vmov v10;
	v53 =	vmax.f32 v53, v30;
	v18 =	vmul.f32 $2.000000030e-01, v45  }
0x2c4: {  	v44 =	vld [tilespmem:s16+$0xF3E0];
	v10 =	vmovc v25;
	v59 =	vperm.xlane v11, v2;
	v30 =	vmul.f32 v53, v26;
	v25 =	vadd.f32 v42, v39  }
0x2c5: {  	v41 =	vadd.f32 v41, v54;
	v54 =	vld [tilespmem:s16+$0x5450];
	v45 =	vmax.f32 v45, v18  }
0x2c6: {  	v46 =	vld [tilespmem:s16+$0xF3F0];
	v38 =	vadd.f32 v11, v59;
	v18 =	vmul.f32 v45, v1;
	v11 =	vadd.f32 v30, v25  }
0x2c7: {  	v61 =	vld [tilespmem:s16+$0x5400]  }
0x2c8: {  	v11 =	vadd.f32 v18, v11;
	v18 =	vld [tilespmem:$0x1FE20]  }
0x2c9: {  	v40 =	vadd.f32 v40, v60;
	v44 =	vadd.f32 v44, v58;
	v58 =	vld [tilespmem:s16+$0x5460]  }
0x2ca: {  	v63 =	vmul.f32 $2.000000030e-01, v47;
	v43 =	vadd.f32 v43, v49;
	v48 =	vld [tilespmem:s16+$0xF400]  }
0x2cb: {  	v60 =	vmul.f32 $2.000000030e-01, v40;
	v46 =	vadd.f32 v46, v52;
	v52 =	vld [tilespmem:s16+$0x5470]  }
0x2cc: {  	v47 =	vmax.f32 v47, v63;
	v42 =	vld [tilespmem:s16+$0xF420];
	v25 =	vmul.f32 $2.000000030e-01, v55;
	v30 =	vmul.f32 $2.000000030e-01, v43  }
0x2cd: {  	v40 =	vmax.f32 v40, v60;
	v53 =	vld [tilespmem:s16+$0x5440];
	v47 =	vmul.f32 v47, v18  }
0x2ce: {  	v40 =	vmul.f32 v40, v17;
	v45 =	vld [tilespmem:s16+$0xF430];
	v49 =	vmax.f32 v55, v25;
	v39 =	vmax.f32 v43, v30  }
0x2cf: {  	v30 =	vmul.f32 $2.000000030e-01, v41;
	v55 =	vld [tilespmem:s16+$0x5480];
	v25 =	vmul.f32 v49, v6;
	v63 =	vadd.f32 $0.0e+00, v47  }
0x2d0: {  	v60 =	vmul.f32 $2.000000030e-01, v44;
	v48 =	vadd.f32 v48, v61;
	v49 =	vld [tilespmem:s16+$0xF450];
	v39 =	vmul.f32 v39, v31  }
0x2d1: {  	v42 =	vadd.f32 v42, v51;
	v51 =	vld [tilespmem:s16+$0x5490];
	v41 =	vmax.f32 v41, v30;
	v43 =	vadd.f32 v25, v63  }
0x2d2: {  	v30 =	vmul.f32 $2.000000030e-01, v46;
	v17 =	vmul.f32 v41, v15;
	v41 =	vld [tilespmem:s16+$0xF470]  }
0x2d3: {  	v61 =	vmul.f32 $2.000000030e-01, v48;
	v47 =	vld [tilespmem:s16+$0xF460];
	v63 =	vadd.f32 v40, v43  }
0x2d4: {  	s28 =	sor.u32 $0x2, s25;
	v11 =	vadd.f32 v39, v11;
	v25 =	vmax.f32 v44, v60;
	v60 =	vld [tilespmem:s16+$0xF480];
	v44 =	vmax.f32 v46, v30  }
0x2d5: {  	[tilespmem:$0x1FEF0] =	vst v31;
	v37 =	vmov v6;
	v40 =	vadd.f32 v17, v63;
	v17 =	vmul.f32 v44, v21;
	v44 =	vld [tilespmem:s16+$0xF490];
	s16 =	sshll.u32 s28, $0x9  }
0x2d6: {  	v6 =	vmovc v31;
	v45 =	vadd.f32 v45, v56;
	v31 =	vperm.xlane v11, v14;
	v46 =	vmax.f32 v48, v61;
	v56 =	vld [tilespmem:s16+$0x52A0]  }
0x2d7: {  	v43 =	vmul.f32 v25, v16;
	v25 =	vmul.f32 v46, v24;
	v46 =	vld [tilespmem:s16+$0xF2A0]  }
0x2d8: {  	v53 =	vadd.f32 v57, v53;
	v57 =	vld [tilespmem:s16+$0x52B0]  }
0x2d9: {  	v39 =	vadd.f32 v11, v31;
	v31 =	vadd.f32 v62, v50;
	v50 =	vld [tilespmem:s16+$0xF2B0]  }
0x2da: {  	v49 =	vadd.f32 v49, v54;
	v54 =	vld [tilespmem:s16+$0x52C0]  }
0x2db: {  	v61 =	vld [tilespmem:s16+$0xF2C0]  }
0x2dc: {  	[tilespmem:$0x1FE80] =	vst v24;
	v47 =	vadd.f32 v47, v58;
	v58 =	vld [tilespmem:s16+$0x52D0]  }
0x2dd: {  	[tilespmem:$0x1FE70] =	vst v21;
	v41 =	vadd.f32 v41, v52;
	v24 =	vmul.f32 $2.000000030e-01, v31;
	v21 =	vmul.f32 $2.000000030e-01, v42;
	v52 =	vld [tilespmem:s16+$0x52E0]  }
0x2de: {  	v30 =	vmul.f32 $2.000000030e-01, v45;
	v55 =	vadd.f32 v60, v55;
	v59 =	vld [tilespmem:s16+$0x52F0];
	v63 =	vadd.f32 v43, v40  }
0x2df: {  	v60 =	vld [tilespmem:s16+$0xF320];
	v42 =	vmax.f32 v42, v21;
	v21 =	vmul.f32 $2.000000030e-01, v53;
	v43 =	vmax.f32 v31, v24  }
0x2e0: {  	v40 =	vperm.xlane v39, v2;
	v43 =	vmul.f32 v43, v13;
	v13 =	vld [tilespmem:$0x1FE50]  }
0x2e1: {  	v62 =	vmul.f32 $2.000000030e-01, v41;
	v42 =	vmul.f32 v42, v32;
	v48 =	vmax.f32 v53, v21;
	v53 =	vld [tilespmem:s16+$0x5300]  }
0x2e2: {  	v45 =	vmax.f32 v45, v30;
	v11 =	vadd.f32 v17, v63;
	v39 =	vadd.f32 v39, v40;
	v40 =	vld [tilespmem:s16+$0x5410]  }
0x2e3: {  	[tilespmem:$0x1FE60] =	vst v15;
	v15 =	vmovc v28;
	v45 =	vmul.f32 v45, v28;
	v42 =	vadd.f32 $0.0e+00, v42;
	v28 =	vmul.f32 v48, v33;
	v48 =	vld [tilespmem:s16+$0xF2D0]  }
0x2e4: {  	v11 =	vadd.f32 v25, v11;
	v25 =	vmul.f32 $2.000000030e-01, v49;
	v50 =	vadd.f32 v50, v57;
	v57 =	vld [tilespmem:s16+$0x5310]  }
0x2e5: {  	v41 =	vmax.f32 v41, v62;
	v31 =	vmul.f32 $2.000000030e-01, v47;
	v42 =	vadd.f32 v45, v42;
	v45 =	vld [tilespmem:s16+$0xF2F0]  }
0x2e6: {  	v46 =	vadd.f32 v46, v56;
	v49 =	vmax.f32 v49, v25;
	v11 =	vadd.f32 v43, v11;
	v43 =	vld [tilespmem:s16+$0xF300]  }
0x2e7: {  	v30 =	vmovc v33;
	v47 =	vmax.f32 v47, v31;
	v33 =	vmovc v34;
	v25 =	vmul.f32 $2.000000030e-01, v50;
	v34 =	vmul.f32 v49, v34;
	v49 =	vld [tilespmem:s16+$0xF2E0]  }
0x2e8: {  	v17 =	vmul.f32 $2.000000030e-01, v55;
	v21 =	vmul.f32 $2.000000030e-01, v46;
	v42 =	vadd.f32 v28, v42;
	v28 =	vld [tilespmem:$0x1FE40]  }
0x2e9: {  	v63 =	vmul.f32 v47, v36;
	v50 =	vmax.f32 v50, v25;
	v48 =	vadd.f32 v48, v58;
	v58 =	vld [tilespmem:s16+$0x5330]  }
0x2ea: {  	v44 =	vadd.f32 v44, v51;
	v46 =	vmax.f32 v46, v21;
	v62 =	vmul.f32 v50, v7;
	v50 =	vld [tilespmem:s16+$0xF330]  }
0x2eb: {  	v54 =	vadd.f32 v61, v54;
	v46 =	vmul.f32 v46, v12;
	v45 =	vadd.f32 v45, v59;
	v59 =	vld [tilespmem:s16+$0x5350]  }
0x2ec: {  	v47 =	vmax.f32 v55, v17;
	v17 =	vmul.f32 $2.000000030e-01, v44;
	v42 =	vadd.f32 v34, v42;
	v34 =	vmovc v36;
	v36 =	vld [tilespmem:$0x1FE30]  }
0x2ed: {  	v56 =	vperm.xlane v11, v14;
	v21 =	vmul.f32 $2.000000030e-01, v54;
	v61 =	vadd.f32 $0.0e+00, v46;
	v46 =	vld [tilespmem:s16+$0xF350]  }
0x2ee: {  	v55 =	vld [tilespmem:s16+$0x5320];
	v42 =	vadd.f32 v63, v42;
	v63 =	vmul.f32 $2.000000030e-01, v48;
	v43 =	vadd.f32 v43, v53  }
0x2ef: {  	v51 =	vmax.f32 v54, v21;
	v54 =	vld [tilespmem:s16+$0xF380];
	v11 =	vadd.f32 v11, v56;
	v49 =	vadd.f32 v49, v52  }
0x2f0: {  	v56 =	vld [tilespmem:s16+$0x5400];
	v24 =	vmul.f32 v47, v28;
	v48 =	vmax.f32 v48, v63;
	v63 =	vmul.f32 $2.000000030e-01, v43  }
0x2f1: {  	v53 =	vld [tilespmem:s16+$0x53E0];
	v21 =	vmul.f32 $2.000000030e-01, v49;
	v41 =	vmul.f32 v41, v36  }
0x2f2: {  	v47 =	vld [tilespmem:s16+$0xF310];
	v50 =	vadd.f32 v50, v58;
	v43 =	vmax.f32 v43, v63;
	v46 =	vadd.f32 v46, v59  }
0x2f3: {  	v52 =	vld [tilespmem:s16+$0x5340];
	v43 =	vmul.f32 v43, v8;
	v41 =	vadd.f32 v41, v42;
	v42 =	vmax.f32 v44, v17  }
0x2f4: {  	v44 =	vadd.f32 v62, v61;
	v17 =	vmul.f32 v51, v27;
	v51 =	vld [tilespmem:s16+$0xF340];
	v62 =	vmul.f32 $2.000000030e-01, v50  }
0x2f5: {  	[tilespmem:$0x1FEE0] =	vst v35;
	v58 =	vld [tilespmem:s16+$0x5370];
	v42 =	vmul.f32 v42, v35;
	v35 =	vmax.f32 v49, v21;
	v41 =	vadd.f32 v24, v41  }
0x2f6: {  	v59 =	vld [tilespmem:s16+$0x5390];
	v21 =	vadd.f32 v60, v55;
	v50 =	vmax.f32 v50, v62;
	v62 =	vmul.f32 $2.000000030e-01, v46  }
0x2f7: {  	v55 =	vld [tilespmem:s16+$0x5360];
	v41 =	vadd.f32 v42, v41;
	v42 =	vadd.f32 v17, v44;
	v17 =	vmul.f32 $2.000000030e-01, v45  }
0x2f8: {  	v25 =	vmovc v23;
	v47 =	vadd.f32 v47, v57;
	v44 =	vmul.f32 v48, v23;
	v23 =	vmul.f32 v35, v19;
	v48 =	vld [tilespmem:s16+$0xF360]  }
0x2f9: {  	v35 =	vmul.f32 $2.000000030e-01, v21;
	v51 =	vadd.f32 v51, v52;
	v52 =	vld [tilespmem:s16+$0x5380];
	v45 =	vmax.f32 v45, v17  }
0x2fa: {  	v60 =	vperm.xlane v41, v14;
	v42 =	vadd.f32 v44, v42;
	v61 =	vmul.f32 v45, v5;
	v45 =	vld [tilespmem:s16+$0xF370]  }
0x2fb: {  	v57 =	vmul.f32 $2.000000030e-01, v47;
	v46 =	vmax.f32 v46, v62;
	v49 =	vmax.f32 v21, v35;
	v5 =	vld [tilespmem:$0x1FE60]  }
0x2fc: {  	v49 =	vmul.f32 v49, v22;
	v42 =	vadd.f32 v23, v42;
	v41 =	vadd.f32 v41, v60;
	v60 =	vld [tilespmem:s16+$0xF410]  }
0x2fd: {  	v46 =	vmul.f32 v46, v0;
	v17 =	vmul.f32 $2.000000030e-01, v51;
	v48 =	vadd.f32 v48, v55;
	v55 =	vld [tilespmem:s16+$0x53A0]  }
0x2fe: {  	v35 =	vadd.f32 $0.0e+00, v49;
	v49 =	vld [tilespmem:s16+$0xF3B0];
	v42 =	vadd.f32 v61, v42;
	v61 =	vmul.f32 v50, v20  }
0x2ff: {  	v21 =	vmovc v20;
	v51 =	vmax.f32 v51, v17;
	v50 =	vld [tilespmem:s16+$0xF390];
	v20 =	vmovc v8;
	v52 =	vadd.f32 v54, v52;
	v8 =	vmul.f32 $2.000000030e-01, v48  }
0x300: {  	v63 =	vmul.f32 v51, v9;
	v51 =	vld [tilespmem:s16+$0xF3A0];
	v44 =	vadd.f32 v61, v35;
	v45 =	vadd.f32 v45, v58  }
0x301: {  	v54 =	vld [tilespmem:s16+$0x53C0];
	v61 =	vmul.f32 $2.000000030e-01, v52;
	v42 =	vadd.f32 v43, v42;
	v48 =	vmax.f32 v48, v8  }
0x302: {  	v58 =	vld [tilespmem:s16+$0x53B0];
	v8 =	vmax.f32 v47, v57;
	v40 =	vadd.f32 v60, v40;
	v44 =	vadd.f32 v63, v44  }
0x303: {  	v23 =	vmovc v22;
	v47 =	vld [tilespmem:s16+$0xF3E0];
	v22 =	vmul.f32 $2.000000030e-01, v45;
	v35 =	vmul.f32 v48, v10;
	v10 =	vmax.f32 v52, v61  }
0x304: {  	v57 =	vld [tilespmem:s16+$0xF420];
	v50 =	vadd.f32 v50, v59;
	v60 =	vmul.f32 $2.000000030e-01, v40;
	v44 =	vadd.f32 v46, v44  }
0x305: {  	v48 =	vld [tilespmem:s16+$0xF3C0];
	v45 =	vmax.f32 v45, v22;
	v46 =	vmul.f32 v8, v29;
	v8 =	vperm.xlane v38, v3  }
0x306: {  	v52 =	vld [tilespmem:s16+$0x53F0];
	v63 =	vmul.f32 v45, v26;
	v22 =	vmul.f32 $2.000000030e-01, v50;
	v62 =	vadd.f32 v35, v44  }
0x307: {  	[tilespmem:$0x1FEC0] =	vst v26;
	v59 =	vld [tilespmem:s16+$0x53D0];
	v26 =	vmul.f32 v10, v1;
	v10 =	vperm.xlane v11, v2;
	v49 =	vadd.f32 v49, v58  }
0x308: {  	v45 =	vld [tilespmem:s16+$0xF3D0];
	v40 =	vmax.f32 v40, v60;
	v42 =	vadd.f32 v46, v42;
	v43 =	vadd.f32 v63, v62  }
0x309: {  	v31 =	vmovc v12;
	v58 =	vld [tilespmem:s16+$0x5460];
	v38 =	vadd.f32 v38, v8;
	v47 =	vadd.f32 v47, v53;
	v50 =	vmax.f32 v50, v22  }
0x30a: {  	v12 =	vmovc v29;
	v60 =	vld [tilespmem:$0x1FE90];
	v22 =	vperm.xlane v41, v2;
	v29 =	vmul.f32 v50, v6;
	v43 =	vadd.f32 v26, v43  }
0x30b: {  	v46 =	vld [tilespmem:s16+$0xF3F0];
	v11 =	vadd.f32 v11, v10;
	v61 =	vmul.f32 $2.000000030e-01, v49;
	v48 =	vadd.f32 v48, v54  }
0x30c: {  	v44 =	vld [tilespmem:s16+$0xF400];
	v10 =	vperm.xlane v38, v4;
	v26 =	vperm.xlane v42, v14;
	v43 =	vadd.f32 v29, v43  }
0x30d: {  	v35 =	vmovc v1;
	v1 =	vld [tilespmem:s16+$0x5440];
	v41 =	vadd.f32 v41, v22;
	v22 =	vperm.xlane v11, v3;
	v29 =	vperm.xlane v39, v3  }
0x30e: {  	v53 =	vld [tilespmem:s16+$0x5490];
	v38 =	vadd.f32 v38, v10;
	v42 =	vadd.f32 v42, v26;
	v8 =	vperm.xlane v43, v14  }
0x30f: {  	v54 =	vld [tilespmem:s16+$0x5470];
	v45 =	vadd.f32 v45, v59;
	v26 =	vperm.xlane v41, v3;
	v39 =	vadd.f32 v39, v29  }
0x310: {  	v17 =	vmovc v0;
	v62 =	vld [tilespmem:s16+$0x5420];
	v11 =	vadd.f32 v11, v22;
	v0 =	vperm.xlane v42, v2;
	v43 =	vadd.f32 v43, v8  }
0x311: {  	v50 =	vld [tilespmem:s16+$0x5430];
	v22 =	vadd.f32 v51, v55;
	v41 =	vadd.f32 v41, v26;
	v29 =	vperm.xlane v39, v4  }
0x312: {  	v63 =	vld [tilespmem:s16+$0xF430];
	v38 =	vnsel vm0, $0x0, v38;
	v0 =	vadd.f32 v42, v0;
	v8 =	vperm.xlane v43, v2  }
0x313: {  	v6 =	vld [tilespmem:$0x1FEA0];
	v10 =	vperm.xlane v11, v4;
	v14 =	vperm.xlane v41, v4;
	v39 =	vadd.f32 v39, v29  }
0x314: {  	v59 =	vld [tilespmem:s16+$0x5480];
	v55 =	vmul.f32 $2.000000030e-01, v22;
	v26 =	vmovc v2;
	v2 =	vperm.xlane v0, v3;
	v42 =	vadd.f32 v43, v8  }
0x315: {  	v51 =	vld [tilespmem:s16+$0x5450];
	v11 =	vadd.f32 v11, v10;
	v14 =	vadd.f32 v41, v14;
	v38 =	vsel vm1, v38, v39  }
0x316: {  	v41 =	vld [tilespmem:s16+$0xF450];
	v0 =	vadd.f32 v0, v2;
	v39 =	vmax.f32 v22, v55;
	v2 =	vperm.xlane v42, v3  }
0x317: {  	v43 =	vld [tilespmem:s16+$0xF440];
	v39 =	vmul.f32 v39, v18  }
0x318: {  	v55 =	vld [tilespmem:s16+$0xF470];
	v11 =	vsel vm2, v38, v11;
	v2 =	vadd.f32 v42, v2;
	v42 =	vmax.f32 v49, v61  }
0x319: {  	v10 =	vmovc v18;
	v38 =	vsel vm3, v11, v14;
	v14 =	vld [tilespmem:s16+$0xF460];
	v61 =	vadd.f32 $0.0e+00, v39;
	v18 =	vmul.f32 v42, v37  }
0x31a: {  	s8 =	sor.u32 $0x3, s25;
	v29 =	vperm.xlane v0, v4;
	v42 =	vld [tilespmem:s16+$0xF480]  }
0x31b: {  	v11 =	vadd.f32 v18, v61;
	v61 =	vld [tilespmem:s16+$0xF490];
	s16 =	sshll.u32 s8, $0x9  }
0x31c: {  	v46 =	vadd.f32 v46, v52;
	v0 =	vadd.f32 v0, v29;
	v29 =	vmul.f32 $2.000000030e-01, v48;
	v52 =	vld [tilespmem:s16+$0x52A0]  }
0x31d: {  	v44 =	vadd.f32 v44, v56;
	v22 =	vperm.xlane v2, v4;
	v49 =	vld [tilespmem:s16+$0x52B0]  }
0x31e: {  	v41 =	vadd.f32 v41, v51;
	v1 =	vadd.f32 v43, v1;
	v48 =	vmax.f32 v48, v29;
	v56 =	vld [tilespmem:s16+$0x52C0]  }
0x31f: {  	v18 =	vmul.f32 $2.000000030e-01, v46;
	v2 =	vadd.f32 v2, v22;
	v22 =	vmul.f32 $2.000000030e-01, v45;
	v43 =	vld [tilespmem:s16+$0x52D0]  }
0x320: {  	v0 =	vnsel vm0, $0x0, v0;
	v29 =	vmul.f32 $2.000000030e-01, v47;
	v48 =	vmul.f32 v48, v13;
	v51 =	vld [tilespmem:s16+$0xF2E0]  }
0x321: {  	v14 =	vadd.f32 v14, v58;
	v46 =	vmax.f32 v46, v18;
	v18 =	vld [tilespmem:$0x1FE70];
	v45 =	vmax.f32 v45, v22  }
0x322: {  	v58 =	vld [tilespmem:s16+$0x52F0];
	v39 =	vsel vm1, v0, v2;
	v0 =	vadd.f32 v48, v11;
	v2 =	vmul.f32 v45, v5  }
0x323: {  	v8 =	vmax.f32 v47, v29;
	v11 =	vld [tilespmem:s16+$0xF2A0]  }
0x324: {  	v22 =	vadd.f32 v57, v62;
	v57 =	vld [tilespmem:s16+$0xF2C0];
	v0 =	vadd.f32 v2, v0;
	v2 =	vmul.f32 v8, v16  }
0x325: {  	v50 =	vadd.f32 v63, v50;
	v42 =	vadd.f32 v42, v59;
	v59 =	vld [tilespmem:s16+$0xF320]  }
0x326: {  	v62 =	vmul.f32 $2.000000030e-01, v44;
	v48 =	vld [tilespmem:s16+$0x5330];
	v0 =	vadd.f32 v2, v0;
	v2 =	vmul.f32 v46, v18  }
0x327: {  	v63 =	vmul.f32 $2.000000030e-01, v50;
	v45 =	vld [tilespmem:s16+$0xF2B0];
	v29 =	vmul.f32 $2.000000030e-01, v22  }
0x328: {  	v0 =	vadd.f32 v2, v0;
	v2 =	vmax.f32 v44, v62;
	v62 =	vld [tilespmem:$0x1FE80]  }
0x329: {  	v47 =	vmax.f32 v22, v29;
	v22 =	vmax.f32 v50, v63;
	v50 =	vld [tilespmem:s16+$0x52E0]  }
0x32a: {  	v29 =	vmul.f32 $2.000000030e-01, v1;
	v63 =	vmul.f32 $2.000000030e-01, v41;
	v46 =	vld [tilespmem:s16+$0xF2D0]  }
0x32b: {  	v8 =	vmul.f32 v47, v32;
	v47 =	vmul.f32 v22, v15;
	v22 =	vadd.f32 v55, v54;
	v54 =	vld [tilespmem:s16+$0x5300]  }
0x32c: {  	v55 =	vld [tilespmem:s16+$0xF300];
	v11 =	vadd.f32 v11, v52;
	v56 =	vadd.f32 v57, v56;
	v1 =	vmax.f32 v1, v29  }
0x32d: {  	v52 =	vld [tilespmem:s16+$0x5320];
	v41 =	vmax.f32 v41, v63;
	v44 =	vadd.f32 $0.0e+00, v8;
	v2 =	vmul.f32 v2, v62  }
0x32e: {  	v57 =	vld [tilespmem:s16+$0x5340];
	v63 =	vmul.f32 $2.000000030e-01, v42;
	v45 =	vadd.f32 v45, v49;
	v8 =	vmul.f32 $2.000000030e-01, v14  }
0x32f: {  	v49 =	vld [tilespmem:s16+$0xF330];
	v1 =	vmul.f32 v1, v30;
	v0 =	vadd.f32 v2, v0;
	v2 =	vadd.f32 v47, v44  }
0x330: {  	v24 =	vmov v7;
	v7 =	vmov v15;
	v15 =	vld [tilespmem:s16+$0xF440];
	v14 =	vmax.f32 v14, v8  }
0x331: {  	v8 =	vmax.f32 v42, v63;
	v42 =	vld [tilespmem:s16+$0x5350];
	v1 =	vadd.f32 v1, v2;
	v2 =	vmul.f32 v41, v33  }
0x332: {  	v29 =	vmul.f32 $2.000000030e-01, v22;
	v63 =	vadd.f32 v46, v43;
	v46 =	vld [tilespmem:s16+$0x5380]  }
0x333: {  	v40 =	vmul.f32 v40, v60;
	v44 =	vld [tilespmem:s16+$0xF2F0];
	v1 =	vadd.f32 v2, v1;
	v2 =	vmul.f32 v14, v34  }
0x334: {  	v48 =	vadd.f32 v49, v48;
	v49 =	vld [tilespmem:s16+$0x5390];
	v41 =	vmax.f32 v22, v29;
	v22 =	vmul.f32 $2.000000030e-01, v11  }
0x335: {  	v47 =	vld [tilespmem:s16+$0x5310];
	v29 =	vmul.f32 $2.000000030e-01, v45;
	v1 =	vadd.f32 v2, v1;
	v2 =	vmul.f32 v41, v36  }
0x336: {  	v40 =	vadd.f32 v40, v0;
	v14 =	vld [tilespmem:s16+$0xF310];
	v11 =	vmax.f32 v11, v22;
	v22 =	vadd.f32 v61, v53  }
0x337: {  	v61 =	vadd.f32 v51, v50;
	v50 =	vld [tilespmem:s16+$0x5360];
	v1 =	vadd.f32 v2, v1;
	v2 =	vmul.f32 v8, v28  }
0x338: {  	v51 =	vld [tilespmem:s16+$0x5370];
	v0 =	vmul.f32 v11, v31;
	v44 =	vadd.f32 v44, v58;
	v58 =	vadd.f32 v59, v52  }
0x339: {  	v52 =	vld [tilespmem:s16+$0x53A0];
	v41 =	vadd.f32 v2, v1;
	v2 =	vmax.f32 v45, v29;
	v45 =	vmul.f32 $2.000000030e-01, v56  }
0x33a: {  	v0 =	vadd.f32 $0.0e+00, v0;
	v1 =	vld [tilespmem:s16+$0xF340];
	v2 =	vmul.f32 v2, v24  }
0x33b: {  	v29 =	vld [tilespmem:s16+$0xF350];
	v11 =	vmax.f32 v56, v45;
	v56 =	vmul.f32 $2.000000030e-01, v63  }
0x33c: {  	v14 =	vadd.f32 v14, v47;
	v47 =	vld [tilespmem:s16+$0x53E0];
	v0 =	vadd.f32 v2, v0;
	v2 =	vmul.f32 $2.000000030e-01, v22  }
0x33d: {  	v24 =	vld [tilespmem:s16+$0x5400];
	v11 =	vmul.f32 v11, v27;
	v31 =	vmax.f32 v63, v56  }
0x33e: {  	v27 =	vld [tilespmem:s16+$0xF360];
	v63 =	vmul.f32 $2.000000030e-01, v61;
	v56 =	vmul.f32 $2.000000030e-01, v44;
	v2 =	vmax.f32 v22, v2  }
0x33f: {  	v0 =	vadd.f32 v11, v0;
	v22 =	vmul.f32 v31, v25;
	v25 =	vld [tilespmem:s16+$0xF370];
	v1 =	vadd.f32 v1, v57  }
0x340: {  	v31 =	vld [tilespmem:s16+$0xF380];
	v29 =	vadd.f32 v29, v42;
	v53 =	vmax.f32 v61, v63;
	v61 =	vadd.f32 v55, v54  }
0x341: {  	v42 =	vld [tilespmem:s16+$0x53B0];
	v43 =	vmax.f32 v44, v56;
	v63 =	vmul.f32 $2.000000030e-01, v58;
	v59 =	vmul.f32 v53, v19  }
0x342: {  	v0 =	vadd.f32 v22, v0;
	v19 =	vmul.f32 v43, v6;
	v43 =	vld [tilespmem:s16+$0xF390];
	v56 =	vmul.f32 $2.000000030e-01, v61  }
0x343: {  	v22 =	vld [tilespmem:s16+$0xF3B0];
	v44 =	vmax.f32 v58, v63;
	v58 =	vmul.f32 $2.000000030e-01, v48;
	v27 =	vadd.f32 v27, v50  }
0x344: {  	v6 =	vld [tilespmem:$0x1FEB0];
	v0 =	vadd.f32 v59, v0;
	v59 =	vmax.f32 v61, v56;
	v61 =	vmul.f32 v44, v23  }
0x345: {  	v23 =	vld [tilespmem:s16+$0xF3A0];
	v63 =	vmax.f32 v48, v58;
	v48 =	vmul.f32 $2.000000030e-01, v1  }
0x346: {  	v44 =	vld [tilespmem:s16+$0x53C0];
	v57 =	vmul.f32 $2.000000030e-01, v27;
	v21 =	vmul.f32 v63, v21;
	v53 =	vadd.f32 $0.0e+00, v61  }
0x347: {  	v54 =	vmul.f32 $2.000000030e-01, v29;
	v58 =	vadd.f32 v25, v51;
	v25 =	vld [tilespmem:s16+$0x53D0];
	v1 =	vmax.f32 v1, v48  }
0x348: {  	v51 =	vld [tilespmem:s16+$0xF3E0];
	v63 =	vmax.f32 v27, v57;
	v1 =	vmul.f32 v1, v9;
	v55 =	vadd.f32 v21, v53  }
0x349: {  	v56 =	vmax.f32 v29, v54;
	v0 =	vadd.f32 v19, v0;
	v50 =	vmul.f32 v63, v6;
	v6 =	vld [tilespmem:$0x1FEC0]  }
0x34a: {  	v54 =	vld [tilespmem:s16+$0x53F0];
	v11 =	vmul.f32 v59, v20;
	v59 =	vmul.f32 v56, v17;
	v1 =	vadd.f32 v1, v55  }
0x34b: {  	v46 =	vadd.f32 v31, v46;
	v19 =	vld [tilespmem:s16+$0xF3C0];
	v45 =	vmul.f32 $2.000000030e-01, v58;
	v22 =	vadd.f32 v22, v42  }
0x34c: {  	v61 =	vld [tilespmem:s16+$0xF3D0];
	v48 =	vmul.f32 $2.000000030e-01, v14;
	v0 =	vadd.f32 v11, v0;
	v1 =	vadd.f32 v59, v1  }
0x34d: {  	v27 =	vld [tilespmem:s16+$0x5410];
	v21 =	vmax.f32 v58, v45;
	v53 =	vmul.f32 $2.000000030e-01, v46;
	v23 =	vadd.f32 v23, v52  }
0x34e: {  	v63 =	vadd.f32 v43, v49;
	v43 =	vld [tilespmem:s16+$0xF430];
	v6 =	vmul.f32 v21, v6;
	v1 =	vadd.f32 v50, v1  }
0x34f: {  	v49 =	vld [tilespmem:s16+$0xF450];
	v11 =	vmax.f32 v14, v48;
	v14 =	vmax.f32 v46, v53;
	v56 =	vmul.f32 $2.000000030e-01, v23  }
0x350: {  	v11 =	vmul.f32 v11, v12;
	v12 =	vld [tilespmem:s16+$0xF420];
	v1 =	vadd.f32 v6, v1;
	v6 =	vmul.f32 v14, v35  }
0x351: {  	v57 =	vmul.f32 $2.000000030e-01, v22;
	v55 =	vld [tilespmem:s16+$0xF3F0];
	v19 =	vadd.f32 v19, v44;
	v21 =	vmax.f32 v23, v56  }
0x352: {  	v17 =	vadd.f32 v61, v25;
	v61 =	vld [tilespmem:s16+$0x5420];
	v1 =	vadd.f32 v6, v1;
	v6 =	vmul.f32 v21, v10  }
0x353: {  	v45 =	vld [tilespmem:s16+$0x5440];
	v20 =	vadd.f32 v51, v47;
	v58 =	vmax.f32 v22, v57;
	v59 =	vmul.f32 $2.000000030e-01, v19  }
0x354: {  	v0 =	vadd.f32 v11, v0;
	v11 =	vmul.f32 v58, v37;
	v37 =	vld [tilespmem:s16+$0x5430];
	v6 =	vadd.f32 $0.0e+00, v6  }
0x355: {  	v48 =	vld [tilespmem:s16+$0x5450];
	v42 =	vmul.f32 $2.000000030e-01, v63;
	v19 =	vmax.f32 v19, v59;
	v35 =	vmul.f32 $2.000000030e-01, v17  }
0x356: {  	v51 =	vld [tilespmem:s16+$0x5460];
	v44 =	vmul.f32 $2.000000030e-01, v20;
	v13 =	vmul.f32 v19, v13;
	v6 =	vadd.f32 v11, v6  }
0x357: {  	v53 =	vld [tilespmem:s16+$0xF460];
	v9 =	vadd.f32 v55, v54;
	v12 =	vadd.f32 v12, v61;
	v17 =	vmax.f32 v17, v35  }
0x358: {  	v46 =	vmax.f32 v20, v44;
	v14 =	vld [tilespmem:s16+$0xF400];
	v6 =	vadd.f32 v13, v6;
	v13 =	vmul.f32 v17, v5  }
0x359: {  	v57 =	vld [tilespmem:s16+$0xF470];
	v19 =	vadd.f32 v43, v37;
	v47 =	vmul.f32 $2.000000030e-01, v9;
	v50 =	vmul.f32 $2.000000030e-01, v12  }
0x35a: {  	v15 =	vadd.f32 v15, v45;
	v16 =	vmul.f32 v46, v16;
	v5 =	vld [tilespmem:$0x1FED0];
	v6 =	vadd.f32 v13, v6  }
0x35b: {  	v59 =	vld [tilespmem:s16+$0x5480];
	v54 =	vmul.f32 $2.000000030e-01, v19;
	v9 =	vmax.f32 v9, v47;
	v12 =	vmax.f32 v12, v50  }
0x35c: {  	v55 =	vld [tilespmem:s16+$0x5470];
	v9 =	vmul.f32 v9, v18;
	v56 =	vmul.f32 v12, v32;
	v6 =	vadd.f32 v16, v6  }
0x35d: {  	v58 =	vmul.f32 $2.000000030e-01, v15;
	v10 =	vld [tilespmem:s16+$0xF410];
	v12 =	vmax.f32 v19, v54;
	v14 =	vadd.f32 v14, v24  }
0x35e: {  	v24 =	vld [tilespmem:s16+$0x5490];
	v12 =	vmul.f32 v12, v7;
	v6 =	vadd.f32 v9, v6;
	v9 =	vadd.f32 $0.0e+00, v56  }
0x35f: {  	v15 =	vmax.f32 v15, v58;
	v17 =	vadd.f32 v49, v48;
	v13 =	vmul.f32 $1.442695020e+00, v5;
	v5 =	vld [tilespmem:$0x1FEF0]  }
0x360: {  	v29 =	vmul.f32 $2.000000030e-01, v14;
	v9 =	vadd.f32 v12, v9;
	v12 =	vmul.f32 v15, v30;
	v15 =	vld [tilespmem:s16+$0xF490]  }
0x361: {  	v61 =	vld [tilespmem:s16+$0xF480];
	v11 =	vmax.f32 v63, v42;
	v63 =	vmul.f32 $2.000000030e-01, v17  }
0x362: {  	v14 =	vmax.f32 v14, v29;
	v16 =	vadd.f32 v53, v51  }
0x363: {  	v10 =	vadd.f32 v10, v27;
	v7 =	vmul.f32 v14, v62;
	v17 =	vmax.f32 v17, v63  }
0x364: {  	v31 =	vmul.f32 $2.000000030e-01, v16;
	v5 =	vmul.f32 v11, v5;
	v11 =	vadd.f32 v57, v55  }
0x365: {  	v9 =	vadd.f32 v12, v9;
	v12 =	vmul.f32 v17, v33;
	v15 =	vadd.f32 v15, v24  }
0x366: {  	v16 =	vmax.f32 v16, v31;
	v33 =	vadd.f32 v61, v59;
	v32 =	vmul.f32 $2.000000030e-01, v11  }
0x367: {  	v52 =	vld [tilespmem:$0x1FEE0];
	v9 =	vadd.f32 v12, v9;
	v12 =	vmul.f32 v16, v34;
	v14 =	vmul.f32 $2.000000030e-01, v15  }
0x368: {  	v35 =	vmul.f32 $2.000000030e-01, v10;
	v34 =	vmul.f32 $2.000000030e-01, v33;
	v11 =	vmax.f32 v11, v32  }
0x369: {  	v9 =	vadd.f32 v12, v9;
	v11 =	vmul.f32 v11, v36;
	v42 =	vmax.f32 v15, v14;
	v14 =	vld [tilespmem:$0x1FFF0]  }
0x36a: {  	v12 =	vmax.f32 v33, v34  }
0x36b: {  	v10 =	vmax.f32 v10, v35;
	v37 =	vmul.f32 v12, v28;
	v9 =	vadd.f32 v11, v9  }
0x36c: {  	v2 =	vmul.f32 v2, v52;
	v6 =	vadd.f32 v7, v6;
	v7 =	vmul.f32 v10, v60  }
0x36d: {  	v1 =	vadd.f32 v5, v1;
	v8 =	vmul.f32 v42, v52;
	v5 =	vadd.f32 v37, v9  }
0x36e: {  	v2 =	vadd.f32 v2, v41;
	v6 =	vadd.f32 v7, v6;
	v43 =	vperm.xlane v0, v14  }
0x36f: {  	v5 =	vadd.f32 v8, v5;
	v7 =	vperm.xlane v40, v14;
	v44 =	vperm.xlane v1, v14  }
0x370: {  	v45 =	vperm.xlane v2, v14;
	v46 =	vperm.xlane v6, v14;
	v0 =	vadd.f32 v0, v43  }
0x371: {  	v47 =	vperm.xlane v5, v14;
	v7 =	vadd.f32 v40, v7;
	v1 =	vadd.f32 v1, v44  }
0x372: {  	v2 =	vadd.f32 v2, v45;
	v6 =	vadd.f32 v6, v46;
	v48 =	vperm.xlane v0, v26  }
0x373: {  	v5 =	vadd.f32 v5, v47;
	v49 =	vperm.xlane v7, v26;
	v50 =	vperm.xlane v1, v26  }
0x374: {  	v51 =	vperm.xlane v2, v26;
	v52 =	vperm.xlane v6, v26;
	v0 =	vadd.f32 v0, v48  }
0x375: {  	v53 =	vperm.xlane v5, v26;
	v7 =	vadd.f32 v7, v49;
	v1 =	vadd.f32 v1, v50  }
0x376: {  	v2 =	vadd.f32 v2, v51;
	v6 =	vadd.f32 v6, v52;
	v54 =	vperm.xlane v0, v3  }
0x377: {  	v5 =	vadd.f32 v5, v53;
	v55 =	vperm.xlane v7, v3;
	v11 =	vperm.xlane v1, v3  }
0x378: {  	v56 =	vperm.xlane v2, v3;
	v57 =	vperm.xlane v6, v3;
	v0 =	vadd.f32 v0, v54  }
0x379: {  	v58 =	vperm.xlane v5, v3;
	v7 =	vadd.f32 v7, v55;
	v1 =	vadd.f32 v1, v11  }
0x37a: {  	v2 =	vadd.f32 v2, v56;
	v6 =	vadd.f32 v6, v57;
	v59 =	vperm.xlane v0, v4  }
0x37b: {  	v5 =	vadd.f32 v5, v58;
	v60 =	vperm.xlane v7, v4;
	v11 =	vperm.xlane v1, v4  }
0x37c: {  	v61 =	vperm.xlane v2, v4;
	v62 =	vperm.xlane v6, v4;
	v0 =	vadd.f32 v0, v59  }
0x37d: {  	v63 =	vperm.xlane v5, v4;
	v7 =	vadd.f32 v7, v60;
	v1 =	vadd.f32 v1, v11  }
0x37e: {  	v2 =	vadd.f32 v2, v61;
	v6 =	vadd.f32 v6, v62;
	v0 =	vnsel vm0, $0x0, v0  }
0x37f: {  	v0 =	vsel vm1, v0, v1;
	v1 =	vadd.f32 v5, v63;
	v5 =	vmul.f32 $1.442695020e+00, v38  }
0x380: {  	(erf) = vpow2.f32 v13;
	v7 =	vsel vm2, v39, v7  }
0x381: {  	v2 =	vsel vm3, v7, v2;
	v0 =	vsel vm2, v0, v6;
	(erf) = vpow2.f32 v5  }
0x382: {  	v2 =	vmul.f32 $1.442695020e+00, v2;
	v0 =	vsel vm3, v0, v1  }
0x383: {  	v0 =	vmul.f32 $1.442695020e+00, v0  }
0x384: {  	(erf) = vpow2.f32 v2  }
0x385: {  	(erf) = vpow2.f32 v0;
	_ =	sdelay $0x3  }
0x386: {  	v0 =	vpop (erf)  }
0x387: {  	v0 =	vnsel vm4, $0x0, v0;
	v1 =	vpop (erf)  }
0x388: {  	p1 =	slt.u32 s25, $0x24;
	s16 =	sshll.u32 s25, $0x4;
	v1 =	vnsel vm4, $0x0, v1  }
.Ltmp1:
0x389: {  	s26 =	sshll.u32 s26, $0x4;
	s16 =	sand.u32 $0x3FFFFFF0, s16;
	(pc) =	sbr.rel @p1 .LBB2_5-.Ltmp1, $4  }
0x38a: {  	s26 =	sand.u32 $0x3FFFFFF0, s26;
	s28 =	sshll.u32 s28, $0x4;
	[tilespmem:s16+$0x14520] =	vst v0;
	v0 =	vpop (erf)  }
0x38b: {  	s8 =	sshll.u32 s8, $0x4;
	[tilespmem:s26+$0x14520] =	vst v1;
	v0 =	vnsel vm4, $0x0, v0;
	s26 =	sand.u32 $0x3FFFFFF0, s28;
	v1 =	vpop (erf)  }
0x38c: {  	s8 =	sand.u32 $0x3FFFFFF0, s8;
	s28 =	sadd.s32 $0x4, s25;
	[tilespmem:s26+$0x14520] =	vst v0;
	v0 =	vnsel vm4, $0x0, v1  }
0x38d: {  	v2 =	vmov v26;
	s25 =	smov.u32 s28;
	[tilespmem:s8+$0x14520] =	vst v0  }
0x38e: {  	s8 =	smul.u32 $0x28, s24;
	_ =	sdelay $0x1  }
0x38f: {  	s22 =	sadd.s32 $0x1, s22;
	s8 =	sadd.s32 s5, s8  }
0x390: {  	p1 =	sne.s32 s22, $0x7D;
	s8 =	sshll.u32 s8, $0x1  }
.Ltmp2:
0x391: {  	s8 =	sand.u32 $0x1FFFFFF0, s8;
	(pc) =	sbr.rel @p1 .LBB2_2-.Ltmp2, $4  }
0x392: {  	s8 =	sadd.s32 s7, s8  }
0x393: {  	[hbm4b:s8+s4] =	stream.linear.scatter [tilespmem:s15], [sflag:$0x6], $0x280, $0x38;
	[tilespmem:$0x16EB0] =	vst v63  }
0x394: {  	_ = 	snop  }
0x395: {  	[spmem:s3] =	stream.indirect.scatter.add.f32 [tilespmem:s15], [sflag:$0x8], $0x10, s29, s1, $0xb8;
	[tilespmem:$0x16EB0] =	vst v63  }
0x396: {  	s8 =	simm.s32 $0x5  }
0x397: {  	_ =	swait.ge [sflag:s8], $0x280  }
0x398: {  	[sflag:s8] =	ssyncset.done $0x0  }
0x399: {  	[sflag:s8] =	ssyncadd.s32 $0xFFFFFD80  }
0x39a: {  	_ =	swait.ge [sflag:s17], $0x280  }
0x39b: {  	[sflag:s17] =	ssyncset.done $0x0  }
0x39c: {  	[sflag:s17] =	ssyncadd.s32 $0xFFFFFD80  }
0x39d: {  	_ =	swait.ge [sflag:s18], $0x280  }
0x39e: {  	[sflag:s18] =	ssyncset.done $0x0  }
0x39f: {  	[sflag:s18] =	ssyncadd.s32 $0xFFFFFD80  }
0x3a0: {  	_ =	swait.ge [sflag:s19], $0x280  }
0x3a1: {  	[sflag:s19] =	ssyncset.done $0x0  }
0x3a2: {  	[sflag:s19] =	ssyncadd.s32 $0xFFFFFD80  }
0x3a3: {  	[bflag:$0x0] =	sbarrier.arrive $0xFFFF  }
0x3a4: {  	s16 =	simm.s32 @!p0 $0x1C09;
	s8 =	sshrl.u32 @!p0 s3, $0x3;
	s22 =	rddreg [dreg:$0x14]  }
0x3a5: {  	[hbm:s22], [sflag:s16] =	dma.local @!p0 [spmem:s8], $0x4E20  }
0x3a6: {  	s8 =	simm.s32 @!p0 $0x9  }
0x3a7: {  	_ =	swait.ge @!p0 [sflag:s8], $0x4E20  }
0x3a8: {  	s21 =	sadd.s32 $0x1, s21;
	s28 =	rddreg [dreg:$0x15]  }
0x3a9: {  	p1 =	sne.s32 s21, s28  }
.Ltmp3:
0x3aa: {  	_ = 	snop;
	(pc) =	sbr.rel @p1 .LBB2_1-.Ltmp3, $3  }
0x3ab: {  	_ =	sdelay $0x1  }
0x3ac: {  	[sflag:s8] =	ssyncset.done @!p0 $0x0  }
0x3ad: {  	[sflag:s8] =	ssyncadd.s32 @!p0 $0xFFFFB1E0  }
0x3ae: {  	_ =	sfence.sel $0x180000  }
0x3af: {  	[bflag:$0x0] =	sbarrier.arrive $0xFFFF  }
0x3b0: {  	_ =	strace $0x90000047  }
0x3b1: {  	[bflag:$0x2] =	sbarrier.arrive $0xFFFF  }
0x3b2: {  	s0 =	rddreg [dreg:$0x5]  }
0x3b3: {  	s0 =	sadd.s32 @!p0 $0x100000, s0  }
0x3b4: {  	[sflag:s0] =	ssyncadd.tile.s32 @!p0 $0x1;
	_ =	shalt  }
.Lfunc_end2:
_tile_overlayer_lowered:
.L_overlay_start_2:
0x3b5: {  	(tag) =	ssettag $0x2  }
0x3b6: {  	s0 =	rddreg [dreg:$0x0];
	s2 =	stileid.u32  }
0x3b7: {  	s1 =	rddreg [dreg:$0x1];
	p0 =	sne.s32 s2, $0x0  }
0x3b8: {  	s3 =	rddreg [dreg:$0x2];
	[bflag:$0x3] =	sbarrier.arrive $0xFFFF;
	s2 =	simm.s32 @!p0 $0x1C09  }
0x3b9: {  	[timem:s3], [sflag:s2] =	dma.local @!p0 [hbm:s0], s1  }
0x3ba: {  	s0 =	simm.s32 @!p0 $0x9  }
0x3bb: {  	_ =	swait.ge @!p0 [sflag:s0], s1  }
0x3bc: {  	s1 =	ssub.s32 @!p0 $0x0, s1;
	[sflag:s0] =	ssyncset.done @!p0 $0x0  }
0x3bd: {  	[sflag:s0] =	ssyncadd.s32 @!p0 s1  }
0x3be: {  	[bflag:$0x3] =	sbarrier.arrive $0xFFFF  }
0x3bf: {  	_ =	shalt  }

</sc_bundles>
